<compile_context>
chip_gen: v7x
topology: tpu7x:2x2x1
jax: 0.10.2.dev20260603
libtpu: 0.0.44.dev20260713+nightly
codegen_flags: <defaults>
</compile_context>

<pallas_src>
import functools

import jax
import jax.numpy as jnp
from jax import lax
from jax.experimental import pallas as pl
from jax.experimental.pallas import tpu as pltpu
from jax.experimental.pallas import tpu_sc as plsc

_B = 16384
_F = 32
_N = 1000000
_L = 16

_INFO = plsc.get_sparse_core_info()
_NC = _INFO.num_cores
_NS = _INFO.num_subcores
_NW = _NC * _NS
_BPW = _B // _NW
_NSLOT = 8
_CHUNK = 128

_mesh = plsc.VectorSubcoreMesh(core_axis_name="c", subcore_axis_name="s")


@functools.partial(
    pl.kernel,
    out_type=jax.ShapeDtypeStruct((_B,), jnp.float32),
    mesh=_mesh,
    compiler_params=pltpu.CompilerParams(needs_layout_passes=False,
                                         use_tc_tiling_on_sc=True),
    scratch_types=[
        pltpu.VMEM((_BPW + _L,), jnp.int32),
        pltpu.VMEM((_BPW + _L,), jnp.int32),
        pltpu.VMEM((_NSLOT, _F, 128), jnp.float32),
        pltpu.VMEM((_NSLOT, _F, 128), jnp.float32),
        pltpu.VMEM((_BPW,), jnp.float32),
        pltpu.SemaphoreType.DMA,
    ],
)
def _dot_kernel(uid_hbm, iid_hbm, pt_hbm, qt_hbm, out_hbm,
                uidx_s, iidx_s, pp, qp, out_v, sem):
    wid = lax.axis_index("s") * _NC + lax.axis_index("c")
    base = wid * _BPW

    pltpu.sync_copy(uid_hbm.at[pl.ds(base, _BPW)], uidx_s.at[pl.ds(0, _BPW)])
    pltpu.sync_copy(iid_hbm.at[pl.ds(base, _BPW)], iidx_s.at[pl.ds(0, _BPW)])

    def fire(r, slot):
        u = uidx_s[pl.ds(r, _L)][0]
        i = iidx_s[pl.ds(r, _L)][0]
        ua = pl.multiple_of((u >> 7) << 7, 128)
        ia = pl.multiple_of((i >> 7) << 7, 128)
        for k in range(4):
            fs = pl.ds(8 * k, 8)
            pltpu.async_copy(pt_hbm.at[fs, pl.ds(ua, 128)],
                             pp.at[slot].at[fs], sem)
            pltpu.async_copy(qt_hbm.at[fs, pl.ds(ia, 128)],
                             qp.at[slot].at[fs], sem)

    for s in range(_NSLOT):
        fire(s, s)

    rows_lo = lax.iota(jnp.int32, _L)
    rows_hi = rows_lo + _L
    lane = lax.iota(jnp.int32, _L)

    def group(g, acc):
        for s in range(_NSLOT):
            r = g * _NSLOT + s
            pltpu.make_async_copy(pt_hbm.at[:, pl.ds(0, 128)], pp.at[s],
                                  sem).wait()
            pltpu.make_async_copy(qt_hbm.at[:, pl.ds(0, 128)], qp.at[s],
                                  sem).wait()
            uv = uidx_s[pl.ds(r, _L)]
            iv = iidx_s[pl.ds(r, _L)]
            cu = jnp.full((_L,), uv[0] & 127, jnp.int32)
            ci = jnp.full((_L,), iv[0] & 127, jnp.int32)
            p_lo = plsc.load_gather(pp.at[s], [rows_lo, cu])
            p_hi = plsc.load_gather(pp.at[s], [rows_hi, cu])
            q_lo = plsc.load_gather(qp.at[s], [rows_lo, ci])
            q_hi = plsc.load_gather(qp.at[s], [rows_hi, ci])
            t = p_lo * q_lo + p_hi * q_hi
            d = jnp.sum(t, axis=0)
            acc = jnp.where(lane == (r % _L), acc + d, acc)
            @pl.when(r + _NSLOT < _BPW)
            def _():
                fire(r + _NSLOT, s)
        @pl.when(g % 2 == 1)
        def _():
            out_v[pl.ds((g // 2) * _L, _L)] = acc
        return jnp.where(g % 2 == 1, jnp.zeros((_L,), jnp.float32), acc)

    lax.fori_loop(0, _BPW // _NSLOT, group, jnp.zeros((_L,), jnp.float32))

    pltpu.sync_copy(out_v, out_hbm.at[pl.ds(base, _BPW)])


@functools.partial(
    pl.kernel,
    out_type=jax.ShapeDtypeStruct((_B,), jnp.float32),
    mesh=_mesh,
    compiler_params=pltpu.CompilerParams(needs_layout_passes=False,
                                         use_tc_tiling_on_sc=False),
    scratch_types=[
        pltpu.VMEM((_BPW // _CHUNK, _CHUNK), jnp.int32),
        pltpu.VMEM((_BPW // _CHUNK, _CHUNK), jnp.int32),
        pltpu.VMEM((_BPW,), jnp.float32),
        pltpu.VMEM((_BPW,), jnp.float32),
        pltpu.VMEM((_BPW,), jnp.float32),
        pltpu.SemaphoreType.DMA,
    ],
)
def _bias_kernel(dot_hbm, uid_hbm, iid_hbm, ub_hbm, ib_hbm, out_hbm,
                 uidx_v, iidx_v, dot_v, ub_v, ib_v, sem):
    wid = lax.axis_index("s") * _NC + lax.axis_index("c")
    base = wid * _BPW
    nchunk = _BPW // _CHUNK

    for j in range(nchunk):
        pltpu.sync_copy(uid_hbm.at[pl.ds(base + j * _CHUNK, _CHUNK)],
                        uidx_v.at[j])
        pltpu.sync_copy(iid_hbm.at[pl.ds(base + j * _CHUNK, _CHUNK)],
                        iidx_v.at[j])
    for j in range(nchunk):
        cs = pl.ds(j * _CHUNK, _CHUNK)
        pltpu.async_copy(ub_hbm.at[uidx_v.at[j]], ub_v.at[cs], sem)
        pltpu.async_copy(ib_hbm.at[iidx_v.at[j]], ib_v.at[cs], sem)
    pltpu.sync_copy(dot_hbm.at[pl.ds(base, _BPW)], dot_v)
    pltpu.make_async_copy(ub_hbm.at[pl.ds(0, _BPW)], ub_v, sem).wait()
    pltpu.make_async_copy(ib_hbm.at[pl.ds(0, _BPW)], ib_v, sem).wait()

    def block(b, carry):
        sl = pl.ds(b * _L, _L)
        dot_v[sl] = dot_v[sl] + ub_v[sl] + ib_v[sl]
        return carry

    lax.fori_loop(0, _BPW // _L, block, 0)
    pltpu.sync_copy(dot_v, out_hbm.at[pl.ds(base, _BPW)])


def kernel(user_id, item_id, P, Q, user_bias, item_bias):
    uid = user_id.astype(jnp.int32)
    iid = item_id.astype(jnp.int32)
    dots = _dot_kernel(uid, iid, P.T, Q.T)
    return _bias_kernel(dots, uid, iid,
                        user_bias.reshape(-1), item_bias.reshape(-1))

# --- scband reference (transcript-rebuilt; emitter-appended) ---
"""Pipeline reference for scband-mf-80822694576572 (READ-ONLY COPY).

The authoritative reference and input builder live on the scoring server;
editing this copy changes nothing except your own understanding.
"""

import jax, jax.numpy as jnp
import numpy as np

NUM_USERS = 1000000
NUM_ITEMS = 1000000
NUM_FACTORS = 32
BATCH = 16384

def setup_inputs(seed: int = 0) -> dict:
    key = jax.random.key(seed)
    k1, k2, k3, k4, k5, k6 = jax.random.split(key, 6)
    user_id = jax.random.randint(k1, (BATCH,), 0, NUM_USERS, dtype=jnp.int64 if jax.config.jax_enable_x64 else jnp.int32)
    item_id = jax.random.randint(k2, (BATCH,), 0, NUM_ITEMS, dtype=jnp.int64 if jax.config.jax_enable_x64 else jnp.int32)
    P = jax.random.normal(k3, (NUM_USERS, NUM_FACTORS), dtype=jnp.float32) * 0.01
    Q = jax.random.normal(k4, (NUM_ITEMS, NUM_FACTORS), dtype=jnp.float32) * 0.01
    user_bias = jax.random.normal(k5, (NUM_USERS, 1), dtype=jnp.float32) * 0.01
    item_bias = jax.random.normal(k6, (NUM_ITEMS, 1), dtype=jnp.float32) * 0.01
    return {"user_id": user_id, "item_id": item_id, "P": P, "Q": Q, "user_bias": user_bias, "item_bias": item_bias}

def reference(user_id, item_id, P, Q, user_bias, item_bias):
    P_u = jnp.take(P, user_id, axis=0)            # [B, F]
    Q_i = jnp.take(Q, item_id, axis=0)            # [B, F]
    b_u = jnp.take(user_bias, user_id, axis=0)    # [B, 1]
    b_i = jnp.take(item_bias, item_id, axis=0)    # [B, 1]
    outputs = jnp.sum(P_u * Q_i, axis=1) + jnp.squeeze(b_u, axis=1) + jnp.squeeze(b_i, axis=1)
    return outputs

if __name__ == "__main__":
    import jax
    _d = setup_inputs()
    print(jax.jit(kernel)(*tuple(_d.values())))

</pallas_src>

<mosaic_0001>
#map = affine_map<(d0, d1) -> (0)>
module attributes {stable_mosaic.version = 14 : i64} {
  func.func @_bias_kernel(%arg0: i32, %arg1: i32, %arg2: memref<16384xf32, #tpu.memory_space<hbm>>, %arg3: memref<16384xi32, #tpu.memory_space<hbm>>, %arg4: memref<16384xi32, #tpu.memory_space<hbm>>, %arg5: memref<1000000xf32, #tpu.memory_space<hbm>>, %arg6: memref<1000000xf32, #tpu.memory_space<hbm>>, %arg7: memref<16384xf32, #tpu.memory_space<hbm>>, %arg8: memref<4x128xi32, #tpu.memory_space<vmem>>, %arg9: memref<4x128xi32, #tpu.memory_space<vmem>>, %arg10: memref<512xf32, #tpu.memory_space<vmem>>, %arg11: memref<512xf32, #tpu.memory_space<vmem>>, %arg12: memref<512xf32, #tpu.memory_space<vmem>>, %arg13: memref<!tpu.dma_semaphore, #tpu.memory_space<semaphore_mem>>) attributes {dimension_semantics = [#tpu.dimension_semantics<core_parallel>, #tpu.dimension_semantics<subcore_parallel>], iteration_bounds = array<i64: 2, 16>, scalar_prefetch = 0 : i64, scratch_operands = 6 : i64, tpu.core_type = #tpu.core_type<sc_vector_subcore>, window_params = [{transform_indices = #map}, {transform_indices = #map}, {transform_indices = #map}, {transform_indices = #map}, {transform_indices = #map}, {transform_indices = #map}]} {
    %mul3A = arith.constant 2 : i32
    %mul3A_0 = arith.muli %arg1, %mul3A : i32
    %add3A = arith.addi %mul3A_0, %arg0 : i32
    %mul3A_1 = arith.constant 512 : i32
    %mul3A_2 = arith.muli %add3A, %mul3A_1 : i32
    %add3A_3 = arith.constant 0 : i32
    %add3A_4 = arith.addi %mul3A_2, %add3A_3 : i32
    %run_scoped3A = arith.constant 0 : i32
    "tpu.region"() ({
      %run_scoped3A_101 = tpu.sem_alloc : memref<!tpu.dma_semaphore, #tpu.memory_space<semaphore_mem>>
      %dma_start3A_102 = arith.constant 0 : i32
      %dma_start3A_103 = tpu.memref_slice %arg8[%run_scoped3A, %dma_start3A_102] : memref<4x128xi32, #tpu.memory_space<vmem>> -> memref<1x128xi32, #tpu.memory_space<vmem>>
      %dma_start3A_104 = tpu.memref_squeeze %dma_start3A_103 : memref<1x128xi32, #tpu.memory_space<vmem>> -> memref<128xi32, #tpu.memory_space<vmem>>
      %dma_start3A_105 = tpu.memref_slice %arg3[%add3A_4] : memref<16384xi32, #tpu.memory_space<hbm>> -> memref<128xi32, #tpu.memory_space<hbm>>
      %dma_start3A_106 = arith.constant 0 : i32
      %dma_start3A_107 = tpu.memref_slice %arg8[%run_scoped3A, %dma_start3A_106] : memref<4x128xi32, #tpu.memory_space<vmem>> -> memref<1x128xi32, #tpu.memory_space<vmem>>
      %dma_start3A_108 = tpu.memref_squeeze %dma_start3A_107 : memref<1x128xi32, #tpu.memory_space<vmem>> -> memref<128xi32, #tpu.memory_space<vmem>>
      %dma_start3A_109 = tpu.memref_slice %arg3[%add3A_4] : memref<16384xi32, #tpu.memory_space<hbm>> -> memref<128xi32, #tpu.memory_space<hbm>>
      tpu.enqueue_dma source(%dma_start3A_109 : memref<128xi32, #tpu.memory_space<hbm>>) target(%dma_start3A_108 : memref<128xi32, #tpu.memory_space<vmem>>) target_semaphore(%run_scoped3A_101 : memref<!tpu.dma_semaphore, #tpu.memory_space<semaphore_mem>>)
      %dma_wait3A_110 = arith.constant 0 : i32
      %dma_wait3A_111 = tpu.memref_slice %arg8[%run_scoped3A, %dma_wait3A_110] : memref<4x128xi32, #tpu.memory_space<vmem>> -> memref<1x128xi32, #tpu.memory_space<vmem>>
      %dma_wait3A_112 = tpu.memref_squeeze %dma_wait3A_111 : memref<1x128xi32, #tpu.memory_space<vmem>> -> memref<128xi32, #tpu.memory_space<vmem>>
      %dma_wait3A_113 = tpu.memref_slice %arg3[%add3A_4] : memref<16384xi32, #tpu.memory_space<hbm>> -> memref<128xi32, #tpu.memory_space<hbm>>
      %dma_wait3A_114 = arith.constant 0 : i32
      %dma_wait3A_115 = tpu.memref_slice %arg8[%run_scoped3A, %dma_wait3A_114] : memref<4x128xi32, #tpu.memory_space<vmem>> -> memref<1x128xi32, #tpu.memory_space<vmem>>
      %dma_wait3A_116 = tpu.memref_squeeze %dma_wait3A_115 : memref<1x128xi32, #tpu.memory_space<vmem>> -> memref<128xi32, #tpu.memory_space<vmem>>
      %dma_wait3A_117 = tpu.memref_slice %arg3[%add3A_4] : memref<16384xi32, #tpu.memory_space<hbm>> -> memref<128xi32, #tpu.memory_space<hbm>>
      tpu.wait_dma2 semaphore(%run_scoped3A_101 : memref<!tpu.dma_semaphore, #tpu.memory_space<semaphore_mem>>) src(%dma_wait3A_117 : memref<128xi32, #tpu.memory_space<hbm>>) dst(%dma_wait3A_116 : memref<128xi32, #tpu.memory_space<vmem>>)
      tpu.yield
    }) : () -> ()
    %add3A_5 = arith.constant 0 : i32
    %add3A_6 = arith.addi %mul3A_2, %add3A_5 : i32
    %run_scoped3A_7 = arith.constant 0 : i32
    "tpu.region"() ({
      %run_scoped3A_101 = tpu.sem_alloc : memref<!tpu.dma_semaphore, #tpu.memory_space<semaphore_mem>>
      %dma_start3A_102 = arith.constant 0 : i32
      %dma_start3A_103 = tpu.memref_slice %arg9[%run_scoped3A_7, %dma_start3A_102] : memref<4x128xi32, #tpu.memory_space<vmem>> -> memref<1x128xi32, #tpu.memory_space<vmem>>
      %dma_start3A_104 = tpu.memref_squeeze %dma_start3A_103 : memref<1x128xi32, #tpu.memory_space<vmem>> -> memref<128xi32, #tpu.memory_space<vmem>>
      %dma_start3A_105 = tpu.memref_slice %arg4[%add3A_6] : memref<16384xi32, #tpu.memory_space<hbm>> -> memref<128xi32, #tpu.memory_space<hbm>>
      %dma_start3A_106 = arith.constant 0 : i32
      %dma_start3A_107 = tpu.memref_slice %arg9[%run_scoped3A_7, %dma_start3A_106] : memref<4x128xi32, #tpu.memory_space<vmem>> -> memref<1x128xi32, #tpu.memory_space<vmem>>
      %dma_start3A_108 = tpu.memref_squeeze %dma_start3A_107 : memref<1x128xi32, #tpu.memory_space<vmem>> -> memref<128xi32, #tpu.memory_space<vmem>>
      %dma_start3A_109 = tpu.memref_slice %arg4[%add3A_6] : memref<16384xi32, #tpu.memory_space<hbm>> -> memref<128xi32, #tpu.memory_space<hbm>>
      tpu.enqueue_dma source(%dma_start3A_109 : memref<128xi32, #tpu.memory_space<hbm>>) target(%dma_start3A_108 : memref<128xi32, #tpu.memory_space<vmem>>) target_semaphore(%run_scoped3A_101 : memref<!tpu.dma_semaphore, #tpu.memory_space<semaphore_mem>>)
      %dma_wait3A_110 = arith.constant 0 : i32
      %dma_wait3A_111 = tpu.memref_slice %arg9[%run_scoped3A_7, %dma_wait3A_110] : memref<4x128xi32, #tpu.memory_space<vmem>> -> memref<1x128xi32, #tpu.memory_space<vmem>>
      %dma_wait3A_112 = tpu.memref_squeeze %dma_wait3A_111 : memref<1x128xi32, #tpu.memory_space<vmem>> -> memref<128xi32, #tpu.memory_space<vmem>>
      %dma_wait3A_113 = tpu.memref_slice %arg4[%add3A_6] : memref<16384xi32, #tpu.memory_space<hbm>> -> memref<128xi32, #tpu.memory_space<hbm>>
      %dma_wait3A_114 = arith.constant 0 : i32
      %dma_wait3A_115 = tpu.memref_slice %arg9[%run_scoped3A_7, %dma_wait3A_114] : memref<4x128xi32, #tpu.memory_space<vmem>> -> memref<1x128xi32, #tpu.memory_space<vmem>>
      %dma_wait3A_116 = tpu.memref_squeeze %dma_wait3A_115 : memref<1x128xi32, #tpu.memory_space<vmem>> -> memref<128xi32, #tpu.memory_space<vmem>>
      %dma_wait3A_117 = tpu.memref_slice %arg4[%add3A_6] : memref<16384xi32, #tpu.memory_space<hbm>> -> memref<128xi32, #tpu.memory_space<hbm>>
      tpu.wait_dma2 semaphore(%run_scoped3A_101 : memref<!tpu.dma_semaphore, #tpu.memory_space<semaphore_mem>>) src(%dma_wait3A_117 : memref<128xi32, #tpu.memory_space<hbm>>) dst(%dma_wait3A_116 : memref<128xi32, #tpu.memory_space<vmem>>)
      tpu.yield
    }) : () -> ()
    %add3A_8 = arith.constant 128 : i32
    %add3A_9 = arith.addi %mul3A_2, %add3A_8 : i32
    %run_scoped3A_10 = arith.constant 1 : i32
    "tpu.region"() ({
      %run_scoped3A_101 = tpu.sem_alloc : memref<!tpu.dma_semaphore, #tpu.memory_space<semaphore_mem>>
      %dma_start3A_102 = arith.constant 0 : i32
      %dma_start3A_103 = tpu.memref_slice %arg8[%run_scoped3A_10, %dma_start3A_102] : memref<4x128xi32, #tpu.memory_space<vmem>> -> memref<1x128xi32, #tpu.memory_space<vmem>>
      %dma_start3A_104 = tpu.memref_squeeze %dma_start3A_103 : memref<1x128xi32, #tpu.memory_space<vmem>> -> memref<128xi32, #tpu.memory_space<vmem>>
      %dma_start3A_105 = tpu.memref_slice %arg3[%add3A_9] : memref<16384xi32, #tpu.memory_space<hbm>> -> memref<128xi32, #tpu.memory_space<hbm>>
      %dma_start3A_106 = arith.constant 0 : i32
      %dma_start3A_107 = tpu.memref_slice %arg8[%run_scoped3A_10, %dma_start3A_106] : memref<4x128xi32, #tpu.memory_space<vmem>> -> memref<1x128xi32, #tpu.memory_space<vmem>>
      %dma_start3A_108 = tpu.memref_squeeze %dma_start3A_107 : memref<1x128xi32, #tpu.memory_space<vmem>> -> memref<128xi32, #tpu.memory_space<vmem>>
      %dma_start3A_109 = tpu.memref_slice %arg3[%add3A_9] : memref<16384xi32, #tpu.memory_space<hbm>> -> memref<128xi32, #tpu.memory_space<hbm>>
      tpu.enqueue_dma source(%dma_start3A_109 : memref<128xi32, #tpu.memory_space<hbm>>) target(%dma_start3A_108 : memref<128xi32, #tpu.memory_space<vmem>>) target_semaphore(%run_scoped3A_101 : memref<!tpu.dma_semaphore, #tpu.memory_space<semaphore_mem>>)
      %dma_wait3A_110 = arith.constant 0 : i32
      %dma_wait3A_111 = tpu.memref_slice %arg8[%run_scoped3A_10, %dma_wait3A_110] : memref<4x128xi32, #tpu.memory_space<vmem>> -> memref<1x128xi32, #tpu.memory_space<vmem>>
      %dma_wait3A_112 = tpu.memref_squeeze %dma_wait3A_111 : memref<1x128xi32, #tpu.memory_space<vmem>> -> memref<128xi32, #tpu.memory_space<vmem>>
      %dma_wait3A_113 = tpu.memref_slice %arg3[%add3A_9] : memref<16384xi32, #tpu.memory_space<hbm>> -> memref<128xi32, #tpu.memory_space<hbm>>
      %dma_wait3A_114 = arith.constant 0 : i32
      %dma_wait3A_115 = tpu.memref_slice %arg8[%run_scoped3A_10, %dma_wait3A_114] : memref<4x128xi32, #tpu.memory_space<vmem>> -> memref<1x128xi32, #tpu.memory_space<vmem>>
      %dma_wait3A_116 = tpu.memref_squeeze %dma_wait3A_115 : memref<1x128xi32, #tpu.memory_space<vmem>> -> memref<128xi32, #tpu.memory_space<vmem>>
      %dma_wait3A_117 = tpu.memref_slice %arg3[%add3A_9] : memref<16384xi32, #tpu.memory_space<hbm>> -> memref<128xi32, #tpu.memory_space<hbm>>
      tpu.wait_dma2 semaphore(%run_scoped3A_101 : memref<!tpu.dma_semaphore, #tpu.memory_space<semaphore_mem>>) src(%dma_wait3A_117 : memref<128xi32, #tpu.memory_space<hbm>>) dst(%dma_wait3A_116 : memref<128xi32, #tpu.memory_space<vmem>>)
      tpu.yield
    }) : () -> ()
    %add3A_11 = arith.constant 128 : i32
    %add3A_12 = arith.addi %mul3A_2, %add3A_11 : i32
    %run_scoped3A_13 = arith.constant 1 : i32
    "tpu.region"() ({
      %run_scoped3A_101 = tpu.sem_alloc : memref<!tpu.dma_semaphore, #tpu.memory_space<semaphore_mem>>
      %dma_start3A_102 = arith.constant 0 : i32
      %dma_start3A_103 = tpu.memref_slice %arg9[%run_scoped3A_13, %dma_start3A_102] : memref<4x128xi32, #tpu.memory_space<vmem>> -> memref<1x128xi32, #tpu.memory_space<vmem>>
      %dma_start3A_104 = tpu.memref_squeeze %dma_start3A_103 : memref<1x128xi32, #tpu.memory_space<vmem>> -> memref<128xi32, #tpu.memory_space<vmem>>
      %dma_start3A_105 = tpu.memref_slice %arg4[%add3A_12] : memref<16384xi32, #tpu.memory_space<hbm>> -> memref<128xi32, #tpu.memory_space<hbm>>
      %dma_start3A_106 = arith.constant 0 : i32
      %dma_start3A_107 = tpu.memref_slice %arg9[%run_scoped3A_13, %dma_start3A_106] : memref<4x128xi32, #tpu.memory_space<vmem>> -> memref<1x128xi32, #tpu.memory_space<vmem>>
      %dma_start3A_108 = tpu.memref_squeeze %dma_start3A_107 : memref<1x128xi32, #tpu.memory_space<vmem>> -> memref<128xi32, #tpu.memory_space<vmem>>
      %dma_start3A_109 = tpu.memref_slice %arg4[%add3A_12] : memref<16384xi32, #tpu.memory_space<hbm>> -> memref<128xi32, #tpu.memory_space<hbm>>
      tpu.enqueue_dma source(%dma_start3A_109 : memref<128xi32, #tpu.memory_space<hbm>>) target(%dma_start3A_108 : memref<128xi32, #tpu.memory_space<vmem>>) target_semaphore(%run_scoped3A_101 : memref<!tpu.dma_semaphore, #tpu.memory_space<semaphore_mem>>)
      %dma_wait3A_110 = arith.constant 0 : i32
      %dma_wait3A_111 = tpu.memref_slice %arg9[%run_scoped3A_13, %dma_wait3A_110] : memref<4x128xi32, #tpu.memory_space<vmem>> -> memref<1x128xi32, #tpu.memory_space<vmem>>
      %dma_wait3A_112 = tpu.memref_squeeze %dma_wait3A_111 : memref<1x128xi32, #tpu.memory_space<vmem>> -> memref<128xi32, #tpu.memory_space<vmem>>
      %dma_wait3A_113 = tpu.memref_slice %arg4[%add3A_12] : memref<16384xi32, #tpu.memory_space<hbm>> -> memref<128xi32, #tpu.memory_space<hbm>>
      %dma_wait3A_114 = arith.constant 0 : i32
      %dma_wait3A_115 = tpu.memref_slice %arg9[%run_scoped3A_13, %dma_wait3A_114] : memref<4x128xi32, #tpu.memory_space<vmem>> -> memref<1x128xi32, #tpu.memory_space<vmem>>
      %dma_wait3A_116 = tpu.memref_squeeze %dma_wait3A_115 : memref<1x128xi32, #tpu.memory_space<vmem>> -> memref<128xi32, #tpu.memory_space<vmem>>
      %dma_wait3A_117 = tpu.memref_slice %arg4[%add3A_12] : memref<16384xi32, #tpu.memory_space<hbm>> -> memref<128xi32, #tpu.memory_space<hbm>>
      tpu.wait_dma2 semaphore(%run_scoped3A_101 : memref<!tpu.dma_semaphore, #tpu.memory_space<semaphore_mem>>) src(%dma_wait3A_117 : memref<128xi32, #tpu.memory_space<hbm>>) dst(%dma_wait3A_116 : memref<128xi32, #tpu.memory_space<vmem>>)
      tpu.yield
    }) : () -> ()
    %add3A_14 = arith.constant 256 : i32
    %add3A_15 = arith.addi %mul3A_2, %add3A_14 : i32
    %run_scoped3A_16 = arith.constant 2 : i32
    "tpu.region"() ({
      %run_scoped3A_101 = tpu.sem_alloc : memref<!tpu.dma_semaphore, #tpu.memory_space<semaphore_mem>>
      %dma_start3A_102 = arith.constant 0 : i32
      %dma_start3A_103 = tpu.memref_slice %arg8[%run_scoped3A_16, %dma_start3A_102] : memref<4x128xi32, #tpu.memory_space<vmem>> -> memref<1x128xi32, #tpu.memory_space<vmem>>
      %dma_start3A_104 = tpu.memref_squeeze %dma_start3A_103 : memref<1x128xi32, #tpu.memory_space<vmem>> -> memref<128xi32, #tpu.memory_space<vmem>>
      %dma_start3A_105 = tpu.memref_slice %arg3[%add3A_15] : memref<16384xi32, #tpu.memory_space<hbm>> -> memref<128xi32, #tpu.memory_space<hbm>>
      %dma_start3A_106 = arith.constant 0 : i32
      %dma_start3A_107 = tpu.memref_slice %arg8[%run_scoped3A_16, %dma_start3A_106] : memref<4x128xi32, #tpu.memory_space<vmem>> -> memref<1x128xi32, #tpu.memory_space<vmem>>
      %dma_start3A_108 = tpu.memref_squeeze %dma_start3A_107 : memref<1x128xi32, #tpu.memory_space<vmem>> -> memref<128xi32, #tpu.memory_space<vmem>>
      %dma_start3A_109 = tpu.memref_slice %arg3[%add3A_15] : memref<16384xi32, #tpu.memory_space<hbm>> -> memref<128xi32, #tpu.memory_space<hbm>>
      tpu.enqueue_dma source(%dma_start3A_109 : memref<128xi32, #tpu.memory_space<hbm>>) target(%dma_start3A_108 : memref<128xi32, #tpu.memory_space<vmem>>) target_semaphore(%run_scoped3A_101 : memref<!tpu.dma_semaphore, #tpu.memory_space<semaphore_mem>>)
      %dma_wait3A_110 = arith.constant 0 : i32
      %dma_wait3A_111 = tpu.memref_slice %arg8[%run_scoped3A_16, %dma_wait3A_110] : memref<4x128xi32, #tpu.memory_space<vmem>> -> memref<1x128xi32, #tpu.memory_space<vmem>>
      %dma_wait3A_112 = tpu.memref_squeeze %dma_wait3A_111 : memref<1x128xi32, #tpu.memory_space<vmem>> -> memref<128xi32, #tpu.memory_space<vmem>>
      %dma_wait3A_113 = tpu.memref_slice %arg3[%add3A_15] : memref<16384xi32, #tpu.memory_space<hbm>> -> memref<128xi32, #tpu.memory_space<hbm>>
      %dma_wait3A_114 = arith.constant 0 : i32
      %dma_wait3A_115 = tpu.memref_slice %arg8[%run_scoped3A_16, %dma_wait3A_114] : memref<4x128xi32, #tpu.memory_space<vmem>> -> memref<1x128xi32, #tpu.memory_space<vmem>>
      %dma_wait3A_116 = tpu.memref_squeeze %dma_wait3A_115 : memref<1x128xi32, #tpu.memory_space<vmem>> -> memref<128xi32, #tpu.memory_space<vmem>>
      %dma_wait3A_117 = tpu.memref_slice %arg3[%add3A_15] : memref<16384xi32, #tpu.memory_space<hbm>> -> memref<128xi32, #tpu.memory_space<hbm>>
      tpu.wait_dma2 semaphore(%run_scoped3A_101 : memref<!tpu.dma_semaphore, #tpu.memory_space<semaphore_mem>>) src(%dma_wait3A_117 : memref<128xi32, #tpu.memory_space<hbm>>) dst(%dma_wait3A_116 : memref<128xi32, #tpu.memory_space<vmem>>)
      tpu.yield
    }) : () -> ()
    %add3A_17 = arith.constant 256 : i32
    %add3A_18 = arith.addi %mul3A_2, %add3A_17 : i32
    %run_scoped3A_19 = arith.constant 2 : i32
    "tpu.region"() ({
      %run_scoped3A_101 = tpu.sem_alloc : memref<!tpu.dma_semaphore, #tpu.memory_space<semaphore_mem>>
      %dma_start3A_102 = arith.constant 0 : i32
      %dma_start3A_103 = tpu.memref_slice %arg9[%run_scoped3A_19, %dma_start3A_102] : memref<4x128xi32, #tpu.memory_space<vmem>> -> memref<1x128xi32, #tpu.memory_space<vmem>>
      %dma_start3A_104 = tpu.memref_squeeze %dma_start3A_103 : memref<1x128xi32, #tpu.memory_space<vmem>> -> memref<128xi32, #tpu.memory_space<vmem>>
      %dma_start3A_105 = tpu.memref_slice %arg4[%add3A_18] : memref<16384xi32, #tpu.memory_space<hbm>> -> memref<128xi32, #tpu.memory_space<hbm>>
      %dma_start3A_106 = arith.constant 0 : i32
      %dma_start3A_107 = tpu.memref_slice %arg9[%run_scoped3A_19, %dma_start3A_106] : memref<4x128xi32, #tpu.memory_space<vmem>> -> memref<1x128xi32, #tpu.memory_space<vmem>>
      %dma_start3A_108 = tpu.memref_squeeze %dma_start3A_107 : memref<1x128xi32, #tpu.memory_space<vmem>> -> memref<128xi32, #tpu.memory_space<vmem>>
      %dma_start3A_109 = tpu.memref_slice %arg4[%add3A_18] : memref<16384xi32, #tpu.memory_space<hbm>> -> memref<128xi32, #tpu.memory_space<hbm>>
      tpu.enqueue_dma source(%dma_start3A_109 : memref<128xi32, #tpu.memory_space<hbm>>) target(%dma_start3A_108 : memref<128xi32, #tpu.memory_space<vmem>>) target_semaphore(%run_scoped3A_101 : memref<!tpu.dma_semaphore, #tpu.memory_space<semaphore_mem>>)
      %dma_wait3A_110 = arith.constant 0 : i32
      %dma_wait3A_111 = tpu.memref_slice %arg9[%run_scoped3A_19, %dma_wait3A_110] : memref<4x128xi32, #tpu.memory_space<vmem>> -> memref<1x128xi32, #tpu.memory_space<vmem>>
      %dma_wait3A_112 = tpu.memref_squeeze %dma_wait3A_111 : memref<1x128xi32, #tpu.memory_space<vmem>> -> memref<128xi32, #tpu.memory_space<vmem>>
      %dma_wait3A_113 = tpu.memref_slice %arg4[%add3A_18] : memref<16384xi32, #tpu.memory_space<hbm>> -> memref<128xi32, #tpu.memory_space<hbm>>
      %dma_wait3A_114 = arith.constant 0 : i32
      %dma_wait3A_115 = tpu.memref_slice %arg9[%run_scoped3A_19, %dma_wait3A_114] : memref<4x128xi32, #tpu.memory_space<vmem>> -> memref<1x128xi32, #tpu.memory_space<vmem>>
      %dma_wait3A_116 = tpu.memref_squeeze %dma_wait3A_115 : memref<1x128xi32, #tpu.memory_space<vmem>> -> memref<128xi32, #tpu.memory_space<vmem>>
      %dma_wait3A_117 = tpu.memref_slice %arg4[%add3A_18] : memref<16384xi32, #tpu.memory_space<hbm>> -> memref<128xi32, #tpu.memory_space<hbm>>
      tpu.wait_dma2 semaphore(%run_scoped3A_101 : memref<!tpu.dma_semaphore, #tpu.memory_space<semaphore_mem>>) src(%dma_wait3A_117 : memref<128xi32, #tpu.memory_space<hbm>>) dst(%dma_wait3A_116 : memref<128xi32, #tpu.memory_space<vmem>>)
      tpu.yield
    }) : () -> ()
    %add3A_20 = arith.constant 384 : i32
    %add3A_21 = arith.addi %mul3A_2, %add3A_20 : i32
    %run_scoped3A_22 = arith.constant 3 : i32
    "tpu.region"() ({
      %run_scoped3A_101 = tpu.sem_alloc : memref<!tpu.dma_semaphore, #tpu.memory_space<semaphore_mem>>
      %dma_start3A_102 = arith.constant 0 : i32
      %dma_start3A_103 = tpu.memref_slice %arg8[%run_scoped3A_22, %dma_start3A_102] : memref<4x128xi32, #tpu.memory_space<vmem>> -> memref<1x128xi32, #tpu.memory_space<vmem>>
      %dma_start3A_104 = tpu.memref_squeeze %dma_start3A_103 : memref<1x128xi32, #tpu.memory_space<vmem>> -> memref<128xi32, #tpu.memory_space<vmem>>
      %dma_start3A_105 = tpu.memref_slice %arg3[%add3A_21] : memref<16384xi32, #tpu.memory_space<hbm>> -> memref<128xi32, #tpu.memory_space<hbm>>
      %dma_start3A_106 = arith.constant 0 : i32
      %dma_start3A_107 = tpu.memref_slice %arg8[%run_scoped3A_22, %dma_start3A_106] : memref<4x128xi32, #tpu.memory_space<vmem>> -> memref<1x128xi32, #tpu.memory_space<vmem>>
      %dma_start3A_108 = tpu.memref_squeeze %dma_start3A_107 : memref<1x128xi32, #tpu.memory_space<vmem>> -> memref<128xi32, #tpu.memory_space<vmem>>
      %dma_start3A_109 = tpu.memref_slice %arg3[%add3A_21] : memref<16384xi32, #tpu.memory_space<hbm>> -> memref<128xi32, #tpu.memory_space<hbm>>
      tpu.enqueue_dma source(%dma_start3A_109 : memref<128xi32, #tpu.memory_space<hbm>>) target(%dma_start3A_108 : memref<128xi32, #tpu.memory_space<vmem>>) target_semaphore(%run_scoped3A_101 : memref<!tpu.dma_semaphore, #tpu.memory_space<semaphore_mem>>)
      %dma_wait3A_110 = arith.constant 0 : i32
      %dma_wait3A_111 = tpu.memref_slice %arg8[%run_scoped3A_22, %dma_wait3A_110] : memref<4x128xi32, #tpu.memory_space<vmem>> -> memref<1x128xi32, #tpu.memory_space<vmem>>
      %dma_wait3A_112 = tpu.memref_squeeze %dma_wait3A_111 : memref<1x128xi32, #tpu.memory_space<vmem>> -> memref<128xi32, #tpu.memory_space<vmem>>
      %dma_wait3A_113 = tpu.memref_slice %arg3[%add3A_21] : memref<16384xi32, #tpu.memory_space<hbm>> -> memref<128xi32, #tpu.memory_space<hbm>>
      %dma_wait3A_114 = arith.constant 0 : i32
      %dma_wait3A_115 = tpu.memref_slice %arg8[%run_scoped3A_22, %dma_wait3A_114] : memref<4x128xi32, #tpu.memory_space<vmem>> -> memref<1x128xi32, #tpu.memory_space<vmem>>
      %dma_wait3A_116 = tpu.memref_squeeze %dma_wait3A_115 : memref<1x128xi32, #tpu.memory_space<vmem>> -> memref<128xi32, #tpu.memory_space<vmem>>
      %dma_wait3A_117 = tpu.memref_slice %arg3[%add3A_21] : memref<16384xi32, #tpu.memory_space<hbm>> -> memref<128xi32, #tpu.memory_space<hbm>>
      tpu.wait_dma2 semaphore(%run_scoped3A_101 : memref<!tpu.dma_semaphore, #tpu.memory_space<semaphore_mem>>) src(%dma_wait3A_117 : memref<128xi32, #tpu.memory_space<hbm>>) dst(%dma_wait3A_116 : memref<128xi32, #tpu.memory_space<vmem>>)
      tpu.yield
    }) : () -> ()
    %add3A_23 = arith.constant 384 : i32
    %add3A_24 = arith.addi %mul3A_2, %add3A_23 : i32
    %run_scoped3A_25 = arith.constant 3 : i32
    "tpu.region"() ({
      %run_scoped3A_101 = tpu.sem_alloc : memref<!tpu.dma_semaphore, #tpu.memory_space<semaphore_mem>>
      %dma_start3A_102 = arith.constant 0 : i32
      %dma_start3A_103 = tpu.memref_slice %arg9[%run_scoped3A_25, %dma_start3A_102] : memref<4x128xi32, #tpu.memory_space<vmem>> -> memref<1x128xi32, #tpu.memory_space<vmem>>
      %dma_start3A_104 = tpu.memref_squeeze %dma_start3A_103 : memref<1x128xi32, #tpu.memory_space<vmem>> -> memref<128xi32, #tpu.memory_space<vmem>>
      %dma_start3A_105 = tpu.memref_slice %arg4[%add3A_24] : memref<16384xi32, #tpu.memory_space<hbm>> -> memref<128xi32, #tpu.memory_space<hbm>>
      %dma_start3A_106 = arith.constant 0 : i32
      %dma_start3A_107 = tpu.memref_slice %arg9[%run_scoped3A_25, %dma_start3A_106] : memref<4x128xi32, #tpu.memory_space<vmem>> -> memref<1x128xi32, #tpu.memory_space<vmem>>
      %dma_start3A_108 = tpu.memref_squeeze %dma_start3A_107 : memref<1x128xi32, #tpu.memory_space<vmem>> -> memref<128xi32, #tpu.memory_space<vmem>>
      %dma_start3A_109 = tpu.memref_slice %arg4[%add3A_24] : memref<16384xi32, #tpu.memory_space<hbm>> -> memref<128xi32, #tpu.memory_space<hbm>>
      tpu.enqueue_dma source(%dma_start3A_109 : memref<128xi32, #tpu.memory_space<hbm>>) target(%dma_start3A_108 : memref<128xi32, #tpu.memory_space<vmem>>) target_semaphore(%run_scoped3A_101 : memref<!tpu.dma_semaphore, #tpu.memory_space<semaphore_mem>>)
      %dma_wait3A_110 = arith.constant 0 : i32
      %dma_wait3A_111 = tpu.memref_slice %arg9[%run_scoped3A_25, %dma_wait3A_110] : memref<4x128xi32, #tpu.memory_space<vmem>> -> memref<1x128xi32, #tpu.memory_space<vmem>>
      %dma_wait3A_112 = tpu.memref_squeeze %dma_wait3A_111 : memref<1x128xi32, #tpu.memory_space<vmem>> -> memref<128xi32, #tpu.memory_space<vmem>>
      %dma_wait3A_113 = tpu.memref_slice %arg4[%add3A_24] : memref<16384xi32, #tpu.memory_space<hbm>> -> memref<128xi32, #tpu.memory_space<hbm>>
      %dma_wait3A_114 = arith.constant 0 : i32
      %dma_wait3A_115 = tpu.memref_slice %arg9[%run_scoped3A_25, %dma_wait3A_114] : memref<4x128xi32, #tpu.memory_space<vmem>> -> memref<1x128xi32, #tpu.memory_space<vmem>>
      %dma_wait3A_116 = tpu.memref_squeeze %dma_wait3A_115 : memref<1x128xi32, #tpu.memory_space<vmem>> -> memref<128xi32, #tpu.memory_space<vmem>>
      %dma_wait3A_117 = tpu.memref_slice %arg4[%add3A_24] : memref<16384xi32, #tpu.memory_space<hbm>> -> memref<128xi32, #tpu.memory_space<hbm>>
      tpu.wait_dma2 semaphore(%run_scoped3A_101 : memref<!tpu.dma_semaphore, #tpu.memory_space<semaphore_mem>>) src(%dma_wait3A_117 : memref<128xi32, #tpu.memory_space<hbm>>) dst(%dma_wait3A_116 : memref<128xi32, #tpu.memory_space<vmem>>)
      tpu.yield
    }) : () -> ()
    %dma_start3A = arith.constant 0 : i32
    %dma_start3A_26 = arith.constant 0 : i32
    %dma_start3A_27 = tpu.memref_slice %arg11[%dma_start3A_26] : memref<512xf32, #tpu.memory_space<vmem>> -> memref<128xf32, #tpu.memory_space<vmem>>
    %dma_start3A_28 = arith.constant 0 : i32
    %dma_start3A_29 = tpu.memref_slice %arg8[%dma_start3A, %dma_start3A_28] : memref<4x128xi32, #tpu.memory_space<vmem>> -> memref<1x128xi32, #tpu.memory_space<vmem>>
    %dma_start3A_30 = tpu.memref_squeeze %dma_start3A_29 : memref<1x128xi32, #tpu.memory_space<vmem>> -> memref<128xi32, #tpu.memory_space<vmem>>
    %dma_start3A_31 = arith.constant 0 : i32
    %dma_start3A_32 = tpu.memref_slice %arg5[%dma_start3A_31] : memref<1000000xf32, #tpu.memory_space<hbm>> -> memref<1000000xf32, #tpu.memory_space<hbm>>
    tpu.enqueue_indirect_dma source(%dma_start3A_32 : memref<1000000xf32, #tpu.memory_space<hbm>>) target(%dma_start3A_27 : memref<128xf32, #tpu.memory_space<vmem>>) offsets(%dma_start3A_30 : memref<128xi32, #tpu.memory_space<vmem>>) semaphore(%arg13 : memref<!tpu.dma_semaphore, #tpu.memory_space<semaphore_mem>>)
    %dma_start3A_33 = arith.constant 0 : i32
    %dma_start3A_34 = arith.constant 0 : i32
    %dma_start3A_35 = tpu.memref_slice %arg12[%dma_start3A_34] : memref<512xf32, #tpu.memory_space<vmem>> -> memref<128xf32, #tpu.memory_space<vmem>>
    %dma_start3A_36 = arith.constant 0 : i32
    %dma_start3A_37 = tpu.memref_slice %arg9[%dma_start3A_33, %dma_start3A_36] : memref<4x128xi32, #tpu.memory_space<vmem>> -> memref<1x128xi32, #tpu.memory_space<vmem>>
    %dma_start3A_38 = tpu.memref_squeeze %dma_start3A_37 : memref<1x128xi32, #tpu.memory_space<vmem>> -> memref<128xi32, #tpu.memory_space<vmem>>
    %dma_start3A_39 = arith.constant 0 : i32
    %dma_start3A_40 = tpu.memref_slice %arg6[%dma_start3A_39] : memref<1000000xf32, #tpu.memory_space<hbm>> -> memref<1000000xf32, #tpu.memory_space<hbm>>
    tpu.enqueue_indirect_dma source(%dma_start3A_40 : memref<1000000xf32, #tpu.memory_space<hbm>>) target(%dma_start3A_35 : memref<128xf32, #tpu.memory_space<vmem>>) offsets(%dma_start3A_38 : memref<128xi32, #tpu.memory_space<vmem>>) semaphore(%arg13 : memref<!tpu.dma_semaphore, #tpu.memory_space<semaphore_mem>>)
    %dma_start3A_41 = arith.constant 1 : i32
    %dma_start3A_42 = arith.constant 128 : i32
    %dma_start3A_43 = tpu.memref_slice %arg11[%dma_start3A_42] : memref<512xf32, #tpu.memory_space<vmem>> -> memref<128xf32, #tpu.memory_space<vmem>>
    %dma_start3A_44 = arith.constant 0 : i32
    %dma_start3A_45 = tpu.memref_slice %arg8[%dma_start3A_41, %dma_start3A_44] : memref<4x128xi32, #tpu.memory_space<vmem>> -> memref<1x128xi32, #tpu.memory_space<vmem>>
    %dma_start3A_46 = tpu.memref_squeeze %dma_start3A_45 : memref<1x128xi32, #tpu.memory_space<vmem>> -> memref<128xi32, #tpu.memory_space<vmem>>
    %dma_start3A_47 = arith.constant 0 : i32
    %dma_start3A_48 = tpu.memref_slice %arg5[%dma_start3A_47] : memref<1000000xf32, #tpu.memory_space<hbm>> -> memref<1000000xf32, #tpu.memory_space<hbm>>
    tpu.enqueue_indirect_dma source(%dma_start3A_48 : memref<1000000xf32, #tpu.memory_space<hbm>>) target(%dma_start3A_43 : memref<128xf32, #tpu.memory_space<vmem>>) offsets(%dma_start3A_46 : memref<128xi32, #tpu.memory_space<vmem>>) semaphore(%arg13 : memref<!tpu.dma_semaphore, #tpu.memory_space<semaphore_mem>>)
    %dma_start3A_49 = arith.constant 1 : i32
    %dma_start3A_50 = arith.constant 128 : i32
    %dma_start3A_51 = tpu.memref_slice %arg12[%dma_start3A_50] : memref<512xf32, #tpu.memory_space<vmem>> -> memref<128xf32, #tpu.memory_space<vmem>>
    %dma_start3A_52 = arith.constant 0 : i32
    %dma_start3A_53 = tpu.memref_slice %arg9[%dma_start3A_49, %dma_start3A_52] : memref<4x128xi32, #tpu.memory_space<vmem>> -> memref<1x128xi32, #tpu.memory_space<vmem>>
    %dma_start3A_54 = tpu.memref_squeeze %dma_start3A_53 : memref<1x128xi32, #tpu.memory_space<vmem>> -> memref<128xi32, #tpu.memory_space<vmem>>
    %dma_start3A_55 = arith.constant 0 : i32
    %dma_start3A_56 = tpu.memref_slice %arg6[%dma_start3A_55] : memref<1000000xf32, #tpu.memory_space<hbm>> -> memref<1000000xf32, #tpu.memory_space<hbm>>
    tpu.enqueue_indirect_dma source(%dma_start3A_56 : memref<1000000xf32, #tpu.memory_space<hbm>>) target(%dma_start3A_51 : memref<128xf32, #tpu.memory_space<vmem>>) offsets(%dma_start3A_54 : memref<128xi32, #tpu.memory_space<vmem>>) semaphore(%arg13 : memref<!tpu.dma_semaphore, #tpu.memory_space<semaphore_mem>>)
    %dma_start3A_57 = arith.constant 2 : i32
    %dma_start3A_58 = arith.constant 256 : i32
    %dma_start3A_59 = tpu.memref_slice %arg11[%dma_start3A_58] : memref<512xf32, #tpu.memory_space<vmem>> -> memref<128xf32, #tpu.memory_space<vmem>>
    %dma_start3A_60 = arith.constant 0 : i32
    %dma_start3A_61 = tpu.memref_slice %arg8[%dma_start3A_57, %dma_start3A_60] : memref<4x128xi32, #tpu.memory_space<vmem>> -> memref<1x128xi32, #tpu.memory_space<vmem>>
    %dma_start3A_62 = tpu.memref_squeeze %dma_start3A_61 : memref<1x128xi32, #tpu.memory_space<vmem>> -> memref<128xi32, #tpu.memory_space<vmem>>
    %dma_start3A_63 = arith.constant 0 : i32
    %dma_start3A_64 = tpu.memref_slice %arg5[%dma_start3A_63] : memref<1000000xf32, #tpu.memory_space<hbm>> -> memref<1000000xf32, #tpu.memory_space<hbm>>
    tpu.enqueue_indirect_dma source(%dma_start3A_64 : memref<1000000xf32, #tpu.memory_space<hbm>>) target(%dma_start3A_59 : memref<128xf32, #tpu.memory_space<vmem>>) offsets(%dma_start3A_62 : memref<128xi32, #tpu.memory_space<vmem>>) semaphore(%arg13 : memref<!tpu.dma_semaphore, #tpu.memory_space<semaphore_mem>>)
    %dma_start3A_65 = arith.constant 2 : i32
    %dma_start3A_66 = arith.constant 256 : i32
    %dma_start3A_67 = tpu.memref_slice %arg12[%dma_start3A_66] : memref<512xf32, #tpu.memory_space<vmem>> -> memref<128xf32, #tpu.memory_space<vmem>>
    %dma_start3A_68 = arith.constant 0 : i32
    %dma_start3A_69 = tpu.memref_slice %arg9[%dma_start3A_65, %dma_start3A_68] : memref<4x128xi32, #tpu.memory_space<vmem>> -> memref<1x128xi32, #tpu.memory_space<vmem>>
    %dma_start3A_70 = tpu.memref_squeeze %dma_start3A_69 : memref<1x128xi32, #tpu.memory_space<vmem>> -> memref<128xi32, #tpu.memory_space<vmem>>
    %dma_start3A_71 = arith.constant 0 : i32
    %dma_start3A_72 = tpu.memref_slice %arg6[%dma_start3A_71] : memref<1000000xf32, #tpu.memory_space<hbm>> -> memref<1000000xf32, #tpu.memory_space<hbm>>
    tpu.enqueue_indirect_dma source(%dma_start3A_72 : memref<1000000xf32, #tpu.memory_space<hbm>>) target(%dma_start3A_67 : memref<128xf32, #tpu.memory_space<vmem>>) offsets(%dma_start3A_70 : memref<128xi32, #tpu.memory_space<vmem>>) semaphore(%arg13 : memref<!tpu.dma_semaphore, #tpu.memory_space<semaphore_mem>>)
    %dma_start3A_73 = arith.constant 3 : i32
    %dma_start3A_74 = arith.constant 384 : i32
    %dma_start3A_75 = tpu.memref_slice %arg11[%dma_start3A_74] : memref<512xf32, #tpu.memory_space<vmem>> -> memref<128xf32, #tpu.memory_space<vmem>>
    %dma_start3A_76 = arith.constant 0 : i32
    %dma_start3A_77 = tpu.memref_slice %arg8[%dma_start3A_73, %dma_start3A_76] : memref<4x128xi32, #tpu.memory_space<vmem>> -> memref<1x128xi32, #tpu.memory_space<vmem>>
    %dma_start3A_78 = tpu.memref_squeeze %dma_start3A_77 : memref<1x128xi32, #tpu.memory_space<vmem>> -> memref<128xi32, #tpu.memory_space<vmem>>
    %dma_start3A_79 = arith.constant 0 : i32
    %dma_start3A_80 = tpu.memref_slice %arg5[%dma_start3A_79] : memref<1000000xf32, #tpu.memory_space<hbm>> -> memref<1000000xf32, #tpu.memory_space<hbm>>
    tpu.enqueue_indirect_dma source(%dma_start3A_80 : memref<1000000xf32, #tpu.memory_space<hbm>>) target(%dma_start3A_75 : memref<128xf32, #tpu.memory_space<vmem>>) offsets(%dma_start3A_78 : memref<128xi32, #tpu.memory_space<vmem>>) semaphore(%arg13 : memref<!tpu.dma_semaphore, #tpu.memory_space<semaphore_mem>>)
    %dma_start3A_81 = arith.constant 3 : i32
    %dma_start3A_82 = arith.constant 384 : i32
    %dma_start3A_83 = tpu.memref_slice %arg12[%dma_start3A_82] : memref<512xf32, #tpu.memory_space<vmem>> -> memref<128xf32, #tpu.memory_space<vmem>>
    %dma_start3A_84 = arith.constant 0 : i32
    %dma_start3A_85 = tpu.memref_slice %arg9[%dma_start3A_81, %dma_start3A_84] : memref<4x128xi32, #tpu.memory_space<vmem>> -> memref<1x128xi32, #tpu.memory_space<vmem>>
    %dma_start3A_86 = tpu.memref_squeeze %dma_start3A_85 : memref<1x128xi32, #tpu.memory_space<vmem>> -> memref<128xi32, #tpu.memory_space<vmem>>
    %dma_start3A_87 = arith.constant 0 : i32
    %dma_start3A_88 = tpu.memref_slice %arg6[%dma_start3A_87] : memref<1000000xf32, #tpu.memory_space<hbm>> -> memref<1000000xf32, #tpu.memory_space<hbm>>
    tpu.enqueue_indirect_dma source(%dma_start3A_88 : memref<1000000xf32, #tpu.memory_space<hbm>>) target(%dma_start3A_83 : memref<128xf32, #tpu.memory_space<vmem>>) offsets(%dma_start3A_86 : memref<128xi32, #tpu.memory_space<vmem>>) semaphore(%arg13 : memref<!tpu.dma_semaphore, #tpu.memory_space<semaphore_mem>>)
    "tpu.region"() ({
      %run_scoped3A_101 = tpu.sem_alloc : memref<!tpu.dma_semaphore, #tpu.memory_space<semaphore_mem>>
      %dma_start3A_102 = tpu.memref_slice %arg2[%mul3A_2] : memref<16384xf32, #tpu.memory_space<hbm>> -> memref<512xf32, #tpu.memory_space<hbm>>
      %dma_start3A_103 = tpu.memref_slice %arg2[%mul3A_2] : memref<16384xf32, #tpu.memory_space<hbm>> -> memref<512xf32, #tpu.memory_space<hbm>>
      tpu.enqueue_dma source(%dma_start3A_103 : memref<512xf32, #tpu.memory_space<hbm>>) target(%arg10 : memref<512xf32, #tpu.memory_space<vmem>>) target_semaphore(%run_scoped3A_101 : memref<!tpu.dma_semaphore, #tpu.memory_space<semaphore_mem>>)
      %dma_wait3A_104 = tpu.memref_slice %arg2[%mul3A_2] : memref<16384xf32, #tpu.memory_space<hbm>> -> memref<512xf32, #tpu.memory_space<hbm>>
      %dma_wait3A_105 = tpu.memref_slice %arg2[%mul3A_2] : memref<16384xf32, #tpu.memory_space<hbm>> -> memref<512xf32, #tpu.memory_space<hbm>>
      tpu.wait_dma2 semaphore(%run_scoped3A_101 : memref<!tpu.dma_semaphore, #tpu.memory_space<semaphore_mem>>) src(%dma_wait3A_105 : memref<512xf32, #tpu.memory_space<hbm>>) dst(%arg10 : memref<512xf32, #tpu.memory_space<vmem>>)
      tpu.yield
    }) : () -> ()
    %dma_wait3A = arith.constant 0 : i32
    %dma_wait3A_89 = tpu.memref_slice %arg5[%dma_wait3A] : memref<1000000xf32, #tpu.memory_space<hbm>> -> memref<512xf32, #tpu.memory_space<hbm>>
    %dma_wait3A_90 = arith.constant 0 : i32
    %dma_wait3A_91 = tpu.memref_slice %arg5[%dma_wait3A_90] : memref<1000000xf32, #tpu.memory_space<hbm>> -> memref<512xf32, #tpu.memory_space<hbm>>
    tpu.wait_dma2 semaphore(%arg13 : memref<!tpu.dma_semaphore, #tpu.memory_space<semaphore_mem>>) src(%dma_wait3A_91 : memref<512xf32, #tpu.memory_space<hbm>>) dst(%arg11 : memref<512xf32, #tpu.memory_space<vmem>>)
    %dma_wait3A_92 = arith.constant 0 : i32
    %dma_wait3A_93 = tpu.memref_slice %arg6[%dma_wait3A_92] : memref<1000000xf32, #tpu.memory_space<hbm>> -> memref<512xf32, #tpu.memory_space<hbm>>
    %dma_wait3A_94 = arith.constant 0 : i32
    %dma_wait3A_95 = tpu.memref_slice %arg6[%dma_wait3A_94] : memref<1000000xf32, #tpu.memory_space<hbm>> -> memref<512xf32, #tpu.memory_space<hbm>>
    tpu.wait_dma2 semaphore(%arg13 : memref<!tpu.dma_semaphore, #tpu.memory_space<semaphore_mem>>) src(%dma_wait3A_95 : memref<512xf32, #tpu.memory_space<hbm>>) dst(%arg12 : memref<512xf32, #tpu.memory_space<vmem>>)
    %scan3A = arith.constant 0 : i32
    %scan3A_96 = arith.constant 0 : i32
    %scan3A_97 = arith.constant 32 : i32
    %scan3A_98 = arith.addi %scan3A_96, %scan3A_97 : i32
    %scan3A_99 = arith.constant 1 : i32
    scf.for %scan3A_101 = %scan3A_96 to %scan3A_98 step %scan3A_99  : i32 {
      %mul3A_102 = arith.constant 16 : i32
      %mul3A_103 = arith.muli %scan3A_101, %mul3A_102 : i32
      %get3A = arith.index_cast %mul3A_103 : i32 to index
      %get3A_104 = tpu.vector_load %arg10[%get3A] {strides = array<i32>} : memref<512xf32, #tpu.memory_space<vmem>>, vector<16xf32>,
      %get3A_105 = arith.index_cast %mul3A_103 : i32 to index
      %get3A_106 = tpu.vector_load %arg11[%get3A_105] {strides = array<i32>} : memref<512xf32, #tpu.memory_space<vmem>>, vector<16xf32>,
      %add3A_107 = arith.addf %get3A_104, %get3A_106 : vector<16xf32>
      %get3A_108 = arith.index_cast %mul3A_103 : i32 to index
      %get3A_109 = tpu.vector_load %arg12[%get3A_108] {strides = array<i32>} : memref<512xf32, #tpu.memory_space<vmem>>, vector<16xf32>,
      %add3A_110 = arith.addf %add3A_107, %get3A_109 : vector<16xf32>
      %swap3A = arith.index_cast %mul3A_103 : i32 to index
      %swap3A_111 = tpu.vector_load %arg10[%swap3A] {strides = array<i32>} : memref<512xf32, #tpu.memory_space<vmem>>, vector<16xf32>,
      tpu.vector_store %arg10[%swap3A], %add3A_110 {strides = array<i32>} : memref<512xf32, #tpu.memory_space<vmem>>, vector<16xf32>,
    }
    %scan3A_100 = arith.constant 32 : i32
    "tpu.region"() ({
      %run_scoped3A_101 = tpu.sem_alloc : memref<!tpu.dma_semaphore, #tpu.memory_space<semaphore_mem>>
      %dma_start3A_102 = tpu.memref_slice %arg7[%mul3A_2] : memref<16384xf32, #tpu.memory_space<hbm>> -> memref<512xf32, #tpu.memory_space<hbm>>
      %dma_start3A_103 = tpu.memref_slice %arg7[%mul3A_2] : memref<16384xf32, #tpu.memory_space<hbm>> -> memref<512xf32, #tpu.memory_space<hbm>>
      tpu.enqueue_dma source(%arg10 : memref<512xf32, #tpu.memory_space<vmem>>) target(%dma_start3A_103 : memref<512xf32, #tpu.memory_space<hbm>>) target_semaphore(%run_scoped3A_101 : memref<!tpu.dma_semaphore, #tpu.memory_space<semaphore_mem>>)
      %dma_wait3A_104 = tpu.memref_slice %arg7[%mul3A_2] : memref<16384xf32, #tpu.memory_space<hbm>> -> memref<512xf32, #tpu.memory_space<hbm>>
      %dma_wait3A_105 = tpu.memref_slice %arg7[%mul3A_2] : memref<16384xf32, #tpu.memory_space<hbm>> -> memref<512xf32, #tpu.memory_space<hbm>>
      tpu.wait_dma2 semaphore(%run_scoped3A_101 : memref<!tpu.dma_semaphore, #tpu.memory_space<semaphore_mem>>) src(%arg10 : memref<512xf32, #tpu.memory_space<vmem>>) dst(%dma_wait3A_105 : memref<512xf32, #tpu.memory_space<hbm>>)
      tpu.yield
    }) : () -> ()
    return
  }
}

#map = affine_map<(d0, d1) -> (0)>
#map1 = affine_map<(d0, d1) -> (0, 0)>
module attributes {stable_mosaic.version = 14 : i64} {
  func.func @_dot_kernel(%arg0: i32, %arg1: i32, %arg2: memref<16384xi32, #tpu.memory_space<hbm>>, %arg3: memref<16384xi32, #tpu.memory_space<hbm>>, %arg4: memref<32x1000000xf32, #tpu.memory_space<hbm>>, %arg5: memref<32x1000000xf32, #tpu.memory_space<hbm>>, %arg6: memref<16384xf32, #tpu.memory_space<hbm>>, %arg7: memref<528xi32, #tpu.memory_space<vmem>>, %arg8: memref<528xi32, #tpu.memory_space<vmem>>, %arg9: memref<8x32x128xf32, #tpu.memory_space<vmem>>, %arg10: memref<8x32x128xf32, #tpu.memory_space<vmem>>, %arg11: memref<512xf32, #tpu.memory_space<vmem>>, %arg12: memref<!tpu.dma_semaphore, #tpu.memory_space<semaphore_mem>>) attributes {dimension_semantics = [#tpu.dimension_semantics<core_parallel>, #tpu.dimension_semantics<subcore_parallel>], iteration_bounds = array<i64: 2, 16>, scalar_prefetch = 0 : i64, scratch_operands = 6 : i64, tpu.core_type = #tpu.core_type<sc_vector_subcore>, window_params = [{transform_indices = #map}, {transform_indices = #map}, {transform_indices = #map1}, {transform_indices = #map1}, {transform_indices = #map}]} {
    %mul3A = arith.constant 2 : i32
    %mul3A_0 = arith.muli %arg1, %mul3A : i32
    %add3A = arith.addi %mul3A_0, %arg0 : i32
    %mul3A_1 = arith.constant 512 : i32
    %mul3A_2 = arith.muli %add3A, %mul3A_1 : i32
    "tpu.region"() ({
      %run_scoped3A = tpu.sem_alloc : memref<!tpu.dma_semaphore, #tpu.memory_space<semaphore_mem>>
      %dma_start3A_1366 = arith.constant 0 : i32
      %dma_start3A_1367 = tpu.memref_slice %arg7[%dma_start3A_1366] : memref<528xi32, #tpu.memory_space<vmem>> -> memref<512xi32, #tpu.memory_space<vmem>>
      %dma_start3A_1368 = tpu.memref_slice %arg2[%mul3A_2] : memref<16384xi32, #tpu.memory_space<hbm>> -> memref<512xi32, #tpu.memory_space<hbm>>
      %dma_start3A_1369 = arith.constant 0 : i32
      %dma_start3A_1370 = tpu.memref_slice %arg7[%dma_start3A_1369] : memref<528xi32, #tpu.memory_space<vmem>> -> memref<512xi32, #tpu.memory_space<vmem>>
      %dma_start3A_1371 = tpu.memref_slice %arg2[%mul3A_2] : memref<16384xi32, #tpu.memory_space<hbm>> -> memref<512xi32, #tpu.memory_space<hbm>>
      tpu.enqueue_dma source(%dma_start3A_1371 : memref<512xi32, #tpu.memory_space<hbm>>) target(%dma_start3A_1370 : memref<512xi32, #tpu.memory_space<vmem>>) target_semaphore(%run_scoped3A : memref<!tpu.dma_semaphore, #tpu.memory_space<semaphore_mem>>)
      %dma_wait3A = arith.constant 0 : i32
      %dma_wait3A_1372 = tpu.memref_slice %arg7[%dma_wait3A] : memref<528xi32, #tpu.memory_space<vmem>> -> memref<512xi32, #tpu.memory_space<vmem>>
      %dma_wait3A_1373 = tpu.memref_slice %arg2[%mul3A_2] : memref<16384xi32, #tpu.memory_space<hbm>> -> memref<512xi32, #tpu.memory_space<hbm>>
      %dma_wait3A_1374 = arith.constant 0 : i32
      %dma_wait3A_1375 = tpu.memref_slice %arg7[%dma_wait3A_1374] : memref<528xi32, #tpu.memory_space<vmem>> -> memref<512xi32, #tpu.memory_space<vmem>>
      %dma_wait3A_1376 = tpu.memref_slice %arg2[%mul3A_2] : memref<16384xi32, #tpu.memory_space<hbm>> -> memref<512xi32, #tpu.memory_space<hbm>>
      tpu.wait_dma2 semaphore(%run_scoped3A : memref<!tpu.dma_semaphore, #tpu.memory_space<semaphore_mem>>) src(%dma_wait3A_1376 : memref<512xi32, #tpu.memory_space<hbm>>) dst(%dma_wait3A_1375 : memref<512xi32, #tpu.memory_space<vmem>>)
      tpu.yield
    }) : () -> ()
    "tpu.region"() ({
      %run_scoped3A = tpu.sem_alloc : memref<!tpu.dma_semaphore, #tpu.memory_space<semaphore_mem>>
      %dma_start3A_1366 = arith.constant 0 : i32
      %dma_start3A_1367 = tpu.memref_slice %arg8[%dma_start3A_1366] : memref<528xi32, #tpu.memory_space<vmem>> -> memref<512xi32, #tpu.memory_space<vmem>>
      %dma_start3A_1368 = tpu.memref_slice %arg3[%mul3A_2] : memref<16384xi32, #tpu.memory_space<hbm>> -> memref<512xi32, #tpu.memory_space<hbm>>
      %dma_start3A_1369 = arith.constant 0 : i32
      %dma_start3A_1370 = tpu.memref_slice %arg8[%dma_start3A_1369] : memref<528xi32, #tpu.memory_space<vmem>> -> memref<512xi32, #tpu.memory_space<vmem>>
      %dma_start3A_1371 = tpu.memref_slice %arg3[%mul3A_2] : memref<16384xi32, #tpu.memory_space<hbm>> -> memref<512xi32, #tpu.memory_space<hbm>>
      tpu.enqueue_dma source(%dma_start3A_1371 : memref<512xi32, #tpu.memory_space<hbm>>) target(%dma_start3A_1370 : memref<512xi32, #tpu.memory_space<vmem>>) target_semaphore(%run_scoped3A : memref<!tpu.dma_semaphore, #tpu.memory_space<semaphore_mem>>)
      %dma_wait3A = arith.constant 0 : i32
      %dma_wait3A_1372 = tpu.memref_slice %arg8[%dma_wait3A] : memref<528xi32, #tpu.memory_space<vmem>> -> memref<512xi32, #tpu.memory_space<vmem>>
      %dma_wait3A_1373 = tpu.memref_slice %arg3[%mul3A_2] : memref<16384xi32, #tpu.memory_space<hbm>> -> memref<512xi32, #tpu.memory_space<hbm>>
      %dma_wait3A_1374 = arith.constant 0 : i32
      %dma_wait3A_1375 = tpu.memref_slice %arg8[%dma_wait3A_1374] : memref<528xi32, #tpu.memory_space<vmem>> -> memref<512xi32, #tpu.memory_space<vmem>>
      %dma_wait3A_1376 = tpu.memref_slice %arg3[%mul3A_2] : memref<16384xi32, #tpu.memory_space<hbm>> -> memref<512xi32, #tpu.memory_space<hbm>>
      tpu.wait_dma2 semaphore(%run_scoped3A : memref<!tpu.dma_semaphore, #tpu.memory_space<semaphore_mem>>) src(%dma_wait3A_1376 : memref<512xi32, #tpu.memory_space<hbm>>) dst(%dma_wait3A_1375 : memref<512xi32, #tpu.memory_space<vmem>>)
      tpu.yield
    }) : () -> ()
    %get3A = arith.constant 0 : index
    %get3A_3 = tpu.vector_load %arg7[%get3A] {strides = array<i32>} : memref<528xi32, #tpu.memory_space<vmem>>, vector<16xi32>,
    %slice3A = vector.extract_strided_slice %get3A_3 {offsets = [0], sizes = [1], strides = [1]} : vector<16xi32> to vector<1xi32>
    %squeeze3A = vector.extract %slice3A[0] : i32 from vector<1xi32>
    %get3A_4 = arith.constant 0 : index
    %get3A_5 = tpu.vector_load %arg8[%get3A_4] {strides = array<i32>} : memref<528xi32, #tpu.memory_space<vmem>>, vector<16xi32>,
    %slice3A_6 = vector.extract_strided_slice %get3A_5 {offsets = [0], sizes = [1], strides = [1]} : vector<16xi32> to vector<1xi32>
    %squeeze3A_7 = vector.extract %slice3A_6[0] : i32 from vector<1xi32>
    %shift_right_arithmetic3A = arith.constant 7 : i32
    %shift_right_arithmetic3A_8 = arith.shrsi %squeeze3A, %shift_right_arithmetic3A : i32
    %shift_left3A = arith.constant 7 : i32
    %shift_left3A_9 = arith.shli %shift_right_arithmetic3A_8, %shift_left3A : i32
    %multiple_of3A = tpu.assume_multiple %shift_left3A_9, 128 : i32
    %shift_right_arithmetic3A_10 = arith.constant 7 : i32
    %shift_right_arithmetic3A_11 = arith.shrsi %squeeze3A_7, %shift_right_arithmetic3A_10 : i32
    %shift_left3A_12 = arith.constant 7 : i32
    %shift_left3A_13 = arith.shli %shift_right_arithmetic3A_11, %shift_left3A_12 : i32
    %multiple_of3A_14 = tpu.assume_multiple %shift_left3A_13, 128 : i32
    %dma_start3A = arith.constant 0 : i32
    %dma_start3A_15 = arith.constant 0 : i32
    %dma_start3A_16 = arith.constant 0 : i32
    %dma_start3A_17 = tpu.memref_slice %arg9[%dma_start3A, %dma_start3A_15, %dma_start3A_16] : memref<8x32x128xf32, #tpu.memory_space<vmem>> -> memref<1x32x128xf32, #tpu.memory_space<vmem>>
    %dma_start3A_18 = tpu.memref_squeeze %dma_start3A_17 : memref<1x32x128xf32, #tpu.memory_space<vmem>> -> memref<32x128xf32, #tpu.memory_space<vmem>>
    %dma_start3A_19 = arith.constant 0 : i32
    %dma_start3A_20 = arith.constant 0 : i32
    %dma_start3A_21 = tpu.memref_slice %dma_start3A_18[%dma_start3A_19, %dma_start3A_20] : memref<32x128xf32, #tpu.memory_space<vmem>> -> memref<8x128xf32, #tpu.memory_space<vmem>>
    %dma_start3A_22 = arith.constant 0 : i32
    %dma_start3A_23 = tpu.memref_slice %arg4[%dma_start3A_22, %multiple_of3A] : memref<32x1000000xf32, #tpu.memory_space<hbm>> -> memref<8x128xf32, #tpu.memory_space<hbm>>
    %dma_start3A_24 = arith.constant 0 : i32
    %dma_start3A_25 = arith.constant 0 : i32
    %dma_start3A_26 = tpu.memref_slice %arg9[%dma_start3A, %dma_start3A_24, %dma_start3A_25] : memref<8x32x128xf32, #tpu.memory_space<vmem>> -> memref<1x32x128xf32, #tpu.memory_space<vmem>>
    %dma_start3A_27 = tpu.memref_squeeze %dma_start3A_26 : memref<1x32x128xf32, #tpu.memory_space<vmem>> -> memref<32x128xf32, #tpu.memory_space<vmem>>
    %dma_start3A_28 = arith.constant 0 : i32
    %dma_start3A_29 = arith.constant 0 : i32
    %dma_start3A_30 = tpu.memref_slice %dma_start3A_27[%dma_start3A_28, %dma_start3A_29] : memref<32x128xf32, #tpu.memory_space<vmem>> -> memref<8x128xf32, #tpu.memory_space<vmem>>
    %dma_start3A_31 = arith.constant 0 : i32
    %dma_start3A_32 = tpu.memref_slice %arg4[%dma_start3A_31, %multiple_of3A] : memref<32x1000000xf32, #tpu.memory_space<hbm>> -> memref<8x128xf32, #tpu.memory_space<hbm>>
    tpu.enqueue_dma source(%dma_start3A_32 : memref<8x128xf32, #tpu.memory_space<hbm>>) target(%dma_start3A_30 : memref<8x128xf32, #tpu.memory_space<vmem>>) target_semaphore(%arg12 : memref<!tpu.dma_semaphore, #tpu.memory_space<semaphore_mem>>)
    %dma_start3A_33 = arith.constant 0 : i32
    %dma_start3A_34 = arith.constant 0 : i32
    %dma_start3A_35 = arith.constant 0 : i32
    %dma_start3A_36 = tpu.memref_slice %arg10[%dma_start3A_33, %dma_start3A_34, %dma_start3A_35] : memref<8x32x128xf32, #tpu.memory_space<vmem>> -> memref<1x32x128xf32, #tpu.memory_space<vmem>>
    %dma_start3A_37 = tpu.memref_squeeze %dma_start3A_36 : memref<1x32x128xf32, #tpu.memory_space<vmem>> -> memref<32x128xf32, #tpu.memory_space<vmem>>
    %dma_start3A_38 = arith.constant 0 : i32
    %dma_start3A_39 = arith.constant 0 : i32
    %dma_start3A_40 = tpu.memref_slice %dma_start3A_37[%dma_start3A_38, %dma_start3A_39] : memref<32x128xf32, #tpu.memory_space<vmem>> -> memref<8x128xf32, #tpu.memory_space<vmem>>
    %dma_start3A_41 = arith.constant 0 : i32
    %dma_start3A_42 = tpu.memref_slice %arg5[%dma_start3A_41, %multiple_of3A_14] : memref<32x1000000xf32, #tpu.memory_space<hbm>> -> memref<8x128xf32, #tpu.memory_space<hbm>>
    %dma_start3A_43 = arith.constant 0 : i32
    %dma_start3A_44 = arith.constant 0 : i32
    %dma_start3A_45 = tpu.memref_slice %arg10[%dma_start3A_33, %dma_start3A_43, %dma_start3A_44] : memref<8x32x128xf32, #tpu.memory_space<vmem>> -> memref<1x32x128xf32, #tpu.memory_space<vmem>>
    %dma_start3A_46 = tpu.memref_squeeze %dma_start3A_45 : memref<1x32x128xf32, #tpu.memory_space<vmem>> -> memref<32x128xf32, #tpu.memory_space<vmem>>
    %dma_start3A_47 = arith.constant 0 : i32
    %dma_start3A_48 = arith.constant 0 : i32
    %dma_start3A_49 = tpu.memref_slice %dma_start3A_46[%dma_start3A_47, %dma_start3A_48] : memref<32x128xf32, #tpu.memory_space<vmem>> -> memref<8x128xf32, #tpu.memory_space<vmem>>
    %dma_start3A_50 = arith.constant 0 : i32
    %dma_start3A_51 = tpu.memref_slice %arg5[%dma_start3A_50, %multiple_of3A_14] : memref<32x1000000xf32, #tpu.memory_space<hbm>> -> memref<8x128xf32, #tpu.memory_space<hbm>>
    tpu.enqueue_dma source(%dma_start3A_51 : memref<8x128xf32, #tpu.memory_space<hbm>>) target(%dma_start3A_49 : memref<8x128xf32, #tpu.memory_space<vmem>>) target_semaphore(%arg12 : memref<!tpu.dma_semaphore, #tpu.memory_space<semaphore_mem>>)
    %dma_start3A_52 = arith.constant 0 : i32
    %dma_start3A_53 = arith.constant 0 : i32
    %dma_start3A_54 = arith.constant 0 : i32
    %dma_start3A_55 = tpu.memref_slice %arg9[%dma_start3A_52, %dma_start3A_53, %dma_start3A_54] : memref<8x32x128xf32, #tpu.memory_space<vmem>> -> memref<1x32x128xf32, #tpu.memory_space<vmem>>
    %dma_start3A_56 = tpu.memref_squeeze %dma_start3A_55 : memref<1x32x128xf32, #tpu.memory_space<vmem>> -> memref<32x128xf32, #tpu.memory_space<vmem>>
    %dma_start3A_57 = arith.constant 8 : i32
    %dma_start3A_58 = arith.constant 0 : i32
    %dma_start3A_59 = tpu.memref_slice %dma_start3A_56[%dma_start3A_57, %dma_start3A_58] : memref<32x128xf32, #tpu.memory_space<vmem>> -> memref<8x128xf32, #tpu.memory_space<vmem>>
    %dma_start3A_60 = arith.constant 8 : i32
    %dma_start3A_61 = tpu.memref_slice %arg4[%dma_start3A_60, %multiple_of3A] : memref<32x1000000xf32, #tpu.memory_space<hbm>> -> memref<8x128xf32, #tpu.memory_space<hbm>>
    %dma_start3A_62 = arith.constant 0 : i32
    %dma_start3A_63 = arith.constant 0 : i32
    %dma_start3A_64 = tpu.memref_slice %arg9[%dma_start3A_52, %dma_start3A_62, %dma_start3A_63] : memref<8x32x128xf32, #tpu.memory_space<vmem>> -> memref<1x32x128xf32, #tpu.memory_space<vmem>>
    %dma_start3A_65 = tpu.memref_squeeze %dma_start3A_64 : memref<1x32x128xf32, #tpu.memory_space<vmem>> -> memref<32x128xf32, #tpu.memory_space<vmem>>
    %dma_start3A_66 = arith.constant 8 : i32
    %dma_start3A_67 = arith.constant 0 : i32
    %dma_start3A_68 = tpu.memref_slice %dma_start3A_65[%dma_start3A_66, %dma_start3A_67] : memref<32x128xf32, #tpu.memory_space<vmem>> -> memref<8x128xf32, #tpu.memory_space<vmem>>
    %dma_start3A_69 = arith.constant 8 : i32
    %dma_start3A_70 = tpu.memref_slice %arg4[%dma_start3A_69, %multiple_of3A] : memref<32x1000000xf32, #tpu.memory_space<hbm>> -> memref<8x128xf32, #tpu.memory_space<hbm>>
    tpu.enqueue_dma source(%dma_start3A_70 : memref<8x128xf32, #tpu.memory_space<hbm>>) target(%dma_start3A_68 : memref<8x128xf32, #tpu.memory_space<vmem>>) target_semaphore(%arg12 : memref<!tpu.dma_semaphore, #tpu.memory_space<semaphore_mem>>)
    %dma_start3A_71 = arith.constant 0 : i32
    %dma_start3A_72 = arith.constant 0 : i32
    %dma_start3A_73 = arith.constant 0 : i32
    %dma_start3A_74 = tpu.memref_slice %arg10[%dma_start3A_71, %dma_start3A_72, %dma_start3A_73] : memref<8x32x128xf32, #tpu.memory_space<vmem>> -> memref<1x32x128xf32, #tpu.memory_space<vmem>>
    %dma_start3A_75 = tpu.memref_squeeze %dma_start3A_74 : memref<1x32x128xf32, #tpu.memory_space<vmem>> -> memref<32x128xf32, #tpu.memory_space<vmem>>
    %dma_start3A_76 = arith.constant 8 : i32
    %dma_start3A_77 = arith.constant 0 : i32
    %dma_start3A_78 = tpu.memref_slice %dma_start3A_75[%dma_start3A_76, %dma_start3A_77] : memref<32x128xf32, #tpu.memory_space<vmem>> -> memref<8x128xf32, #tpu.memory_space<vmem>>
    %dma_start3A_79 = arith.constant 8 : i32
    %dma_start3A_80 = tpu.memref_slice %arg5[%dma_start3A_79, %multiple_of3A_14] : memref<32x1000000xf32, #tpu.memory_space<hbm>> -> memref<8x128xf32, #tpu.memory_space<hbm>>
    %dma_start3A_81 = arith.constant 0 : i32
    %dma_start3A_82 = arith.constant 0 : i32
    %dma_start3A_83 = tpu.memref_slice %arg10[%dma_start3A_71, %dma_start3A_81, %dma_start3A_82] : memref<8x32x128xf32, #tpu.memory_space<vmem>> -> memref<1x32x128xf32, #tpu.memory_space<vmem>>
    %dma_start3A_84 = tpu.memref_squeeze %dma_start3A_83 : memref<1x32x128xf32, #tpu.memory_space<vmem>> -> memref<32x128xf32, #tpu.memory_space<vmem>>
    %dma_start3A_85 = arith.constant 8 : i32
    %dma_start3A_86 = arith.constant 0 : i32
    %dma_start3A_87 = tpu.memref_slice %dma_start3A_84[%dma_start3A_85, %dma_start3A_86] : memref<32x128xf32, #tpu.memory_space<vmem>> -> memref<8x128xf32, #tpu.memory_space<vmem>>
    %dma_start3A_88 = arith.constant 8 : i32
    %dma_start3A_89 = tpu.memref_slice %arg5[%dma_start3A_88, %multiple_of3A_14] : memref<32x1000000xf32, #tpu.memory_space<hbm>> -> memref<8x128xf32, #tpu.memory_space<hbm>>
    tpu.enqueue_dma source(%dma_start3A_89 : memref<8x128xf32, #tpu.memory_space<hbm>>) target(%dma_start3A_87 : memref<8x128xf32, #tpu.memory_space<vmem>>) target_semaphore(%arg12 : memref<!tpu.dma_semaphore, #tpu.memory_space<semaphore_mem>>)
    %dma_start3A_90 = arith.constant 0 : i32
    %dma_start3A_91 = arith.constant 0 : i32
    %dma_start3A_92 = arith.constant 0 : i32
    %dma_start3A_93 = tpu.memref_slice %arg9[%dma_start3A_90, %dma_start3A_91, %dma_start3A_92] : memref<8x32x128xf32, #tpu.memory_space<vmem>> -> memref<1x32x128xf32, #tpu.memory_space<vmem>>
    %dma_start3A_94 = tpu.memref_squeeze %dma_start3A_93 : memref<1x32x128xf32, #tpu.memory_space<vmem>> -> memref<32x128xf32, #tpu.memory_space<vmem>>
    %dma_start3A_95 = arith.constant 16 : i32
    %dma_start3A_96 = arith.constant 0 : i32
    %dma_start3A_97 = tpu.memref_slice %dma_start3A_94[%dma_start3A_95, %dma_start3A_96] : memref<32x128xf32, #tpu.memory_space<vmem>> -> memref<8x128xf32, #tpu.memory_space<vmem>>
    %dma_start3A_98 = arith.constant 16 : i32
    %dma_start3A_99 = tpu.memref_slice %arg4[%dma_start3A_98, %multiple_of3A] : memref<32x1000000xf32, #tpu.memory_space<hbm>> -> memref<8x128xf32, #tpu.memory_space<hbm>>
    %dma_start3A_100 = arith.constant 0 : i32
    %dma_start3A_101 = arith.constant 0 : i32
    %dma_start3A_102 = tpu.memref_slice %arg9[%dma_start3A_90, %dma_start3A_100, %dma_start3A_101] : memref<8x32x128xf32, #tpu.memory_space<vmem>> -> memref<1x32x128xf32, #tpu.memory_space<vmem>>
    %dma_start3A_103 = tpu.memref_squeeze %dma_start3A_102 : memref<1x32x128xf32, #tpu.memory_space<vmem>> -> memref<32x128xf32, #tpu.memory_space<vmem>>
    %dma_start3A_104 = arith.constant 16 : i32
    %dma_start3A_105 = arith.constant 0 : i32
    %dma_start3A_106 = tpu.memref_slice %dma_start3A_103[%dma_start3A_104, %dma_start3A_105] : memref<32x128xf32, #tpu.memory_space<vmem>> -> memref<8x128xf32, #tpu.memory_space<vmem>>
    %dma_start3A_107 = arith.constant 16 : i32
    %dma_start3A_108 = tpu.memref_slice %arg4[%dma_start3A_107, %multiple_of3A] : memref<32x1000000xf32, #tpu.memory_space<hbm>> -> memref<8x128xf32, #tpu.memory_space<hbm>>
    tpu.enqueue_dma source(%dma_start3A_108 : memref<8x128xf32, #tpu.memory_space<hbm>>) target(%dma_start3A_106 : memref<8x128xf32, #tpu.memory_space<vmem>>) target_semaphore(%arg12 : memref<!tpu.dma_semaphore, #tpu.memory_space<semaphore_mem>>)
    %dma_start3A_109 = arith.constant 0 : i32
    %dma_start3A_110 = arith.constant 0 : i32
    %dma_start3A_111 = arith.constant 0 : i32
    %dma_start3A_112 = tpu.memref_slice %arg10[%dma_start3A_109, %dma_start3A_110, %dma_start3A_111] : memref<8x32x128xf32, #tpu.memory_space<vmem>> -> memref<1x32x128xf32, #tpu.memory_space<vmem>>
    %dma_start3A_113 = tpu.memref_squeeze %dma_start3A_112 : memref<1x32x128xf32, #tpu.memory_space<vmem>> -> memref<32x128xf32, #tpu.memory_space<vmem>>
    %dma_start3A_114 = arith.constant 16 : i32
    %dma_start3A_115 = arith.constant 0 : i32
    %dma_start3A_116 = tpu.memref_slice %dma_start3A_113[%dma_start3A_114, %dma_start3A_115] : memref<32x128xf32, #tpu.memory_space<vmem>> -> memref<8x128xf32, #tpu.memory_space<vmem>>
    %dma_start3A_117 = arith.constant 16 : i32
    %dma_start3A_118 = tpu.memref_slice %arg5[%dma_start3A_117, %multiple_of3A_14] : memref<32x1000000xf32, #tpu.memory_space<hbm>> -> memref<8x128xf32, #tpu.memory_space<hbm>>
    %dma_start3A_119 = arith.constant 0 : i32
    %dma_start3A_120 = arith.constant 0 : i32
    %dma_start3A_121 = tpu.memref_slice %arg10[%dma_start3A_109, %dma_start3A_119, %dma_start3A_120] : memref<8x32x128xf32, #tpu.memory_space<vmem>> -> memref<1x32x128xf32, #tpu.memory_space<vmem>>
    %dma_start3A_122 = tpu.memref_squeeze %dma_start3A_121 : memref<1x32x128xf32, #tpu.memory_space<vmem>> -> memref<32x128xf32, #tpu.memory_space<vmem>>
    %dma_start3A_123 = arith.constant 16 : i32
    %dma_start3A_124 = arith.constant 0 : i32
    %dma_start3A_125 = tpu.memref_slice %dma_start3A_122[%dma_start3A_123, %dma_start3A_124] : memref<32x128xf32, #tpu.memory_space<vmem>> -> memref<8x128xf32, #tpu.memory_space<vmem>>
    %dma_start3A_126 = arith.constant 16 : i32
    %dma_start3A_127 = tpu.memref_slice %arg5[%dma_start3A_126, %multiple_of3A_14] : memref<32x1000000xf32, #tpu.memory_space<hbm>> -> memref<8x128xf32, #tpu.memory_space<hbm>>
    tpu.enqueue_dma source(%dma_start3A_127 : memref<8x128xf32, #tpu.memory_space<hbm>>) target(%dma_start3A_125 : memref<8x128xf32, #tpu.memory_space<vmem>>) target_semaphore(%arg12 : memref<!tpu.dma_semaphore, #tpu.memory_space<semaphore_mem>>)
    %dma_start3A_128 = arith.constant 0 : i32
    %dma_start3A_129 = arith.constant 0 : i32
    %dma_start3A_130 = arith.constant 0 : i32
    %dma_start3A_131 = tpu.memref_slice %arg9[%dma_start3A_128, %dma_start3A_129, %dma_start3A_130] : memref<8x32x128xf32, #tpu.memory_space<vmem>> -> memref<1x32x128xf32, #tpu.memory_space<vmem>>
    %dma_start3A_132 = tpu.memref_squeeze %dma_start3A_131 : memref<1x32x128xf32, #tpu.memory_space<vmem>> -> memref<32x128xf32, #tpu.memory_space<vmem>>
    %dma_start3A_133 = arith.constant 24 : i32
    %dma_start3A_134 = arith.constant 0 : i32
    %dma_start3A_135 = tpu.memref_slice %dma_start3A_132[%dma_start3A_133, %dma_start3A_134] : memref<32x128xf32, #tpu.memory_space<vmem>> -> memref<8x128xf32, #tpu.memory_space<vmem>>
    %dma_start3A_136 = arith.constant 24 : i32
    %dma_start3A_137 = tpu.memref_slice %arg4[%dma_start3A_136, %multiple_of3A] : memref<32x1000000xf32, #tpu.memory_space<hbm>> -> memref<8x128xf32, #tpu.memory_space<hbm>>
    %dma_start3A_138 = arith.constant 0 : i32
    %dma_start3A_139 = arith.constant 0 : i32
    %dma_start3A_140 = tpu.memref_slice %arg9[%dma_start3A_128, %dma_start3A_138, %dma_start3A_139] : memref<8x32x128xf32, #tpu.memory_space<vmem>> -> memref<1x32x128xf32, #tpu.memory_space<vmem>>
    %dma_start3A_141 = tpu.memref_squeeze %dma_start3A_140 : memref<1x32x128xf32, #tpu.memory_space<vmem>> -> memref<32x128xf32, #tpu.memory_space<vmem>>
    %dma_start3A_142 = arith.constant 24 : i32
    %dma_start3A_143 = arith.constant 0 : i32
    %dma_start3A_144 = tpu.memref_slice %dma_start3A_141[%dma_start3A_142, %dma_start3A_143] : memref<32x128xf32, #tpu.memory_space<vmem>> -> memref<8x128xf32, #tpu.memory_space<vmem>>
    %dma_start3A_145 = arith.constant 24 : i32
    %dma_start3A_146 = tpu.memref_slice %arg4[%dma_start3A_145, %multiple_of3A] : memref<32x1000000xf32, #tpu.memory_space<hbm>> -> memref<8x128xf32, #tpu.memory_space<hbm>>
    tpu.enqueue_dma source(%dma_start3A_146 : memref<8x128xf32, #tpu.memory_space<hbm>>) target(%dma_start3A_144 : memref<8x128xf32, #tpu.memory_space<vmem>>) target_semaphore(%arg12 : memref<!tpu.dma_semaphore, #tpu.memory_space<semaphore_mem>>)
    %dma_start3A_147 = arith.constant 0 : i32
    %dma_start3A_148 = arith.constant 0 : i32
    %dma_start3A_149 = arith.constant 0 : i32
    %dma_start3A_150 = tpu.memref_slice %arg10[%dma_start3A_147, %dma_start3A_148, %dma_start3A_149] : memref<8x32x128xf32, #tpu.memory_space<vmem>> -> memref<1x32x128xf32, #tpu.memory_space<vmem>>
    %dma_start3A_151 = tpu.memref_squeeze %dma_start3A_150 : memref<1x32x128xf32, #tpu.memory_space<vmem>> -> memref<32x128xf32, #tpu.memory_space<vmem>>
    %dma_start3A_152 = arith.constant 24 : i32
    %dma_start3A_153 = arith.constant 0 : i32
    %dma_start3A_154 = tpu.memref_slice %dma_start3A_151[%dma_start3A_152, %dma_start3A_153] : memref<32x128xf32, #tpu.memory_space<vmem>> -> memref<8x128xf32, #tpu.memory_space<vmem>>
    %dma_start3A_155 = arith.constant 24 : i32
    %dma_start3A_156 = tpu.memref_slice %arg5[%dma_start3A_155, %multiple_of3A_14] : memref<32x1000000xf32, #tpu.memory_space<hbm>> -> memref<8x128xf32, #tpu.memory_space<hbm>>
    %dma_start3A_157 = arith.constant 0 : i32
    %dma_start3A_158 = arith.constant 0 : i32
    %dma_start3A_159 = tpu.memref_slice %arg10[%dma_start3A_147, %dma_start3A_157, %dma_start3A_158] : memref<8x32x128xf32, #tpu.memory_space<vmem>> -> memref<1x32x128xf32, #tpu.memory_space<vmem>>
    %dma_start3A_160 = tpu.memref_squeeze %dma_start3A_159 : memref<1x32x128xf32, #tpu.memory_space<vmem>> -> memref<32x128xf32, #tpu.memory_space<vmem>>
    %dma_start3A_161 = arith.constant 24 : i32
    %dma_start3A_162 = arith.constant 0 : i32
    %dma_start3A_163 = tpu.memref_slice %dma_start3A_160[%dma_start3A_161, %dma_start3A_162] : memref<32x128xf32, #tpu.memory_space<vmem>> -> memref<8x128xf32, #tpu.memory_space<vmem>>
    %dma_start3A_164 = arith.constant 24 : i32
    %dma_start3A_165 = tpu.memref_slice %arg5[%dma_start3A_164, %multiple_of3A_14] : memref<32x1000000xf32, #tpu.memory_space<hbm>> -> memref<8x128xf32, #tpu.memory_space<hbm>>
    tpu.enqueue_dma source(%dma_start3A_165 : memref<8x128xf32, #tpu.memory_space<hbm>>) target(%dma_start3A_163 : memref<8x128xf32, #tpu.memory_space<vmem>>) target_semaphore(%arg12 : memref<!tpu.dma_semaphore, #tpu.memory_space<semaphore_mem>>)
    %get3A_166 = arith.constant 1 : index
    %get3A_167 = tpu.vector_load %arg7[%get3A_166] {strides = array<i32>} : memref<528xi32, #tpu.memory_space<vmem>>, vector<16xi32>,
    %slice3A_168 = vector.extract_strided_slice %get3A_167 {offsets = [0], sizes = [1], strides = [1]} : vector<16xi32> to vector<1xi32>
    %squeeze3A_169 = vector.extract %slice3A_168[0] : i32 from vector<1xi32>
    %get3A_170 = arith.constant 1 : index
    %get3A_171 = tpu.vector_load %arg8[%get3A_170] {strides = array<i32>} : memref<528xi32, #tpu.memory_space<vmem>>, vector<16xi32>,
    %slice3A_172 = vector.extract_strided_slice %get3A_171 {offsets = [0], sizes = [1], strides = [1]} : vector<16xi32> to vector<1xi32>
    %squeeze3A_173 = vector.extract %slice3A_172[0] : i32 from vector<1xi32>
    %shift_right_arithmetic3A_174 = arith.constant 7 : i32
    %shift_right_arithmetic3A_175 = arith.shrsi %squeeze3A_169, %shift_right_arithmetic3A_174 : i32
    %shift_left3A_176 = arith.constant 7 : i32
    %shift_left3A_177 = arith.shli %shift_right_arithmetic3A_175, %shift_left3A_176 : i32
    %multiple_of3A_178 = tpu.assume_multiple %shift_left3A_177, 128 : i32
    %shift_right_arithmetic3A_179 = arith.constant 7 : i32
    %shift_right_arithmetic3A_180 = arith.shrsi %squeeze3A_173, %shift_right_arithmetic3A_179 : i32
    %shift_left3A_181 = arith.constant 7 : i32
    %shift_left3A_182 = arith.shli %shift_right_arithmetic3A_180, %shift_left3A_181 : i32
    %multiple_of3A_183 = tpu.assume_multiple %shift_left3A_182, 128 : i32
    %dma_start3A_184 = arith.constant 1 : i32
    %dma_start3A_185 = arith.constant 0 : i32
    %dma_start3A_186 = arith.constant 0 : i32
    %dma_start3A_187 = tpu.memref_slice %arg9[%dma_start3A_184, %dma_start3A_185, %dma_start3A_186] : memref<8x32x128xf32, #tpu.memory_space<vmem>> -> memref<1x32x128xf32, #tpu.memory_space<vmem>>
    %dma_start3A_188 = tpu.memref_squeeze %dma_start3A_187 : memref<1x32x128xf32, #tpu.memory_space<vmem>> -> memref<32x128xf32, #tpu.memory_space<vmem>>
    %dma_start3A_189 = arith.constant 0 : i32
    %dma_start3A_190 = arith.constant 0 : i32
    %dma_start3A_191 = tpu.memref_slice %dma_start3A_188[%dma_start3A_189, %dma_start3A_190] : memref<32x128xf32, #tpu.memory_space<vmem>> -> memref<8x128xf32, #tpu.memory_space<vmem>>
    %dma_start3A_192 = arith.constant 0 : i32
    %dma_start3A_193 = tpu.memref_slice %arg4[%dma_start3A_192, %multiple_of3A_178] : memref<32x1000000xf32, #tpu.memory_space<hbm>> -> memref<8x128xf32, #tpu.memory_space<hbm>>
    %dma_start3A_194 = arith.constant 0 : i32
    %dma_start3A_195 = arith.constant 0 : i32
    %dma_start3A_196 = tpu.memref_slice %arg9[%dma_start3A_184, %dma_start3A_194, %dma_start3A_195] : memref<8x32x128xf32, #tpu.memory_space<vmem>> -> memref<1x32x128xf32, #tpu.memory_space<vmem>>
    %dma_start3A_197 = tpu.memref_squeeze %dma_start3A_196 : memref<1x32x128xf32, #tpu.memory_space<vmem>> -> memref<32x128xf32, #tpu.memory_space<vmem>>
    %dma_start3A_198 = arith.constant 0 : i32
    %dma_start3A_199 = arith.constant 0 : i32
    %dma_start3A_200 = tpu.memref_slice %dma_start3A_197[%dma_start3A_198, %dma_start3A_199] : memref<32x128xf32, #tpu.memory_space<vmem>> -> memref<8x128xf32, #tpu.memory_space<vmem>>
    %dma_start3A_201 = arith.constant 0 : i32
    %dma_start3A_202 = tpu.memref_slice %arg4[%dma_start3A_201, %multiple_of3A_178] : memref<32x1000000xf32, #tpu.memory_space<hbm>> -> memref<8x128xf32, #tpu.memory_space<hbm>>
    tpu.enqueue_dma source(%dma_start3A_202 : memref<8x128xf32, #tpu.memory_space<hbm>>) target(%dma_start3A_200 : memref<8x128xf32, #tpu.memory_space<vmem>>) target_semaphore(%arg12 : memref<!tpu.dma_semaphore, #tpu.memory_space<semaphore_mem>>)
    %dma_start3A_203 = arith.constant 1 : i32
    %dma_start3A_204 = arith.constant 0 : i32
    %dma_start3A_205 = arith.constant 0 : i32
    %dma_start3A_206 = tpu.memref_slice %arg10[%dma_start3A_203, %dma_start3A_204, %dma_start3A_205] : memref<8x32x128xf32, #tpu.memory_space<vmem>> -> memref<1x32x128xf32, #tpu.memory_space<vmem>>
    %dma_start3A_207 = tpu.memref_squeeze %dma_start3A_206 : memref<1x32x128xf32, #tpu.memory_space<vmem>> -> memref<32x128xf32, #tpu.memory_space<vmem>>
    %dma_start3A_208 = arith.constant 0 : i32
    %dma_start3A_209 = arith.constant 0 : i32
    %dma_start3A_210 = tpu.memref_slice %dma_start3A_207[%dma_start3A_208, %dma_start3A_209] : memref<32x128xf32, #tpu.memory_space<vmem>> -> memref<8x128xf32, #tpu.memory_space<vmem>>
    %dma_start3A_211 = arith.constant 0 : i32
    %dma_start3A_212 = tpu.memref_slice %arg5[%dma_start3A_211, %multiple_of3A_183] : memref<32x1000000xf32, #tpu.memory_space<hbm>> -> memref<8x128xf32, #tpu.memory_space<hbm>>
    %dma_start3A_213 = arith.constant 0 : i32
    %dma_start3A_214 = arith.constant 0 : i32
    %dma_start3A_215 = tpu.memref_slice %arg10[%dma_start3A_203, %dma_start3A_213, %dma_start3A_214] : memref<8x32x128xf32, #tpu.memory_space<vmem>> -> memref<1x32x128xf32, #tpu.memory_space<vmem>>
    %dma_start3A_216 = tpu.memref_squeeze %dma_start3A_215 : memref<1x32x128xf32, #tpu.memory_space<vmem>> -> memref<32x128xf32, #tpu.memory_space<vmem>>
    %dma_start3A_217 = arith.constant 0 : i32
    %dma_start3A_218 = arith.constant 0 : i32
    %dma_start3A_219 = tpu.memref_slice %dma_start3A_216[%dma_start3A_217, %dma_start3A_218] : memref<32x128xf32, #tpu.memory_space<vmem>> -> memref<8x128xf32, #tpu.memory_space<vmem>>
    %dma_start3A_220 = arith.constant 0 : i32
    %dma_start3A_221 = tpu.memref_slice %arg5[%dma_start3A_220, %multiple_of3A_183] : memref<32x1000000xf32, #tpu.memory_space<hbm>> -> memref<8x128xf32, #tpu.memory_space<hbm>>
    tpu.enqueue_dma source(%dma_start3A_221 : memref<8x128xf32, #tpu.memory_space<hbm>>) target(%dma_start3A_219 : memref<8x128xf32, #tpu.memory_space<vmem>>) target_semaphore(%arg12 : memref<!tpu.dma_semaphore, #tpu.memory_space<semaphore_mem>>)
    %dma_start3A_222 = arith.constant 1 : i32
    %dma_start3A_223 = arith.constant 0 : i32
    %dma_start3A_224 = arith.constant 0 : i32
    %dma_start3A_225 = tpu.memref_slice %arg9[%dma_start3A_222, %dma_start3A_223, %dma_start3A_224] : memref<8x32x128xf32, #tpu.memory_space<vmem>> -> memref<1x32x128xf32, #tpu.memory_space<vmem>>
    %dma_start3A_226 = tpu.memref_squeeze %dma_start3A_225 : memref<1x32x128xf32, #tpu.memory_space<vmem>> -> memref<32x128xf32, #tpu.memory_space<vmem>>
    %dma_start3A_227 = arith.constant 8 : i32
    %dma_start3A_228 = arith.constant 0 : i32
    %dma_start3A_229 = tpu.memref_slice %dma_start3A_226[%dma_start3A_227, %dma_start3A_228] : memref<32x128xf32, #tpu.memory_space<vmem>> -> memref<8x128xf32, #tpu.memory_space<vmem>>
    %dma_start3A_230 = arith.constant 8 : i32
    %dma_start3A_231 = tpu.memref_slice %arg4[%dma_start3A_230, %multiple_of3A_178] : memref<32x1000000xf32, #tpu.memory_space<hbm>> -> memref<8x128xf32, #tpu.memory_space<hbm>>
    %dma_start3A_232 = arith.constant 0 : i32
    %dma_start3A_233 = arith.constant 0 : i32
    %dma_start3A_234 = tpu.memref_slice %arg9[%dma_start3A_222, %dma_start3A_232, %dma_start3A_233] : memref<8x32x128xf32, #tpu.memory_space<vmem>> -> memref<1x32x128xf32, #tpu.memory_space<vmem>>
    %dma_start3A_235 = tpu.memref_squeeze %dma_start3A_234 : memref<1x32x128xf32, #tpu.memory_space<vmem>> -> memref<32x128xf32, #tpu.memory_space<vmem>>
    %dma_start3A_236 = arith.constant 8 : i32
    %dma_start3A_237 = arith.constant 0 : i32
    %dma_start3A_238 = tpu.memref_slice %dma_start3A_235[%dma_start3A_236, %dma_start3A_237] : memref<32x128xf32, #tpu.memory_space<vmem>> -> memref<8x128xf32, #tpu.memory_space<vmem>>
    %dma_start3A_239 = arith.constant 8 : i32
    %dma_start3A_240 = tpu.memref_slice %arg4[%dma_start3A_239, %multiple_of3A_178] : memref<32x1000000xf32, #tpu.memory_space<hbm>> -> memref<8x128xf32, #tpu.memory_space<hbm>>
    tpu.enqueue_dma source(%dma_start3A_240 : memref<8x128xf32, #tpu.memory_space<hbm>>) target(%dma_start3A_238 : memref<8x128xf32, #tpu.memory_space<vmem>>) target_semaphore(%arg12 : memref<!tpu.dma_semaphore, #tpu.memory_space<semaphore_mem>>)
    %dma_start3A_241 = arith.constant 1 : i32
    %dma_start3A_242 = arith.constant 0 : i32
    %dma_start3A_243 = arith.constant 0 : i32
    %dma_start3A_244 = tpu.memref_slice %arg10[%dma_start3A_241, %dma_start3A_242, %dma_start3A_243] : memref<8x32x128xf32, #tpu.memory_space<vmem>> -> memref<1x32x128xf32, #tpu.memory_space<vmem>>
    %dma_start3A_245 = tpu.memref_squeeze %dma_start3A_244 : memref<1x32x128xf32, #tpu.memory_space<vmem>> -> memref<32x128xf32, #tpu.memory_space<vmem>>
    %dma_start3A_246 = arith.constant 8 : i32
    %dma_start3A_247 = arith.constant 0 : i32
    %dma_start3A_248 = tpu.memref_slice %dma_start3A_245[%dma_start3A_246, %dma_start3A_247] : memref<32x128xf32, #tpu.memory_space<vmem>> -> memref<8x128xf32, #tpu.memory_space<vmem>>
    %dma_start3A_249 = arith.constant 8 : i32
    %dma_start3A_250 = tpu.memref_slice %arg5[%dma_start3A_249, %multiple_of3A_183] : memref<32x1000000xf32, #tpu.memory_space<hbm>> -> memref<8x128xf32, #tpu.memory_space<hbm>>
    %dma_start3A_251 = arith.constant 0 : i32
    %dma_start3A_252 = arith.constant 0 : i32
    %dma_start3A_253 = tpu.memref_slice %arg10[%dma_start3A_241, %dma_start3A_251, %dma_start3A_252] : memref<8x32x128xf32, #tpu.memory_space<vmem>> -> memref<1x32x128xf32, #tpu.memory_space<vmem>>
    %dma_start3A_254 = tpu.memref_squeeze %dma_start3A_253 : memref<1x32x128xf32, #tpu.memory_space<vmem>> -> memref<32x128xf32, #tpu.memory_space<vmem>>
    %dma_start3A_255 = arith.constant 8 : i32
    %dma_start3A_256 = arith.constant 0 : i32
    %dma_start3A_257 = tpu.memref_slice %dma_start3A_254[%dma_start3A_255, %dma_start3A_256] : memref<32x128xf32, #tpu.memory_space<vmem>> -> memref<8x128xf32, #tpu.memory_space<vmem>>
    %dma_start3A_258 = arith.constant 8 : i32
    %dma_start3A_259 = tpu.memref_slice %arg5[%dma_start3A_258, %multiple_of3A_183] : memref<32x1000000xf32, #tpu.memory_space<hbm>> -> memref<8x128xf32, #tpu.memory_space<hbm>>
    tpu.enqueue_dma source(%dma_start3A_259 : memref<8x128xf32, #tpu.memory_space<hbm>>) target(%dma_start3A_257 : memref<8x128xf32, #tpu.memory_space<vmem>>) target_semaphore(%arg12 : memref<!tpu.dma_semaphore, #tpu.memory_space<semaphore_mem>>)
    %dma_start3A_260 = arith.constant 1 : i32
    %dma_start3A_261 = arith.constant 0 : i32
    %dma_start3A_262 = arith.constant 0 : i32
    %dma_start3A_263 = tpu.memref_slice %arg9[%dma_start3A_260, %dma_start3A_261, %dma_start3A_262] : memref<8x32x128xf32, #tpu.memory_space<vmem>> -> memref<1x32x128xf32, #tpu.memory_space<vmem>>
    %dma_start3A_264 = tpu.memref_squeeze %dma_start3A_263 : memref<1x32x128xf32, #tpu.memory_space<vmem>> -> memref<32x128xf32, #tpu.memory_space<vmem>>
    %dma_start3A_265 = arith.constant 16 : i32
    %dma_start3A_266 = arith.constant 0 : i32
    %dma_start3A_267 = tpu.memref_slice %dma_start3A_264[%dma_start3A_265, %dma_start3A_266] : memref<32x128xf32, #tpu.memory_space<vmem>> -> memref<8x128xf32, #tpu.memory_space<vmem>>
    %dma_start3A_268 = arith.constant 16 : i32
    %dma_start3A_269 = tpu.memref_slice %arg4[%dma_start3A_268, %multiple_of3A_178] : memref<32x1000000xf32, #tpu.memory_space<hbm>> -> memref<8x128xf32, #tpu.memory_space<hbm>>
    %dma_start3A_270 = arith.constant 0 : i32
    %dma_start3A_271 = arith.constant 0 : i32
    %dma_start3A_272 = tpu.memref_slice %arg9[%dma_start3A_260, %dma_start3A_270, %dma_start3A_271] : memref<8x32x128xf32, #tpu.memory_space<vmem>> -> memref<1x32x128xf32, #tpu.memory_space<vmem>>
    %dma_start3A_273 = tpu.memref_squeeze %dma_start3A_272 : memref<1x32x128xf32, #tpu.memory_space<vmem>> -> memref<32x128xf32, #tpu.memory_space<vmem>>
    %dma_start3A_274 = arith.constant 16 : i32
    %dma_start3A_275 = arith.constant 0 : i32
    %dma_start3A_276 = tpu.memref_slice %dma_start3A_273[%dma_start3A_274, %dma_start3A_275] : memref<32x128xf32, #tpu.memory_space<vmem>> -> memref<8x128xf32, #tpu.memory_space<vmem>>
    %dma_start3A_277 = arith.constant 16 : i32
    %dma_start3A_278 = tpu.memref_slice %arg4[%dma_start3A_277, %multiple_of3A_178] : memref<32x1000000xf32, #tpu.memory_space<hbm>> -> memref<8x128xf32, #tpu.memory_space<hbm>>
    tpu.enqueue_dma source(%dma_start3A_278 : memref<8x128xf32, #tpu.memory_space<hbm>>) target(%dma_start3A_276 : memref<8x128xf32, #tpu.memory_space<vmem>>) target_semaphore(%arg12 : memref<!tpu.dma_semaphore, #tpu.memory_space<semaphore_mem>>)
    %dma_start3A_279 = arith.constant 1 : i32
    %dma_start3A_280 = arith.constant 0 : i32
    %dma_start3A_281 = arith.constant 0 : i32
    %dma_start3A_282 = tpu.memref_slice %arg10[%dma_start3A_279, %dma_start3A_280, %dma_start3A_281] : memref<8x32x128xf32, #tpu.memory_space<vmem>> -> memref<1x32x128xf32, #tpu.memory_space<vmem>>
    %dma_start3A_283 = tpu.memref_squeeze %dma_start3A_282 : memref<1x32x128xf32, #tpu.memory_space<vmem>> -> memref<32x128xf32, #tpu.memory_space<vmem>>
    %dma_start3A_284 = arith.constant 16 : i32
    %dma_start3A_285 = arith.constant 0 : i32
    %dma_start3A_286 = tpu.memref_slice %dma_start3A_283[%dma_start3A_284, %dma_start3A_285] : memref<32x128xf32, #tpu.memory_space<vmem>> -> memref<8x128xf32, #tpu.memory_space<vmem>>
    %dma_start3A_287 = arith.constant 16 : i32
    %dma_start3A_288 = tpu.memref_slice %arg5[%dma_start3A_287, %multiple_of3A_183] : memref<32x1000000xf32, #tpu.memory_space<hbm>> -> memref<8x128xf32, #tpu.memory_space<hbm>>
    %dma_start3A_289 = arith.constant 0 : i32
    %dma_start3A_290 = arith.constant 0 : i32
    %dma_start3A_291 = tpu.memref_slice %arg10[%dma_start3A_279, %dma_start3A_289, %dma_start3A_290] : memref<8x32x128xf32, #tpu.memory_space<vmem>> -> memref<1x32x128xf32, #tpu.memory_space<vmem>>
    %dma_start3A_292 = tpu.memref_squeeze %dma_start3A_291 : memref<1x32x128xf32, #tpu.memory_space<vmem>> -> memref<32x128xf32, #tpu.memory_space<vmem>>
    %dma_start3A_293 = arith.constant 16 : i32
    %dma_start3A_294 = arith.constant 0 : i32
    %dma_start3A_295 = tpu.memref_slice %dma_start3A_292[%dma_start3A_293, %dma_start3A_294] : memref<32x128xf32, #tpu.memory_space<vmem>> -> memref<8x128xf32, #tpu.memory_space<vmem>>
    %dma_start3A_296 = arith.constant 16 : i32
    %dma_start3A_297 = tpu.memref_slice %arg5[%dma_start3A_296, %multiple_of3A_183] : memref<32x1000000xf32, #tpu.memory_space<hbm>> -> memref<8x128xf32, #tpu.memory_space<hbm>>
    tpu.enqueue_dma source(%dma_start3A_297 : memref<8x128xf32, #tpu.memory_space<hbm>>) target(%dma_start3A_295 : memref<8x128xf32, #tpu.memory_space<vmem>>) target_semaphore(%arg12 : memref<!tpu.dma_semaphore, #tpu.memory_space<semaphore_mem>>)
    %dma_start3A_298 = arith.constant 1 : i32
    %dma_start3A_299 = arith.constant 0 : i32
    %dma_start3A_300 = arith.constant 0 : i32
    %dma_start3A_301 = tpu.memref_slice %arg9[%dma_start3A_298, %dma_start3A_299, %dma_start3A_300] : memref<8x32x128xf32, #tpu.memory_space<vmem>> -> memref<1x32x128xf32, #tpu.memory_space<vmem>>
    %dma_start3A_302 = tpu.memref_squeeze %dma_start3A_301 : memref<1x32x128xf32, #tpu.memory_space<vmem>> -> memref<32x128xf32, #tpu.memory_space<vmem>>
    %dma_start3A_303 = arith.constant 24 : i32
    %dma_start3A_304 = arith.constant 0 : i32
    %dma_start3A_305 = tpu.memref_slice %dma_start3A_302[%dma_start3A_303, %dma_start3A_304] : memref<32x128xf32, #tpu.memory_space<vmem>> -> memref<8x128xf32, #tpu.memory_space<vmem>>
    %dma_start3A_306 = arith.constant 24 : i32
    %dma_start3A_307 = tpu.memref_slice %arg4[%dma_start3A_306, %multiple_of3A_178] : memref<32x1000000xf32, #tpu.memory_space<hbm>> -> memref<8x128xf32, #tpu.memory_space<hbm>>
    %dma_start3A_308 = arith.constant 0 : i32
    %dma_start3A_309 = arith.constant 0 : i32
    %dma_start3A_310 = tpu.memref_slice %arg9[%dma_start3A_298, %dma_start3A_308, %dma_start3A_309] : memref<8x32x128xf32, #tpu.memory_space<vmem>> -> memref<1x32x128xf32, #tpu.memory_space<vmem>>
    %dma_start3A_311 = tpu.memref_squeeze %dma_start3A_310 : memref<1x32x128xf32, #tpu.memory_space<vmem>> -> memref<32x128xf32, #tpu.memory_space<vmem>>
    %dma_start3A_312 = arith.constant 24 : i32
    %dma_start3A_313 = arith.constant 0 : i32
    %dma_start3A_314 = tpu.memref_slice %dma_start3A_311[%dma_start3A_312, %dma_start3A_313] : memref<32x128xf32, #tpu.memory_space<vmem>> -> memref<8x128xf32, #tpu.memory_space<vmem>>
    %dma_start3A_315 = arith.constant 24 : i32
    %dma_start3A_316 = tpu.memref_slice %arg4[%dma_start3A_315, %multiple_of3A_178] : memref<32x1000000xf32, #tpu.memory_space<hbm>> -> memref<8x128xf32, #tpu.memory_space<hbm>>
    tpu.enqueue_dma source(%dma_start3A_316 : memref<8x128xf32, #tpu.memory_space<hbm>>) target(%dma_start3A_314 : memref<8x128xf32, #tpu.memory_space<vmem>>) target_semaphore(%arg12 : memref<!tpu.dma_semaphore, #tpu.memory_space<semaphore_mem>>)
    %dma_start3A_317 = arith.constant 1 : i32
    %dma_start3A_318 = arith.constant 0 : i32
    %dma_start3A_319 = arith.constant 0 : i32
    %dma_start3A_320 = tpu.memref_slice %arg10[%dma_start3A_317, %dma_start3A_318, %dma_start3A_319] : memref<8x32x128xf32, #tpu.memory_space<vmem>> -> memref<1x32x128xf32, #tpu.memory_space<vmem>>
    %dma_start3A_321 = tpu.memref_squeeze %dma_start3A_320 : memref<1x32x128xf32, #tpu.memory_space<vmem>> -> memref<32x128xf32, #tpu.memory_space<vmem>>
    %dma_start3A_322 = arith.constant 24 : i32
    %dma_start3A_323 = arith.constant 0 : i32
    %dma_start3A_324 = tpu.memref_slice %dma_start3A_321[%dma_start3A_322, %dma_start3A_323] : memref<32x128xf32, #tpu.memory_space<vmem>> -> memref<8x128xf32, #tpu.memory_space<vmem>>
    %dma_start3A_325 = arith.constant 24 : i32
    %dma_start3A_326 = tpu.memref_slice %arg5[%dma_start3A_325, %multiple_of3A_183] : memref<32x1000000xf32, #tpu.memory_space<hbm>> -> memref<8x128xf32, #tpu.memory_space<hbm>>
    %dma_start3A_327 = arith.constant 0 : i32
    %dma_start3A_328 = arith.constant 0 : i32
    %dma_start3A_329 = tpu.memref_slice %arg10[%dma_start3A_317, %dma_start3A_327, %dma_start3A_328] : memref<8x32x128xf32, #tpu.memory_space<vmem>> -> memref<1x32x128xf32, #tpu.memory_space<vmem>>
    %dma_start3A_330 = tpu.memref_squeeze %dma_start3A_329 : memref<1x32x128xf32, #tpu.memory_space<vmem>> -> memref<32x128xf32, #tpu.memory_space<vmem>>
    %dma_start3A_331 = arith.constant 24 : i32
    %dma_start3A_332 = arith.constant 0 : i32
    %dma_start3A_333 = tpu.memref_slice %dma_start3A_330[%dma_start3A_331, %dma_start3A_332] : memref<32x128xf32, #tpu.memory_space<vmem>> -> memref<8x128xf32, #tpu.memory_space<vmem>>
    %dma_start3A_334 = arith.constant 24 : i32
    %dma_start3A_335 = tpu.memref_slice %arg5[%dma_start3A_334, %multiple_of3A_183] : memref<32x1000000xf32, #tpu.memory_space<hbm>> -> memref<8x128xf32, #tpu.memory_space<hbm>>
    tpu.enqueue_dma source(%dma_start3A_335 : memref<8x128xf32, #tpu.memory_space<hbm>>) target(%dma_start3A_333 : memref<8x128xf32, #tpu.memory_space<vmem>>) target_semaphore(%arg12 : memref<!tpu.dma_semaphore, #tpu.memory_space<semaphore_mem>>)
    %get3A_336 = arith.constant 2 : index
    %get3A_337 = tpu.vector_load %arg7[%get3A_336] {strides = array<i32>} : memref<528xi32, #tpu.memory_space<vmem>>, vector<16xi32>,
    %slice3A_338 = vector.extract_strided_slice %get3A_337 {offsets = [0], sizes = [1], strides = [1]} : vector<16xi32> to vector<1xi32>
    %squeeze3A_339 = vector.extract %slice3A_338[0] : i32 from vector<1xi32>
    %get3A_340 = arith.constant 2 : index
    %get3A_341 = tpu.vector_load %arg8[%get3A_340] {strides = array<i32>} : memref<528xi32, #tpu.memory_space<vmem>>, vector<16xi32>,
    %slice3A_342 = vector.extract_strided_slice %get3A_341 {offsets = [0], sizes = [1], strides = [1]} : vector<16xi32> to vector<1xi32>
    %squeeze3A_343 = vector.extract %slice3A_342[0] : i32 from vector<1xi32>
    %shift_right_arithmetic3A_344 = arith.constant 7 : i32
    %shift_right_arithmetic3A_345 = arith.shrsi %squeeze3A_339, %shift_right_arithmetic3A_344 : i32
    %shift_left3A_346 = arith.constant 7 : i32
    %shift_left3A_347 = arith.shli %shift_right_arithmetic3A_345, %shift_left3A_346 : i32
    %multiple_of3A_348 = tpu.assume_multiple %shift_left3A_347, 128 : i32
    %shift_right_arithmetic3A_349 = arith.constant 7 : i32
    %shift_right_arithmetic3A_350 = arith.shrsi %squeeze3A_343, %shift_right_arithmetic3A_349 : i32
    %shift_left3A_351 = arith.constant 7 : i32
    %shift_left3A_352 = arith.shli %shift_right_arithmetic3A_350, %shift_left3A_351 : i32
    %multiple_of3A_353 = tpu.assume_multiple %shift_left3A_352, 128 : i32
    %dma_start3A_354 = arith.constant 2 : i32
    %dma_start3A_355 = arith.constant 0 : i32
    %dma_start3A_356 = arith.constant 0 : i32
    %dma_start3A_357 = tpu.memref_slice %arg9[%dma_start3A_354, %dma_start3A_355, %dma_start3A_356] : memref<8x32x128xf32, #tpu.memory_space<vmem>> -> memref<1x32x128xf32, #tpu.memory_space<vmem>>
    %dma_start3A_358 = tpu.memref_squeeze %dma_start3A_357 : memref<1x32x128xf32, #tpu.memory_space<vmem>> -> memref<32x128xf32, #tpu.memory_space<vmem>>
    %dma_start3A_359 = arith.constant 0 : i32
    %dma_start3A_360 = arith.constant 0 : i32
    %dma_start3A_361 = tpu.memref_slice %dma_start3A_358[%dma_start3A_359, %dma_start3A_360] : memref<32x128xf32, #tpu.memory_space<vmem>> -> memref<8x128xf32, #tpu.memory_space<vmem>>
    %dma_start3A_362 = arith.constant 0 : i32
    %dma_start3A_363 = tpu.memref_slice %arg4[%dma_start3A_362, %multiple_of3A_348] : memref<32x1000000xf32, #tpu.memory_space<hbm>> -> memref<8x128xf32, #tpu.memory_space<hbm>>
    %dma_start3A_364 = arith.constant 0 : i32
    %dma_start3A_365 = arith.constant 0 : i32
    %dma_start3A_366 = tpu.memref_slice %arg9[%dma_start3A_354, %dma_start3A_364, %dma_start3A_365] : memref<8x32x128xf32, #tpu.memory_space<vmem>> -> memref<1x32x128xf32, #tpu.memory_space<vmem>>
    %dma_start3A_367 = tpu.memref_squeeze %dma_start3A_366 : memref<1x32x128xf32, #tpu.memory_space<vmem>> -> memref<32x128xf32, #tpu.memory_space<vmem>>
    %dma_start3A_368 = arith.constant 0 : i32
    %dma_start3A_369 = arith.constant 0 : i32
    %dma_start3A_370 = tpu.memref_slice %dma_start3A_367[%dma_start3A_368, %dma_start3A_369] : memref<32x128xf32, #tpu.memory_space<vmem>> -> memref<8x128xf32, #tpu.memory_space<vmem>>
    %dma_start3A_371 = arith.constant 0 : i32
    %dma_start3A_372 = tpu.memref_slice %arg4[%dma_start3A_371, %multiple_of3A_348] : memref<32x1000000xf32, #tpu.memory_space<hbm>> -> memref<8x128xf32, #tpu.memory_space<hbm>>
    tpu.enqueue_dma source(%dma_start3A_372 : memref<8x128xf32, #tpu.memory_space<hbm>>) target(%dma_start3A_370 : memref<8x128xf32, #tpu.memory_space<vmem>>) target_semaphore(%arg12 : memref<!tpu.dma_semaphore, #tpu.memory_space<semaphore_mem>>)
    %dma_start3A_373 = arith.constant 2 : i32
    %dma_start3A_374 = arith.constant 0 : i32
    %dma_start3A_375 = arith.constant 0 : i32
    %dma_start3A_376 = tpu.memref_slice %arg10[%dma_start3A_373, %dma_start3A_374, %dma_start3A_375] : memref<8x32x128xf32, #tpu.memory_space<vmem>> -> memref<1x32x128xf32, #tpu.memory_space<vmem>>
    %dma_start3A_377 = tpu.memref_squeeze %dma_start3A_376 : memref<1x32x128xf32, #tpu.memory_space<vmem>> -> memref<32x128xf32, #tpu.memory_space<vmem>>
    %dma_start3A_378 = arith.constant 0 : i32
    %dma_start3A_379 = arith.constant 0 : i32
    %dma_start3A_380 = tpu.memref_slice %dma_start3A_377[%dma_start3A_378, %dma_start3A_379] : memref<32x128xf32, #tpu.memory_space<vmem>> -> memref<8x128xf32, #tpu.memory_space<vmem>>
    %dma_start3A_381 = arith.constant 0 : i32
    %dma_start3A_382 = tpu.memref_slice %arg5[%dma_start3A_381, %multiple_of3A_353] : memref<32x1000000xf32, #tpu.memory_space<hbm>> -> memref<8x128xf32, #tpu.memory_space<hbm>>
    %dma_start3A_383 = arith.constant 0 : i32
    %dma_start3A_384 = arith.constant 0 : i32
    %dma_start3A_385 = tpu.memref_slice %arg10[%dma_start3A_373, %dma_start3A_383, %dma_start3A_384] : memref<8x32x128xf32, #tpu.memory_space<vmem>> -> memref<1x32x128xf32, #tpu.memory_space<vmem>>
    %dma_start3A_386 = tpu.memref_squeeze %dma_start3A_385 : memref<1x32x128xf32, #tpu.memory_space<vmem>> -> memref<32x128xf32, #tpu.memory_space<vmem>>
    %dma_start3A_387 = arith.constant 0 : i32
    %dma_start3A_388 = arith.constant 0 : i32
    %dma_start3A_389 = tpu.memref_slice %dma_start3A_386[%dma_start3A_387, %dma_start3A_388] : memref<32x128xf32, #tpu.memory_space<vmem>> -> memref<8x128xf32, #tpu.memory_space<vmem>>
    %dma_start3A_390 = arith.constant 0 : i32
    %dma_start3A_391 = tpu.memref_slice %arg5[%dma_start3A_390, %multiple_of3A_353] : memref<32x1000000xf32, #tpu.memory_space<hbm>> -> memref<8x128xf32, #tpu.memory_space<hbm>>
    tpu.enqueue_dma source(%dma_start3A_391 : memref<8x128xf32, #tpu.memory_space<hbm>>) target(%dma_start3A_389 : memref<8x128xf32, #tpu.memory_space<vmem>>) target_semaphore(%arg12 : memref<!tpu.dma_semaphore, #tpu.memory_space<semaphore_mem>>)
    %dma_start3A_392 = arith.constant 2 : i32
    %dma_start3A_393 = arith.constant 0 : i32
    %dma_start3A_394 = arith.constant 0 : i32
    %dma_start3A_395 = tpu.memref_slice %arg9[%dma_start3A_392, %dma_start3A_393, %dma_start3A_394] : memref<8x32x128xf32, #tpu.memory_space<vmem>> -> memref<1x32x128xf32, #tpu.memory_space<vmem>>
    %dma_start3A_396 = tpu.memref_squeeze %dma_start3A_395 : memref<1x32x128xf32, #tpu.memory_space<vmem>> -> memref<32x128xf32, #tpu.memory_space<vmem>>
    %dma_start3A_397 = arith.constant 8 : i32
    %dma_start3A_398 = arith.constant 0 : i32
    %dma_start3A_399 = tpu.memref_slice %dma_start3A_396[%dma_start3A_397, %dma_start3A_398] : memref<32x128xf32, #tpu.memory_space<vmem>> -> memref<8x128xf32, #tpu.memory_space<vmem>>
    %dma_start3A_400 = arith.constant 8 : i32
    %dma_start3A_401 = tpu.memref_slice %arg4[%dma_start3A_400, %multiple_of3A_348] : memref<32x1000000xf32, #tpu.memory_space<hbm>> -> memref<8x128xf32, #tpu.memory_space<hbm>>
    %dma_start3A_402 = arith.constant 0 : i32
    %dma_start3A_403 = arith.constant 0 : i32
    %dma_start3A_404 = tpu.memref_slice %arg9[%dma_start3A_392, %dma_start3A_402, %dma_start3A_403] : memref<8x32x128xf32, #tpu.memory_space<vmem>> -> memref<1x32x128xf32, #tpu.memory_space<vmem>>
    %dma_start3A_405 = tpu.memref_squeeze %dma_start3A_404 : memref<1x32x128xf32, #tpu.memory_space<vmem>> -> memref<32x128xf32, #tpu.memory_space<vmem>>
    %dma_start3A_406 = arith.constant 8 : i32
    %dma_start3A_407 = arith.constant 0 : i32
    %dma_start3A_408 = tpu.memref_slice %dma_start3A_405[%dma_start3A_406, %dma_start3A_407] : memref<32x128xf32, #tpu.memory_space<vmem>> -> memref<8x128xf32, #tpu.memory_space<vmem>>
    %dma_start3A_409 = arith.constant 8 : i32
    %dma_start3A_410 = tpu.memref_slice %arg4[%dma_start3A_409, %multiple_of3A_348] : memref<32x1000000xf32, #tpu.memory_space<hbm>> -> memref<8x128xf32, #tpu.memory_space<hbm>>
    tpu.enqueue_dma source(%dma_start3A_410 : memref<8x128xf32, #tpu.memory_space<hbm>>) target(%dma_start3A_408 : memref<8x128xf32, #tpu.memory_space<vmem>>) target_semaphore(%arg12 : memref<!tpu.dma_semaphore, #tpu.memory_space<semaphore_mem>>)
    %dma_start3A_411 = arith.constant 2 : i32
    %dma_start3A_412 = arith.constant 0 : i32
    %dma_start3A_413 = arith.constant 0 : i32
    %dma_start3A_414 = tpu.memref_slice %arg10[%dma_start3A_411, %dma_start3A_412, %dma_start3A_413] : memref<8x32x128xf32, #tpu.memory_space<vmem>> -> memref<1x32x128xf32, #tpu.memory_space<vmem>>
    %dma_start3A_415 = tpu.memref_squeeze %dma_start3A_414 : memref<1x32x128xf32, #tpu.memory_space<vmem>> -> memref<32x128xf32, #tpu.memory_space<vmem>>
    %dma_start3A_416 = arith.constant 8 : i32
    %dma_start3A_417 = arith.constant 0 : i32
    %dma_start3A_418 = tpu.memref_slice %dma_start3A_415[%dma_start3A_416, %dma_start3A_417] : memref<32x128xf32, #tpu.memory_space<vmem>> -> memref<8x128xf32, #tpu.memory_space<vmem>>
    %dma_start3A_419 = arith.constant 8 : i32
    %dma_start3A_420 = tpu.memref_slice %arg5[%dma_start3A_419, %multiple_of3A_353] : memref<32x1000000xf32, #tpu.memory_space<hbm>> -> memref<8x128xf32, #tpu.memory_space<hbm>>
    %dma_start3A_421 = arith.constant 0 : i32
    %dma_start3A_422 = arith.constant 0 : i32
    %dma_start3A_423 = tpu.memref_slice %arg10[%dma_start3A_411, %dma_start3A_421, %dma_start3A_422] : memref<8x32x128xf32, #tpu.memory_space<vmem>> -> memref<1x32x128xf32, #tpu.memory_space<vmem>>
    %dma_start3A_424 = tpu.memref_squeeze %dma_start3A_423 : memref<1x32x128xf32, #tpu.memory_space<vmem>> -> memref<32x128xf32, #tpu.memory_space<vmem>>
    %dma_start3A_425 = arith.constant 8 : i32
    %dma_start3A_426 = arith.constant 0 : i32
    %dma_start3A_427 = tpu.memref_slice %dma_start3A_424[%dma_start3A_425, %dma_start3A_426] : memref<32x128xf32, #tpu.memory_space<vmem>> -> memref<8x128xf32, #tpu.memory_space<vmem>>
    %dma_start3A_428 = arith.constant 8 : i32
    %dma_start3A_429 = tpu.memref_slice %arg5[%dma_start3A_428, %multiple_of3A_353] : memref<32x1000000xf32, #tpu.memory_space<hbm>> -> memref<8x128xf32, #tpu.memory_space<hbm>>
    tpu.enqueue_dma source(%dma_start3A_429 : memref<8x128xf32, #tpu.memory_space<hbm>>) target(%dma_start3A_427 : memref<8x128xf32, #tpu.memory_space<vmem>>) target_semaphore(%arg12 : memref<!tpu.dma_semaphore, #tpu.memory_space<semaphore_mem>>)
    %dma_start3A_430 = arith.constant 2 : i32
    %dma_start3A_431 = arith.constant 0 : i32
    %dma_start3A_432 = arith.constant 0 : i32
    %dma_start3A_433 = tpu.memref_slice %arg9[%dma_start3A_430, %dma_start3A_431, %dma_start3A_432] : memref<8x32x128xf32, #tpu.memory_space<vmem>> -> memref<1x32x128xf32, #tpu.memory_space<vmem>>
    %dma_start3A_434 = tpu.memref_squeeze %dma_start3A_433 : memref<1x32x128xf32, #tpu.memory_space<vmem>> -> memref<32x128xf32, #tpu.memory_space<vmem>>
    %dma_start3A_435 = arith.constant 16 : i32
    %dma_start3A_436 = arith.constant 0 : i32
    %dma_start3A_437 = tpu.memref_slice %dma_start3A_434[%dma_start3A_435, %dma_start3A_436] : memref<32x128xf32, #tpu.memory_space<vmem>> -> memref<8x128xf32, #tpu.memory_space<vmem>>
    %dma_start3A_438 = arith.constant 16 : i32
    %dma_start3A_439 = tpu.memref_slice %arg4[%dma_start3A_438, %multiple_of3A_348] : memref<32x1000000xf32, #tpu.memory_space<hbm>> -> memref<8x128xf32, #tpu.memory_space<hbm>>
    %dma_start3A_440 = arith.constant 0 : i32
    %dma_start3A_441 = arith.constant 0 : i32
    %dma_start3A_442 = tpu.memref_slice %arg9[%dma_start3A_430, %dma_start3A_440, %dma_start3A_441] : memref<8x32x128xf32, #tpu.memory_space<vmem>> -> memref<1x32x128xf32, #tpu.memory_space<vmem>>
    %dma_start3A_443 = tpu.memref_squeeze %dma_start3A_442 : memref<1x32x128xf32, #tpu.memory_space<vmem>> -> memref<32x128xf32, #tpu.memory_space<vmem>>
    %dma_start3A_444 = arith.constant 16 : i32
    %dma_start3A_445 = arith.constant 0 : i32
    %dma_start3A_446 = tpu.memref_slice %dma_start3A_443[%dma_start3A_444, %dma_start3A_445] : memref<32x128xf32, #tpu.memory_space<vmem>> -> memref<8x128xf32, #tpu.memory_space<vmem>>
    %dma_start3A_447 = arith.constant 16 : i32
    %dma_start3A_448 = tpu.memref_slice %arg4[%dma_start3A_447, %multiple_of3A_348] : memref<32x1000000xf32, #tpu.memory_space<hbm>> -> memref<8x128xf32, #tpu.memory_space<hbm>>
    tpu.enqueue_dma source(%dma_start3A_448 : memref<8x128xf32, #tpu.memory_space<hbm>>) target(%dma_start3A_446 : memref<8x128xf32, #tpu.memory_space<vmem>>) target_semaphore(%arg12 : memref<!tpu.dma_semaphore, #tpu.memory_space<semaphore_mem>>)
    %dma_start3A_449 = arith.constant 2 : i32
    %dma_start3A_450 = arith.constant 0 : i32
    %dma_start3A_451 = arith.constant 0 : i32
    %dma_start3A_452 = tpu.memref_slice %arg10[%dma_start3A_449, %dma_start3A_450, %dma_start3A_451] : memref<8x32x128xf32, #tpu.memory_space<vmem>> -> memref<1x32x128xf32, #tpu.memory_space<vmem>>
    %dma_start3A_453 = tpu.memref_squeeze %dma_start3A_452 : memref<1x32x128xf32, #tpu.memory_space<vmem>> -> memref<32x128xf32, #tpu.memory_space<vmem>>
    %dma_start3A_454 = arith.constant 16 : i32
    %dma_start3A_455 = arith.constant 0 : i32
    %dma_start3A_456 = tpu.memref_slice %dma_start3A_453[%dma_start3A_454, %dma_start3A_455] : memref<32x128xf32, #tpu.memory_space<vmem>> -> memref<8x128xf32, #tpu.memory_space<vmem>>
    %dma_start3A_457 = arith.constant 16 : i32
    %dma_start3A_458 = tpu.memref_slice %arg5[%dma_start3A_457, %multiple_of3A_353] : memref<32x1000000xf32, #tpu.memory_space<hbm>> -> memref<8x128xf32, #tpu.memory_space<hbm>>
    %dma_start3A_459 = arith.constant 0 : i32
    %dma_start3A_460 = arith.constant 0 : i32
    %dma_start3A_461 = tpu.memref_slice %arg10[%dma_start3A_449, %dma_start3A_459, %dma_start3A_460] : memref<8x32x128xf32, #tpu.memory_space<vmem>> -> memref<1x32x128xf32, #tpu.memory_space<vmem>>
    %dma_start3A_462 = tpu.memref_squeeze %dma_start3A_461 : memref<1x32x128xf32, #tpu.memory_space<vmem>> -> memref<32x128xf32, #tpu.memory_space<vmem>>
    %dma_start3A_463 = arith.constant 16 : i32
    %dma_start3A_464 = arith.constant 0 : i32
    %dma_start3A_465 = tpu.memref_slice %dma_start3A_462[%dma_start3A_463, %dma_start3A_464] : memref<32x128xf32, #tpu.memory_space<vmem>> -> memref<8x128xf32, #tpu.memory_space<vmem>>
    %dma_start3A_466 = arith.constant 16 : i32
    %dma_start3A_467 = tpu.memref_slice %arg5[%dma_start3A_466, %multiple_of3A_353] : memref<32x1000000xf32, #tpu.memory_space<hbm>> -> memref<8x128xf32, #tpu.memory_space<hbm>>
    tpu.enqueue_dma source(%dma_start3A_467 : memref<8x128xf32, #tpu.memory_space<hbm>>) target(%dma_start3A_465 : memref<8x128xf32, #tpu.memory_space<vmem>>) target_semaphore(%arg12 : memref<!tpu.dma_semaphore, #tpu.memory_space<semaphore_mem>>)
    %dma_start3A_468 = arith.constant 2 : i32
    %dma_start3A_469 = arith.constant 0 : i32
    %dma_start3A_470 = arith.constant 0 : i32
    %dma_start3A_471 = tpu.memref_slice %arg9[%dma_start3A_468, %dma_start3A_469, %dma_start3A_470] : memref<8x32x128xf32, #tpu.memory_space<vmem>> -> memref<1x32x128xf32, #tpu.memory_space<vmem>>
    %dma_start3A_472 = tpu.memref_squeeze %dma_start3A_471 : memref<1x32x128xf32, #tpu.memory_space<vmem>> -> memref<32x128xf32, #tpu.memory_space<vmem>>
    %dma_start3A_473 = arith.constant 24 : i32
    %dma_start3A_474 = arith.constant 0 : i32
    %dma_start3A_475 = tpu.memref_slice %dma_start3A_472[%dma_start3A_473, %dma_start3A_474] : memref<32x128xf32, #tpu.memory_space<vmem>> -> memref<8x128xf32, #tpu.memory_space<vmem>>
    %dma_start3A_476 = arith.constant 24 : i32
    %dma_start3A_477 = tpu.memref_slice %arg4[%dma_start3A_476, %multiple_of3A_348] : memref<32x1000000xf32, #tpu.memory_space<hbm>> -> memref<8x128xf32, #tpu.memory_space<hbm>>
    %dma_start3A_478 = arith.constant 0 : i32
    %dma_start3A_479 = arith.constant 0 : i32
    %dma_start3A_480 = tpu.memref_slice %arg9[%dma_start3A_468, %dma_start3A_478, %dma_start3A_479] : memref<8x32x128xf32, #tpu.memory_space<vmem>> -> memref<1x32x128xf32, #tpu.memory_space<vmem>>
    %dma_start3A_481 = tpu.memref_squeeze %dma_start3A_480 : memref<1x32x128xf32, #tpu.memory_space<vmem>> -> memref<32x128xf32, #tpu.memory_space<vmem>>
    %dma_start3A_482 = arith.constant 24 : i32
    %dma_start3A_483 = arith.constant 0 : i32
    %dma_start3A_484 = tpu.memref_slice %dma_start3A_481[%dma_start3A_482, %dma_start3A_483] : memref<32x128xf32, #tpu.memory_space<vmem>> -> memref<8x128xf32, #tpu.memory_space<vmem>>
    %dma_start3A_485 = arith.constant 24 : i32
    %dma_start3A_486 = tpu.memref_slice %arg4[%dma_start3A_485, %multiple_of3A_348] : memref<32x1000000xf32, #tpu.memory_space<hbm>> -> memref<8x128xf32, #tpu.memory_space<hbm>>
    tpu.enqueue_dma source(%dma_start3A_486 : memref<8x128xf32, #tpu.memory_space<hbm>>) target(%dma_start3A_484 : memref<8x128xf32, #tpu.memory_space<vmem>>) target_semaphore(%arg12 : memref<!tpu.dma_semaphore, #tpu.memory_space<semaphore_mem>>)
    %dma_start3A_487 = arith.constant 2 : i32
    %dma_start3A_488 = arith.constant 0 : i32
    %dma_start3A_489 = arith.constant 0 : i32
    %dma_start3A_490 = tpu.memref_slice %arg10[%dma_start3A_487, %dma_start3A_488, %dma_start3A_489] : memref<8x32x128xf32, #tpu.memory_space<vmem>> -> memref<1x32x128xf32, #tpu.memory_space<vmem>>
    %dma_start3A_491 = tpu.memref_squeeze %dma_start3A_490 : memref<1x32x128xf32, #tpu.memory_space<vmem>> -> memref<32x128xf32, #tpu.memory_space<vmem>>
    %dma_start3A_492 = arith.constant 24 : i32
    %dma_start3A_493 = arith.constant 0 : i32
    %dma_start3A_494 = tpu.memref_slice %dma_start3A_491[%dma_start3A_492, %dma_start3A_493] : memref<32x128xf32, #tpu.memory_space<vmem>> -> memref<8x128xf32, #tpu.memory_space<vmem>>
    %dma_start3A_495 = arith.constant 24 : i32
    %dma_start3A_496 = tpu.memref_slice %arg5[%dma_start3A_495, %multiple_of3A_353] : memref<32x1000000xf32, #tpu.memory_space<hbm>> -> memref<8x128xf32, #tpu.memory_space<hbm>>
    %dma_start3A_497 = arith.constant 0 : i32
    %dma_start3A_498 = arith.constant 0 : i32
    %dma_start3A_499 = tpu.memref_slice %arg10[%dma_start3A_487, %dma_start3A_497, %dma_start3A_498] : memref<8x32x128xf32, #tpu.memory_space<vmem>> -> memref<1x32x128xf32, #tpu.memory_space<vmem>>
    %dma_start3A_500 = tpu.memref_squeeze %dma_start3A_499 : memref<1x32x128xf32, #tpu.memory_space<vmem>> -> memref<32x128xf32, #tpu.memory_space<vmem>>
    %dma_start3A_501 = arith.constant 24 : i32
    %dma_start3A_502 = arith.constant 0 : i32
    %dma_start3A_503 = tpu.memref_slice %dma_start3A_500[%dma_start3A_501, %dma_start3A_502] : memref<32x128xf32, #tpu.memory_space<vmem>> -> memref<8x128xf32, #tpu.memory_space<vmem>>
    %dma_start3A_504 = arith.constant 24 : i32
    %dma_start3A_505 = tpu.memref_slice %arg5[%dma_start3A_504, %multiple_of3A_353] : memref<32x1000000xf32, #tpu.memory_space<hbm>> -> memref<8x128xf32, #tpu.memory_space<hbm>>
    tpu.enqueue_dma source(%dma_start3A_505 : memref<8x128xf32, #tpu.memory_space<hbm>>) target(%dma_start3A_503 : memref<8x128xf32, #tpu.memory_space<vmem>>) target_semaphore(%arg12 : memref<!tpu.dma_semaphore, #tpu.memory_space<semaphore_mem>>)
    %get3A_506 = arith.constant 3 : index
    %get3A_507 = tpu.vector_load %arg7[%get3A_506] {strides = array<i32>} : memref<528xi32, #tpu.memory_space<vmem>>, vector<16xi32>,
    %slice3A_508 = vector.extract_strided_slice %get3A_507 {offsets = [0], sizes = [1], strides = [1]} : vector<16xi32> to vector<1xi32>
    %squeeze3A_509 = vector.extract %slice3A_508[0] : i32 from vector<1xi32>
    %get3A_510 = arith.constant 3 : index
    %get3A_511 = tpu.vector_load %arg8[%get3A_510] {strides = array<i32>} : memref<528xi32, #tpu.memory_space<vmem>>, vector<16xi32>,
    %slice3A_512 = vector.extract_strided_slice %get3A_511 {offsets = [0], sizes = [1], strides = [1]} : vector<16xi32> to vector<1xi32>
    %squeeze3A_513 = vector.extract %slice3A_512[0] : i32 from vector<1xi32>
    %shift_right_arithmetic3A_514 = arith.constant 7 : i32
    %shift_right_arithmetic3A_515 = arith.shrsi %squeeze3A_509, %shift_right_arithmetic3A_514 : i32
    %shift_left3A_516 = arith.constant 7 : i32
    %shift_left3A_517 = arith.shli %shift_right_arithmetic3A_515, %shift_left3A_516 : i32
    %multiple_of3A_518 = tpu.assume_multiple %shift_left3A_517, 128 : i32
    %shift_right_arithmetic3A_519 = arith.constant 7 : i32
    %shift_right_arithmetic3A_520 = arith.shrsi %squeeze3A_513, %shift_right_arithmetic3A_519 : i32
    %shift_left3A_521 = arith.constant 7 : i32
    %shift_left3A_522 = arith.shli %shift_right_arithmetic3A_520, %shift_left3A_521 : i32
    %multiple_of3A_523 = tpu.assume_multiple %shift_left3A_522, 128 : i32
    %dma_start3A_524 = arith.constant 3 : i32
    %dma_start3A_525 = arith.constant 0 : i32
    %dma_start3A_526 = arith.constant 0 : i32
    %dma_start3A_527 = tpu.memref_slice %arg9[%dma_start3A_524, %dma_start3A_525, %dma_start3A_526] : memref<8x32x128xf32, #tpu.memory_space<vmem>> -> memref<1x32x128xf32, #tpu.memory_space<vmem>>
    %dma_start3A_528 = tpu.memref_squeeze %dma_start3A_527 : memref<1x32x128xf32, #tpu.memory_space<vmem>> -> memref<32x128xf32, #tpu.memory_space<vmem>>
    %dma_start3A_529 = arith.constant 0 : i32
    %dma_start3A_530 = arith.constant 0 : i32
    %dma_start3A_531 = tpu.memref_slice %dma_start3A_528[%dma_start3A_529, %dma_start3A_530] : memref<32x128xf32, #tpu.memory_space<vmem>> -> memref<8x128xf32, #tpu.memory_space<vmem>>
    %dma_start3A_532 = arith.constant 0 : i32
    %dma_start3A_533 = tpu.memref_slice %arg4[%dma_start3A_532, %multiple_of3A_518] : memref<32x1000000xf32, #tpu.memory_space<hbm>> -> memref<8x128xf32, #tpu.memory_space<hbm>>
    %dma_start3A_534 = arith.constant 0 : i32
    %dma_start3A_535 = arith.constant 0 : i32
    %dma_start3A_536 = tpu.memref_slice %arg9[%dma_start3A_524, %dma_start3A_534, %dma_start3A_535] : memref<8x32x128xf32, #tpu.memory_space<vmem>> -> memref<1x32x128xf32, #tpu.memory_space<vmem>>
    %dma_start3A_537 = tpu.memref_squeeze %dma_start3A_536 : memref<1x32x128xf32, #tpu.memory_space<vmem>> -> memref<32x128xf32, #tpu.memory_space<vmem>>
    %dma_start3A_538 = arith.constant 0 : i32
    %dma_start3A_539 = arith.constant 0 : i32
    %dma_start3A_540 = tpu.memref_slice %dma_start3A_537[%dma_start3A_538, %dma_start3A_539] : memref<32x128xf32, #tpu.memory_space<vmem>> -> memref<8x128xf32, #tpu.memory_space<vmem>>
    %dma_start3A_541 = arith.constant 0 : i32
    %dma_start3A_542 = tpu.memref_slice %arg4[%dma_start3A_541, %multiple_of3A_518] : memref<32x1000000xf32, #tpu.memory_space<hbm>> -> memref<8x128xf32, #tpu.memory_space<hbm>>
    tpu.enqueue_dma source(%dma_start3A_542 : memref<8x128xf32, #tpu.memory_space<hbm>>) target(%dma_start3A_540 : memref<8x128xf32, #tpu.memory_space<vmem>>) target_semaphore(%arg12 : memref<!tpu.dma_semaphore, #tpu.memory_space<semaphore_mem>>)
    %dma_start3A_543 = arith.constant 3 : i32
    %dma_start3A_544 = arith.constant 0 : i32
    %dma_start3A_545 = arith.constant 0 : i32
    %dma_start3A_546 = tpu.memref_slice %arg10[%dma_start3A_543, %dma_start3A_544, %dma_start3A_545] : memref<8x32x128xf32, #tpu.memory_space<vmem>> -> memref<1x32x128xf32, #tpu.memory_space<vmem>>
    %dma_start3A_547 = tpu.memref_squeeze %dma_start3A_546 : memref<1x32x128xf32, #tpu.memory_space<vmem>> -> memref<32x128xf32, #tpu.memory_space<vmem>>
    %dma_start3A_548 = arith.constant 0 : i32
    %dma_start3A_549 = arith.constant 0 : i32
    %dma_start3A_550 = tpu.memref_slice %dma_start3A_547[%dma_start3A_548, %dma_start3A_549] : memref<32x128xf32, #tpu.memory_space<vmem>> -> memref<8x128xf32, #tpu.memory_space<vmem>>
    %dma_start3A_551 = arith.constant 0 : i32
    %dma_start3A_552 = tpu.memref_slice %arg5[%dma_start3A_551, %multiple_of3A_523] : memref<32x1000000xf32, #tpu.memory_space<hbm>> -> memref<8x128xf32, #tpu.memory_space<hbm>>
    %dma_start3A_553 = arith.constant 0 : i32
    %dma_start3A_554 = arith.constant 0 : i32
    %dma_start3A_555 = tpu.memref_slice %arg10[%dma_start3A_543, %dma_start3A_553, %dma_start3A_554] : memref<8x32x128xf32, #tpu.memory_space<vmem>> -> memref<1x32x128xf32, #tpu.memory_space<vmem>>
    %dma_start3A_556 = tpu.memref_squeeze %dma_start3A_555 : memref<1x32x128xf32, #tpu.memory_space<vmem>> -> memref<32x128xf32, #tpu.memory_space<vmem>>
    %dma_start3A_557 = arith.constant 0 : i32
    %dma_start3A_558 = arith.constant 0 : i32
    %dma_start3A_559 = tpu.memref_slice %dma_start3A_556[%dma_start3A_557, %dma_start3A_558] : memref<32x128xf32, #tpu.memory_space<vmem>> -> memref<8x128xf32, #tpu.memory_space<vmem>>
    %dma_start3A_560 = arith.constant 0 : i32
    %dma_start3A_561 = tpu.memref_slice %arg5[%dma_start3A_560, %multiple_of3A_523] : memref<32x1000000xf32, #tpu.memory_space<hbm>> -> memref<8x128xf32, #tpu.memory_space<hbm>>
    tpu.enqueue_dma source(%dma_start3A_561 : memref<8x128xf32, #tpu.memory_space<hbm>>) target(%dma_start3A_559 : memref<8x128xf32, #tpu.memory_space<vmem>>) target_semaphore(%arg12 : memref<!tpu.dma_semaphore, #tpu.memory_space<semaphore_mem>>)
    %dma_start3A_562 = arith.constant 3 : i32
    %dma_start3A_563 = arith.constant 0 : i32
    %dma_start3A_564 = arith.constant 0 : i32
    %dma_start3A_565 = tpu.memref_slice %arg9[%dma_start3A_562, %dma_start3A_563, %dma_start3A_564] : memref<8x32x128xf32, #tpu.memory_space<vmem>> -> memref<1x32x128xf32, #tpu.memory_space<vmem>>
    %dma_start3A_566 = tpu.memref_squeeze %dma_start3A_565 : memref<1x32x128xf32, #tpu.memory_space<vmem>> -> memref<32x128xf32, #tpu.memory_space<vmem>>
    %dma_start3A_567 = arith.constant 8 : i32
    %dma_start3A_568 = arith.constant 0 : i32
    %dma_start3A_569 = tpu.memref_slice %dma_start3A_566[%dma_start3A_567, %dma_start3A_568] : memref<32x128xf32, #tpu.memory_space<vmem>> -> memref<8x128xf32, #tpu.memory_space<vmem>>
    %dma_start3A_570 = arith.constant 8 : i32
    %dma_start3A_571 = tpu.memref_slice %arg4[%dma_start3A_570, %multiple_of3A_518] : memref<32x1000000xf32, #tpu.memory_space<hbm>> -> memref<8x128xf32, #tpu.memory_space<hbm>>
    %dma_start3A_572 = arith.constant 0 : i32
    %dma_start3A_573 = arith.constant 0 : i32
    %dma_start3A_574 = tpu.memref_slice %arg9[%dma_start3A_562, %dma_start3A_572, %dma_start3A_573] : memref<8x32x128xf32, #tpu.memory_space<vmem>> -> memref<1x32x128xf32, #tpu.memory_space<vmem>>
    %dma_start3A_575 = tpu.memref_squeeze %dma_start3A_574 : memref<1x32x128xf32, #tpu.memory_space<vmem>> -> memref<32x128xf32, #tpu.memory_space<vmem>>
    %dma_start3A_576 = arith.constant 8 : i32
    %dma_start3A_577 = arith.constant 0 : i32
    %dma_start3A_578 = tpu.memref_slice %dma_start3A_575[%dma_start3A_576, %dma_start3A_577] : memref<32x128xf32, #tpu.memory_space<vmem>> -> memref<8x128xf32, #tpu.memory_space<vmem>>
    %dma_start3A_579 = arith.constant 8 : i32
    %dma_start3A_580 = tpu.memref_slice %arg4[%dma_start3A_579, %multiple_of3A_518] : memref<32x1000000xf32, #tpu.memory_space<hbm>> -> memref<8x128xf32, #tpu.memory_space<hbm>>
    tpu.enqueue_dma source(%dma_start3A_580 : memref<8x128xf32, #tpu.memory_space<hbm>>) target(%dma_start3A_578 : memref<8x128xf32, #tpu.memory_space<vmem>>) target_semaphore(%arg12 : memref<!tpu.dma_semaphore, #tpu.memory_space<semaphore_mem>>)
    %dma_start3A_581 = arith.constant 3 : i32
    %dma_start3A_582 = arith.constant 0 : i32
    %dma_start3A_583 = arith.constant 0 : i32
    %dma_start3A_584 = tpu.memref_slice %arg10[%dma_start3A_581, %dma_start3A_582, %dma_start3A_583] : memref<8x32x128xf32, #tpu.memory_space<vmem>> -> memref<1x32x128xf32, #tpu.memory_space<vmem>>
    %dma_start3A_585 = tpu.memref_squeeze %dma_start3A_584 : memref<1x32x128xf32, #tpu.memory_space<vmem>> -> memref<32x128xf32, #tpu.memory_space<vmem>>
    %dma_start3A_586 = arith.constant 8 : i32
    %dma_start3A_587 = arith.constant 0 : i32
    %dma_start3A_588 = tpu.memref_slice %dma_start3A_585[%dma_start3A_586, %dma_start3A_587] : memref<32x128xf32, #tpu.memory_space<vmem>> -> memref<8x128xf32, #tpu.memory_space<vmem>>
    %dma_start3A_589 = arith.constant 8 : i32
    %dma_start3A_590 = tpu.memref_slice %arg5[%dma_start3A_589, %multiple_of3A_523] : memref<32x1000000xf32, #tpu.memory_space<hbm>> -> memref<8x128xf32, #tpu.memory_space<hbm>>
    %dma_start3A_591 = arith.constant 0 : i32
    %dma_start3A_592 = arith.constant 0 : i32
    %dma_start3A_593 = tpu.memref_slice %arg10[%dma_start3A_581, %dma_start3A_591, %dma_start3A_592] : memref<8x32x128xf32, #tpu.memory_space<vmem>> -> memref<1x32x128xf32, #tpu.memory_space<vmem>>
    %dma_start3A_594 = tpu.memref_squeeze %dma_start3A_593 : memref<1x32x128xf32, #tpu.memory_space<vmem>> -> memref<32x128xf32, #tpu.memory_space<vmem>>
    %dma_start3A_595 = arith.constant 8 : i32
    %dma_start3A_596 = arith.constant 0 : i32
    %dma_start3A_597 = tpu.memref_slice %dma_start3A_594[%dma_start3A_595, %dma_start3A_596] : memref<32x128xf32, #tpu.memory_space<vmem>> -> memref<8x128xf32, #tpu.memory_space<vmem>>
    %dma_start3A_598 = arith.constant 8 : i32
    %dma_start3A_599 = tpu.memref_slice %arg5[%dma_start3A_598, %multiple_of3A_523] : memref<32x1000000xf32, #tpu.memory_space<hbm>> -> memref<8x128xf32, #tpu.memory_space<hbm>>
    tpu.enqueue_dma source(%dma_start3A_599 : memref<8x128xf32, #tpu.memory_space<hbm>>) target(%dma_start3A_597 : memref<8x128xf32, #tpu.memory_space<vmem>>) target_semaphore(%arg12 : memref<!tpu.dma_semaphore, #tpu.memory_space<semaphore_mem>>)
    %dma_start3A_600 = arith.constant 3 : i32
    %dma_start3A_601 = arith.constant 0 : i32
    %dma_start3A_602 = arith.constant 0 : i32
    %dma_start3A_603 = tpu.memref_slice %arg9[%dma_start3A_600, %dma_start3A_601, %dma_start3A_602] : memref<8x32x128xf32, #tpu.memory_space<vmem>> -> memref<1x32x128xf32, #tpu.memory_space<vmem>>
    %dma_start3A_604 = tpu.memref_squeeze %dma_start3A_603 : memref<1x32x128xf32, #tpu.memory_space<vmem>> -> memref<32x128xf32, #tpu.memory_space<vmem>>
    %dma_start3A_605 = arith.constant 16 : i32
    %dma_start3A_606 = arith.constant 0 : i32
    %dma_start3A_607 = tpu.memref_slice %dma_start3A_604[%dma_start3A_605, %dma_start3A_606] : memref<32x128xf32, #tpu.memory_space<vmem>> -> memref<8x128xf32, #tpu.memory_space<vmem>>
    %dma_start3A_608 = arith.constant 16 : i32
    %dma_start3A_609 = tpu.memref_slice %arg4[%dma_start3A_608, %multiple_of3A_518] : memref<32x1000000xf32, #tpu.memory_space<hbm>> -> memref<8x128xf32, #tpu.memory_space<hbm>>
    %dma_start3A_610 = arith.constant 0 : i32
    %dma_start3A_611 = arith.constant 0 : i32
    %dma_start3A_612 = tpu.memref_slice %arg9[%dma_start3A_600, %dma_start3A_610, %dma_start3A_611] : memref<8x32x128xf32, #tpu.memory_space<vmem>> -> memref<1x32x128xf32, #tpu.memory_space<vmem>>
    %dma_start3A_613 = tpu.memref_squeeze %dma_start3A_612 : memref<1x32x128xf32, #tpu.memory_space<vmem>> -> memref<32x128xf32, #tpu.memory_space<vmem>>
    %dma_start3A_614 = arith.constant 16 : i32
    %dma_start3A_615 = arith.constant 0 : i32
    %dma_start3A_616 = tpu.memref_slice %dma_start3A_613[%dma_start3A_614, %dma_start3A_615] : memref<32x128xf32, #tpu.memory_space<vmem>> -> memref<8x128xf32, #tpu.memory_space<vmem>>
    %dma_start3A_617 = arith.constant 16 : i32
    %dma_start3A_618 = tpu.memref_slice %arg4[%dma_start3A_617, %multiple_of3A_518] : memref<32x1000000xf32, #tpu.memory_space<hbm>> -> memref<8x128xf32, #tpu.memory_space<hbm>>
    tpu.enqueue_dma source(%dma_start3A_618 : memref<8x128xf32, #tpu.memory_space<hbm>>) target(%dma_start3A_616 : memref<8x128xf32, #tpu.memory_space<vmem>>) target_semaphore(%arg12 : memref<!tpu.dma_semaphore, #tpu.memory_space<semaphore_mem>>)
    %dma_start3A_619 = arith.constant 3 : i32
    %dma_start3A_620 = arith.constant 0 : i32
    %dma_start3A_621 = arith.constant 0 : i32
    %dma_start3A_622 = tpu.memref_slice %arg10[%dma_start3A_619, %dma_start3A_620, %dma_start3A_621] : memref<8x32x128xf32, #tpu.memory_space<vmem>> -> memref<1x32x128xf32, #tpu.memory_space<vmem>>
    %dma_start3A_623 = tpu.memref_squeeze %dma_start3A_622 : memref<1x32x128xf32, #tpu.memory_space<vmem>> -> memref<32x128xf32, #tpu.memory_space<vmem>>
    %dma_start3A_624 = arith.constant 16 : i32
    %dma_start3A_625 = arith.constant 0 : i32
    %dma_start3A_626 = tpu.memref_slice %dma_start3A_623[%dma_start3A_624, %dma_start3A_625] : memref<32x128xf32, #tpu.memory_space<vmem>> -> memref<8x128xf32, #tpu.memory_space<vmem>>
    %dma_start3A_627 = arith.constant 16 : i32
    %dma_start3A_628 = tpu.memref_slice %arg5[%dma_start3A_627, %multiple_of3A_523] : memref<32x1000000xf32, #tpu.memory_space<hbm>> -> memref<8x128xf32, #tpu.memory_space<hbm>>
    %dma_start3A_629 = arith.constant 0 : i32
    %dma_start3A_630 = arith.constant 0 : i32
    %dma_start3A_631 = tpu.memref_slice %arg10[%dma_start3A_619, %dma_start3A_629, %dma_start3A_630] : memref<8x32x128xf32, #tpu.memory_space<vmem>> -> memref<1x32x128xf32, #tpu.memory_space<vmem>>
    %dma_start3A_632 = tpu.memref_squeeze %dma_start3A_631 : memref<1x32x128xf32, #tpu.memory_space<vmem>> -> memref<32x128xf32, #tpu.memory_space<vmem>>
    %dma_start3A_633 = arith.constant 16 : i32
    %dma_start3A_634 = arith.constant 0 : i32
    %dma_start3A_635 = tpu.memref_slice %dma_start3A_632[%dma_start3A_633, %dma_start3A_634] : memref<32x128xf32, #tpu.memory_space<vmem>> -> memref<8x128xf32, #tpu.memory_space<vmem>>
    %dma_start3A_636 = arith.constant 16 : i32
    %dma_start3A_637 = tpu.memref_slice %arg5[%dma_start3A_636, %multiple_of3A_523] : memref<32x1000000xf32, #tpu.memory_space<hbm>> -> memref<8x128xf32, #tpu.memory_space<hbm>>
    tpu.enqueue_dma source(%dma_start3A_637 : memref<8x128xf32, #tpu.memory_space<hbm>>) target(%dma_start3A_635 : memref<8x128xf32, #tpu.memory_space<vmem>>) target_semaphore(%arg12 : memref<!tpu.dma_semaphore, #tpu.memory_space<semaphore_mem>>)
    %dma_start3A_638 = arith.constant 3 : i32
    %dma_start3A_639 = arith.constant 0 : i32
    %dma_start3A_640 = arith.constant 0 : i32
    %dma_start3A_641 = tpu.memref_slice %arg9[%dma_start3A_638, %dma_start3A_639, %dma_start3A_640] : memref<8x32x128xf32, #tpu.memory_space<vmem>> -> memref<1x32x128xf32, #tpu.memory_space<vmem>>
    %dma_start3A_642 = tpu.memref_squeeze %dma_start3A_641 : memref<1x32x128xf32, #tpu.memory_space<vmem>> -> memref<32x128xf32, #tpu.memory_space<vmem>>
    %dma_start3A_643 = arith.constant 24 : i32
    %dma_start3A_644 = arith.constant 0 : i32
    %dma_start3A_645 = tpu.memref_slice %dma_start3A_642[%dma_start3A_643, %dma_start3A_644] : memref<32x128xf32, #tpu.memory_space<vmem>> -> memref<8x128xf32, #tpu.memory_space<vmem>>
    %dma_start3A_646 = arith.constant 24 : i32
    %dma_start3A_647 = tpu.memref_slice %arg4[%dma_start3A_646, %multiple_of3A_518] : memref<32x1000000xf32, #tpu.memory_space<hbm>> -> memref<8x128xf32, #tpu.memory_space<hbm>>
    %dma_start3A_648 = arith.constant 0 : i32
    %dma_start3A_649 = arith.constant 0 : i32
    %dma_start3A_650 = tpu.memref_slice %arg9[%dma_start3A_638, %dma_start3A_648, %dma_start3A_649] : memref<8x32x128xf32, #tpu.memory_space<vmem>> -> memref<1x32x128xf32, #tpu.memory_space<vmem>>
    %dma_start3A_651 = tpu.memref_squeeze %dma_start3A_650 : memref<1x32x128xf32, #tpu.memory_space<vmem>> -> memref<32x128xf32, #tpu.memory_space<vmem>>
    %dma_start3A_652 = arith.constant 24 : i32
    %dma_start3A_653 = arith.constant 0 : i32
    %dma_start3A_654 = tpu.memref_slice %dma_start3A_651[%dma_start3A_652, %dma_start3A_653] : memref<32x128xf32, #tpu.memory_space<vmem>> -> memref<8x128xf32, #tpu.memory_space<vmem>>
    %dma_start3A_655 = arith.constant 24 : i32
    %dma_start3A_656 = tpu.memref_slice %arg4[%dma_start3A_655, %multiple_of3A_518] : memref<32x1000000xf32, #tpu.memory_space<hbm>> -> memref<8x128xf32, #tpu.memory_space<hbm>>
    tpu.enqueue_dma source(%dma_start3A_656 : memref<8x128xf32, #tpu.memory_space<hbm>>) target(%dma_start3A_654 : memref<8x128xf32, #tpu.memory_space<vmem>>) target_semaphore(%arg12 : memref<!tpu.dma_semaphore, #tpu.memory_space<semaphore_mem>>)
    %dma_start3A_657 = arith.constant 3 : i32
    %dma_start3A_658 = arith.constant 0 : i32
    %dma_start3A_659 = arith.constant 0 : i32
    %dma_start3A_660 = tpu.memref_slice %arg10[%dma_start3A_657, %dma_start3A_658, %dma_start3A_659] : memref<8x32x128xf32, #tpu.memory_space<vmem>> -> memref<1x32x128xf32, #tpu.memory_space<vmem>>
    %dma_start3A_661 = tpu.memref_squeeze %dma_start3A_660 : memref<1x32x128xf32, #tpu.memory_space<vmem>> -> memref<32x128xf32, #tpu.memory_space<vmem>>
    %dma_start3A_662 = arith.constant 24 : i32
    %dma_start3A_663 = arith.constant 0 : i32
    %dma_start3A_664 = tpu.memref_slice %dma_start3A_661[%dma_start3A_662, %dma_start3A_663] : memref<32x128xf32, #tpu.memory_space<vmem>> -> memref<8x128xf32, #tpu.memory_space<vmem>>
    %dma_start3A_665 = arith.constant 24 : i32
    %dma_start3A_666 = tpu.memref_slice %arg5[%dma_start3A_665, %multiple_of3A_523] : memref<32x1000000xf32, #tpu.memory_space<hbm>> -> memref<8x128xf32, #tpu.memory_space<hbm>>
    %dma_start3A_667 = arith.constant 0 : i32
    %dma_start3A_668 = arith.constant 0 : i32
    %dma_start3A_669 = tpu.memref_slice %arg10[%dma_start3A_657, %dma_start3A_667, %dma_start3A_668] : memref<8x32x128xf32, #tpu.memory_space<vmem>> -> memref<1x32x128xf32, #tpu.memory_space<vmem>>
    %dma_start3A_670 = tpu.memref_squeeze %dma_start3A_669 : memref<1x32x128xf32, #tpu.memory_space<vmem>> -> memref<32x128xf32, #tpu.memory_space<vmem>>
    %dma_start3A_671 = arith.constant 24 : i32
    %dma_start3A_672 = arith.constant 0 : i32
    %dma_start3A_673 = tpu.memref_slice %dma_start3A_670[%dma_start3A_671, %dma_start3A_672] : memref<32x128xf32, #tpu.memory_space<vmem>> -> memref<8x128xf32, #tpu.memory_space<vmem>>
    %dma_start3A_674 = arith.constant 24 : i32
    %dma_start3A_675 = tpu.memref_slice %arg5[%dma_start3A_674, %multiple_of3A_523] : memref<32x1000000xf32, #tpu.memory_space<hbm>> -> memref<8x128xf32, #tpu.memory_space<hbm>>
    tpu.enqueue_dma source(%dma_start3A_675 : memref<8x128xf32, #tpu.memory_space<hbm>>) target(%dma_start3A_673 : memref<8x128xf32, #tpu.memory_space<vmem>>) target_semaphore(%arg12 : memref<!tpu.dma_semaphore, #tpu.memory_space<semaphore_mem>>)
    %get3A_676 = arith.constant 4 : index
    %get3A_677 = tpu.vector_load %arg7[%get3A_676] {strides = array<i32>} : memref<528xi32, #tpu.memory_space<vmem>>, vector<16xi32>,
    %slice3A_678 = vector.extract_strided_slice %get3A_677 {offsets = [0], sizes = [1], strides = [1]} : vector<16xi32> to vector<1xi32>
    %squeeze3A_679 = vector.extract %slice3A_678[0] : i32 from vector<1xi32>
    %get3A_680 = arith.constant 4 : index
    %get3A_681 = tpu.vector_load %arg8[%get3A_680] {strides = array<i32>} : memref<528xi32, #tpu.memory_space<vmem>>, vector<16xi32>,
    %slice3A_682 = vector.extract_strided_slice %get3A_681 {offsets = [0], sizes = [1], strides = [1]} : vector<16xi32> to vector<1xi32>
    %squeeze3A_683 = vector.extract %slice3A_682[0] : i32 from vector<1xi32>
    %shift_right_arithmetic3A_684 = arith.constant 7 : i32
    %shift_right_arithmetic3A_685 = arith.shrsi %squeeze3A_679, %shift_right_arithmetic3A_684 : i32
    %shift_left3A_686 = arith.constant 7 : i32
    %shift_left3A_687 = arith.shli %shift_right_arithmetic3A_685, %shift_left3A_686 : i32
    %multiple_of3A_688 = tpu.assume_multiple %shift_left3A_687, 128 : i32
    %shift_right_arithmetic3A_689 = arith.constant 7 : i32
    %shift_right_arithmetic3A_690 = arith.shrsi %squeeze3A_683, %shift_right_arithmetic3A_689 : i32
    %shift_left3A_691 = arith.constant 7 : i32
    %shift_left3A_692 = arith.shli %shift_right_arithmetic3A_690, %shift_left3A_691 : i32
    %multiple_of3A_693 = tpu.assume_multiple %shift_left3A_692, 128 : i32
    %dma_start3A_694 = arith.constant 4 : i32
    %dma_start3A_695 = arith.constant 0 : i32
    %dma_start3A_696 = arith.constant 0 : i32
    %dma_start3A_697 = tpu.memref_slice %arg9[%dma_start3A_694, %dma_start3A_695, %dma_start3A_696] : memref<8x32x128xf32, #tpu.memory_space<vmem>> -> memref<1x32x128xf32, #tpu.memory_space<vmem>>
    %dma_start3A_698 = tpu.memref_squeeze %dma_start3A_697 : memref<1x32x128xf32, #tpu.memory_space<vmem>> -> memref<32x128xf32, #tpu.memory_space<vmem>>
    %dma_start3A_699 = arith.constant 0 : i32
    %dma_start3A_700 = arith.constant 0 : i32
    %dma_start3A_701 = tpu.memref_slice %dma_start3A_698[%dma_start3A_699, %dma_start3A_700] : memref<32x128xf32, #tpu.memory_space<vmem>> -> memref<8x128xf32, #tpu.memory_space<vmem>>
    %dma_start3A_702 = arith.constant 0 : i32
    %dma_start3A_703 = tpu.memref_slice %arg4[%dma_start3A_702, %multiple_of3A_688] : memref<32x1000000xf32, #tpu.memory_space<hbm>> -> memref<8x128xf32, #tpu.memory_space<hbm>>
    %dma_start3A_704 = arith.constant 0 : i32
    %dma_start3A_705 = arith.constant 0 : i32
    %dma_start3A_706 = tpu.memref_slice %arg9[%dma_start3A_694, %dma_start3A_704, %dma_start3A_705] : memref<8x32x128xf32, #tpu.memory_space<vmem>> -> memref<1x32x128xf32, #tpu.memory_space<vmem>>
    %dma_start3A_707 = tpu.memref_squeeze %dma_start3A_706 : memref<1x32x128xf32, #tpu.memory_space<vmem>> -> memref<32x128xf32, #tpu.memory_space<vmem>>
    %dma_start3A_708 = arith.constant 0 : i32
    %dma_start3A_709 = arith.constant 0 : i32
    %dma_start3A_710 = tpu.memref_slice %dma_start3A_707[%dma_start3A_708, %dma_start3A_709] : memref<32x128xf32, #tpu.memory_space<vmem>> -> memref<8x128xf32, #tpu.memory_space<vmem>>
    %dma_start3A_711 = arith.constant 0 : i32
    %dma_start3A_712 = tpu.memref_slice %arg4[%dma_start3A_711, %multiple_of3A_688] : memref<32x1000000xf32, #tpu.memory_space<hbm>> -> memref<8x128xf32, #tpu.memory_space<hbm>>
    tpu.enqueue_dma source(%dma_start3A_712 : memref<8x128xf32, #tpu.memory_space<hbm>>) target(%dma_start3A_710 : memref<8x128xf32, #tpu.memory_space<vmem>>) target_semaphore(%arg12 : memref<!tpu.dma_semaphore, #tpu.memory_space<semaphore_mem>>)
    %dma_start3A_713 = arith.constant 4 : i32
    %dma_start3A_714 = arith.constant 0 : i32
    %dma_start3A_715 = arith.constant 0 : i32
    %dma_start3A_716 = tpu.memref_slice %arg10[%dma_start3A_713, %dma_start3A_714, %dma_start3A_715] : memref<8x32x128xf32, #tpu.memory_space<vmem>> -> memref<1x32x128xf32, #tpu.memory_space<vmem>>
    %dma_start3A_717 = tpu.memref_squeeze %dma_start3A_716 : memref<1x32x128xf32, #tpu.memory_space<vmem>> -> memref<32x128xf32, #tpu.memory_space<vmem>>
    %dma_start3A_718 = arith.constant 0 : i32
    %dma_start3A_719 = arith.constant 0 : i32
    %dma_start3A_720 = tpu.memref_slice %dma_start3A_717[%dma_start3A_718, %dma_start3A_719] : memref<32x128xf32, #tpu.memory_space<vmem>> -> memref<8x128xf32, #tpu.memory_space<vmem>>
    %dma_start3A_721 = arith.constant 0 : i32
    %dma_start3A_722 = tpu.memref_slice %arg5[%dma_start3A_721, %multiple_of3A_693] : memref<32x1000000xf32, #tpu.memory_space<hbm>> -> memref<8x128xf32, #tpu.memory_space<hbm>>
    %dma_start3A_723 = arith.constant 0 : i32
    %dma_start3A_724 = arith.constant 0 : i32
    %dma_start3A_725 = tpu.memref_slice %arg10[%dma_start3A_713, %dma_start3A_723, %dma_start3A_724] : memref<8x32x128xf32, #tpu.memory_space<vmem>> -> memref<1x32x128xf32, #tpu.memory_space<vmem>>
    %dma_start3A_726 = tpu.memref_squeeze %dma_start3A_725 : memref<1x32x128xf32, #tpu.memory_space<vmem>> -> memref<32x128xf32, #tpu.memory_space<vmem>>
    %dma_start3A_727 = arith.constant 0 : i32
    %dma_start3A_728 = arith.constant 0 : i32
    %dma_start3A_729 = tpu.memref_slice %dma_start3A_726[%dma_start3A_727, %dma_start3A_728] : memref<32x128xf32, #tpu.memory_space<vmem>> -> memref<8x128xf32, #tpu.memory_space<vmem>>
    %dma_start3A_730 = arith.constant 0 : i32
    %dma_start3A_731 = tpu.memref_slice %arg5[%dma_start3A_730, %multiple_of3A_693] : memref<32x1000000xf32, #tpu.memory_space<hbm>> -> memref<8x128xf32, #tpu.memory_space<hbm>>
    tpu.enqueue_dma source(%dma_start3A_731 : memref<8x128xf32, #tpu.memory_space<hbm>>) target(%dma_start3A_729 : memref<8x128xf32, #tpu.memory_space<vmem>>) target_semaphore(%arg12 : memref<!tpu.dma_semaphore, #tpu.memory_space<semaphore_mem>>)
    %dma_start3A_732 = arith.constant 4 : i32
    %dma_start3A_733 = arith.constant 0 : i32
    %dma_start3A_734 = arith.constant 0 : i32
    %dma_start3A_735 = tpu.memref_slice %arg9[%dma_start3A_732, %dma_start3A_733, %dma_start3A_734] : memref<8x32x128xf32, #tpu.memory_space<vmem>> -> memref<1x32x128xf32, #tpu.memory_space<vmem>>
    %dma_start3A_736 = tpu.memref_squeeze %dma_start3A_735 : memref<1x32x128xf32, #tpu.memory_space<vmem>> -> memref<32x128xf32, #tpu.memory_space<vmem>>
    %dma_start3A_737 = arith.constant 8 : i32
    %dma_start3A_738 = arith.constant 0 : i32
    %dma_start3A_739 = tpu.memref_slice %dma_start3A_736[%dma_start3A_737, %dma_start3A_738] : memref<32x128xf32, #tpu.memory_space<vmem>> -> memref<8x128xf32, #tpu.memory_space<vmem>>
    %dma_start3A_740 = arith.constant 8 : i32
    %dma_start3A_741 = tpu.memref_slice %arg4[%dma_start3A_740, %multiple_of3A_688] : memref<32x1000000xf32, #tpu.memory_space<hbm>> -> memref<8x128xf32, #tpu.memory_space<hbm>>
    %dma_start3A_742 = arith.constant 0 : i32
    %dma_start3A_743 = arith.constant 0 : i32
    %dma_start3A_744 = tpu.memref_slice %arg9[%dma_start3A_732, %dma_start3A_742, %dma_start3A_743] : memref<8x32x128xf32, #tpu.memory_space<vmem>> -> memref<1x32x128xf32, #tpu.memory_space<vmem>>
    %dma_start3A_745 = tpu.memref_squeeze %dma_start3A_744 : memref<1x32x128xf32, #tpu.memory_space<vmem>> -> memref<32x128xf32, #tpu.memory_space<vmem>>
    %dma_start3A_746 = arith.constant 8 : i32
    %dma_start3A_747 = arith.constant 0 : i32
    %dma_start3A_748 = tpu.memref_slice %dma_start3A_745[%dma_start3A_746, %dma_start3A_747] : memref<32x128xf32, #tpu.memory_space<vmem>> -> memref<8x128xf32, #tpu.memory_space<vmem>>
    %dma_start3A_749 = arith.constant 8 : i32
    %dma_start3A_750 = tpu.memref_slice %arg4[%dma_start3A_749, %multiple_of3A_688] : memref<32x1000000xf32, #tpu.memory_space<hbm>> -> memref<8x128xf32, #tpu.memory_space<hbm>>
    tpu.enqueue_dma source(%dma_start3A_750 : memref<8x128xf32, #tpu.memory_space<hbm>>) target(%dma_start3A_748 : memref<8x128xf32, #tpu.memory_space<vmem>>) target_semaphore(%arg12 : memref<!tpu.dma_semaphore, #tpu.memory_space<semaphore_mem>>)
    %dma_start3A_751 = arith.constant 4 : i32
    %dma_start3A_752 = arith.constant 0 : i32
    %dma_start3A_753 = arith.constant 0 : i32
    %dma_start3A_754 = tpu.memref_slice %arg10[%dma_start3A_751, %dma_start3A_752, %dma_start3A_753] : memref<8x32x128xf32, #tpu.memory_space<vmem>> -> memref<1x32x128xf32, #tpu.memory_space<vmem>>
    %dma_start3A_755 = tpu.memref_squeeze %dma_start3A_754 : memref<1x32x128xf32, #tpu.memory_space<vmem>> -> memref<32x128xf32, #tpu.memory_space<vmem>>
    %dma_start3A_756 = arith.constant 8 : i32
    %dma_start3A_757 = arith.constant 0 : i32
    %dma_start3A_758 = tpu.memref_slice %dma_start3A_755[%dma_start3A_756, %dma_start3A_757] : memref<32x128xf32, #tpu.memory_space<vmem>> -> memref<8x128xf32, #tpu.memory_space<vmem>>
    %dma_start3A_759 = arith.constant 8 : i32
    %dma_start3A_760 = tpu.memref_slice %arg5[%dma_start3A_759, %multiple_of3A_693] : memref<32x1000000xf32, #tpu.memory_space<hbm>> -> memref<8x128xf32, #tpu.memory_space<hbm>>
    %dma_start3A_761 = arith.constant 0 : i32
    %dma_start3A_762 = arith.constant 0 : i32
    %dma_start3A_763 = tpu.memref_slice %arg10[%dma_start3A_751, %dma_start3A_761, %dma_start3A_762] : memref<8x32x128xf32, #tpu.memory_space<vmem>> -> memref<1x32x128xf32, #tpu.memory_space<vmem>>
    %dma_start3A_764 = tpu.memref_squeeze %dma_start3A_763 : memref<1x32x128xf32, #tpu.memory_space<vmem>> -> memref<32x128xf32, #tpu.memory_space<vmem>>
    %dma_start3A_765 = arith.constant 8 : i32
    %dma_start3A_766 = arith.constant 0 : i32
    %dma_start3A_767 = tpu.memref_slice %dma_start3A_764[%dma_start3A_765, %dma_start3A_766] : memref<32x128xf32, #tpu.memory_space<vmem>> -> memref<8x128xf32, #tpu.memory_space<vmem>>
    %dma_start3A_768 = arith.constant 8 : i32
    %dma_start3A_769 = tpu.memref_slice %arg5[%dma_start3A_768, %multiple_of3A_693] : memref<32x1000000xf32, #tpu.memory_space<hbm>> -> memref<8x128xf32, #tpu.memory_space<hbm>>
    tpu.enqueue_dma source(%dma_start3A_769 : memref<8x128xf32, #tpu.memory_space<hbm>>) target(%dma_start3A_767 : memref<8x128xf32, #tpu.memory_space<vmem>>) target_semaphore(%arg12 : memref<!tpu.dma_semaphore, #tpu.memory_space<semaphore_mem>>)
    %dma_start3A_770 = arith.constant 4 : i32
    %dma_start3A_771 = arith.constant 0 : i32
    %dma_start3A_772 = arith.constant 0 : i32
    %dma_start3A_773 = tpu.memref_slice %arg9[%dma_start3A_770, %dma_start3A_771, %dma_start3A_772] : memref<8x32x128xf32, #tpu.memory_space<vmem>> -> memref<1x32x128xf32, #tpu.memory_space<vmem>>
    %dma_start3A_774 = tpu.memref_squeeze %dma_start3A_773 : memref<1x32x128xf32, #tpu.memory_space<vmem>> -> memref<32x128xf32, #tpu.memory_space<vmem>>
    %dma_start3A_775 = arith.constant 16 : i32
    %dma_start3A_776 = arith.constant 0 : i32
    %dma_start3A_777 = tpu.memref_slice %dma_start3A_774[%dma_start3A_775, %dma_start3A_776] : memref<32x128xf32, #tpu.memory_space<vmem>> -> memref<8x128xf32, #tpu.memory_space<vmem>>
    %dma_start3A_778 = arith.constant 16 : i32
    %dma_start3A_779 = tpu.memref_slice %arg4[%dma_start3A_778, %multiple_of3A_688] : memref<32x1000000xf32, #tpu.memory_space<hbm>> -> memref<8x128xf32, #tpu.memory_space<hbm>>
    %dma_start3A_780 = arith.constant 0 : i32
    %dma_start3A_781 = arith.constant 0 : i32
    %dma_start3A_782 = tpu.memref_slice %arg9[%dma_start3A_770, %dma_start3A_780, %dma_start3A_781] : memref<8x32x128xf32, #tpu.memory_space<vmem>> -> memref<1x32x128xf32, #tpu.memory_space<vmem>>
    %dma_start3A_783 = tpu.memref_squeeze %dma_start3A_782 : memref<1x32x128xf32, #tpu.memory_space<vmem>> -> memref<32x128xf32, #tpu.memory_space<vmem>>
    %dma_start3A_784 = arith.constant 16 : i32
    %dma_start3A_785 = arith.constant 0 : i32
    %dma_start3A_786 = tpu.memref_slice %dma_start3A_783[%dma_start3A_784, %dma_start3A_785] : memref<32x128xf32, #tpu.memory_space<vmem>> -> memref<8x128xf32, #tpu.memory_space<vmem>>
    %dma_start3A_787 = arith.constant 16 : i32
    %dma_start3A_788 = tpu.memref_slice %arg4[%dma_start3A_787, %multiple_of3A_688] : memref<32x1000000xf32, #tpu.memory_space<hbm>> -> memref<8x128xf32, #tpu.memory_space<hbm>>
    tpu.enqueue_dma source(%dma_start3A_788 : memref<8x128xf32, #tpu.memory_space<hbm>>) target(%dma_start3A_786 : memref<8x128xf32, #tpu.memory_space<vmem>>) target_semaphore(%arg12 : memref<!tpu.dma_semaphore, #tpu.memory_space<semaphore_mem>>)
    %dma_start3A_789 = arith.constant 4 : i32
    %dma_start3A_790 = arith.constant 0 : i32
    %dma_start3A_791 = arith.constant 0 : i32
    %dma_start3A_792 = tpu.memref_slice %arg10[%dma_start3A_789, %dma_start3A_790, %dma_start3A_791] : memref<8x32x128xf32, #tpu.memory_space<vmem>> -> memref<1x32x128xf32, #tpu.memory_space<vmem>>
    %dma_start3A_793 = tpu.memref_squeeze %dma_start3A_792 : memref<1x32x128xf32, #tpu.memory_space<vmem>> -> memref<32x128xf32, #tpu.memory_space<vmem>>
    %dma_start3A_794 = arith.constant 16 : i32
    %dma_start3A_795 = arith.constant 0 : i32
    %dma_start3A_796 = tpu.memref_slice %dma_start3A_793[%dma_start3A_794, %dma_start3A_795] : memref<32x128xf32, #tpu.memory_space<vmem>> -> memref<8x128xf32, #tpu.memory_space<vmem>>
    %dma_start3A_797 = arith.constant 16 : i32
    %dma_start3A_798 = tpu.memref_slice %arg5[%dma_start3A_797, %multiple_of3A_693] : memref<32x1000000xf32, #tpu.memory_space<hbm>> -> memref<8x128xf32, #tpu.memory_space<hbm>>
    %dma_start3A_799 = arith.constant 0 : i32
    %dma_start3A_800 = arith.constant 0 : i32
    %dma_start3A_801 = tpu.memref_slice %arg10[%dma_start3A_789, %dma_start3A_799, %dma_start3A_800] : memref<8x32x128xf32, #tpu.memory_space<vmem>> -> memref<1x32x128xf32, #tpu.memory_space<vmem>>
    %dma_start3A_802 = tpu.memref_squeeze %dma_start3A_801 : memref<1x32x128xf32, #tpu.memory_space<vmem>> -> memref<32x128xf32, #tpu.memory_space<vmem>>
    %dma_start3A_803 = arith.constant 16 : i32
    %dma_start3A_804 = arith.constant 0 : i32
    %dma_start3A_805 = tpu.memref_slice %dma_start3A_802[%dma_start3A_803, %dma_start3A_804] : memref<32x128xf32, #tpu.memory_space<vmem>> -> memref<8x128xf32, #tpu.memory_space<vmem>>
    %dma_start3A_806 = arith.constant 16 : i32
    %dma_start3A_807 = tpu.memref_slice %arg5[%dma_start3A_806, %multiple_of3A_693] : memref<32x1000000xf32, #tpu.memory_space<hbm>> -> memref<8x128xf32, #tpu.memory_space<hbm>>
    tpu.enqueue_dma source(%dma_start3A_807 : memref<8x128xf32, #tpu.memory_space<hbm>>) target(%dma_start3A_805 : memref<8x128xf32, #tpu.memory_space<vmem>>) target_semaphore(%arg12 : memref<!tpu.dma_semaphore, #tpu.memory_space<semaphore_mem>>)
    %dma_start3A_808 = arith.constant 4 : i32
    %dma_start3A_809 = arith.constant 0 : i32
    %dma_start3A_810 = arith.constant 0 : i32
    %dma_start3A_811 = tpu.memref_slice %arg9[%dma_start3A_808, %dma_start3A_809, %dma_start3A_810] : memref<8x32x128xf32, #tpu.memory_space<vmem>> -> memref<1x32x128xf32, #tpu.memory_space<vmem>>
    %dma_start3A_812 = tpu.memref_squeeze %dma_start3A_811 : memref<1x32x128xf32, #tpu.memory_space<vmem>> -> memref<32x128xf32, #tpu.memory_space<vmem>>
    %dma_start3A_813 = arith.constant 24 : i32
    %dma_start3A_814 = arith.constant 0 : i32
    %dma_start3A_815 = tpu.memref_slice %dma_start3A_812[%dma_start3A_813, %dma_start3A_814] : memref<32x128xf32, #tpu.memory_space<vmem>> -> memref<8x128xf32, #tpu.memory_space<vmem>>
    %dma_start3A_816 = arith.constant 24 : i32
    %dma_start3A_817 = tpu.memref_slice %arg4[%dma_start3A_816, %multiple_of3A_688] : memref<32x1000000xf32, #tpu.memory_space<hbm>> -> memref<8x128xf32, #tpu.memory_space<hbm>>
    %dma_start3A_818 = arith.constant 0 : i32
    %dma_start3A_819 = arith.constant 0 : i32
    %dma_start3A_820 = tpu.memref_slice %arg9[%dma_start3A_808, %dma_start3A_818, %dma_start3A_819] : memref<8x32x128xf32, #tpu.memory_space<vmem>> -> memref<1x32x128xf32, #tpu.memory_space<vmem>>
    %dma_start3A_821 = tpu.memref_squeeze %dma_start3A_820 : memref<1x32x128xf32, #tpu.memory_space<vmem>> -> memref<32x128xf32, #tpu.memory_space<vmem>>
    %dma_start3A_822 = arith.constant 24 : i32
    %dma_start3A_823 = arith.constant 0 : i32
    %dma_start3A_824 = tpu.memref_slice %dma_start3A_821[%dma_start3A_822, %dma_start3A_823] : memref<32x128xf32, #tpu.memory_space<vmem>> -> memref<8x128xf32, #tpu.memory_space<vmem>>
    %dma_start3A_825 = arith.constant 24 : i32
    %dma_start3A_826 = tpu.memref_slice %arg4[%dma_start3A_825, %multiple_of3A_688] : memref<32x1000000xf32, #tpu.memory_space<hbm>> -> memref<8x128xf32, #tpu.memory_space<hbm>>
    tpu.enqueue_dma source(%dma_start3A_826 : memref<8x128xf32, #tpu.memory_space<hbm>>) target(%dma_start3A_824 : memref<8x128xf32, #tpu.memory_space<vmem>>) target_semaphore(%arg12 : memref<!tpu.dma_semaphore, #tpu.memory_space<semaphore_mem>>)
    %dma_start3A_827 = arith.constant 4 : i32
    %dma_start3A_828 = arith.constant 0 : i32
    %dma_start3A_829 = arith.constant 0 : i32
    %dma_start3A_830 = tpu.memref_slice %arg10[%dma_start3A_827, %dma_start3A_828, %dma_start3A_829] : memref<8x32x128xf32, #tpu.memory_space<vmem>> -> memref<1x32x128xf32, #tpu.memory_space<vmem>>
    %dma_start3A_831 = tpu.memref_squeeze %dma_start3A_830 : memref<1x32x128xf32, #tpu.memory_space<vmem>> -> memref<32x128xf32, #tpu.memory_space<vmem>>
    %dma_start3A_832 = arith.constant 24 : i32
    %dma_start3A_833 = arith.constant 0 : i32
    %dma_start3A_834 = tpu.memref_slice %dma_start3A_831[%dma_start3A_832, %dma_start3A_833] : memref<32x128xf32, #tpu.memory_space<vmem>> -> memref<8x128xf32, #tpu.memory_space<vmem>>
    %dma_start3A_835 = arith.constant 24 : i32
    %dma_start3A_836 = tpu.memref_slice %arg5[%dma_start3A_835, %multiple_of3A_693] : memref<32x1000000xf32, #tpu.memory_space<hbm>> -> memref<8x128xf32, #tpu.memory_space<hbm>>
    %dma_start3A_837 = arith.constant 0 : i32
    %dma_start3A_838 = arith.constant 0 : i32
    %dma_start3A_839 = tpu.memref_slice %arg10[%dma_start3A_827, %dma_start3A_837, %dma_start3A_838] : memref<8x32x128xf32, #tpu.memory_space<vmem>> -> memref<1x32x128xf32, #tpu.memory_space<vmem>>
    %dma_start3A_840 = tpu.memref_squeeze %dma_start3A_839 : memref<1x32x128xf32, #tpu.memory_space<vmem>> -> memref<32x128xf32, #tpu.memory_space<vmem>>
    %dma_start3A_841 = arith.constant 24 : i32
    %dma_start3A_842 = arith.constant 0 : i32
    %dma_start3A_843 = tpu.memref_slice %dma_start3A_840[%dma_start3A_841, %dma_start3A_842] : memref<32x128xf32, #tpu.memory_space<vmem>> -> memref<8x128xf32, #tpu.memory_space<vmem>>
    %dma_start3A_844 = arith.constant 24 : i32
    %dma_start3A_845 = tpu.memref_slice %arg5[%dma_start3A_844, %multiple_of3A_693] : memref<32x1000000xf32, #tpu.memory_space<hbm>> -> memref<8x128xf32, #tpu.memory_space<hbm>>
    tpu.enqueue_dma source(%dma_start3A_845 : memref<8x128xf32, #tpu.memory_space<hbm>>) target(%dma_start3A_843 : memref<8x128xf32, #tpu.memory_space<vmem>>) target_semaphore(%arg12 : memref<!tpu.dma_semaphore, #tpu.memory_space<semaphore_mem>>)
    %get3A_846 = arith.constant 5 : index
    %get3A_847 = tpu.vector_load %arg7[%get3A_846] {strides = array<i32>} : memref<528xi32, #tpu.memory_space<vmem>>, vector<16xi32>,
    %slice3A_848 = vector.extract_strided_slice %get3A_847 {offsets = [0], sizes = [1], strides = [1]} : vector<16xi32> to vector<1xi32>
    %squeeze3A_849 = vector.extract %slice3A_848[0] : i32 from vector<1xi32>
    %get3A_850 = arith.constant 5 : index
    %get3A_851 = tpu.vector_load %arg8[%get3A_850] {strides = array<i32>} : memref<528xi32, #tpu.memory_space<vmem>>, vector<16xi32>,
    %slice3A_852 = vector.extract_strided_slice %get3A_851 {offsets = [0], sizes = [1], strides = [1]} : vector<16xi32> to vector<1xi32>
    %squeeze3A_853 = vector.extract %slice3A_852[0] : i32 from vector<1xi32>
    %shift_right_arithmetic3A_854 = arith.constant 7 : i32
    %shift_right_arithmetic3A_855 = arith.shrsi %squeeze3A_849, %shift_right_arithmetic3A_854 : i32
    %shift_left3A_856 = arith.constant 7 : i32
    %shift_left3A_857 = arith.shli %shift_right_arithmetic3A_855, %shift_left3A_856 : i32
    %multiple_of3A_858 = tpu.assume_multiple %shift_left3A_857, 128 : i32
    %shift_right_arithmetic3A_859 = arith.constant 7 : i32
    %shift_right_arithmetic3A_860 = arith.shrsi %squeeze3A_853, %shift_right_arithmetic3A_859 : i32
    %shift_left3A_861 = arith.constant 7 : i32
    %shift_left3A_862 = arith.shli %shift_right_arithmetic3A_860, %shift_left3A_861 : i32
    %multiple_of3A_863 = tpu.assume_multiple %shift_left3A_862, 128 : i32
    %dma_start3A_864 = arith.constant 5 : i32
    %dma_start3A_865 = arith.constant 0 : i32
    %dma_start3A_866 = arith.constant 0 : i32
    %dma_start3A_867 = tpu.memref_slice %arg9[%dma_start3A_864, %dma_start3A_865, %dma_start3A_866] : memref<8x32x128xf32, #tpu.memory_space<vmem>> -> memref<1x32x128xf32, #tpu.memory_space<vmem>>
    %dma_start3A_868 = tpu.memref_squeeze %dma_start3A_867 : memref<1x32x128xf32, #tpu.memory_space<vmem>> -> memref<32x128xf32, #tpu.memory_space<vmem>>
    %dma_start3A_869 = arith.constant 0 : i32
    %dma_start3A_870 = arith.constant 0 : i32
    %dma_start3A_871 = tpu.memref_slice %dma_start3A_868[%dma_start3A_869, %dma_start3A_870] : memref<32x128xf32, #tpu.memory_space<vmem>> -> memref<8x128xf32, #tpu.memory_space<vmem>>
    %dma_start3A_872 = arith.constant 0 : i32
    %dma_start3A_873 = tpu.memref_slice %arg4[%dma_start3A_872, %multiple_of3A_858] : memref<32x1000000xf32, #tpu.memory_space<hbm>> -> memref<8x128xf32, #tpu.memory_space<hbm>>
    %dma_start3A_874 = arith.constant 0 : i32
    %dma_start3A_875 = arith.constant 0 : i32
    %dma_start3A_876 = tpu.memref_slice %arg9[%dma_start3A_864, %dma_start3A_874, %dma_start3A_875] : memref<8x32x128xf32, #tpu.memory_space<vmem>> -> memref<1x32x128xf32, #tpu.memory_space<vmem>>
    %dma_start3A_877 = tpu.memref_squeeze %dma_start3A_876 : memref<1x32x128xf32, #tpu.memory_space<vmem>> -> memref<32x128xf32, #tpu.memory_space<vmem>>
    %dma_start3A_878 = arith.constant 0 : i32
    %dma_start3A_879 = arith.constant 0 : i32
    %dma_start3A_880 = tpu.memref_slice %dma_start3A_877[%dma_start3A_878, %dma_start3A_879] : memref<32x128xf32, #tpu.memory_space<vmem>> -> memref<8x128xf32, #tpu.memory_space<vmem>>
    %dma_start3A_881 = arith.constant 0 : i32
    %dma_start3A_882 = tpu.memref_slice %arg4[%dma_start3A_881, %multiple_of3A_858] : memref<32x1000000xf32, #tpu.memory_space<hbm>> -> memref<8x128xf32, #tpu.memory_space<hbm>>
    tpu.enqueue_dma source(%dma_start3A_882 : memref<8x128xf32, #tpu.memory_space<hbm>>) target(%dma_start3A_880 : memref<8x128xf32, #tpu.memory_space<vmem>>) target_semaphore(%arg12 : memref<!tpu.dma_semaphore, #tpu.memory_space<semaphore_mem>>)
    %dma_start3A_883 = arith.constant 5 : i32
    %dma_start3A_884 = arith.constant 0 : i32
    %dma_start3A_885 = arith.constant 0 : i32
    %dma_start3A_886 = tpu.memref_slice %arg10[%dma_start3A_883, %dma_start3A_884, %dma_start3A_885] : memref<8x32x128xf32, #tpu.memory_space<vmem>> -> memref<1x32x128xf32, #tpu.memory_space<vmem>>
    %dma_start3A_887 = tpu.memref_squeeze %dma_start3A_886 : memref<1x32x128xf32, #tpu.memory_space<vmem>> -> memref<32x128xf32, #tpu.memory_space<vmem>>
    %dma_start3A_888 = arith.constant 0 : i32
    %dma_start3A_889 = arith.constant 0 : i32
    %dma_start3A_890 = tpu.memref_slice %dma_start3A_887[%dma_start3A_888, %dma_start3A_889] : memref<32x128xf32, #tpu.memory_space<vmem>> -> memref<8x128xf32, #tpu.memory_space<vmem>>
    %dma_start3A_891 = arith.constant 0 : i32
    %dma_start3A_892 = tpu.memref_slice %arg5[%dma_start3A_891, %multiple_of3A_863] : memref<32x1000000xf32, #tpu.memory_space<hbm>> -> memref<8x128xf32, #tpu.memory_space<hbm>>
    %dma_start3A_893 = arith.constant 0 : i32
    %dma_start3A_894 = arith.constant 0 : i32
    %dma_start3A_895 = tpu.memref_slice %arg10[%dma_start3A_883, %dma_start3A_893, %dma_start3A_894] : memref<8x32x128xf32, #tpu.memory_space<vmem>> -> memref<1x32x128xf32, #tpu.memory_space<vmem>>
    %dma_start3A_896 = tpu.memref_squeeze %dma_start3A_895 : memref<1x32x128xf32, #tpu.memory_space<vmem>> -> memref<32x128xf32, #tpu.memory_space<vmem>>
    %dma_start3A_897 = arith.constant 0 : i32
    %dma_start3A_898 = arith.constant 0 : i32
    %dma_start3A_899 = tpu.memref_slice %dma_start3A_896[%dma_start3A_897, %dma_start3A_898] : memref<32x128xf32, #tpu.memory_space<vmem>> -> memref<8x128xf32, #tpu.memory_space<vmem>>
    %dma_start3A_900 = arith.constant 0 : i32
    %dma_start3A_901 = tpu.memref_slice %arg5[%dma_start3A_900, %multiple_of3A_863] : memref<32x1000000xf32, #tpu.memory_space<hbm>> -> memref<8x128xf32, #tpu.memory_space<hbm>>
    tpu.enqueue_dma source(%dma_start3A_901 : memref<8x128xf32, #tpu.memory_space<hbm>>) target(%dma_start3A_899 : memref<8x128xf32, #tpu.memory_space<vmem>>) target_semaphore(%arg12 : memref<!tpu.dma_semaphore, #tpu.memory_space<semaphore_mem>>)
    %dma_start3A_902 = arith.constant 5 : i32
    %dma_start3A_903 = arith.constant 0 : i32
    %dma_start3A_904 = arith.constant 0 : i32
    %dma_start3A_905 = tpu.memref_slice %arg9[%dma_start3A_902, %dma_start3A_903, %dma_start3A_904] : memref<8x32x128xf32, #tpu.memory_space<vmem>> -> memref<1x32x128xf32, #tpu.memory_space<vmem>>
    %dma_start3A_906 = tpu.memref_squeeze %dma_start3A_905 : memref<1x32x128xf32, #tpu.memory_space<vmem>> -> memref<32x128xf32, #tpu.memory_space<vmem>>
    %dma_start3A_907 = arith.constant 8 : i32
    %dma_start3A_908 = arith.constant 0 : i32
    %dma_start3A_909 = tpu.memref_slice %dma_start3A_906[%dma_start3A_907, %dma_start3A_908] : memref<32x128xf32, #tpu.memory_space<vmem>> -> memref<8x128xf32, #tpu.memory_space<vmem>>
    %dma_start3A_910 = arith.constant 8 : i32
    %dma_start3A_911 = tpu.memref_slice %arg4[%dma_start3A_910, %multiple_of3A_858] : memref<32x1000000xf32, #tpu.memory_space<hbm>> -> memref<8x128xf32, #tpu.memory_space<hbm>>
    %dma_start3A_912 = arith.constant 0 : i32
    %dma_start3A_913 = arith.constant 0 : i32
    %dma_start3A_914 = tpu.memref_slice %arg9[%dma_start3A_902, %dma_start3A_912, %dma_start3A_913] : memref<8x32x128xf32, #tpu.memory_space<vmem>> -> memref<1x32x128xf32, #tpu.memory_space<vmem>>
    %dma_start3A_915 = tpu.memref_squeeze %dma_start3A_914 : memref<1x32x128xf32, #tpu.memory_space<vmem>> -> memref<32x128xf32, #tpu.memory_space<vmem>>
    %dma_start3A_916 = arith.constant 8 : i32
    %dma_start3A_917 = arith.constant 0 : i32
    %dma_start3A_918 = tpu.memref_slice %dma_start3A_915[%dma_start3A_916, %dma_start3A_917] : memref<32x128xf32, #tpu.memory_space<vmem>> -> memref<8x128xf32, #tpu.memory_space<vmem>>
    %dma_start3A_919 = arith.constant 8 : i32
    %dma_start3A_920 = tpu.memref_slice %arg4[%dma_start3A_919, %multiple_of3A_858] : memref<32x1000000xf32, #tpu.memory_space<hbm>> -> memref<8x128xf32, #tpu.memory_space<hbm>>
    tpu.enqueue_dma source(%dma_start3A_920 : memref<8x128xf32, #tpu.memory_space<hbm>>) target(%dma_start3A_918 : memref<8x128xf32, #tpu.memory_space<vmem>>) target_semaphore(%arg12 : memref<!tpu.dma_semaphore, #tpu.memory_space<semaphore_mem>>)
    %dma_start3A_921 = arith.constant 5 : i32
    %dma_start3A_922 = arith.constant 0 : i32
    %dma_start3A_923 = arith.constant 0 : i32
    %dma_start3A_924 = tpu.memref_slice %arg10[%dma_start3A_921, %dma_start3A_922, %dma_start3A_923] : memref<8x32x128xf32, #tpu.memory_space<vmem>> -> memref<1x32x128xf32, #tpu.memory_space<vmem>>
    %dma_start3A_925 = tpu.memref_squeeze %dma_start3A_924 : memref<1x32x128xf32, #tpu.memory_space<vmem>> -> memref<32x128xf32, #tpu.memory_space<vmem>>
    %dma_start3A_926 = arith.constant 8 : i32
    %dma_start3A_927 = arith.constant 0 : i32
    %dma_start3A_928 = tpu.memref_slice %dma_start3A_925[%dma_start3A_926, %dma_start3A_927] : memref<32x128xf32, #tpu.memory_space<vmem>> -> memref<8x128xf32, #tpu.memory_space<vmem>>
    %dma_start3A_929 = arith.constant 8 : i32
    %dma_start3A_930 = tpu.memref_slice %arg5[%dma_start3A_929, %multiple_of3A_863] : memref<32x1000000xf32, #tpu.memory_space<hbm>> -> memref<8x128xf32, #tpu.memory_space<hbm>>
    %dma_start3A_931 = arith.constant 0 : i32
    %dma_start3A_932 = arith.constant 0 : i32
    %dma_start3A_933 = tpu.memref_slice %arg10[%dma_start3A_921, %dma_start3A_931, %dma_start3A_932] : memref<8x32x128xf32, #tpu.memory_space<vmem>> -> memref<1x32x128xf32, #tpu.memory_space<vmem>>
    %dma_start3A_934 = tpu.memref_squeeze %dma_start3A_933 : memref<1x32x128xf32, #tpu.memory_space<vmem>> -> memref<32x128xf32, #tpu.memory_space<vmem>>
    %dma_start3A_935 = arith.constant 8 : i32
    %dma_start3A_936 = arith.constant 0 : i32
    %dma_start3A_937 = tpu.memref_slice %dma_start3A_934[%dma_start3A_935, %dma_start3A_936] : memref<32x128xf32, #tpu.memory_space<vmem>> -> memref<8x128xf32, #tpu.memory_space<vmem>>
    %dma_start3A_938 = arith.constant 8 : i32
    %dma_start3A_939 = tpu.memref_slice %arg5[%dma_start3A_938, %multiple_of3A_863] : memref<32x1000000xf32, #tpu.memory_space<hbm>> -> memref<8x128xf32, #tpu.memory_space<hbm>>
    tpu.enqueue_dma source(%dma_start3A_939 : memref<8x128xf32, #tpu.memory_space<hbm>>) target(%dma_start3A_937 : memref<8x128xf32, #tpu.memory_space<vmem>>) target_semaphore(%arg12 : memref<!tpu.dma_semaphore, #tpu.memory_space<semaphore_mem>>)
    %dma_start3A_940 = arith.constant 5 : i32
    %dma_start3A_941 = arith.constant 0 : i32
    %dma_start3A_942 = arith.constant 0 : i32
    %dma_start3A_943 = tpu.memref_slice %arg9[%dma_start3A_940, %dma_start3A_941, %dma_start3A_942] : memref<8x32x128xf32, #tpu.memory_space<vmem>> -> memref<1x32x128xf32, #tpu.memory_space<vmem>>
    %dma_start3A_944 = tpu.memref_squeeze %dma_start3A_943 : memref<1x32x128xf32, #tpu.memory_space<vmem>> -> memref<32x128xf32, #tpu.memory_space<vmem>>
    %dma_start3A_945 = arith.constant 16 : i32
    %dma_start3A_946 = arith.constant 0 : i32
    %dma_start3A_947 = tpu.memref_slice %dma_start3A_944[%dma_start3A_945, %dma_start3A_946] : memref<32x128xf32, #tpu.memory_space<vmem>> -> memref<8x128xf32, #tpu.memory_space<vmem>>
    %dma_start3A_948 = arith.constant 16 : i32
    %dma_start3A_949 = tpu.memref_slice %arg4[%dma_start3A_948, %multiple_of3A_858] : memref<32x1000000xf32, #tpu.memory_space<hbm>> -> memref<8x128xf32, #tpu.memory_space<hbm>>
    %dma_start3A_950 = arith.constant 0 : i32
    %dma_start3A_951 = arith.constant 0 : i32
    %dma_start3A_952 = tpu.memref_slice %arg9[%dma_start3A_940, %dma_start3A_950, %dma_start3A_951] : memref<8x32x128xf32, #tpu.memory_space<vmem>> -> memref<1x32x128xf32, #tpu.memory_space<vmem>>
    %dma_start3A_953 = tpu.memref_squeeze %dma_start3A_952 : memref<1x32x128xf32, #tpu.memory_space<vmem>> -> memref<32x128xf32, #tpu.memory_space<vmem>>
    %dma_start3A_954 = arith.constant 16 : i32
    %dma_start3A_955 = arith.constant 0 : i32
    %dma_start3A_956 = tpu.memref_slice %dma_start3A_953[%dma_start3A_954, %dma_start3A_955] : memref<32x128xf32, #tpu.memory_space<vmem>> -> memref<8x128xf32, #tpu.memory_space<vmem>>
    %dma_start3A_957 = arith.constant 16 : i32
    %dma_start3A_958 = tpu.memref_slice %arg4[%dma_start3A_957, %multiple_of3A_858] : memref<32x1000000xf32, #tpu.memory_space<hbm>> -> memref<8x128xf32, #tpu.memory_space<hbm>>
    tpu.enqueue_dma source(%dma_start3A_958 : memref<8x128xf32, #tpu.memory_space<hbm>>) target(%dma_start3A_956 : memref<8x128xf32, #tpu.memory_space<vmem>>) target_semaphore(%arg12 : memref<!tpu.dma_semaphore, #tpu.memory_space<semaphore_mem>>)
    %dma_start3A_959 = arith.constant 5 : i32
    %dma_start3A_960 = arith.constant 0 : i32
    %dma_start3A_961 = arith.constant 0 : i32
    %dma_start3A_962 = tpu.memref_slice %arg10[%dma_start3A_959, %dma_start3A_960, %dma_start3A_961] : memref<8x32x128xf32, #tpu.memory_space<vmem>> -> memref<1x32x128xf32, #tpu.memory_space<vmem>>
    %dma_start3A_963 = tpu.memref_squeeze %dma_start3A_962 : memref<1x32x128xf32, #tpu.memory_space<vmem>> -> memref<32x128xf32, #tpu.memory_space<vmem>>
    %dma_start3A_964 = arith.constant 16 : i32
    %dma_start3A_965 = arith.constant 0 : i32
    %dma_start3A_966 = tpu.memref_slice %dma_start3A_963[%dma_start3A_964, %dma_start3A_965] : memref<32x128xf32, #tpu.memory_space<vmem>> -> memref<8x128xf32, #tpu.memory_space<vmem>>
    %dma_start3A_967 = arith.constant 16 : i32
    %dma_start3A_968 = tpu.memref_slice %arg5[%dma_start3A_967, %multiple_of3A_863] : memref<32x1000000xf32, #tpu.memory_space<hbm>> -> memref<8x128xf32, #tpu.memory_space<hbm>>
    %dma_start3A_969 = arith.constant 0 : i32
    %dma_start3A_970 = arith.constant 0 : i32
    %dma_start3A_971 = tpu.memref_slice %arg10[%dma_start3A_959, %dma_start3A_969, %dma_start3A_970] : memref<8x32x128xf32, #tpu.memory_space<vmem>> -> memref<1x32x128xf32, #tpu.memory_space<vmem>>
    %dma_start3A_972 = tpu.memref_squeeze %dma_start3A_971 : memref<1x32x128xf32, #tpu.memory_space<vmem>> -> memref<32x128xf32, #tpu.memory_space<vmem>>
    %dma_start3A_973 = arith.constant 16 : i32
    %dma_start3A_974 = arith.constant 0 : i32
    %dma_start3A_975 = tpu.memref_slice %dma_start3A_972[%dma_start3A_973, %dma_start3A_974] : memref<32x128xf32, #tpu.memory_space<vmem>> -> memref<8x128xf32, #tpu.memory_space<vmem>>
    %dma_start3A_976 = arith.constant 16 : i32
    %dma_start3A_977 = tpu.memref_slice %arg5[%dma_start3A_976, %multiple_of3A_863] : memref<32x1000000xf32, #tpu.memory_space<hbm>> -> memref<8x128xf32, #tpu.memory_space<hbm>>
    tpu.enqueue_dma source(%dma_start3A_977 : memref<8x128xf32, #tpu.memory_space<hbm>>) target(%dma_start3A_975 : memref<8x128xf32, #tpu.memory_space<vmem>>) target_semaphore(%arg12 : memref<!tpu.dma_semaphore, #tpu.memory_space<semaphore_mem>>)
    %dma_start3A_978 = arith.constant 5 : i32
    %dma_start3A_979 = arith.constant 0 : i32
    %dma_start3A_980 = arith.constant 0 : i32
    %dma_start3A_981 = tpu.memref_slice %arg9[%dma_start3A_978, %dma_start3A_979, %dma_start3A_980] : memref<8x32x128xf32, #tpu.memory_space<vmem>> -> memref<1x32x128xf32, #tpu.memory_space<vmem>>
    %dma_start3A_982 = tpu.memref_squeeze %dma_start3A_981 : memref<1x32x128xf32, #tpu.memory_space<vmem>> -> memref<32x128xf32, #tpu.memory_space<vmem>>
    %dma_start3A_983 = arith.constant 24 : i32
    %dma_start3A_984 = arith.constant 0 : i32
    %dma_start3A_985 = tpu.memref_slice %dma_start3A_982[%dma_start3A_983, %dma_start3A_984] : memref<32x128xf32, #tpu.memory_space<vmem>> -> memref<8x128xf32, #tpu.memory_space<vmem>>
    %dma_start3A_986 = arith.constant 24 : i32
    %dma_start3A_987 = tpu.memref_slice %arg4[%dma_start3A_986, %multiple_of3A_858] : memref<32x1000000xf32, #tpu.memory_space<hbm>> -> memref<8x128xf32, #tpu.memory_space<hbm>>
    %dma_start3A_988 = arith.constant 0 : i32
    %dma_start3A_989 = arith.constant 0 : i32
    %dma_start3A_990 = tpu.memref_slice %arg9[%dma_start3A_978, %dma_start3A_988, %dma_start3A_989] : memref<8x32x128xf32, #tpu.memory_space<vmem>> -> memref<1x32x128xf32, #tpu.memory_space<vmem>>
    %dma_start3A_991 = tpu.memref_squeeze %dma_start3A_990 : memref<1x32x128xf32, #tpu.memory_space<vmem>> -> memref<32x128xf32, #tpu.memory_space<vmem>>
    %dma_start3A_992 = arith.constant 24 : i32
    %dma_start3A_993 = arith.constant 0 : i32
    %dma_start3A_994 = tpu.memref_slice %dma_start3A_991[%dma_start3A_992, %dma_start3A_993] : memref<32x128xf32, #tpu.memory_space<vmem>> -> memref<8x128xf32, #tpu.memory_space<vmem>>
    %dma_start3A_995 = arith.constant 24 : i32
    %dma_start3A_996 = tpu.memref_slice %arg4[%dma_start3A_995, %multiple_of3A_858] : memref<32x1000000xf32, #tpu.memory_space<hbm>> -> memref<8x128xf32, #tpu.memory_space<hbm>>
    tpu.enqueue_dma source(%dma_start3A_996 : memref<8x128xf32, #tpu.memory_space<hbm>>) target(%dma_start3A_994 : memref<8x128xf32, #tpu.memory_space<vmem>>) target_semaphore(%arg12 : memref<!tpu.dma_semaphore, #tpu.memory_space<semaphore_mem>>)
    %dma_start3A_997 = arith.constant 5 : i32
    %dma_start3A_998 = arith.constant 0 : i32
    %dma_start3A_999 = arith.constant 0 : i32
    %dma_start3A_1000 = tpu.memref_slice %arg10[%dma_start3A_997, %dma_start3A_998, %dma_start3A_999] : memref<8x32x128xf32, #tpu.memory_space<vmem>> -> memref<1x32x128xf32, #tpu.memory_space<vmem>>
    %dma_start3A_1001 = tpu.memref_squeeze %dma_start3A_1000 : memref<1x32x128xf32, #tpu.memory_space<vmem>> -> memref<32x128xf32, #tpu.memory_space<vmem>>
    %dma_start3A_1002 = arith.constant 24 : i32
    %dma_start3A_1003 = arith.constant 0 : i32
    %dma_start3A_1004 = tpu.memref_slice %dma_start3A_1001[%dma_start3A_1002, %dma_start3A_1003] : memref<32x128xf32, #tpu.memory_space<vmem>> -> memref<8x128xf32, #tpu.memory_space<vmem>>
    %dma_start3A_1005 = arith.constant 24 : i32
    %dma_start3A_1006 = tpu.memref_slice %arg5[%dma_start3A_1005, %multiple_of3A_863] : memref<32x1000000xf32, #tpu.memory_space<hbm>> -> memref<8x128xf32, #tpu.memory_space<hbm>>
    %dma_start3A_1007 = arith.constant 0 : i32
    %dma_start3A_1008 = arith.constant 0 : i32
    %dma_start3A_1009 = tpu.memref_slice %arg10[%dma_start3A_997, %dma_start3A_1007, %dma_start3A_1008] : memref<8x32x128xf32, #tpu.memory_space<vmem>> -> memref<1x32x128xf32, #tpu.memory_space<vmem>>
    %dma_start3A_1010 = tpu.memref_squeeze %dma_start3A_1009 : memref<1x32x128xf32, #tpu.memory_space<vmem>> -> memref<32x128xf32, #tpu.memory_space<vmem>>
    %dma_start3A_1011 = arith.constant 24 : i32
    %dma_start3A_1012 = arith.constant 0 : i32
    %dma_start3A_1013 = tpu.memref_slice %dma_start3A_1010[%dma_start3A_1011, %dma_start3A_1012] : memref<32x128xf32, #tpu.memory_space<vmem>> -> memref<8x128xf32, #tpu.memory_space<vmem>>
    %dma_start3A_1014 = arith.constant 24 : i32
    %dma_start3A_1015 = tpu.memref_slice %arg5[%dma_start3A_1014, %multiple_of3A_863] : memref<32x1000000xf32, #tpu.memory_space<hbm>> -> memref<8x128xf32, #tpu.memory_space<hbm>>
    tpu.enqueue_dma source(%dma_start3A_1015 : memref<8x128xf32, #tpu.memory_space<hbm>>) target(%dma_start3A_1013 : memref<8x128xf32, #tpu.memory_space<vmem>>) target_semaphore(%arg12 : memref<!tpu.dma_semaphore, #tpu.memory_space<semaphore_mem>>)
    %get3A_1016 = arith.constant 6 : index
    %get3A_1017 = tpu.vector_load %arg7[%get3A_1016] {strides = array<i32>} : memref<528xi32, #tpu.memory_space<vmem>>, vector<16xi32>,
    %slice3A_1018 = vector.extract_strided_slice %get3A_1017 {offsets = [0], sizes = [1], strides = [1]} : vector<16xi32> to vector<1xi32>
    %squeeze3A_1019 = vector.extract %slice3A_1018[0] : i32 from vector<1xi32>
    %get3A_1020 = arith.constant 6 : index
    %get3A_1021 = tpu.vector_load %arg8[%get3A_1020] {strides = array<i32>} : memref<528xi32, #tpu.memory_space<vmem>>, vector<16xi32>,
    %slice3A_1022 = vector.extract_strided_slice %get3A_1021 {offsets = [0], sizes = [1], strides = [1]} : vector<16xi32> to vector<1xi32>
    %squeeze3A_1023 = vector.extract %slice3A_1022[0] : i32 from vector<1xi32>
    %shift_right_arithmetic3A_1024 = arith.constant 7 : i32
    %shift_right_arithmetic3A_1025 = arith.shrsi %squeeze3A_1019, %shift_right_arithmetic3A_1024 : i32
    %shift_left3A_1026 = arith.constant 7 : i32
    %shift_left3A_1027 = arith.shli %shift_right_arithmetic3A_1025, %shift_left3A_1026 : i32
    %multiple_of3A_1028 = tpu.assume_multiple %shift_left3A_1027, 128 : i32
    %shift_right_arithmetic3A_1029 = arith.constant 7 : i32
    %shift_right_arithmetic3A_1030 = arith.shrsi %squeeze3A_1023, %shift_right_arithmetic3A_1029 : i32
    %shift_left3A_1031 = arith.constant 7 : i32
    %shift_left3A_1032 = arith.shli %shift_right_arithmetic3A_1030, %shift_left3A_1031 : i32
    %multiple_of3A_1033 = tpu.assume_multiple %shift_left3A_1032, 128 : i32
    %dma_start3A_1034 = arith.constant 6 : i32
    %dma_start3A_1035 = arith.constant 0 : i32
    %dma_start3A_1036 = arith.constant 0 : i32
    %dma_start3A_1037 = tpu.memref_slice %arg9[%dma_start3A_1034, %dma_start3A_1035, %dma_start3A_1036] : memref<8x32x128xf32, #tpu.memory_space<vmem>> -> memref<1x32x128xf32, #tpu.memory_space<vmem>>
    %dma_start3A_1038 = tpu.memref_squeeze %dma_start3A_1037 : memref<1x32x128xf32, #tpu.memory_space<vmem>> -> memref<32x128xf32, #tpu.memory_space<vmem>>
    %dma_start3A_1039 = arith.constant 0 : i32
    %dma_start3A_1040 = arith.constant 0 : i32
    %dma_start3A_1041 = tpu.memref_slice %dma_start3A_1038[%dma_start3A_1039, %dma_start3A_1040] : memref<32x128xf32, #tpu.memory_space<vmem>> -> memref<8x128xf32, #tpu.memory_space<vmem>>
    %dma_start3A_1042 = arith.constant 0 : i32
    %dma_start3A_1043 = tpu.memref_slice %arg4[%dma_start3A_1042, %multiple_of3A_1028] : memref<32x1000000xf32, #tpu.memory_space<hbm>> -> memref<8x128xf32, #tpu.memory_space<hbm>>
    %dma_start3A_1044 = arith.constant 0 : i32
    %dma_start3A_1045 = arith.constant 0 : i32
    %dma_start3A_1046 = tpu.memref_slice %arg9[%dma_start3A_1034, %dma_start3A_1044, %dma_start3A_1045] : memref<8x32x128xf32, #tpu.memory_space<vmem>> -> memref<1x32x128xf32, #tpu.memory_space<vmem>>
    %dma_start3A_1047 = tpu.memref_squeeze %dma_start3A_1046 : memref<1x32x128xf32, #tpu.memory_space<vmem>> -> memref<32x128xf32, #tpu.memory_space<vmem>>
    %dma_start3A_1048 = arith.constant 0 : i32
    %dma_start3A_1049 = arith.constant 0 : i32
    %dma_start3A_1050 = tpu.memref_slice %dma_start3A_1047[%dma_start3A_1048, %dma_start3A_1049] : memref<32x128xf32, #tpu.memory_space<vmem>> -> memref<8x128xf32, #tpu.memory_space<vmem>>
    %dma_start3A_1051 = arith.constant 0 : i32
    %dma_start3A_1052 = tpu.memref_slice %arg4[%dma_start3A_1051, %multiple_of3A_1028] : memref<32x1000000xf32, #tpu.memory_space<hbm>> -> memref<8x128xf32, #tpu.memory_space<hbm>>
    tpu.enqueue_dma source(%dma_start3A_1052 : memref<8x128xf32, #tpu.memory_space<hbm>>) target(%dma_start3A_1050 : memref<8x128xf32, #tpu.memory_space<vmem>>) target_semaphore(%arg12 : memref<!tpu.dma_semaphore, #tpu.memory_space<semaphore_mem>>)
    %dma_start3A_1053 = arith.constant 6 : i32
    %dma_start3A_1054 = arith.constant 0 : i32
    %dma_start3A_1055 = arith.constant 0 : i32
    %dma_start3A_1056 = tpu.memref_slice %arg10[%dma_start3A_1053, %dma_start3A_1054, %dma_start3A_1055] : memref<8x32x128xf32, #tpu.memory_space<vmem>> -> memref<1x32x128xf32, #tpu.memory_space<vmem>>
    %dma_start3A_1057 = tpu.memref_squeeze %dma_start3A_1056 : memref<1x32x128xf32, #tpu.memory_space<vmem>> -> memref<32x128xf32, #tpu.memory_space<vmem>>
    %dma_start3A_1058 = arith.constant 0 : i32
    %dma_start3A_1059 = arith.constant 0 : i32
    %dma_start3A_1060 = tpu.memref_slice %dma_start3A_1057[%dma_start3A_1058, %dma_start3A_1059] : memref<32x128xf32, #tpu.memory_space<vmem>> -> memref<8x128xf32, #tpu.memory_space<vmem>>
    %dma_start3A_1061 = arith.constant 0 : i32
    %dma_start3A_1062 = tpu.memref_slice %arg5[%dma_start3A_1061, %multiple_of3A_1033] : memref<32x1000000xf32, #tpu.memory_space<hbm>> -> memref<8x128xf32, #tpu.memory_space<hbm>>
    %dma_start3A_1063 = arith.constant 0 : i32
    %dma_start3A_1064 = arith.constant 0 : i32
    %dma_start3A_1065 = tpu.memref_slice %arg10[%dma_start3A_1053, %dma_start3A_1063, %dma_start3A_1064] : memref<8x32x128xf32, #tpu.memory_space<vmem>> -> memref<1x32x128xf32, #tpu.memory_space<vmem>>
    %dma_start3A_1066 = tpu.memref_squeeze %dma_start3A_1065 : memref<1x32x128xf32, #tpu.memory_space<vmem>> -> memref<32x128xf32, #tpu.memory_space<vmem>>
    %dma_start3A_1067 = arith.constant 0 : i32
    %dma_start3A_1068 = arith.constant 0 : i32
    %dma_start3A_1069 = tpu.memref_slice %dma_start3A_1066[%dma_start3A_1067, %dma_start3A_1068] : memref<32x128xf32, #tpu.memory_space<vmem>> -> memref<8x128xf32, #tpu.memory_space<vmem>>
    %dma_start3A_1070 = arith.constant 0 : i32
    %dma_start3A_1071 = tpu.memref_slice %arg5[%dma_start3A_1070, %multiple_of3A_1033] : memref<32x1000000xf32, #tpu.memory_space<hbm>> -> memref<8x128xf32, #tpu.memory_space<hbm>>
    tpu.enqueue_dma source(%dma_start3A_1071 : memref<8x128xf32, #tpu.memory_space<hbm>>) target(%dma_start3A_1069 : memref<8x128xf32, #tpu.memory_space<vmem>>) target_semaphore(%arg12 : memref<!tpu.dma_semaphore, #tpu.memory_space<semaphore_mem>>)
    %dma_start3A_1072 = arith.constant 6 : i32
    %dma_start3A_1073 = arith.constant 0 : i32
    %dma_start3A_1074 = arith.constant 0 : i32
    %dma_start3A_1075 = tpu.memref_slice %arg9[%dma_start3A_1072, %dma_start3A_1073, %dma_start3A_1074] : memref<8x32x128xf32, #tpu.memory_space<vmem>> -> memref<1x32x128xf32, #tpu.memory_space<vmem>>
    %dma_start3A_1076 = tpu.memref_squeeze %dma_start3A_1075 : memref<1x32x128xf32, #tpu.memory_space<vmem>> -> memref<32x128xf32, #tpu.memory_space<vmem>>
    %dma_start3A_1077 = arith.constant 8 : i32
    %dma_start3A_1078 = arith.constant 0 : i32
    %dma_start3A_1079 = tpu.memref_slice %dma_start3A_1076[%dma_start3A_1077, %dma_start3A_1078] : memref<32x128xf32, #tpu.memory_space<vmem>> -> memref<8x128xf32, #tpu.memory_space<vmem>>
    %dma_start3A_1080 = arith.constant 8 : i32
    %dma_start3A_1081 = tpu.memref_slice %arg4[%dma_start3A_1080, %multiple_of3A_1028] : memref<32x1000000xf32, #tpu.memory_space<hbm>> -> memref<8x128xf32, #tpu.memory_space<hbm>>
    %dma_start3A_1082 = arith.constant 0 : i32
    %dma_start3A_1083 = arith.constant 0 : i32
    %dma_start3A_1084 = tpu.memref_slice %arg9[%dma_start3A_1072, %dma_start3A_1082, %dma_start3A_1083] : memref<8x32x128xf32, #tpu.memory_space<vmem>> -> memref<1x32x128xf32, #tpu.memory_space<vmem>>
    %dma_start3A_1085 = tpu.memref_squeeze %dma_start3A_1084 : memref<1x32x128xf32, #tpu.memory_space<vmem>> -> memref<32x128xf32, #tpu.memory_space<vmem>>
    %dma_start3A_1086 = arith.constant 8 : i32
    %dma_start3A_1087 = arith.constant 0 : i32
    %dma_start3A_1088 = tpu.memref_slice %dma_start3A_1085[%dma_start3A_1086, %dma_start3A_1087] : memref<32x128xf32, #tpu.memory_space<vmem>> -> memref<8x128xf32, #tpu.memory_space<vmem>>
    %dma_start3A_1089 = arith.constant 8 : i32
    %dma_start3A_1090 = tpu.memref_slice %arg4[%dma_start3A_1089, %multiple_of3A_1028] : memref<32x1000000xf32, #tpu.memory_space<hbm>> -> memref<8x128xf32, #tpu.memory_space<hbm>>
    tpu.enqueue_dma source(%dma_start3A_1090 : memref<8x128xf32, #tpu.memory_space<hbm>>) target(%dma_start3A_1088 : memref<8x128xf32, #tpu.memory_space<vmem>>) target_semaphore(%arg12 : memref<!tpu.dma_semaphore, #tpu.memory_space<semaphore_mem>>)
    %dma_start3A_1091 = arith.constant 6 : i32
    %dma_start3A_1092 = arith.constant 0 : i32
    %dma_start3A_1093 = arith.constant 0 : i32
    %dma_start3A_1094 = tpu.memref_slice %arg10[%dma_start3A_1091, %dma_start3A_1092, %dma_start3A_1093] : memref<8x32x128xf32, #tpu.memory_space<vmem>> -> memref<1x32x128xf32, #tpu.memory_space<vmem>>
    %dma_start3A_1095 = tpu.memref_squeeze %dma_start3A_1094 : memref<1x32x128xf32, #tpu.memory_space<vmem>> -> memref<32x128xf32, #tpu.memory_space<vmem>>
    %dma_start3A_1096 = arith.constant 8 : i32
    %dma_start3A_1097 = arith.constant 0 : i32
    %dma_start3A_1098 = tpu.memref_slice %dma_start3A_1095[%dma_start3A_1096, %dma_start3A_1097] : memref<32x128xf32, #tpu.memory_space<vmem>> -> memref<8x128xf32, #tpu.memory_space<vmem>>
    %dma_start3A_1099 = arith.constant 8 : i32
    %dma_start3A_1100 = tpu.memref_slice %arg5[%dma_start3A_1099, %multiple_of3A_1033] : memref<32x1000000xf32, #tpu.memory_space<hbm>> -> memref<8x128xf32, #tpu.memory_space<hbm>>
    %dma_start3A_1101 = arith.constant 0 : i32
    %dma_start3A_1102 = arith.constant 0 : i32
    %dma_start3A_1103 = tpu.memref_slice %arg10[%dma_start3A_1091, %dma_start3A_1101, %dma_start3A_1102] : memref<8x32x128xf32, #tpu.memory_space<vmem>> -> memref<1x32x128xf32, #tpu.memory_space<vmem>>
    %dma_start3A_1104 = tpu.memref_squeeze %dma_start3A_1103 : memref<1x32x128xf32, #tpu.memory_space<vmem>> -> memref<32x128xf32, #tpu.memory_space<vmem>>
    %dma_start3A_1105 = arith.constant 8 : i32
    %dma_start3A_1106 = arith.constant 0 : i32
    %dma_start3A_1107 = tpu.memref_slice %dma_start3A_1104[%dma_start3A_1105, %dma_start3A_1106] : memref<32x128xf32, #tpu.memory_space<vmem>> -> memref<8x128xf32, #tpu.memory_space<vmem>>
    %dma_start3A_1108 = arith.constant 8 : i32
    %dma_start3A_1109 = tpu.memref_slice %arg5[%dma_start3A_1108, %multiple_of3A_1033] : memref<32x1000000xf32, #tpu.memory_space<hbm>> -> memref<8x128xf32, #tpu.memory_space<hbm>>
    tpu.enqueue_dma source(%dma_start3A_1109 : memref<8x128xf32, #tpu.memory_space<hbm>>) target(%dma_start3A_1107 : memref<8x128xf32, #tpu.memory_space<vmem>>) target_semaphore(%arg12 : memref<!tpu.dma_semaphore, #tpu.memory_space<semaphore_mem>>)
    %dma_start3A_1110 = arith.constant 6 : i32
    %dma_start3A_1111 = arith.constant 0 : i32
    %dma_start3A_1112 = arith.constant 0 : i32
    %dma_start3A_1113 = tpu.memref_slice %arg9[%dma_start3A_1110, %dma_start3A_1111, %dma_start3A_1112] : memref<8x32x128xf32, #tpu.memory_space<vmem>> -> memref<1x32x128xf32, #tpu.memory_space<vmem>>
    %dma_start3A_1114 = tpu.memref_squeeze %dma_start3A_1113 : memref<1x32x128xf32, #tpu.memory_space<vmem>> -> memref<32x128xf32, #tpu.memory_space<vmem>>
    %dma_start3A_1115 = arith.constant 16 : i32
    %dma_start3A_1116 = arith.constant 0 : i32
    %dma_start3A_1117 = tpu.memref_slice %dma_start3A_1114[%dma_start3A_1115, %dma_start3A_1116] : memref<32x128xf32, #tpu.memory_space<vmem>> -> memref<8x128xf32, #tpu.memory_space<vmem>>
    %dma_start3A_1118 = arith.constant 16 : i32
    %dma_start3A_1119 = tpu.memref_slice %arg4[%dma_start3A_1118, %multiple_of3A_1028] : memref<32x1000000xf32, #tpu.memory_space<hbm>> -> memref<8x128xf32, #tpu.memory_space<hbm>>
    %dma_start3A_1120 = arith.constant 0 : i32
    %dma_start3A_1121 = arith.constant 0 : i32
    %dma_start3A_1122 = tpu.memref_slice %arg9[%dma_start3A_1110, %dma_start3A_1120, %dma_start3A_1121] : memref<8x32x128xf32, #tpu.memory_space<vmem>> -> memref<1x32x128xf32, #tpu.memory_space<vmem>>
    %dma_start3A_1123 = tpu.memref_squeeze %dma_start3A_1122 : memref<1x32x128xf32, #tpu.memory_space<vmem>> -> memref<32x128xf32, #tpu.memory_space<vmem>>
    %dma_start3A_1124 = arith.constant 16 : i32
    %dma_start3A_1125 = arith.constant 0 : i32
    %dma_start3A_1126 = tpu.memref_slice %dma_start3A_1123[%dma_start3A_1124, %dma_start3A_1125] : memref<32x128xf32, #tpu.memory_space<vmem>> -> memref<8x128xf32, #tpu.memory_space<vmem>>
    %dma_start3A_1127 = arith.constant 16 : i32
    %dma_start3A_1128 = tpu.memref_slice %arg4[%dma_start3A_1127, %multiple_of3A_1028] : memref<32x1000000xf32, #tpu.memory_space<hbm>> -> memref<8x128xf32, #tpu.memory_space<hbm>>
    tpu.enqueue_dma source(%dma_start3A_1128 : memref<8x128xf32, #tpu.memory_space<hbm>>) target(%dma_start3A_1126 : memref<8x128xf32, #tpu.memory_space<vmem>>) target_semaphore(%arg12 : memref<!tpu.dma_semaphore, #tpu.memory_space<semaphore_mem>>)
    %dma_start3A_1129 = arith.constant 6 : i32
    %dma_start3A_1130 = arith.constant 0 : i32
    %dma_start3A_1131 = arith.constant 0 : i32
    %dma_start3A_1132 = tpu.memref_slice %arg10[%dma_start3A_1129, %dma_start3A_1130, %dma_start3A_1131] : memref<8x32x128xf32, #tpu.memory_space<vmem>> -> memref<1x32x128xf32, #tpu.memory_space<vmem>>
    %dma_start3A_1133 = tpu.memref_squeeze %dma_start3A_1132 : memref<1x32x128xf32, #tpu.memory_space<vmem>> -> memref<32x128xf32, #tpu.memory_space<vmem>>
    %dma_start3A_1134 = arith.constant 16 : i32
    %dma_start3A_1135 = arith.constant 0 : i32
    %dma_start3A_1136 = tpu.memref_slice %dma_start3A_1133[%dma_start3A_1134, %dma_start3A_1135] : memref<32x128xf32, #tpu.memory_space<vmem>> -> memref<8x128xf32, #tpu.memory_space<vmem>>
    %dma_start3A_1137 = arith.constant 16 : i32
    %dma_start3A_1138 = tpu.memref_slice %arg5[%dma_start3A_1137, %multiple_of3A_1033] : memref<32x1000000xf32, #tpu.memory_space<hbm>> -> memref<8x128xf32, #tpu.memory_space<hbm>>
    %dma_start3A_1139 = arith.constant 0 : i32
    %dma_start3A_1140 = arith.constant 0 : i32
    %dma_start3A_1141 = tpu.memref_slice %arg10[%dma_start3A_1129, %dma_start3A_1139, %dma_start3A_1140] : memref<8x32x128xf32, #tpu.memory_space<vmem>> -> memref<1x32x128xf32, #tpu.memory_space<vmem>>
    %dma_start3A_1142 = tpu.memref_squeeze %dma_start3A_1141 : memref<1x32x128xf32, #tpu.memory_space<vmem>> -> memref<32x128xf32, #tpu.memory_space<vmem>>
    %dma_start3A_1143 = arith.constant 16 : i32
    %dma_start3A_1144 = arith.constant 0 : i32
    %dma_start3A_1145 = tpu.memref_slice %dma_start3A_1142[%dma_start3A_1143, %dma_start3A_1144] : memref<32x128xf32, #tpu.memory_space<vmem>> -> memref<8x128xf32, #tpu.memory_space<vmem>>
    %dma_start3A_1146 = arith.constant 16 : i32
    %dma_start3A_1147 = tpu.memref_slice %arg5[%dma_start3A_1146, %multiple_of3A_1033] : memref<32x1000000xf32, #tpu.memory_space<hbm>> -> memref<8x128xf32, #tpu.memory_space<hbm>>
    tpu.enqueue_dma source(%dma_start3A_1147 : memref<8x128xf32, #tpu.memory_space<hbm>>) target(%dma_start3A_1145 : memref<8x128xf32, #tpu.memory_space<vmem>>) target_semaphore(%arg12 : memref<!tpu.dma_semaphore, #tpu.memory_space<semaphore_mem>>)
    %dma_start3A_1148 = arith.constant 6 : i32
    %dma_start3A_1149 = arith.constant 0 : i32
    %dma_start3A_1150 = arith.constant 0 : i32
    %dma_start3A_1151 = tpu.memref_slice %arg9[%dma_start3A_1148, %dma_start3A_1149, %dma_start3A_1150] : memref<8x32x128xf32, #tpu.memory_space<vmem>> -> memref<1x32x128xf32, #tpu.memory_space<vmem>>
    %dma_start3A_1152 = tpu.memref_squeeze %dma_start3A_1151 : memref<1x32x128xf32, #tpu.memory_space<vmem>> -> memref<32x128xf32, #tpu.memory_space<vmem>>
    %dma_start3A_1153 = arith.constant 24 : i32
    %dma_start3A_1154 = arith.constant 0 : i32
    %dma_start3A_1155 = tpu.memref_slice %dma_start3A_1152[%dma_start3A_1153, %dma_start3A_1154] : memref<32x128xf32, #tpu.memory_space<vmem>> -> memref<8x128xf32, #tpu.memory_space<vmem>>
    %dma_start3A_1156 = arith.constant 24 : i32
    %dma_start3A_1157 = tpu.memref_slice %arg4[%dma_start3A_1156, %multiple_of3A_1028] : memref<32x1000000xf32, #tpu.memory_space<hbm>> -> memref<8x128xf32, #tpu.memory_space<hbm>>
    %dma_start3A_1158 = arith.constant 0 : i32
    %dma_start3A_1159 = arith.constant 0 : i32
    %dma_start3A_1160 = tpu.memref_slice %arg9[%dma_start3A_1148, %dma_start3A_1158, %dma_start3A_1159] : memref<8x32x128xf32, #tpu.memory_space<vmem>> -> memref<1x32x128xf32, #tpu.memory_space<vmem>>
    %dma_start3A_1161 = tpu.memref_squeeze %dma_start3A_1160 : memref<1x32x128xf32, #tpu.memory_space<vmem>> -> memref<32x128xf32, #tpu.memory_space<vmem>>
    %dma_start3A_1162 = arith.constant 24 : i32
    %dma_start3A_1163 = arith.constant 0 : i32
    %dma_start3A_1164 = tpu.memref_slice %dma_start3A_1161[%dma_start3A_1162, %dma_start3A_1163] : memref<32x128xf32, #tpu.memory_space<vmem>> -> memref<8x128xf32, #tpu.memory_space<vmem>>
    %dma_start3A_1165 = arith.constant 24 : i32
    %dma_start3A_1166 = tpu.memref_slice %arg4[%dma_start3A_1165, %multiple_of3A_1028] : memref<32x1000000xf32, #tpu.memory_space<hbm>> -> memref<8x128xf32, #tpu.memory_space<hbm>>
    tpu.enqueue_dma source(%dma_start3A_1166 : memref<8x128xf32, #tpu.memory_space<hbm>>) target(%dma_start3A_1164 : memref<8x128xf32, #tpu.memory_space<vmem>>) target_semaphore(%arg12 : memref<!tpu.dma_semaphore, #tpu.memory_space<semaphore_mem>>)
    %dma_start3A_1167 = arith.constant 6 : i32
    %dma_start3A_1168 = arith.constant 0 : i32
    %dma_start3A_1169 = arith.constant 0 : i32
    %dma_start3A_1170 = tpu.memref_slice %arg10[%dma_start3A_1167, %dma_start3A_1168, %dma_start3A_1169] : memref<8x32x128xf32, #tpu.memory_space<vmem>> -> memref<1x32x128xf32, #tpu.memory_space<vmem>>
    %dma_start3A_1171 = tpu.memref_squeeze %dma_start3A_1170 : memref<1x32x128xf32, #tpu.memory_space<vmem>> -> memref<32x128xf32, #tpu.memory_space<vmem>>
    %dma_start3A_1172 = arith.constant 24 : i32
    %dma_start3A_1173 = arith.constant 0 : i32
    %dma_start3A_1174 = tpu.memref_slice %dma_start3A_1171[%dma_start3A_1172, %dma_start3A_1173] : memref<32x128xf32, #tpu.memory_space<vmem>> -> memref<8x128xf32, #tpu.memory_space<vmem>>
    %dma_start3A_1175 = arith.constant 24 : i32
    %dma_start3A_1176 = tpu.memref_slice %arg5[%dma_start3A_1175, %multiple_of3A_1033] : memref<32x1000000xf32, #tpu.memory_space<hbm>> -> memref<8x128xf32, #tpu.memory_space<hbm>>
    %dma_start3A_1177 = arith.constant 0 : i32
    %dma_start3A_1178 = arith.constant 0 : i32
    %dma_start3A_1179 = tpu.memref_slice %arg10[%dma_start3A_1167, %dma_start3A_1177, %dma_start3A_1178] : memref<8x32x128xf32, #tpu.memory_space<vmem>> -> memref<1x32x128xf32, #tpu.memory_space<vmem>>
    %dma_start3A_1180 = tpu.memref_squeeze %dma_start3A_1179 : memref<1x32x128xf32, #tpu.memory_space<vmem>> -> memref<32x128xf32, #tpu.memory_space<vmem>>
    %dma_start3A_1181 = arith.constant 24 : i32
    %dma_start3A_1182 = arith.constant 0 : i32
    %dma_start3A_1183 = tpu.memref_slice %dma_start3A_1180[%dma_start3A_1181, %dma_start3A_1182] : memref<32x128xf32, #tpu.memory_space<vmem>> -> memref<8x128xf32, #tpu.memory_space<vmem>>
    %dma_start3A_1184 = arith.constant 24 : i32
    %dma_start3A_1185 = tpu.memref_slice %arg5[%dma_start3A_1184, %multiple_of3A_1033] : memref<32x1000000xf32, #tpu.memory_space<hbm>> -> memref<8x128xf32, #tpu.memory_space<hbm>>
    tpu.enqueue_dma source(%dma_start3A_1185 : memref<8x128xf32, #tpu.memory_space<hbm>>) target(%dma_start3A_1183 : memref<8x128xf32, #tpu.memory_space<vmem>>) target_semaphore(%arg12 : memref<!tpu.dma_semaphore, #tpu.memory_space<semaphore_mem>>)
    %get3A_1186 = arith.constant 7 : index
    %get3A_1187 = tpu.vector_load %arg7[%get3A_1186] {strides = array<i32>} : memref<528xi32, #tpu.memory_space<vmem>>, vector<16xi32>,
    %slice3A_1188 = vector.extract_strided_slice %get3A_1187 {offsets = [0], sizes = [1], strides = [1]} : vector<16xi32> to vector<1xi32>
    %squeeze3A_1189 = vector.extract %slice3A_1188[0] : i32 from vector<1xi32>
    %get3A_1190 = arith.constant 7 : index
    %get3A_1191 = tpu.vector_load %arg8[%get3A_1190] {strides = array<i32>} : memref<528xi32, #tpu.memory_space<vmem>>, vector<16xi32>,
    %slice3A_1192 = vector.extract_strided_slice %get3A_1191 {offsets = [0], sizes = [1], strides = [1]} : vector<16xi32> to vector<1xi32>
    %squeeze3A_1193 = vector.extract %slice3A_1192[0] : i32 from vector<1xi32>
    %shift_right_arithmetic3A_1194 = arith.constant 7 : i32
    %shift_right_arithmetic3A_1195 = arith.shrsi %squeeze3A_1189, %shift_right_arithmetic3A_1194 : i32
    %shift_left3A_1196 = arith.constant 7 : i32
    %shift_left3A_1197 = arith.shli %shift_right_arithmetic3A_1195, %shift_left3A_1196 : i32
    %multiple_of3A_1198 = tpu.assume_multiple %shift_left3A_1197, 128 : i32
    %shift_right_arithmetic3A_1199 = arith.constant 7 : i32
    %shift_right_arithmetic3A_1200 = arith.shrsi %squeeze3A_1193, %shift_right_arithmetic3A_1199 : i32
    %shift_left3A_1201 = arith.constant 7 : i32
    %shift_left3A_1202 = arith.shli %shift_right_arithmetic3A_1200, %shift_left3A_1201 : i32
    %multiple_of3A_1203 = tpu.assume_multiple %shift_left3A_1202, 128 : i32
    %dma_start3A_1204 = arith.constant 7 : i32
    %dma_start3A_1205 = arith.constant 0 : i32
    %dma_start3A_1206 = arith.constant 0 : i32
    %dma_start3A_1207 = tpu.memref_slice %arg9[%dma_start3A_1204, %dma_start3A_1205, %dma_start3A_1206] : memref<8x32x128xf32, #tpu.memory_space<vmem>> -> memref<1x32x128xf32, #tpu.memory_space<vmem>>
    %dma_start3A_1208 = tpu.memref_squeeze %dma_start3A_1207 : memref<1x32x128xf32, #tpu.memory_space<vmem>> -> memref<32x128xf32, #tpu.memory_space<vmem>>
    %dma_start3A_1209 = arith.constant 0 : i32
    %dma_start3A_1210 = arith.constant 0 : i32
    %dma_start3A_1211 = tpu.memref_slice %dma_start3A_1208[%dma_start3A_1209, %dma_start3A_1210] : memref<32x128xf32, #tpu.memory_space<vmem>> -> memref<8x128xf32, #tpu.memory_space<vmem>>
    %dma_start3A_1212 = arith.constant 0 : i32
    %dma_start3A_1213 = tpu.memref_slice %arg4[%dma_start3A_1212, %multiple_of3A_1198] : memref<32x1000000xf32, #tpu.memory_space<hbm>> -> memref<8x128xf32, #tpu.memory_space<hbm>>
    %dma_start3A_1214 = arith.constant 0 : i32
    %dma_start3A_1215 = arith.constant 0 : i32
    %dma_start3A_1216 = tpu.memref_slice %arg9[%dma_start3A_1204, %dma_start3A_1214, %dma_start3A_1215] : memref<8x32x128xf32, #tpu.memory_space<vmem>> -> memref<1x32x128xf32, #tpu.memory_space<vmem>>
    %dma_start3A_1217 = tpu.memref_squeeze %dma_start3A_1216 : memref<1x32x128xf32, #tpu.memory_space<vmem>> -> memref<32x128xf32, #tpu.memory_space<vmem>>
    %dma_start3A_1218 = arith.constant 0 : i32
    %dma_start3A_1219 = arith.constant 0 : i32
    %dma_start3A_1220 = tpu.memref_slice %dma_start3A_1217[%dma_start3A_1218, %dma_start3A_1219] : memref<32x128xf32, #tpu.memory_space<vmem>> -> memref<8x128xf32, #tpu.memory_space<vmem>>
    %dma_start3A_1221 = arith.constant 0 : i32
    %dma_start3A_1222 = tpu.memref_slice %arg4[%dma_start3A_1221, %multiple_of3A_1198] : memref<32x1000000xf32, #tpu.memory_space<hbm>> -> memref<8x128xf32, #tpu.memory_space<hbm>>
    tpu.enqueue_dma source(%dma_start3A_1222 : memref<8x128xf32, #tpu.memory_space<hbm>>) target(%dma_start3A_1220 : memref<8x128xf32, #tpu.memory_space<vmem>>) target_semaphore(%arg12 : memref<!tpu.dma_semaphore, #tpu.memory_space<semaphore_mem>>)
    %dma_start3A_1223 = arith.constant 7 : i32
    %dma_start3A_1224 = arith.constant 0 : i32
    %dma_start3A_1225 = arith.constant 0 : i32
    %dma_start3A_1226 = tpu.memref_slice %arg10[%dma_start3A_1223, %dma_start3A_1224, %dma_start3A_1225] : memref<8x32x128xf32, #tpu.memory_space<vmem>> -> memref<1x32x128xf32, #tpu.memory_space<vmem>>
    %dma_start3A_1227 = tpu.memref_squeeze %dma_start3A_1226 : memref<1x32x128xf32, #tpu.memory_space<vmem>> -> memref<32x128xf32, #tpu.memory_space<vmem>>
    %dma_start3A_1228 = arith.constant 0 : i32
    %dma_start3A_1229 = arith.constant 0 : i32
    %dma_start3A_1230 = tpu.memref_slice %dma_start3A_1227[%dma_start3A_1228, %dma_start3A_1229] : memref<32x128xf32, #tpu.memory_space<vmem>> -> memref<8x128xf32, #tpu.memory_space<vmem>>
    %dma_start3A_1231 = arith.constant 0 : i32
    %dma_start3A_1232 = tpu.memref_slice %arg5[%dma_start3A_1231, %multiple_of3A_1203] : memref<32x1000000xf32, #tpu.memory_space<hbm>> -> memref<8x128xf32, #tpu.memory_space<hbm>>
    %dma_start3A_1233 = arith.constant 0 : i32
    %dma_start3A_1234 = arith.constant 0 : i32
    %dma_start3A_1235 = tpu.memref_slice %arg10[%dma_start3A_1223, %dma_start3A_1233, %dma_start3A_1234] : memref<8x32x128xf32, #tpu.memory_space<vmem>> -> memref<1x32x128xf32, #tpu.memory_space<vmem>>
    %dma_start3A_1236 = tpu.memref_squeeze %dma_start3A_1235 : memref<1x32x128xf32, #tpu.memory_space<vmem>> -> memref<32x128xf32, #tpu.memory_space<vmem>>
    %dma_start3A_1237 = arith.constant 0 : i32
    %dma_start3A_1238 = arith.constant 0 : i32
    %dma_start3A_1239 = tpu.memref_slice %dma_start3A_1236[%dma_start3A_1237, %dma_start3A_1238] : memref<32x128xf32, #tpu.memory_space<vmem>> -> memref<8x128xf32, #tpu.memory_space<vmem>>
    %dma_start3A_1240 = arith.constant 0 : i32
    %dma_start3A_1241 = tpu.memref_slice %arg5[%dma_start3A_1240, %multiple_of3A_1203] : memref<32x1000000xf32, #tpu.memory_space<hbm>> -> memref<8x128xf32, #tpu.memory_space<hbm>>
    tpu.enqueue_dma source(%dma_start3A_1241 : memref<8x128xf32, #tpu.memory_space<hbm>>) target(%dma_start3A_1239 : memref<8x128xf32, #tpu.memory_space<vmem>>) target_semaphore(%arg12 : memref<!tpu.dma_semaphore, #tpu.memory_space<semaphore_mem>>)
    %dma_start3A_1242 = arith.constant 7 : i32
    %dma_start3A_1243 = arith.constant 0 : i32
    %dma_start3A_1244 = arith.constant 0 : i32
    %dma_start3A_1245 = tpu.memref_slice %arg9[%dma_start3A_1242, %dma_start3A_1243, %dma_start3A_1244] : memref<8x32x128xf32, #tpu.memory_space<vmem>> -> memref<1x32x128xf32, #tpu.memory_space<vmem>>
    %dma_start3A_1246 = tpu.memref_squeeze %dma_start3A_1245 : memref<1x32x128xf32, #tpu.memory_space<vmem>> -> memref<32x128xf32, #tpu.memory_space<vmem>>
    %dma_start3A_1247 = arith.constant 8 : i32
    %dma_start3A_1248 = arith.constant 0 : i32
    %dma_start3A_1249 = tpu.memref_slice %dma_start3A_1246[%dma_start3A_1247, %dma_start3A_1248] : memref<32x128xf32, #tpu.memory_space<vmem>> -> memref<8x128xf32, #tpu.memory_space<vmem>>
    %dma_start3A_1250 = arith.constant 8 : i32
    %dma_start3A_1251 = tpu.memref_slice %arg4[%dma_start3A_1250, %multiple_of3A_1198] : memref<32x1000000xf32, #tpu.memory_space<hbm>> -> memref<8x128xf32, #tpu.memory_space<hbm>>
    %dma_start3A_1252 = arith.constant 0 : i32
    %dma_start3A_1253 = arith.constant 0 : i32
    %dma_start3A_1254 = tpu.memref_slice %arg9[%dma_start3A_1242, %dma_start3A_1252, %dma_start3A_1253] : memref<8x32x128xf32, #tpu.memory_space<vmem>> -> memref<1x32x128xf32, #tpu.memory_space<vmem>>
    %dma_start3A_1255 = tpu.memref_squeeze %dma_start3A_1254 : memref<1x32x128xf32, #tpu.memory_space<vmem>> -> memref<32x128xf32, #tpu.memory_space<vmem>>
    %dma_start3A_1256 = arith.constant 8 : i32
    %dma_start3A_1257 = arith.constant 0 : i32
    %dma_start3A_1258 = tpu.memref_slice %dma_start3A_1255[%dma_start3A_1256, %dma_start3A_1257] : memref<32x128xf32, #tpu.memory_space<vmem>> -> memref<8x128xf32, #tpu.memory_space<vmem>>
    %dma_start3A_1259 = arith.constant 8 : i32
    %dma_start3A_1260 = tpu.memref_slice %arg4[%dma_start3A_1259, %multiple_of3A_1198] : memref<32x1000000xf32, #tpu.memory_space<hbm>> -> memref<8x128xf32, #tpu.memory_space<hbm>>
    tpu.enqueue_dma source(%dma_start3A_1260 : memref<8x128xf32, #tpu.memory_space<hbm>>) target(%dma_start3A_1258 : memref<8x128xf32, #tpu.memory_space<vmem>>) target_semaphore(%arg12 : memref<!tpu.dma_semaphore, #tpu.memory_space<semaphore_mem>>)
    %dma_start3A_1261 = arith.constant 7 : i32
    %dma_start3A_1262 = arith.constant 0 : i32
    %dma_start3A_1263 = arith.constant 0 : i32
    %dma_start3A_1264 = tpu.memref_slice %arg10[%dma_start3A_1261, %dma_start3A_1262, %dma_start3A_1263] : memref<8x32x128xf32, #tpu.memory_space<vmem>> -> memref<1x32x128xf32, #tpu.memory_space<vmem>>
    %dma_start3A_1265 = tpu.memref_squeeze %dma_start3A_1264 : memref<1x32x128xf32, #tpu.memory_space<vmem>> -> memref<32x128xf32, #tpu.memory_space<vmem>>
    %dma_start3A_1266 = arith.constant 8 : i32
    %dma_start3A_1267 = arith.constant 0 : i32
    %dma_start3A_1268 = tpu.memref_slice %dma_start3A_1265[%dma_start3A_1266, %dma_start3A_1267] : memref<32x128xf32, #tpu.memory_space<vmem>> -> memref<8x128xf32, #tpu.memory_space<vmem>>
    %dma_start3A_1269 = arith.constant 8 : i32
    %dma_start3A_1270 = tpu.memref_slice %arg5[%dma_start3A_1269, %multiple_of3A_1203] : memref<32x1000000xf32, #tpu.memory_space<hbm>> -> memref<8x128xf32, #tpu.memory_space<hbm>>
    %dma_start3A_1271 = arith.constant 0 : i32
    %dma_start3A_1272 = arith.constant 0 : i32
    %dma_start3A_1273 = tpu.memref_slice %arg10[%dma_start3A_1261, %dma_start3A_1271, %dma_start3A_1272] : memref<8x32x128xf32, #tpu.memory_space<vmem>> -> memref<1x32x128xf32, #tpu.memory_space<vmem>>
    %dma_start3A_1274 = tpu.memref_squeeze %dma_start3A_1273 : memref<1x32x128xf32, #tpu.memory_space<vmem>> -> memref<32x128xf32, #tpu.memory_space<vmem>>
    %dma_start3A_1275 = arith.constant 8 : i32
    %dma_start3A_1276 = arith.constant 0 : i32
    %dma_start3A_1277 = tpu.memref_slice %dma_start3A_1274[%dma_start3A_1275, %dma_start3A_1276] : memref<32x128xf32, #tpu.memory_space<vmem>> -> memref<8x128xf32, #tpu.memory_space<vmem>>
    %dma_start3A_1278 = arith.constant 8 : i32
    %dma_start3A_1279 = tpu.memref_slice %arg5[%dma_start3A_1278, %multiple_of3A_1203] : memref<32x1000000xf32, #tpu.memory_space<hbm>> -> memref<8x128xf32, #tpu.memory_space<hbm>>
    tpu.enqueue_dma source(%dma_start3A_1279 : memref<8x128xf32, #tpu.memory_space<hbm>>) target(%dma_start3A_1277 : memref<8x128xf32, #tpu.memory_space<vmem>>) target_semaphore(%arg12 : memref<!tpu.dma_semaphore, #tpu.memory_space<semaphore_mem>>)
    %dma_start3A_1280 = arith.constant 7 : i32
    %dma_start3A_1281 = arith.constant 0 : i32
    %dma_start3A_1282 = arith.constant 0 : i32
    %dma_start3A_1283 = tpu.memref_slice %arg9[%dma_start3A_1280, %dma_start3A_1281, %dma_start3A_1282] : memref<8x32x128xf32, #tpu.memory_space<vmem>> -> memref<1x32x128xf32, #tpu.memory_space<vmem>>
    %dma_start3A_1284 = tpu.memref_squeeze %dma_start3A_1283 : memref<1x32x128xf32, #tpu.memory_space<vmem>> -> memref<32x128xf32, #tpu.memory_space<vmem>>
    %dma_start3A_1285 = arith.constant 16 : i32
    %dma_start3A_1286 = arith.constant 0 : i32
    %dma_start3A_1287 = tpu.memref_slice %dma_start3A_1284[%dma_start3A_1285, %dma_start3A_1286] : memref<32x128xf32, #tpu.memory_space<vmem>> -> memref<8x128xf32, #tpu.memory_space<vmem>>
    %dma_start3A_1288 = arith.constant 16 : i32
    %dma_start3A_1289 = tpu.memref_slice %arg4[%dma_start3A_1288, %multiple_of3A_1198] : memref<32x1000000xf32, #tpu.memory_space<hbm>> -> memref<8x128xf32, #tpu.memory_space<hbm>>
    %dma_start3A_1290 = arith.constant 0 : i32
    %dma_start3A_1291 = arith.constant 0 : i32
    %dma_start3A_1292 = tpu.memref_slice %arg9[%dma_start3A_1280, %dma_start3A_1290, %dma_start3A_1291] : memref<8x32x128xf32, #tpu.memory_space<vmem>> -> memref<1x32x128xf32, #tpu.memory_space<vmem>>
    %dma_start3A_1293 = tpu.memref_squeeze %dma_start3A_1292 : memref<1x32x128xf32, #tpu.memory_space<vmem>> -> memref<32x128xf32, #tpu.memory_space<vmem>>
    %dma_start3A_1294 = arith.constant 16 : i32
    %dma_start3A_1295 = arith.constant 0 : i32
    %dma_start3A_1296 = tpu.memref_slice %dma_start3A_1293[%dma_start3A_1294, %dma_start3A_1295] : memref<32x128xf32, #tpu.memory_space<vmem>> -> memref<8x128xf32, #tpu.memory_space<vmem>>
    %dma_start3A_1297 = arith.constant 16 : i32
    %dma_start3A_1298 = tpu.memref_slice %arg4[%dma_start3A_1297, %multiple_of3A_1198] : memref<32x1000000xf32, #tpu.memory_space<hbm>> -> memref<8x128xf32, #tpu.memory_space<hbm>>
    tpu.enqueue_dma source(%dma_start3A_1298 : memref<8x128xf32, #tpu.memory_space<hbm>>) target(%dma_start3A_1296 : memref<8x128xf32, #tpu.memory_space<vmem>>) target_semaphore(%arg12 : memref<!tpu.dma_semaphore, #tpu.memory_space<semaphore_mem>>)
    %dma_start3A_1299 = arith.constant 7 : i32
    %dma_start3A_1300 = arith.constant 0 : i32
    %dma_start3A_1301 = arith.constant 0 : i32
    %dma_start3A_1302 = tpu.memref_slice %arg10[%dma_start3A_1299, %dma_start3A_1300, %dma_start3A_1301] : memref<8x32x128xf32, #tpu.memory_space<vmem>> -> memref<1x32x128xf32, #tpu.memory_space<vmem>>
    %dma_start3A_1303 = tpu.memref_squeeze %dma_start3A_1302 : memref<1x32x128xf32, #tpu.memory_space<vmem>> -> memref<32x128xf32, #tpu.memory_space<vmem>>
    %dma_start3A_1304 = arith.constant 16 : i32
    %dma_start3A_1305 = arith.constant 0 : i32
    %dma_start3A_1306 = tpu.memref_slice %dma_start3A_1303[%dma_start3A_1304, %dma_start3A_1305] : memref<32x128xf32, #tpu.memory_space<vmem>> -> memref<8x128xf32, #tpu.memory_space<vmem>>
    %dma_start3A_1307 = arith.constant 16 : i32
    %dma_start3A_1308 = tpu.memref_slice %arg5[%dma_start3A_1307, %multiple_of3A_1203] : memref<32x1000000xf32, #tpu.memory_space<hbm>> -> memref<8x128xf32, #tpu.memory_space<hbm>>
    %dma_start3A_1309 = arith.constant 0 : i32
    %dma_start3A_1310 = arith.constant 0 : i32
    %dma_start3A_1311 = tpu.memref_slice %arg10[%dma_start3A_1299, %dma_start3A_1309, %dma_start3A_1310] : memref<8x32x128xf32, #tpu.memory_space<vmem>> -> memref<1x32x128xf32, #tpu.memory_space<vmem>>
    %dma_start3A_1312 = tpu.memref_squeeze %dma_start3A_1311 : memref<1x32x128xf32, #tpu.memory_space<vmem>> -> memref<32x128xf32, #tpu.memory_space<vmem>>
    %dma_start3A_1313 = arith.constant 16 : i32
    %dma_start3A_1314 = arith.constant 0 : i32
    %dma_start3A_1315 = tpu.memref_slice %dma_start3A_1312[%dma_start3A_1313, %dma_start3A_1314] : memref<32x128xf32, #tpu.memory_space<vmem>> -> memref<8x128xf32, #tpu.memory_space<vmem>>
    %dma_start3A_1316 = arith.constant 16 : i32
    %dma_start3A_1317 = tpu.memref_slice %arg5[%dma_start3A_1316, %multiple_of3A_1203] : memref<32x1000000xf32, #tpu.memory_space<hbm>> -> memref<8x128xf32, #tpu.memory_space<hbm>>
    tpu.enqueue_dma source(%dma_start3A_1317 : memref<8x128xf32, #tpu.memory_space<hbm>>) target(%dma_start3A_1315 : memref<8x128xf32, #tpu.memory_space<vmem>>) target_semaphore(%arg12 : memref<!tpu.dma_semaphore, #tpu.memory_space<semaphore_mem>>)
    %dma_start3A_1318 = arith.constant 7 : i32
    %dma_start3A_1319 = arith.constant 0 : i32
    %dma_start3A_1320 = arith.constant 0 : i32
    %dma_start3A_1321 = tpu.memref_slice %arg9[%dma_start3A_1318, %dma_start3A_1319, %dma_start3A_1320] : memref<8x32x128xf32, #tpu.memory_space<vmem>> -> memref<1x32x128xf32, #tpu.memory_space<vmem>>
    %dma_start3A_1322 = tpu.memref_squeeze %dma_start3A_1321 : memref<1x32x128xf32, #tpu.memory_space<vmem>> -> memref<32x128xf32, #tpu.memory_space<vmem>>
    %dma_start3A_1323 = arith.constant 24 : i32
    %dma_start3A_1324 = arith.constant 0 : i32
    %dma_start3A_1325 = tpu.memref_slice %dma_start3A_1322[%dma_start3A_1323, %dma_start3A_1324] : memref<32x128xf32, #tpu.memory_space<vmem>> -> memref<8x128xf32, #tpu.memory_space<vmem>>
    %dma_start3A_1326 = arith.constant 24 : i32
    %dma_start3A_1327 = tpu.memref_slice %arg4[%dma_start3A_1326, %multiple_of3A_1198] : memref<32x1000000xf32, #tpu.memory_space<hbm>> -> memref<8x128xf32, #tpu.memory_space<hbm>>
    %dma_start3A_1328 = arith.constant 0 : i32
    %dma_start3A_1329 = arith.constant 0 : i32
    %dma_start3A_1330 = tpu.memref_slice %arg9[%dma_start3A_1318, %dma_start3A_1328, %dma_start3A_1329] : memref<8x32x128xf32, #tpu.memory_space<vmem>> -> memref<1x32x128xf32, #tpu.memory_space<vmem>>
    %dma_start3A_1331 = tpu.memref_squeeze %dma_start3A_1330 : memref<1x32x128xf32, #tpu.memory_space<vmem>> -> memref<32x128xf32, #tpu.memory_space<vmem>>
    %dma_start3A_1332 = arith.constant 24 : i32
    %dma_start3A_1333 = arith.constant 0 : i32
    %dma_start3A_1334 = tpu.memref_slice %dma_start3A_1331[%dma_start3A_1332, %dma_start3A_1333] : memref<32x128xf32, #tpu.memory_space<vmem>> -> memref<8x128xf32, #tpu.memory_space<vmem>>
    %dma_start3A_1335 = arith.constant 24 : i32
    %dma_start3A_1336 = tpu.memref_slice %arg4[%dma_start3A_1335, %multiple_of3A_1198] : memref<32x1000000xf32, #tpu.memory_space<hbm>> -> memref<8x128xf32, #tpu.memory_space<hbm>>
    tpu.enqueue_dma source(%dma_start3A_1336 : memref<8x128xf32, #tpu.memory_space<hbm>>) target(%dma_start3A_1334 : memref<8x128xf32, #tpu.memory_space<vmem>>) target_semaphore(%arg12 : memref<!tpu.dma_semaphore, #tpu.memory_space<semaphore_mem>>)
    %dma_start3A_1337 = arith.constant 7 : i32
    %dma_start3A_1338 = arith.constant 0 : i32
    %dma_start3A_1339 = arith.constant 0 : i32
    %dma_start3A_1340 = tpu.memref_slice %arg10[%dma_start3A_1337, %dma_start3A_1338, %dma_start3A_1339] : memref<8x32x128xf32, #tpu.memory_space<vmem>> -> memref<1x32x128xf32, #tpu.memory_space<vmem>>
    %dma_start3A_1341 = tpu.memref_squeeze %dma_start3A_1340 : memref<1x32x128xf32, #tpu.memory_space<vmem>> -> memref<32x128xf32, #tpu.memory_space<vmem>>
    %dma_start3A_1342 = arith.constant 24 : i32
    %dma_start3A_1343 = arith.constant 0 : i32
    %dma_start3A_1344 = tpu.memref_slice %dma_start3A_1341[%dma_start3A_1342, %dma_start3A_1343] : memref<32x128xf32, #tpu.memory_space<vmem>> -> memref<8x128xf32, #tpu.memory_space<vmem>>
    %dma_start3A_1345 = arith.constant 24 : i32
    %dma_start3A_1346 = tpu.memref_slice %arg5[%dma_start3A_1345, %multiple_of3A_1203] : memref<32x1000000xf32, #tpu.memory_space<hbm>> -> memref<8x128xf32, #tpu.memory_space<hbm>>
    %dma_start3A_1347 = arith.constant 0 : i32
    %dma_start3A_1348 = arith.constant 0 : i32
    %dma_start3A_1349 = tpu.memref_slice %arg10[%dma_start3A_1337, %dma_start3A_1347, %dma_start3A_1348] : memref<8x32x128xf32, #tpu.memory_space<vmem>> -> memref<1x32x128xf32, #tpu.memory_space<vmem>>
    %dma_start3A_1350 = tpu.memref_squeeze %dma_start3A_1349 : memref<1x32x128xf32, #tpu.memory_space<vmem>> -> memref<32x128xf32, #tpu.memory_space<vmem>>
    %dma_start3A_1351 = arith.constant 24 : i32
    %dma_start3A_1352 = arith.constant 0 : i32
    %dma_start3A_1353 = tpu.memref_slice %dma_start3A_1350[%dma_start3A_1351, %dma_start3A_1352] : memref<32x128xf32, #tpu.memory_space<vmem>> -> memref<8x128xf32, #tpu.memory_space<vmem>>
    %dma_start3A_1354 = arith.constant 24 : i32
    %dma_start3A_1355 = tpu.memref_slice %arg5[%dma_start3A_1354, %multiple_of3A_1203] : memref<32x1000000xf32, #tpu.memory_space<hbm>> -> memref<8x128xf32, #tpu.memory_space<hbm>>
    tpu.enqueue_dma source(%dma_start3A_1355 : memref<8x128xf32, #tpu.memory_space<hbm>>) target(%dma_start3A_1353 : memref<8x128xf32, #tpu.memory_space<vmem>>) target_semaphore(%arg12 : memref<!tpu.dma_semaphore, #tpu.memory_space<semaphore_mem>>)
    %iota3A = tpu.iota {dimensions = array<i32: 0>} : vector<16xi32>
    %add3A_1356 = arith.constant 16 : i32
    %add3A_1357 = vector.broadcast %add3A_1356 : i32 to vector<16xi32>
    %add3A_1358 = arith.addi %iota3A, %add3A_1357 : vector<16xi32>
    %iota3A_1359 = tpu.iota {dimensions = array<i32: 0>} : vector<16xi32>
    %broadcast_in_dim3A = arith.constant 0.000000e+00 : f32
    %broadcast_in_dim3A_1360 = vector.broadcast %broadcast_in_dim3A : f32 to vector<16xf32>
    %scan3A = arith.constant 0 : i32
    %scan3A_1361 = arith.constant 64 : i32
    %scan3A_1362 = arith.addi %scan3A, %scan3A_1361 : i32
    %scan3A_1363 = arith.constant 1 : i32
    %scan3A_1364 = scf.for %scan3A_1366 = %scan3A to %scan3A_1362 step %scan3A_1363 iter_args(%scan3A_1367 = %broadcast_in_dim3A_1360) -> (vector<16xf32>)  : i32 {
      %mul3A_1368 = arith.constant 8 : i32
      %mul3A_1369 = arith.muli %scan3A_1366, %mul3A_1368 : i32
      %add3A_1370 = arith.constant 0 : i32
      %add3A_1371 = arith.addi %mul3A_1369, %add3A_1370 : i32
      %dma_wait3A = arith.constant 0 : i32
      %dma_wait3A_1372 = arith.constant 0 : i32
      %dma_wait3A_1373 = arith.constant 0 : i32
      %dma_wait3A_1374 = tpu.memref_slice %arg9[%dma_wait3A, %dma_wait3A_1372, %dma_wait3A_1373] : memref<8x32x128xf32, #tpu.memory_space<vmem>> -> memref<1x32x128xf32, #tpu.memory_space<vmem>>
      %dma_wait3A_1375 = tpu.memref_squeeze %dma_wait3A_1374 : memref<1x32x128xf32, #tpu.memory_space<vmem>> -> memref<32x128xf32, #tpu.memory_space<vmem>>
      %dma_wait3A_1376 = arith.constant 0 : i32
      %dma_wait3A_1377 = arith.constant 0 : i32
      %dma_wait3A_1378 = tpu.memref_slice %arg4[%dma_wait3A_1376, %dma_wait3A_1377] : memref<32x1000000xf32, #tpu.memory_space<hbm>> -> memref<32x128xf32, #tpu.memory_space<hbm>>
      %dma_wait3A_1379 = arith.constant 0 : i32
      %dma_wait3A_1380 = arith.constant 0 : i32
      %dma_wait3A_1381 = tpu.memref_slice %arg9[%dma_wait3A, %dma_wait3A_1379, %dma_wait3A_1380] : memref<8x32x128xf32, #tpu.memory_space<vmem>> -> memref<1x32x128xf32, #tpu.memory_space<vmem>>
      %dma_wait3A_1382 = tpu.memref_squeeze %dma_wait3A_1381 : memref<1x32x128xf32, #tpu.memory_space<vmem>> -> memref<32x128xf32, #tpu.memory_space<vmem>>
      %dma_wait3A_1383 = arith.constant 0 : i32
      %dma_wait3A_1384 = arith.constant 0 : i32
      %dma_wait3A_1385 = tpu.memref_slice %arg4[%dma_wait3A_1383, %dma_wait3A_1384] : memref<32x1000000xf32, #tpu.memory_space<hbm>> -> memref<32x128xf32, #tpu.memory_space<hbm>>
      tpu.wait_dma2 semaphore(%arg12 : memref<!tpu.dma_semaphore, #tpu.memory_space<semaphore_mem>>) src(%dma_wait3A_1385 : memref<32x128xf32, #tpu.memory_space<hbm>>) dst(%dma_wait3A_1382 : memref<32x128xf32, #tpu.memory_space<vmem>>)
      %dma_wait3A_1386 = arith.constant 0 : i32
      %dma_wait3A_1387 = arith.constant 0 : i32
      %dma_wait3A_1388 = arith.constant 0 : i32
      %dma_wait3A_1389 = tpu.memref_slice %arg10[%dma_wait3A_1386, %dma_wait3A_1387, %dma_wait3A_1388] : memref<8x32x128xf32, #tpu.memory_space<vmem>> -> memref<1x32x128xf32, #tpu.memory_space<vmem>>
      %dma_wait3A_1390 = tpu.memref_squeeze %dma_wait3A_1389 : memref<1x32x128xf32, #tpu.memory_space<vmem>> -> memref<32x128xf32, #tpu.memory_space<vmem>>
      %dma_wait3A_1391 = arith.constant 0 : i32
      %dma_wait3A_1392 = arith.constant 0 : i32
      %dma_wait3A_1393 = tpu.memref_slice %arg5[%dma_wait3A_1391, %dma_wait3A_1392] : memref<32x1000000xf32, #tpu.memory_space<hbm>> -> memref<32x128xf32, #tpu.memory_space<hbm>>
      %dma_wait3A_1394 = arith.constant 0 : i32
      %dma_wait3A_1395 = arith.constant 0 : i32
      %dma_wait3A_1396 = tpu.memref_slice %arg10[%dma_wait3A_1386, %dma_wait3A_1394, %dma_wait3A_1395] : memref<8x32x128xf32, #tpu.memory_space<vmem>> -> memref<1x32x128xf32, #tpu.memory_space<vmem>>
      %dma_wait3A_1397 = tpu.memref_squeeze %dma_wait3A_1396 : memref<1x32x128xf32, #tpu.memory_space<vmem>> -> memref<32x128xf32, #tpu.memory_space<vmem>>
      %dma_wait3A_1398 = arith.constant 0 : i32
      %dma_wait3A_1399 = arith.constant 0 : i32
      %dma_wait3A_1400 = tpu.memref_slice %arg5[%dma_wait3A_1398, %dma_wait3A_1399] : memref<32x1000000xf32, #tpu.memory_space<hbm>> -> memref<32x128xf32, #tpu.memory_space<hbm>>
      tpu.wait_dma2 semaphore(%arg12 : memref<!tpu.dma_semaphore, #tpu.memory_space<semaphore_mem>>) src(%dma_wait3A_1400 : memref<32x128xf32, #tpu.memory_space<hbm>>) dst(%dma_wait3A_1397 : memref<32x128xf32, #tpu.memory_space<vmem>>)
      %get3A_1401 = arith.index_cast %add3A_1371 : i32 to index
      %get3A_1402 = tpu.vector_load %arg7[%get3A_1401] {strides = array<i32>} : memref<528xi32, #tpu.memory_space<vmem>>, vector<16xi32>,
      %get3A_1403 = arith.index_cast %add3A_1371 : i32 to index
      %get3A_1404 = tpu.vector_load %arg8[%get3A_1403] {strides = array<i32>} : memref<528xi32, #tpu.memory_space<vmem>>, vector<16xi32>,
      %slice3A_1405 = vector.extract_strided_slice %get3A_1402 {offsets = [0], sizes = [1], strides = [1]} : vector<16xi32> to vector<1xi32>
      %squeeze3A_1406 = vector.extract %slice3A_1405[0] : i32 from vector<1xi32>
      %and3A = arith.constant 127 : i32
      %and3A_1407 = arith.andi %squeeze3A_1406, %and3A : i32
      %broadcast_in_dim3A_1408 = vector.broadcast %and3A_1407 : i32 to vector<16xi32>
      %slice3A_1409 = vector.extract_strided_slice %get3A_1404 {offsets = [0], sizes = [1], strides = [1]} : vector<16xi32> to vector<1xi32>
      %squeeze3A_1410 = vector.extract %slice3A_1409[0] : i32 from vector<1xi32>
      %and3A_1411 = arith.constant 127 : i32
      %and3A_1412 = arith.andi %squeeze3A_1410, %and3A_1411 : i32
      %broadcast_in_dim3A_1413 = vector.broadcast %and3A_1412 : i32 to vector<16xi32>
      %gather3A = arith.constant 0 : i32
      %gather3A_1414 = arith.constant 0 : i32
      %gather3A_1415 = arith.constant 0 : i32
      %gather3A_1416 = tpu.memref_slice %arg9[%gather3A, %gather3A_1414, %gather3A_1415] : memref<8x32x128xf32, #tpu.memory_space<vmem>> -> memref<1x32x128xf32, #tpu.memory_space<vmem>>
      %gather3A_1417 = tpu.memref_squeeze %gather3A_1416 : memref<1x32x128xf32, #tpu.memory_space<vmem>> -> memref<32x128xf32, #tpu.memory_space<vmem>>
      %gather3A_1418 = tpu.vector_load_idx %gather3A_1417[%iota3A, %broadcast_in_dim3A_1408] : memref<32x128xf32, #tpu.memory_space<vmem>>[vector<16xi32>, vector<16xi32>], vector<16xf32>,
      %gather3A_1419 = arith.constant 0 : i32
      %gather3A_1420 = arith.constant 0 : i32
      %gather3A_1421 = arith.constant 0 : i32
      %gather3A_1422 = tpu.memref_slice %arg9[%gather3A_1419, %gather3A_1420, %gather3A_1421] : memref<8x32x128xf32, #tpu.memory_space<vmem>> -> memref<1x32x128xf32, #tpu.memory_space<vmem>>
      %gather3A_1423 = tpu.memref_squeeze %gather3A_1422 : memref<1x32x128xf32, #tpu.memory_space<vmem>> -> memref<32x128xf32, #tpu.memory_space<vmem>>
      %gather3A_1424 = tpu.vector_load_idx %gather3A_1423[%add3A_1358, %broadcast_in_dim3A_1408] : memref<32x128xf32, #tpu.memory_space<vmem>>[vector<16xi32>, vector<16xi32>], vector<16xf32>,
      %gather3A_1425 = arith.constant 0 : i32
      %gather3A_1426 = arith.constant 0 : i32
      %gather3A_1427 = arith.constant 0 : i32
      %gather3A_1428 = tpu.memref_slice %arg10[%gather3A_1425, %gather3A_1426, %gather3A_1427] : memref<8x32x128xf32, #tpu.memory_space<vmem>> -> memref<1x32x128xf32, #tpu.memory_space<vmem>>
      %gather3A_1429 = tpu.memref_squeeze %gather3A_1428 : memref<1x32x128xf32, #tpu.memory_space<vmem>> -> memref<32x128xf32, #tpu.memory_space<vmem>>
      %gather3A_1430 = tpu.vector_load_idx %gather3A_1429[%iota3A, %broadcast_in_dim3A_1413] : memref<32x128xf32, #tpu.memory_space<vmem>>[vector<16xi32>, vector<16xi32>], vector<16xf32>,
      %gather3A_1431 = arith.constant 0 : i32
      %gather3A_1432 = arith.constant 0 : i32
      %gather3A_1433 = arith.constant 0 : i32
      %gather3A_1434 = tpu.memref_slice %arg10[%gather3A_1431, %gather3A_1432, %gather3A_1433] : memref<8x32x128xf32, #tpu.memory_space<vmem>> -> memref<1x32x128xf32, #tpu.memory_space<vmem>>
      %gather3A_1435 = tpu.memref_squeeze %gather3A_1434 : memref<1x32x128xf32, #tpu.memory_space<vmem>> -> memref<32x128xf32, #tpu.memory_space<vmem>>
      %gather3A_1436 = tpu.vector_load_idx %gather3A_1435[%add3A_1358, %broadcast_in_dim3A_1413] : memref<32x128xf32, #tpu.memory_space<vmem>>[vector<16xi32>, vector<16xi32>], vector<16xf32>,
      %mul3A_1437 = arith.mulf %gather3A_1418, %gather3A_1430 : vector<16xf32>
      %mul3A_1438 = arith.mulf %gather3A_1424, %gather3A_1436 : vector<16xf32>
      %add3A_1439 = arith.addf %mul3A_1437, %mul3A_1438 : vector<16xf32>
      %reduce_sum3A = arith.constant true
      %reduce_sum3A_1440 = vector.broadcast %reduce_sum3A : i1 to vector<16xi1>
      %reduce_sum3A_1441 = tpu.scan <sum>, %add3A_1439 masked %reduce_sum3A_1440 : vector<16xf32>, vector<16xi1> -> vector<16xf32>
      %reduce_sum3A_1442 = vector.extract %reduce_sum3A_1441[15] : f32 from vector<16xf32>
      %jit3A = arith.constant 16 : i32
      %eq3A = arith.constant 0 : i32
      %eq3A_1443 = arith.cmpi eq, %jit3A, %eq3A : i32
      %jit3A_1444 = arith.constant 1 : i32
      %select_n3A = arith.select %eq3A_1443, %jit3A_1444, %jit3A : i32
      %rem3A = arith.remsi %add3A_1371, %select_n3A : i32
      %ne3A = arith.constant 0 : i32
      %ne3A_1445 = arith.cmpi ne, %rem3A, %ne3A : i32
      %lt3A = arith.constant 0 : i32
      %lt3A_1446 = arith.cmpi slt, %rem3A, %lt3A : i32
      %lt3A_1447 = arith.constant 0 : i32
      %lt3A_1448 = arith.cmpi slt, %select_n3A, %lt3A_1447 : i32
      %ne3A_1449 = arith.xori %lt3A_1446, %lt3A_1448 : i1
      %and3A_1450 = arith.andi %ne3A_1449, %ne3A_1445 : i1
      %add3A_1451 = arith.addi %rem3A, %select_n3A : i32
      %select_n3A_1452 = arith.select %and3A_1450, %add3A_1451, %rem3A : i32
      %eq3A_1453 = vector.broadcast %select_n3A_1452 : i32 to vector<16xi32>
      %eq3A_1454 = arith.cmpi eq, %iota3A_1359, %eq3A_1453 : vector<16xi32>
      %add3A_1455 = vector.broadcast %reduce_sum3A_1442 : f32 to vector<16xf32>
      %add3A_1456 = arith.addf %scan3A_1367, %add3A_1455 : vector<16xf32>
      %select_n3A_1457 = arith.select %eq3A_1454, %add3A_1456, %scan3A_1367 : vector<16xi1>, vector<16xf32>
      %add3A_1458 = arith.constant 8 : i32
      %add3A_1459 = arith.addi %add3A_1371, %add3A_1458 : i32
      %lt3A_1460 = arith.constant 512 : i32
      %lt3A_1461 = arith.cmpi slt, %add3A_1459, %lt3A_1460 : i32
      %convert_element_type3A = arith.extui %lt3A_1461 : i1 to i32
      %cond3A = arith.constant 0 : i32
      %cond3A_1462 = arith.cmpi ne, %convert_element_type3A, %cond3A : i32
      scf.if %cond3A_1462 {
        %add3A_2254 = arith.constant 8 : i32
        %add3A_2255 = arith.addi %add3A_1371, %add3A_2254 : i32
        %get3A_2256 = arith.index_cast %add3A_2255 : i32 to index
        %get3A_2257 = tpu.vector_load %arg7[%get3A_2256] {strides = array<i32>} : memref<528xi32, #tpu.memory_space<vmem>>, vector<16xi32>,
        %slice3A_2258 = vector.extract_strided_slice %get3A_2257 {offsets = [0], sizes = [1], strides = [1]} : vector<16xi32> to vector<1xi32>
        %squeeze3A_2259 = vector.extract %slice3A_2258[0] : i32 from vector<1xi32>
        %get3A_2260 = arith.index_cast %add3A_2255 : i32 to index
        %get3A_2261 = tpu.vector_load %arg8[%get3A_2260] {strides = array<i32>} : memref<528xi32, #tpu.memory_space<vmem>>, vector<16xi32>,
        %slice3A_2262 = vector.extract_strided_slice %get3A_2261 {offsets = [0], sizes = [1], strides = [1]} : vector<16xi32> to vector<1xi32>
        %squeeze3A_2263 = vector.extract %slice3A_2262[0] : i32 from vector<1xi32>
        %shift_right_arithmetic3A_2264 = arith.constant 7 : i32
        %shift_right_arithmetic3A_2265 = arith.shrsi %squeeze3A_2259, %shift_right_arithmetic3A_2264 : i32
        %shift_left3A_2266 = arith.constant 7 : i32
        %shift_left3A_2267 = arith.shli %shift_right_arithmetic3A_2265, %shift_left3A_2266 : i32
        %multiple_of3A_2268 = tpu.assume_multiple %shift_left3A_2267, 128 : i32
        %shift_right_arithmetic3A_2269 = arith.constant 7 : i32
        %shift_right_arithmetic3A_2270 = arith.shrsi %squeeze3A_2263, %shift_right_arithmetic3A_2269 : i32
        %shift_left3A_2271 = arith.constant 7 : i32
        %shift_left3A_2272 = arith.shli %shift_right_arithmetic3A_2270, %shift_left3A_2271 : i32
        %multiple_of3A_2273 = tpu.assume_multiple %shift_left3A_2272, 128 : i32
        %dma_start3A_2274 = arith.constant 0 : i32
        %dma_start3A_2275 = arith.constant 0 : i32
        %dma_start3A_2276 = arith.constant 0 : i32
        %dma_start3A_2277 = tpu.memref_slice %arg9[%dma_start3A_2274, %dma_start3A_2275, %dma_start3A_2276] : memref<8x32x128xf32, #tpu.memory_space<vmem>> -> memref<1x32x128xf32, #tpu.memory_space<vmem>>
        %dma_start3A_2278 = tpu.memref_squeeze %dma_start3A_2277 : memref<1x32x128xf32, #tpu.memory_space<vmem>> -> memref<32x128xf32, #tpu.memory_space<vmem>>
        %dma_start3A_2279 = arith.constant 0 : i32
        %dma_start3A_2280 = arith.constant 0 : i32
        %dma_start3A_2281 = tpu.memref_slice %dma_start3A_2278[%dma_start3A_2279, %dma_start3A_2280] : memref<32x128xf32, #tpu.memory_space<vmem>> -> memref<8x128xf32, #tpu.memory_space<vmem>>
        %dma_start3A_2282 = arith.constant 0 : i32
        %dma_start3A_2283 = tpu.memref_slice %arg4[%dma_start3A_2282, %multiple_of3A_2268] : memref<32x1000000xf32, #tpu.memory_space<hbm>> -> memref<8x128xf32, #tpu.memory_space<hbm>>
        %dma_start3A_2284 = arith.constant 0 : i32
        %dma_start3A_2285 = arith.constant 0 : i32
        %dma_start3A_2286 = tpu.memref_slice %arg9[%dma_start3A_2274, %dma_start3A_2284, %dma_start3A_2285] : memref<8x32x128xf32, #tpu.memory_space<vmem>> -> memref<1x32x128xf32, #tpu.memory_space<vmem>>
        %dma_start3A_2287 = tpu.memref_squeeze %dma_start3A_2286 : memref<1x32x128xf32, #tpu.memory_space<vmem>> -> memref<32x128xf32, #tpu.memory_space<vmem>>
        %dma_start3A_2288 = arith.constant 0 : i32
        %dma_start3A_2289 = arith.constant 0 : i32
        %dma_start3A_2290 = tpu.memref_slice %dma_start3A_2287[%dma_start3A_2288, %dma_start3A_2289] : memref<32x128xf32, #tpu.memory_space<vmem>> -> memref<8x128xf32, #tpu.memory_space<vmem>>
        %dma_start3A_2291 = arith.constant 0 : i32
        %dma_start3A_2292 = tpu.memref_slice %arg4[%dma_start3A_2291, %multiple_of3A_2268] : memref<32x1000000xf32, #tpu.memory_space<hbm>> -> memref<8x128xf32, #tpu.memory_space<hbm>>
        tpu.enqueue_dma source(%dma_start3A_2292 : memref<8x128xf32, #tpu.memory_space<hbm>>) target(%dma_start3A_2290 : memref<8x128xf32, #tpu.memory_space<vmem>>) target_semaphore(%arg12 : memref<!tpu.dma_semaphore, #tpu.memory_space<semaphore_mem>>)
        %dma_start3A_2293 = arith.constant 0 : i32
        %dma_start3A_2294 = arith.constant 0 : i32
        %dma_start3A_2295 = arith.constant 0 : i32
        %dma_start3A_2296 = tpu.memref_slice %arg10[%dma_start3A_2293, %dma_start3A_2294, %dma_start3A_2295] : memref<8x32x128xf32, #tpu.memory_space<vmem>> -> memref<1x32x128xf32, #tpu.memory_space<vmem>>
        %dma_start3A_2297 = tpu.memref_squeeze %dma_start3A_2296 : memref<1x32x128xf32, #tpu.memory_space<vmem>> -> memref<32x128xf32, #tpu.memory_space<vmem>>
        %dma_start3A_2298 = arith.constant 0 : i32
        %dma_start3A_2299 = arith.constant 0 : i32
        %dma_start3A_2300 = tpu.memref_slice %dma_start3A_2297[%dma_start3A_2298, %dma_start3A_2299] : memref<32x128xf32, #tpu.memory_space<vmem>> -> memref<8x128xf32, #tpu.memory_space<vmem>>
        %dma_start3A_2301 = arith.constant 0 : i32
        %dma_start3A_2302 = tpu.memref_slice %arg5[%dma_start3A_2301, %multiple_of3A_2273] : memref<32x1000000xf32, #tpu.memory_space<hbm>> -> memref<8x128xf32, #tpu.memory_space<hbm>>
        %dma_start3A_2303 = arith.constant 0 : i32
        %dma_start3A_2304 = arith.constant 0 : i32
        %dma_start3A_2305 = tpu.memref_slice %arg10[%dma_start3A_2293, %dma_start3A_2303, %dma_start3A_2304] : memref<8x32x128xf32, #tpu.memory_space<vmem>> -> memref<1x32x128xf32, #tpu.memory_space<vmem>>
        %dma_start3A_2306 = tpu.memref_squeeze %dma_start3A_2305 : memref<1x32x128xf32, #tpu.memory_space<vmem>> -> memref<32x128xf32, #tpu.memory_space<vmem>>
        %dma_start3A_2307 = arith.constant 0 : i32
        %dma_start3A_2308 = arith.constant 0 : i32
        %dma_start3A_2309 = tpu.memref_slice %dma_start3A_2306[%dma_start3A_2307, %dma_start3A_2308] : memref<32x128xf32, #tpu.memory_space<vmem>> -> memref<8x128xf32, #tpu.memory_space<vmem>>
        %dma_start3A_2310 = arith.constant 0 : i32
        %dma_start3A_2311 = tpu.memref_slice %arg5[%dma_start3A_2310, %multiple_of3A_2273] : memref<32x1000000xf32, #tpu.memory_space<hbm>> -> memref<8x128xf32, #tpu.memory_space<hbm>>
        tpu.enqueue_dma source(%dma_start3A_2311 : memref<8x128xf32, #tpu.memory_space<hbm>>) target(%dma_start3A_2309 : memref<8x128xf32, #tpu.memory_space<vmem>>) target_semaphore(%arg12 : memref<!tpu.dma_semaphore, #tpu.memory_space<semaphore_mem>>)
        %dma_start3A_2312 = arith.constant 0 : i32
        %dma_start3A_2313 = arith.constant 0 : i32
        %dma_start3A_2314 = arith.constant 0 : i32
        %dma_start3A_2315 = tpu.memref_slice %arg9[%dma_start3A_2312, %dma_start3A_2313, %dma_start3A_2314] : memref<8x32x128xf32, #tpu.memory_space<vmem>> -> memref<1x32x128xf32, #tpu.memory_space<vmem>>
        %dma_start3A_2316 = tpu.memref_squeeze %dma_start3A_2315 : memref<1x32x128xf32, #tpu.memory_space<vmem>> -> memref<32x128xf32, #tpu.memory_space<vmem>>
        %dma_start3A_2317 = arith.constant 8 : i32
        %dma_start3A_2318 = arith.constant 0 : i32
        %dma_start3A_2319 = tpu.memref_slice %dma_start3A_2316[%dma_start3A_2317, %dma_start3A_2318] : memref<32x128xf32, #tpu.memory_space<vmem>> -> memref<8x128xf32, #tpu.memory_space<vmem>>
        %dma_start3A_2320 = arith.constant 8 : i32
        %dma_start3A_2321 = tpu.memref_slice %arg4[%dma_start3A_2320, %multiple_of3A_2268] : memref<32x1000000xf32, #tpu.memory_space<hbm>> -> memref<8x128xf32, #tpu.memory_space<hbm>>
        %dma_start3A_2322 = arith.constant 0 : i32
        %dma_start3A_2323 = arith.constant 0 : i32
        %dma_start3A_2324 = tpu.memref_slice %arg9[%dma_start3A_2312, %dma_start3A_2322, %dma_start3A_2323] : memref<8x32x128xf32, #tpu.memory_space<vmem>> -> memref<1x32x128xf32, #tpu.memory_space<vmem>>
        %dma_start3A_2325 = tpu.memref_squeeze %dma_start3A_2324 : memref<1x32x128xf32, #tpu.memory_space<vmem>> -> memref<32x128xf32, #tpu.memory_space<vmem>>
        %dma_start3A_2326 = arith.constant 8 : i32
        %dma_start3A_2327 = arith.constant 0 : i32
        %dma_start3A_2328 = tpu.memref_slice %dma_start3A_2325[%dma_start3A_2326, %dma_start3A_2327] : memref<32x128xf32, #tpu.memory_space<vmem>> -> memref<8x128xf32, #tpu.memory_space<vmem>>
        %dma_start3A_2329 = arith.constant 8 : i32
        %dma_start3A_2330 = tpu.memref_slice %arg4[%dma_start3A_2329, %multiple_of3A_2268] : memref<32x1000000xf32, #tpu.memory_space<hbm>> -> memref<8x128xf32, #tpu.memory_space<hbm>>
        tpu.enqueue_dma source(%dma_start3A_2330 : memref<8x128xf32, #tpu.memory_space<hbm>>) target(%dma_start3A_2328 : memref<8x128xf32, #tpu.memory_space<vmem>>) target_semaphore(%arg12 : memref<!tpu.dma_semaphore, #tpu.memory_space<semaphore_mem>>)
        %dma_start3A_2331 = arith.constant 0 : i32
        %dma_start3A_2332 = arith.constant 0 : i32
        %dma_start3A_2333 = arith.constant 0 : i32
        %dma_start3A_2334 = tpu.memref_slice %arg10[%dma_start3A_2331, %dma_start3A_2332, %dma_start3A_2333] : memref<8x32x128xf32, #tpu.memory_space<vmem>> -> memref<1x32x128xf32, #tpu.memory_space<vmem>>
        %dma_start3A_2335 = tpu.memref_squeeze %dma_start3A_2334 : memref<1x32x128xf32, #tpu.memory_space<vmem>> -> memref<32x128xf32, #tpu.memory_space<vmem>>
        %dma_start3A_2336 = arith.constant 8 : i32
        %dma_start3A_2337 = arith.constant 0 : i32
        %dma_start3A_2338 = tpu.memref_slice %dma_start3A_2335[%dma_start3A_2336, %dma_start3A_2337] : memref<32x128xf32, #tpu.memory_space<vmem>> -> memref<8x128xf32, #tpu.memory_space<vmem>>
        %dma_start3A_2339 = arith.constant 8 : i32
        %dma_start3A_2340 = tpu.memref_slice %arg5[%dma_start3A_2339, %multiple_of3A_2273] : memref<32x1000000xf32, #tpu.memory_space<hbm>> -> memref<8x128xf32, #tpu.memory_space<hbm>>
        %dma_start3A_2341 = arith.constant 0 : i32
        %dma_start3A_2342 = arith.constant 0 : i32
        %dma_start3A_2343 = tpu.memref_slice %arg10[%dma_start3A_2331, %dma_start3A_2341, %dma_start3A_2342] : memref<8x32x128xf32, #tpu.memory_space<vmem>> -> memref<1x32x128xf32, #tpu.memory_space<vmem>>
        %dma_start3A_2344 = tpu.memref_squeeze %dma_start3A_2343 : memref<1x32x128xf32, #tpu.memory_space<vmem>> -> memref<32x128xf32, #tpu.memory_space<vmem>>
        %dma_start3A_2345 = arith.constant 8 : i32
        %dma_start3A_2346 = arith.constant 0 : i32
        %dma_start3A_2347 = tpu.memref_slice %dma_start3A_2344[%dma_start3A_2345, %dma_start3A_2346] : memref<32x128xf32, #tpu.memory_space<vmem>> -> memref<8x128xf32, #tpu.memory_space<vmem>>
        %dma_start3A_2348 = arith.constant 8 : i32
        %dma_start3A_2349 = tpu.memref_slice %arg5[%dma_start3A_2348, %multiple_of3A_2273] : memref<32x1000000xf32, #tpu.memory_space<hbm>> -> memref<8x128xf32, #tpu.memory_space<hbm>>
        tpu.enqueue_dma source(%dma_start3A_2349 : memref<8x128xf32, #tpu.memory_space<hbm>>) target(%dma_start3A_2347 : memref<8x128xf32, #tpu.memory_space<vmem>>) target_semaphore(%arg12 : memref<!tpu.dma_semaphore, #tpu.memory_space<semaphore_mem>>)
        %dma_start3A_2350 = arith.constant 0 : i32
        %dma_start3A_2351 = arith.constant 0 : i32
        %dma_start3A_2352 = arith.constant 0 : i32
        %dma_start3A_2353 = tpu.memref_slice %arg9[%dma_start3A_2350, %dma_start3A_2351, %dma_start3A_2352] : memref<8x32x128xf32, #tpu.memory_space<vmem>> -> memref<1x32x128xf32, #tpu.memory_space<vmem>>
        %dma_start3A_2354 = tpu.memref_squeeze %dma_start3A_2353 : memref<1x32x128xf32, #tpu.memory_space<vmem>> -> memref<32x128xf32, #tpu.memory_space<vmem>>
        %dma_start3A_2355 = arith.constant 16 : i32
        %dma_start3A_2356 = arith.constant 0 : i32
        %dma_start3A_2357 = tpu.memref_slice %dma_start3A_2354[%dma_start3A_2355, %dma_start3A_2356] : memref<32x128xf32, #tpu.memory_space<vmem>> -> memref<8x128xf32, #tpu.memory_space<vmem>>
        %dma_start3A_2358 = arith.constant 16 : i32
        %dma_start3A_2359 = tpu.memref_slice %arg4[%dma_start3A_2358, %multiple_of3A_2268] : memref<32x1000000xf32, #tpu.memory_space<hbm>> -> memref<8x128xf32, #tpu.memory_space<hbm>>
        %dma_start3A_2360 = arith.constant 0 : i32
        %dma_start3A_2361 = arith.constant 0 : i32
        %dma_start3A_2362 = tpu.memref_slice %arg9[%dma_start3A_2350, %dma_start3A_2360, %dma_start3A_2361] : memref<8x32x128xf32, #tpu.memory_space<vmem>> -> memref<1x32x128xf32, #tpu.memory_space<vmem>>
        %dma_start3A_2363 = tpu.memref_squeeze %dma_start3A_2362 : memref<1x32x128xf32, #tpu.memory_space<vmem>> -> memref<32x128xf32, #tpu.memory_space<vmem>>
        %dma_start3A_2364 = arith.constant 16 : i32
        %dma_start3A_2365 = arith.constant 0 : i32
        %dma_start3A_2366 = tpu.memref_slice %dma_start3A_2363[%dma_start3A_2364, %dma_start3A_2365] : memref<32x128xf32, #tpu.memory_space<vmem>> -> memref<8x128xf32, #tpu.memory_space<vmem>>
        %dma_start3A_2367 = arith.constant 16 : i32
        %dma_start3A_2368 = tpu.memref_slice %arg4[%dma_start3A_2367, %multiple_of3A_2268] : memref<32x1000000xf32, #tpu.memory_space<hbm>> -> memref<8x128xf32, #tpu.memory_space<hbm>>
        tpu.enqueue_dma source(%dma_start3A_2368 : memref<8x128xf32, #tpu.memory_space<hbm>>) target(%dma_start3A_2366 : memref<8x128xf32, #tpu.memory_space<vmem>>) target_semaphore(%arg12 : memref<!tpu.dma_semaphore, #tpu.memory_space<semaphore_mem>>)
        %dma_start3A_2369 = arith.constant 0 : i32
        %dma_start3A_2370 = arith.constant 0 : i32
        %dma_start3A_2371 = arith.constant 0 : i32
        %dma_start3A_2372 = tpu.memref_slice %arg10[%dma_start3A_2369, %dma_start3A_2370, %dma_start3A_2371] : memref<8x32x128xf32, #tpu.memory_space<vmem>> -> memref<1x32x128xf32, #tpu.memory_space<vmem>>
        %dma_start3A_2373 = tpu.memref_squeeze %dma_start3A_2372 : memref<1x32x128xf32, #tpu.memory_space<vmem>> -> memref<32x128xf32, #tpu.memory_space<vmem>>
        %dma_start3A_2374 = arith.constant 16 : i32
        %dma_start3A_2375 = arith.constant 0 : i32
        %dma_start3A_2376 = tpu.memref_slice %dma_start3A_2373[%dma_start3A_2374, %dma_start3A_2375] : memref<32x128xf32, #tpu.memory_space<vmem>> -> memref<8x128xf32, #tpu.memory_space<vmem>>
        %dma_start3A_2377 = arith.constant 16 : i32
        %dma_start3A_2378 = tpu.memref_slice %arg5[%dma_start3A_2377, %multiple_of3A_2273] : memref<32x1000000xf32, #tpu.memory_space<hbm>> -> memref<8x128xf32, #tpu.memory_space<hbm>>
        %dma_start3A_2379 = arith.constant 0 : i32
        %dma_start3A_2380 = arith.constant 0 : i32
        %dma_start3A_2381 = tpu.memref_slice %arg10[%dma_start3A_2369, %dma_start3A_2379, %dma_start3A_2380] : memref<8x32x128xf32, #tpu.memory_space<vmem>> -> memref<1x32x128xf32, #tpu.memory_space<vmem>>
        %dma_start3A_2382 = tpu.memref_squeeze %dma_start3A_2381 : memref<1x32x128xf32, #tpu.memory_space<vmem>> -> memref<32x128xf32, #tpu.memory_space<vmem>>
        %dma_start3A_2383 = arith.constant 16 : i32
        %dma_start3A_2384 = arith.constant 0 : i32
        %dma_start3A_2385 = tpu.memref_slice %dma_start3A_2382[%dma_start3A_2383, %dma_start3A_2384] : memref<32x128xf32, #tpu.memory_space<vmem>> -> memref<8x128xf32, #tpu.memory_space<vmem>>
        %dma_start3A_2386 = arith.constant 16 : i32
        %dma_start3A_2387 = tpu.memref_slice %arg5[%dma_start3A_2386, %multiple_of3A_2273] : memref<32x1000000xf32, #tpu.memory_space<hbm>> -> memref<8x128xf32, #tpu.memory_space<hbm>>
        tpu.enqueue_dma source(%dma_start3A_2387 : memref<8x128xf32, #tpu.memory_space<hbm>>) target(%dma_start3A_2385 : memref<8x128xf32, #tpu.memory_space<vmem>>) target_semaphore(%arg12 : memref<!tpu.dma_semaphore, #tpu.memory_space<semaphore_mem>>)
        %dma_start3A_2388 = arith.constant 0 : i32
        %dma_start3A_2389 = arith.constant 0 : i32
        %dma_start3A_2390 = arith.constant 0 : i32
        %dma_start3A_2391 = tpu.memref_slice %arg9[%dma_start3A_2388, %dma_start3A_2389, %dma_start3A_2390] : memref<8x32x128xf32, #tpu.memory_space<vmem>> -> memref<1x32x128xf32, #tpu.memory_space<vmem>>
        %dma_start3A_2392 = tpu.memref_squeeze %dma_start3A_2391 : memref<1x32x128xf32, #tpu.memory_space<vmem>> -> memref<32x128xf32, #tpu.memory_space<vmem>>
        %dma_start3A_2393 = arith.constant 24 : i32
        %dma_start3A_2394 = arith.constant 0 : i32
        %dma_start3A_2395 = tpu.memref_slice %dma_start3A_2392[%dma_start3A_2393, %dma_start3A_2394] : memref<32x128xf32, #tpu.memory_space<vmem>> -> memref<8x128xf32, #tpu.memory_space<vmem>>
        %dma_start3A_2396 = arith.constant 24 : i32
        %dma_start3A_2397 = tpu.memref_slice %arg4[%dma_start3A_2396, %multiple_of3A_2268] : memref<32x1000000xf32, #tpu.memory_space<hbm>> -> memref<8x128xf32, #tpu.memory_space<hbm>>
        %dma_start3A_2398 = arith.constant 0 : i32
        %dma_start3A_2399 = arith.constant 0 : i32
        %dma_start3A_2400 = tpu.memref_slice %arg9[%dma_start3A_2388, %dma_start3A_2398, %dma_start3A_2399] : memref<8x32x128xf32, #tpu.memory_space<vmem>> -> memref<1x32x128xf32, #tpu.memory_space<vmem>>
        %dma_start3A_2401 = tpu.memref_squeeze %dma_start3A_2400 : memref<1x32x128xf32, #tpu.memory_space<vmem>> -> memref<32x128xf32, #tpu.memory_space<vmem>>
        %dma_start3A_2402 = arith.constant 24 : i32
        %dma_start3A_2403 = arith.constant 0 : i32
        %dma_start3A_2404 = tpu.memref_slice %dma_start3A_2401[%dma_start3A_2402, %dma_start3A_2403] : memref<32x128xf32, #tpu.memory_space<vmem>> -> memref<8x128xf32, #tpu.memory_space<vmem>>
        %dma_start3A_2405 = arith.constant 24 : i32
        %dma_start3A_2406 = tpu.memref_slice %arg4[%dma_start3A_2405, %multiple_of3A_2268] : memref<32x1000000xf32, #tpu.memory_space<hbm>> -> memref<8x128xf32, #tpu.memory_space<hbm>>
        tpu.enqueue_dma source(%dma_start3A_2406 : memref<8x128xf32, #tpu.memory_space<hbm>>) target(%dma_start3A_2404 : memref<8x128xf32, #tpu.memory_space<vmem>>) target_semaphore(%arg12 : memref<!tpu.dma_semaphore, #tpu.memory_space<semaphore_mem>>)
        %dma_start3A_2407 = arith.constant 0 : i32
        %dma_start3A_2408 = arith.constant 0 : i32
        %dma_start3A_2409 = arith.constant 0 : i32
        %dma_start3A_2410 = tpu.memref_slice %arg10[%dma_start3A_2407, %dma_start3A_2408, %dma_start3A_2409] : memref<8x32x128xf32, #tpu.memory_space<vmem>> -> memref<1x32x128xf32, #tpu.memory_space<vmem>>
        %dma_start3A_2411 = tpu.memref_squeeze %dma_start3A_2410 : memref<1x32x128xf32, #tpu.memory_space<vmem>> -> memref<32x128xf32, #tpu.memory_space<vmem>>
        %dma_start3A_2412 = arith.constant 24 : i32
        %dma_start3A_2413 = arith.constant 0 : i32
        %dma_start3A_2414 = tpu.memref_slice %dma_start3A_2411[%dma_start3A_2412, %dma_start3A_2413] : memref<32x128xf32, #tpu.memory_space<vmem>> -> memref<8x128xf32, #tpu.memory_space<vmem>>
        %dma_start3A_2415 = arith.constant 24 : i32
        %dma_start3A_2416 = tpu.memref_slice %arg5[%dma_start3A_2415, %multiple_of3A_2273] : memref<32x1000000xf32, #tpu.memory_space<hbm>> -> memref<8x128xf32, #tpu.memory_space<hbm>>
        %dma_start3A_2417 = arith.constant 0 : i32
        %dma_start3A_2418 = arith.constant 0 : i32
        %dma_start3A_2419 = tpu.memref_slice %arg10[%dma_start3A_2407, %dma_start3A_2417, %dma_start3A_2418] : memref<8x32x128xf32, #tpu.memory_space<vmem>> -> memref<1x32x128xf32, #tpu.memory_space<vmem>>
        %dma_start3A_2420 = tpu.memref_squeeze %dma_start3A_2419 : memref<1x32x128xf32, #tpu.memory_space<vmem>> -> memref<32x128xf32, #tpu.memory_space<vmem>>
        %dma_start3A_2421 = arith.constant 24 : i32
        %dma_start3A_2422 = arith.constant 0 : i32
        %dma_start3A_2423 = tpu.memref_slice %dma_start3A_2420[%dma_start3A_2421, %dma_start3A_2422] : memref<32x128xf32, #tpu.memory_space<vmem>> -> memref<8x128xf32, #tpu.memory_space<vmem>>
        %dma_start3A_2424 = arith.constant 24 : i32
        %dma_start3A_2425 = tpu.memref_slice %arg5[%dma_start3A_2424, %multiple_of3A_2273] : memref<32x1000000xf32, #tpu.memory_space<hbm>> -> memref<8x128xf32, #tpu.memory_space<hbm>>
        tpu.enqueue_dma source(%dma_start3A_2425 : memref<8x128xf32, #tpu.memory_space<hbm>>) target(%dma_start3A_2423 : memref<8x128xf32, #tpu.memory_space<vmem>>) target_semaphore(%arg12 : memref<!tpu.dma_semaphore, #tpu.memory_space<semaphore_mem>>)
      } else {
      }
      %mul3A_1463 = arith.constant 8 : i32
      %mul3A_1464 = arith.muli %scan3A_1366, %mul3A_1463 : i32
      %add3A_1465 = arith.constant 1 : i32
      %add3A_1466 = arith.addi %mul3A_1464, %add3A_1465 : i32
      %dma_wait3A_1467 = arith.constant 1 : i32
      %dma_wait3A_1468 = arith.constant 0 : i32
      %dma_wait3A_1469 = arith.constant 0 : i32
      %dma_wait3A_1470 = tpu.memref_slice %arg9[%dma_wait3A_1467, %dma_wait3A_1468, %dma_wait3A_1469] : memref<8x32x128xf32, #tpu.memory_space<vmem>> -> memref<1x32x128xf32, #tpu.memory_space<vmem>>
      %dma_wait3A_1471 = tpu.memref_squeeze %dma_wait3A_1470 : memref<1x32x128xf32, #tpu.memory_space<vmem>> -> memref<32x128xf32, #tpu.memory_space<vmem>>
      %dma_wait3A_1472 = arith.constant 0 : i32
      %dma_wait3A_1473 = arith.constant 0 : i32
      %dma_wait3A_1474 = tpu.memref_slice %arg4[%dma_wait3A_1472, %dma_wait3A_1473] : memref<32x1000000xf32, #tpu.memory_space<hbm>> -> memref<32x128xf32, #tpu.memory_space<hbm>>
      %dma_wait3A_1475 = arith.constant 0 : i32
      %dma_wait3A_1476 = arith.constant 0 : i32
      %dma_wait3A_1477 = tpu.memref_slice %arg9[%dma_wait3A_1467, %dma_wait3A_1475, %dma_wait3A_1476] : memref<8x32x128xf32, #tpu.memory_space<vmem>> -> memref<1x32x128xf32, #tpu.memory_space<vmem>>
      %dma_wait3A_1478 = tpu.memref_squeeze %dma_wait3A_1477 : memref<1x32x128xf32, #tpu.memory_space<vmem>> -> memref<32x128xf32, #tpu.memory_space<vmem>>
      %dma_wait3A_1479 = arith.constant 0 : i32
      %dma_wait3A_1480 = arith.constant 0 : i32
      %dma_wait3A_1481 = tpu.memref_slice %arg4[%dma_wait3A_1479, %dma_wait3A_1480] : memref<32x1000000xf32, #tpu.memory_space<hbm>> -> memref<32x128xf32, #tpu.memory_space<hbm>>
      tpu.wait_dma2 semaphore(%arg12 : memref<!tpu.dma_semaphore, #tpu.memory_space<semaphore_mem>>) src(%dma_wait3A_1481 : memref<32x128xf32, #tpu.memory_space<hbm>>) dst(%dma_wait3A_1478 : memref<32x128xf32, #tpu.memory_space<vmem>>)
      %dma_wait3A_1482 = arith.constant 1 : i32
      %dma_wait3A_1483 = arith.constant 0 : i32
      %dma_wait3A_1484 = arith.constant 0 : i32
      %dma_wait3A_1485 = tpu.memref_slice %arg10[%dma_wait3A_1482, %dma_wait3A_1483, %dma_wait3A_1484] : memref<8x32x128xf32, #tpu.memory_space<vmem>> -> memref<1x32x128xf32, #tpu.memory_space<vmem>>
      %dma_wait3A_1486 = tpu.memref_squeeze %dma_wait3A_1485 : memref<1x32x128xf32, #tpu.memory_space<vmem>> -> memref<32x128xf32, #tpu.memory_space<vmem>>
      %dma_wait3A_1487 = arith.constant 0 : i32
      %dma_wait3A_1488 = arith.constant 0 : i32
      %dma_wait3A_1489 = tpu.memref_slice %arg5[%dma_wait3A_1487, %dma_wait3A_1488] : memref<32x1000000xf32, #tpu.memory_space<hbm>> -> memref<32x128xf32, #tpu.memory_space<hbm>>
      %dma_wait3A_1490 = arith.constant 0 : i32
      %dma_wait3A_1491 = arith.constant 0 : i32
      %dma_wait3A_1492 = tpu.memref_slice %arg10[%dma_wait3A_1482, %dma_wait3A_1490, %dma_wait3A_1491] : memref<8x32x128xf32, #tpu.memory_space<vmem>> -> memref<1x32x128xf32, #tpu.memory_space<vmem>>
      %dma_wait3A_1493 = tpu.memref_squeeze %dma_wait3A_1492 : memref<1x32x128xf32, #tpu.memory_space<vmem>> -> memref<32x128xf32, #tpu.memory_space<vmem>>
      %dma_wait3A_1494 = arith.constant 0 : i32
      %dma_wait3A_1495 = arith.constant 0 : i32
      %dma_wait3A_1496 = tpu.memref_slice %arg5[%dma_wait3A_1494, %dma_wait3A_1495] : memref<32x1000000xf32, #tpu.memory_space<hbm>> -> memref<32x128xf32, #tpu.memory_space<hbm>>
      tpu.wait_dma2 semaphore(%arg12 : memref<!tpu.dma_semaphore, #tpu.memory_space<semaphore_mem>>) src(%dma_wait3A_1496 : memref<32x128xf32, #tpu.memory_space<hbm>>) dst(%dma_wait3A_1493 : memref<32x128xf32, #tpu.memory_space<vmem>>)
      %get3A_1497 = arith.index_cast %add3A_1466 : i32 to index
      %get3A_1498 = tpu.vector_load %arg7[%get3A_1497] {strides = array<i32>} : memref<528xi32, #tpu.memory_space<vmem>>, vector<16xi32>,
      %get3A_1499 = arith.index_cast %add3A_1466 : i32 to index
      %get3A_1500 = tpu.vector_load %arg8[%get3A_1499] {strides = array<i32>} : memref<528xi32, #tpu.memory_space<vmem>>, vector<16xi32>,
      %slice3A_1501 = vector.extract_strided_slice %get3A_1498 {offsets = [0], sizes = [1], strides = [1]} : vector<16xi32> to vector<1xi32>
      %squeeze3A_1502 = vector.extract %slice3A_1501[0] : i32 from vector<1xi32>
      %and3A_1503 = arith.constant 127 : i32
      %and3A_1504 = arith.andi %squeeze3A_1502, %and3A_1503 : i32
      %broadcast_in_dim3A_1505 = vector.broadcast %and3A_1504 : i32 to vector<16xi32>
      %slice3A_1506 = vector.extract_strided_slice %get3A_1500 {offsets = [0], sizes = [1], strides = [1]} : vector<16xi32> to vector<1xi32>
      %squeeze3A_1507 = vector.extract %slice3A_1506[0] : i32 from vector<1xi32>
      %and3A_1508 = arith.constant 127 : i32
      %and3A_1509 = arith.andi %squeeze3A_1507, %and3A_1508 : i32
      %broadcast_in_dim3A_1510 = vector.broadcast %and3A_1509 : i32 to vector<16xi32>
      %gather3A_1511 = arith.constant 1 : i32
      %gather3A_1512 = arith.constant 0 : i32
      %gather3A_1513 = arith.constant 0 : i32
      %gather3A_1514 = tpu.memref_slice %arg9[%gather3A_1511, %gather3A_1512, %gather3A_1513] : memref<8x32x128xf32, #tpu.memory_space<vmem>> -> memref<1x32x128xf32, #tpu.memory_space<vmem>>
      %gather3A_1515 = tpu.memref_squeeze %gather3A_1514 : memref<1x32x128xf32, #tpu.memory_space<vmem>> -> memref<32x128xf32, #tpu.memory_space<vmem>>
      %gather3A_1516 = tpu.vector_load_idx %gather3A_1515[%iota3A, %broadcast_in_dim3A_1505] : memref<32x128xf32, #tpu.memory_space<vmem>>[vector<16xi32>, vector<16xi32>], vector<16xf32>,
      %gather3A_1517 = arith.constant 1 : i32
      %gather3A_1518 = arith.constant 0 : i32
      %gather3A_1519 = arith.constant 0 : i32
      %gather3A_1520 = tpu.memref_slice %arg9[%gather3A_1517, %gather3A_1518, %gather3A_1519] : memref<8x32x128xf32, #tpu.memory_space<vmem>> -> memref<1x32x128xf32, #tpu.memory_space<vmem>>
      %gather3A_1521 = tpu.memref_squeeze %gather3A_1520 : memref<1x32x128xf32, #tpu.memory_space<vmem>> -> memref<32x128xf32, #tpu.memory_space<vmem>>
      %gather3A_1522 = tpu.vector_load_idx %gather3A_1521[%add3A_1358, %broadcast_in_dim3A_1505] : memref<32x128xf32, #tpu.memory_space<vmem>>[vector<16xi32>, vector<16xi32>], vector<16xf32>,
      %gather3A_1523 = arith.constant 1 : i32
      %gather3A_1524 = arith.constant 0 : i32
      %gather3A_1525 = arith.constant 0 : i32
      %gather3A_1526 = tpu.memref_slice %arg10[%gather3A_1523, %gather3A_1524, %gather3A_1525] : memref<8x32x128xf32, #tpu.memory_space<vmem>> -> memref<1x32x128xf32, #tpu.memory_space<vmem>>
      %gather3A_1527 = tpu.memref_squeeze %gather3A_1526 : memref<1x32x128xf32, #tpu.memory_space<vmem>> -> memref<32x128xf32, #tpu.memory_space<vmem>>
      %gather3A_1528 = tpu.vector_load_idx %gather3A_1527[%iota3A, %broadcast_in_dim3A_1510] : memref<32x128xf32, #tpu.memory_space<vmem>>[vector<16xi32>, vector<16xi32>], vector<16xf32>,
      %gather3A_1529 = arith.constant 1 : i32
      %gather3A_1530 = arith.constant 0 : i32
      %gather3A_1531 = arith.constant 0 : i32
      %gather3A_1532 = tpu.memref_slice %arg10[%gather3A_1529, %gather3A_1530, %gather3A_1531] : memref<8x32x128xf32, #tpu.memory_space<vmem>> -> memref<1x32x128xf32, #tpu.memory_space<vmem>>
      %gather3A_1533 = tpu.memref_squeeze %gather3A_1532 : memref<1x32x128xf32, #tpu.memory_space<vmem>> -> memref<32x128xf32, #tpu.memory_space<vmem>>
      %gather3A_1534 = tpu.vector_load_idx %gather3A_1533[%add3A_1358, %broadcast_in_dim3A_1510] : memref<32x128xf32, #tpu.memory_space<vmem>>[vector<16xi32>, vector<16xi32>], vector<16xf32>,
      %mul3A_1535 = arith.mulf %gather3A_1516, %gather3A_1528 : vector<16xf32>
      %mul3A_1536 = arith.mulf %gather3A_1522, %gather3A_1534 : vector<16xf32>
      %add3A_1537 = arith.addf %mul3A_1535, %mul3A_1536 : vector<16xf32>
      %reduce_sum3A_1538 = arith.constant true
      %reduce_sum3A_1539 = vector.broadcast %reduce_sum3A_1538 : i1 to vector<16xi1>
      %reduce_sum3A_1540 = tpu.scan <sum>, %add3A_1537 masked %reduce_sum3A_1539 : vector<16xf32>, vector<16xi1> -> vector<16xf32>
      %reduce_sum3A_1541 = vector.extract %reduce_sum3A_1540[15] : f32 from vector<16xf32>
      %jit3A_1542 = arith.constant 16 : i32
      %eq3A_1543 = arith.constant 0 : i32
      %eq3A_1544 = arith.cmpi eq, %jit3A_1542, %eq3A_1543 : i32
      %jit3A_1545 = arith.constant 1 : i32
      %select_n3A_1546 = arith.select %eq3A_1544, %jit3A_1545, %jit3A_1542 : i32
      %rem3A_1547 = arith.remsi %add3A_1466, %select_n3A_1546 : i32
      %ne3A_1548 = arith.constant 0 : i32
      %ne3A_1549 = arith.cmpi ne, %rem3A_1547, %ne3A_1548 : i32
      %lt3A_1550 = arith.constant 0 : i32
      %lt3A_1551 = arith.cmpi slt, %rem3A_1547, %lt3A_1550 : i32
      %lt3A_1552 = arith.constant 0 : i32
      %lt3A_1553 = arith.cmpi slt, %select_n3A_1546, %lt3A_1552 : i32
      %ne3A_1554 = arith.xori %lt3A_1551, %lt3A_1553 : i1
      %and3A_1555 = arith.andi %ne3A_1554, %ne3A_1549 : i1
      %add3A_1556 = arith.addi %rem3A_1547, %select_n3A_1546 : i32
      %select_n3A_1557 = arith.select %and3A_1555, %add3A_1556, %rem3A_1547 : i32
      %eq3A_1558 = vector.broadcast %select_n3A_1557 : i32 to vector<16xi32>
      %eq3A_1559 = arith.cmpi eq, %iota3A_1359, %eq3A_1558 : vector<16xi32>
      %add3A_1560 = vector.broadcast %reduce_sum3A_1541 : f32 to vector<16xf32>
      %add3A_1561 = arith.addf %select_n3A_1457, %add3A_1560 : vector<16xf32>
      %select_n3A_1562 = arith.select %eq3A_1559, %add3A_1561, %select_n3A_1457 : vector<16xi1>, vector<16xf32>
      %add3A_1563 = arith.constant 8 : i32
      %add3A_1564 = arith.addi %add3A_1466, %add3A_1563 : i32
      %lt3A_1565 = arith.constant 512 : i32
      %lt3A_1566 = arith.cmpi slt, %add3A_1564, %lt3A_1565 : i32
      %convert_element_type3A_1567 = arith.extui %lt3A_1566 : i1 to i32
      %cond3A_1568 = arith.constant 0 : i32
      %cond3A_1569 = arith.cmpi ne, %convert_element_type3A_1567, %cond3A_1568 : i32
      scf.if %cond3A_1569 {
        %add3A_2254 = arith.constant 8 : i32
        %add3A_2255 = arith.addi %add3A_1466, %add3A_2254 : i32
        %get3A_2256 = arith.index_cast %add3A_2255 : i32 to index
        %get3A_2257 = tpu.vector_load %arg7[%get3A_2256] {strides = array<i32>} : memref<528xi32, #tpu.memory_space<vmem>>, vector<16xi32>,
        %slice3A_2258 = vector.extract_strided_slice %get3A_2257 {offsets = [0], sizes = [1], strides = [1]} : vector<16xi32> to vector<1xi32>
        %squeeze3A_2259 = vector.extract %slice3A_2258[0] : i32 from vector<1xi32>
        %get3A_2260 = arith.index_cast %add3A_2255 : i32 to index
        %get3A_2261 = tpu.vector_load %arg8[%get3A_2260] {strides = array<i32>} : memref<528xi32, #tpu.memory_space<vmem>>, vector<16xi32>,
        %slice3A_2262 = vector.extract_strided_slice %get3A_2261 {offsets = [0], sizes = [1], strides = [1]} : vector<16xi32> to vector<1xi32>
        %squeeze3A_2263 = vector.extract %slice3A_2262[0] : i32 from vector<1xi32>
        %shift_right_arithmetic3A_2264 = arith.constant 7 : i32
        %shift_right_arithmetic3A_2265 = arith.shrsi %squeeze3A_2259, %shift_right_arithmetic3A_2264 : i32
        %shift_left3A_2266 = arith.constant 7 : i32
        %shift_left3A_2267 = arith.shli %shift_right_arithmetic3A_2265, %shift_left3A_2266 : i32
        %multiple_of3A_2268 = tpu.assume_multiple %shift_left3A_2267, 128 : i32
        %shift_right_arithmetic3A_2269 = arith.constant 7 : i32
        %shift_right_arithmetic3A_2270 = arith.shrsi %squeeze3A_2263, %shift_right_arithmetic3A_2269 : i32
        %shift_left3A_2271 = arith.constant 7 : i32
        %shift_left3A_2272 = arith.shli %shift_right_arithmetic3A_2270, %shift_left3A_2271 : i32
        %multiple_of3A_2273 = tpu.assume_multiple %shift_left3A_2272, 128 : i32
        %dma_start3A_2274 = arith.constant 1 : i32
        %dma_start3A_2275 = arith.constant 0 : i32
        %dma_start3A_2276 = arith.constant 0 : i32
        %dma_start3A_2277 = tpu.memref_slice %arg9[%dma_start3A_2274, %dma_start3A_2275, %dma_start3A_2276] : memref<8x32x128xf32, #tpu.memory_space<vmem>> -> memref<1x32x128xf32, #tpu.memory_space<vmem>>
        %dma_start3A_2278 = tpu.memref_squeeze %dma_start3A_2277 : memref<1x32x128xf32, #tpu.memory_space<vmem>> -> memref<32x128xf32, #tpu.memory_space<vmem>>
        %dma_start3A_2279 = arith.constant 0 : i32
        %dma_start3A_2280 = arith.constant 0 : i32
        %dma_start3A_2281 = tpu.memref_slice %dma_start3A_2278[%dma_start3A_2279, %dma_start3A_2280] : memref<32x128xf32, #tpu.memory_space<vmem>> -> memref<8x128xf32, #tpu.memory_space<vmem>>
        %dma_start3A_2282 = arith.constant 0 : i32
        %dma_start3A_2283 = tpu.memref_slice %arg4[%dma_start3A_2282, %multiple_of3A_2268] : memref<32x1000000xf32, #tpu.memory_space<hbm>> -> memref<8x128xf32, #tpu.memory_space<hbm>>
        %dma_start3A_2284 = arith.constant 0 : i32
        %dma_start3A_2285 = arith.constant 0 : i32
        %dma_start3A_2286 = tpu.memref_slice %arg9[%dma_start3A_2274, %dma_start3A_2284, %dma_start3A_2285] : memref<8x32x128xf32, #tpu.memory_space<vmem>> -> memref<1x32x128xf32, #tpu.memory_space<vmem>>
        %dma_start3A_2287 = tpu.memref_squeeze %dma_start3A_2286 : memref<1x32x128xf32, #tpu.memory_space<vmem>> -> memref<32x128xf32, #tpu.memory_space<vmem>>
        %dma_start3A_2288 = arith.constant 0 : i32
        %dma_start3A_2289 = arith.constant 0 : i32
        %dma_start3A_2290 = tpu.memref_slice %dma_start3A_2287[%dma_start3A_2288, %dma_start3A_2289] : memref<32x128xf32, #tpu.memory_space<vmem>> -> memref<8x128xf32, #tpu.memory_space<vmem>>
        %dma_start3A_2291 = arith.constant 0 : i32
        %dma_start3A_2292 = tpu.memref_slice %arg4[%dma_start3A_2291, %multiple_of3A_2268] : memref<32x1000000xf32, #tpu.memory_space<hbm>> -> memref<8x128xf32, #tpu.memory_space<hbm>>
        tpu.enqueue_dma source(%dma_start3A_2292 : memref<8x128xf32, #tpu.memory_space<hbm>>) target(%dma_start3A_2290 : memref<8x128xf32, #tpu.memory_space<vmem>>) target_semaphore(%arg12 : memref<!tpu.dma_semaphore, #tpu.memory_space<semaphore_mem>>)
        %dma_start3A_2293 = arith.constant 1 : i32
        %dma_start3A_2294 = arith.constant 0 : i32
        %dma_start3A_2295 = arith.constant 0 : i32
        %dma_start3A_2296 = tpu.memref_slice %arg10[%dma_start3A_2293, %dma_start3A_2294, %dma_start3A_2295] : memref<8x32x128xf32, #tpu.memory_space<vmem>> -> memref<1x32x128xf32, #tpu.memory_space<vmem>>
        %dma_start3A_2297 = tpu.memref_squeeze %dma_start3A_2296 : memref<1x32x128xf32, #tpu.memory_space<vmem>> -> memref<32x128xf32, #tpu.memory_space<vmem>>
        %dma_start3A_2298 = arith.constant 0 : i32
        %dma_start3A_2299 = arith.constant 0 : i32
        %dma_start3A_2300 = tpu.memref_slice %dma_start3A_2297[%dma_start3A_2298, %dma_start3A_2299] : memref<32x128xf32, #tpu.memory_space<vmem>> -> memref<8x128xf32, #tpu.memory_space<vmem>>
        %dma_start3A_2301 = arith.constant 0 : i32
        %dma_start3A_2302 = tpu.memref_slice %arg5[%dma_start3A_2301, %multiple_of3A_2273] : memref<32x1000000xf32, #tpu.memory_space<hbm>> -> memref<8x128xf32, #tpu.memory_space<hbm>>
        %dma_start3A_2303 = arith.constant 0 : i32
        %dma_start3A_2304 = arith.constant 0 : i32
        %dma_start3A_2305 = tpu.memref_slice %arg10[%dma_start3A_2293, %dma_start3A_2303, %dma_start3A_2304] : memref<8x32x128xf32, #tpu.memory_space<vmem>> -> memref<1x32x128xf32, #tpu.memory_space<vmem>>
        %dma_start3A_2306 = tpu.memref_squeeze %dma_start3A_2305 : memref<1x32x128xf32, #tpu.memory_space<vmem>> -> memref<32x128xf32, #tpu.memory_space<vmem>>
        %dma_start3A_2307 = arith.constant 0 : i32
        %dma_start3A_2308 = arith.constant 0 : i32
        %dma_start3A_2309 = tpu.memref_slice %dma_start3A_2306[%dma_start3A_2307, %dma_start3A_2308] : memref<32x128xf32, #tpu.memory_space<vmem>> -> memref<8x128xf32, #tpu.memory_space<vmem>>
        %dma_start3A_2310 = arith.constant 0 : i32
        %dma_start3A_2311 = tpu.memref_slice %arg5[%dma_start3A_2310, %multiple_of3A_2273] : memref<32x1000000xf32, #tpu.memory_space<hbm>> -> memref<8x128xf32, #tpu.memory_space<hbm>>
        tpu.enqueue_dma source(%dma_start3A_2311 : memref<8x128xf32, #tpu.memory_space<hbm>>) target(%dma_start3A_2309 : memref<8x128xf32, #tpu.memory_space<vmem>>) target_semaphore(%arg12 : memref<!tpu.dma_semaphore, #tpu.memory_space<semaphore_mem>>)
        %dma_start3A_2312 = arith.constant 1 : i32
        %dma_start3A_2313 = arith.constant 0 : i32
        %dma_start3A_2314 = arith.constant 0 : i32
        %dma_start3A_2315 = tpu.memref_slice %arg9[%dma_start3A_2312, %dma_start3A_2313, %dma_start3A_2314] : memref<8x32x128xf32, #tpu.memory_space<vmem>> -> memref<1x32x128xf32, #tpu.memory_space<vmem>>
        %dma_start3A_2316 = tpu.memref_squeeze %dma_start3A_2315 : memref<1x32x128xf32, #tpu.memory_space<vmem>> -> memref<32x128xf32, #tpu.memory_space<vmem>>
        %dma_start3A_2317 = arith.constant 8 : i32
        %dma_start3A_2318 = arith.constant 0 : i32
        %dma_start3A_2319 = tpu.memref_slice %dma_start3A_2316[%dma_start3A_2317, %dma_start3A_2318] : memref<32x128xf32, #tpu.memory_space<vmem>> -> memref<8x128xf32, #tpu.memory_space<vmem>>
        %dma_start3A_2320 = arith.constant 8 : i32
        %dma_start3A_2321 = tpu.memref_slice %arg4[%dma_start3A_2320, %multiple_of3A_2268] : memref<32x1000000xf32, #tpu.memory_space<hbm>> -> memref<8x128xf32, #tpu.memory_space<hbm>>
        %dma_start3A_2322 = arith.constant 0 : i32
        %dma_start3A_2323 = arith.constant 0 : i32
        %dma_start3A_2324 = tpu.memref_slice %arg9[%dma_start3A_2312, %dma_start3A_2322, %dma_start3A_2323] : memref<8x32x128xf32, #tpu.memory_space<vmem>> -> memref<1x32x128xf32, #tpu.memory_space<vmem>>
        %dma_start3A_2325 = tpu.memref_squeeze %dma_start3A_2324 : memref<1x32x128xf32, #tpu.memory_space<vmem>> -> memref<32x128xf32, #tpu.memory_space<vmem>>
        %dma_start3A_2326 = arith.constant 8 : i32
        %dma_start3A_2327 = arith.constant 0 : i32
        %dma_start3A_2328 = tpu.memref_slice %dma_start3A_2325[%dma_start3A_2326, %dma_start3A_2327] : memref<32x128xf32, #tpu.memory_space<vmem>> -> memref<8x128xf32, #tpu.memory_space<vmem>>
        %dma_start3A_2329 = arith.constant 8 : i32
        %dma_start3A_2330 = tpu.memref_slice %arg4[%dma_start3A_2329, %multiple_of3A_2268] : memref<32x1000000xf32, #tpu.memory_space<hbm>> -> memref<8x128xf32, #tpu.memory_space<hbm>>
        tpu.enqueue_dma source(%dma_start3A_2330 : memref<8x128xf32, #tpu.memory_space<hbm>>) target(%dma_start3A_2328 : memref<8x128xf32, #tpu.memory_space<vmem>>) target_semaphore(%arg12 : memref<!tpu.dma_semaphore, #tpu.memory_space<semaphore_mem>>)
        %dma_start3A_2331 = arith.constant 1 : i32
        %dma_start3A_2332 = arith.constant 0 : i32
        %dma_start3A_2333 = arith.constant 0 : i32
        %dma_start3A_2334 = tpu.memref_slice %arg10[%dma_start3A_2331, %dma_start3A_2332, %dma_start3A_2333] : memref<8x32x128xf32, #tpu.memory_space<vmem>> -> memref<1x32x128xf32, #tpu.memory_space<vmem>>
        %dma_start3A_2335 = tpu.memref_squeeze %dma_start3A_2334 : memref<1x32x128xf32, #tpu.memory_space<vmem>> -> memref<32x128xf32, #tpu.memory_space<vmem>>
        %dma_start3A_2336 = arith.constant 8 : i32
        %dma_start3A_2337 = arith.constant 0 : i32
        %dma_start3A_2338 = tpu.memref_slice %dma_start3A_2335[%dma_start3A_2336, %dma_start3A_2337] : memref<32x128xf32, #tpu.memory_space<vmem>> -> memref<8x128xf32, #tpu.memory_space<vmem>>
        %dma_start3A_2339 = arith.constant 8 : i32
        %dma_start3A_2340 = tpu.memref_slice %arg5[%dma_start3A_2339, %multiple_of3A_2273] : memref<32x1000000xf32, #tpu.memory_space<hbm>> -> memref<8x128xf32, #tpu.memory_space<hbm>>
        %dma_start3A_2341 = arith.constant 0 : i32
        %dma_start3A_2342 = arith.constant 0 : i32
        %dma_start3A_2343 = tpu.memref_slice %arg10[%dma_start3A_2331, %dma_start3A_2341, %dma_start3A_2342] : memref<8x32x128xf32, #tpu.memory_space<vmem>> -> memref<1x32x128xf32, #tpu.memory_space<vmem>>
        %dma_start3A_2344 = tpu.memref_squeeze %dma_start3A_2343 : memref<1x32x128xf32, #tpu.memory_space<vmem>> -> memref<32x128xf32, #tpu.memory_space<vmem>>
        %dma_start3A_2345 = arith.constant 8 : i32
        %dma_start3A_2346 = arith.constant 0 : i32
        %dma_start3A_2347 = tpu.memref_slice %dma_start3A_2344[%dma_start3A_2345, %dma_start3A_2346] : memref<32x128xf32, #tpu.memory_space<vmem>> -> memref<8x128xf32, #tpu.memory_space<vmem>>
        %dma_start3A_2348 = arith.constant 8 : i32
        %dma_start3A_2349 = tpu.memref_slice %arg5[%dma_start3A_2348, %multiple_of3A_2273] : memref<32x1000000xf32, #tpu.memory_space<hbm>> -> memref<8x128xf32, #tpu.memory_space<hbm>>
        tpu.enqueue_dma source(%dma_start3A_2349 : memref<8x128xf32, #tpu.memory_space<hbm>>) target(%dma_start3A_2347 : memref<8x128xf32, #tpu.memory_space<vmem>>) target_semaphore(%arg12 : memref<!tpu.dma_semaphore, #tpu.memory_space<semaphore_mem>>)
        %dma_start3A_2350 = arith.constant 1 : i32
        %dma_start3A_2351 = arith.constant 0 : i32
        %dma_start3A_2352 = arith.constant 0 : i32
        %dma_start3A_2353 = tpu.memref_slice %arg9[%dma_start3A_2350, %dma_start3A_2351, %dma_start3A_2352] : memref<8x32x128xf32, #tpu.memory_space<vmem>> -> memref<1x32x128xf32, #tpu.memory_space<vmem>>
        %dma_start3A_2354 = tpu.memref_squeeze %dma_start3A_2353 : memref<1x32x128xf32, #tpu.memory_space<vmem>> -> memref<32x128xf32, #tpu.memory_space<vmem>>
        %dma_start3A_2355 = arith.constant 16 : i32
        %dma_start3A_2356 = arith.constant 0 : i32
        %dma_start3A_2357 = tpu.memref_slice %dma_start3A_2354[%dma_start3A_2355, %dma_start3A_2356] : memref<32x128xf32, #tpu.memory_space<vmem>> -> memref<8x128xf32, #tpu.memory_space<vmem>>
        %dma_start3A_2358 = arith.constant 16 : i32
        %dma_start3A_2359 = tpu.memref_slice %arg4[%dma_start3A_2358, %multiple_of3A_2268] : memref<32x1000000xf32, #tpu.memory_space<hbm>> -> memref<8x128xf32, #tpu.memory_space<hbm>>
        %dma_start3A_2360 = arith.constant 0 : i32
        %dma_start3A_2361 = arith.constant 0 : i32
        %dma_start3A_2362 = tpu.memref_slice %arg9[%dma_start3A_2350, %dma_start3A_2360, %dma_start3A_2361] : memref<8x32x128xf32, #tpu.memory_space<vmem>> -> memref<1x32x128xf32, #tpu.memory_space<vmem>>
        %dma_start3A_2363 = tpu.memref_squeeze %dma_start3A_2362 : memref<1x32x128xf32, #tpu.memory_space<vmem>> -> memref<32x128xf32, #tpu.memory_space<vmem>>
        %dma_start3A_2364 = arith.constant 16 : i32
        %dma_start3A_2365 = arith.constant 0 : i32
        %dma_start3A_2366 = tpu.memref_slice %dma_start3A_2363[%dma_start3A_2364, %dma_start3A_2365] : memref<32x128xf32, #tpu.memory_space<vmem>> -> memref<8x128xf32, #tpu.memory_space<vmem>>
        %dma_start3A_2367 = arith.constant 16 : i32
        %dma_start3A_2368 = tpu.memref_slice %arg4[%dma_start3A_2367, %multiple_of3A_2268] : memref<32x1000000xf32, #tpu.memory_space<hbm>> -> memref<8x128xf32, #tpu.memory_space<hbm>>
        tpu.enqueue_dma source(%dma_start3A_2368 : memref<8x128xf32, #tpu.memory_space<hbm>>) target(%dma_start3A_2366 : memref<8x128xf32, #tpu.memory_space<vmem>>) target_semaphore(%arg12 : memref<!tpu.dma_semaphore, #tpu.memory_space<semaphore_mem>>)
        %dma_start3A_2369 = arith.constant 1 : i32
        %dma_start3A_2370 = arith.constant 0 : i32
        %dma_start3A_2371 = arith.constant 0 : i32
        %dma_start3A_2372 = tpu.memref_slice %arg10[%dma_start3A_2369, %dma_start3A_2370, %dma_start3A_2371] : memref<8x32x128xf32, #tpu.memory_space<vmem>> -> memref<1x32x128xf32, #tpu.memory_space<vmem>>
        %dma_start3A_2373 = tpu.memref_squeeze %dma_start3A_2372 : memref<1x32x128xf32, #tpu.memory_space<vmem>> -> memref<32x128xf32, #tpu.memory_space<vmem>>
        %dma_start3A_2374 = arith.constant 16 : i32
        %dma_start3A_2375 = arith.constant 0 : i32
        %dma_start3A_2376 = tpu.memref_slice %dma_start3A_2373[%dma_start3A_2374, %dma_start3A_2375] : memref<32x128xf32, #tpu.memory_space<vmem>> -> memref<8x128xf32, #tpu.memory_space<vmem>>
        %dma_start3A_2377 = arith.constant 16 : i32
        %dma_start3A_2378 = tpu.memref_slice %arg5[%dma_start3A_2377, %multiple_of3A_2273] : memref<32x1000000xf32, #tpu.memory_space<hbm>> -> memref<8x128xf32, #tpu.memory_space<hbm>>
        %dma_start3A_2379 = arith.constant 0 : i32
        %dma_start3A_2380 = arith.constant 0 : i32
        %dma_start3A_2381 = tpu.memref_slice %arg10[%dma_start3A_2369, %dma_start3A_2379, %dma_start3A_2380] : memref<8x32x128xf32, #tpu.memory_space<vmem>> -> memref<1x32x128xf32, #tpu.memory_space<vmem>>
        %dma_start3A_2382 = tpu.memref_squeeze %dma_start3A_2381 : memref<1x32x128xf32, #tpu.memory_space<vmem>> -> memref<32x128xf32, #tpu.memory_space<vmem>>
        %dma_start3A_2383 = arith.constant 16 : i32
        %dma_start3A_2384 = arith.constant 0 : i32
        %dma_start3A_2385 = tpu.memref_slice %dma_start3A_2382[%dma_start3A_2383, %dma_start3A_2384] : memref<32x128xf32, #tpu.memory_space<vmem>> -> memref<8x128xf32, #tpu.memory_space<vmem>>
        %dma_start3A_2386 = arith.constant 16 : i32
        %dma_start3A_2387 = tpu.memref_slice %arg5[%dma_start3A_2386, %multiple_of3A_2273] : memref<32x1000000xf32, #tpu.memory_space<hbm>> -> memref<8x128xf32, #tpu.memory_space<hbm>>
        tpu.enqueue_dma source(%dma_start3A_2387 : memref<8x128xf32, #tpu.memory_space<hbm>>) target(%dma_start3A_2385 : memref<8x128xf32, #tpu.memory_space<vmem>>) target_semaphore(%arg12 : memref<!tpu.dma_semaphore, #tpu.memory_space<semaphore_mem>>)
        %dma_start3A_2388 = arith.constant 1 : i32
        %dma_start3A_2389 = arith.constant 0 : i32
        %dma_start3A_2390 = arith.constant 0 : i32
        %dma_start3A_2391 = tpu.memref_slice %arg9[%dma_start3A_2388, %dma_start3A_2389, %dma_start3A_2390] : memref<8x32x128xf32, #tpu.memory_space<vmem>> -> memref<1x32x128xf32, #tpu.memory_space<vmem>>
        %dma_start3A_2392 = tpu.memref_squeeze %dma_start3A_2391 : memref<1x32x128xf32, #tpu.memory_space<vmem>> -> memref<32x128xf32, #tpu.memory_space<vmem>>
        %dma_start3A_2393 = arith.constant 24 : i32
        %dma_start3A_2394 = arith.constant 0 : i32
        %dma_start3A_2395 = tpu.memref_slice %dma_start3A_2392[%dma_start3A_2393, %dma_start3A_2394] : memref<32x128xf32, #tpu.memory_space<vmem>> -> memref<8x128xf32, #tpu.memory_space<vmem>>
        %dma_start3A_2396 = arith.constant 24 : i32
        %dma_start3A_2397 = tpu.memref_slice %arg4[%dma_start3A_2396, %multiple_of3A_2268] : memref<32x1000000xf32, #tpu.memory_space<hbm>> -> memref<8x128xf32, #tpu.memory_space<hbm>>
        %dma_start3A_2398 = arith.constant 0 : i32
        %dma_start3A_2399 = arith.constant 0 : i32
        %dma_start3A_2400 = tpu.memref_slice %arg9[%dma_start3A_2388, %dma_start3A_2398, %dma_start3A_2399] : memref<8x32x128xf32, #tpu.memory_space<vmem>> -> memref<1x32x128xf32, #tpu.memory_space<vmem>>
        %dma_start3A_2401 = tpu.memref_squeeze %dma_start3A_2400 : memref<1x32x128xf32, #tpu.memory_space<vmem>> -> memref<32x128xf32, #tpu.memory_space<vmem>>
        %dma_start3A_2402 = arith.constant 24 : i32
        %dma_start3A_2403 = arith.constant 0 : i32
        %dma_start3A_2404 = tpu.memref_slice %dma_start3A_2401[%dma_start3A_2402, %dma_start3A_2403] : memref<32x128xf32, #tpu.memory_space<vmem>> -> memref<8x128xf32, #tpu.memory_space<vmem>>
        %dma_start3A_2405 = arith.constant 24 : i32
        %dma_start3A_2406 = tpu.memref_slice %arg4[%dma_start3A_2405, %multiple_of3A_2268] : memref<32x1000000xf32, #tpu.memory_space<hbm>> -> memref<8x128xf32, #tpu.memory_space<hbm>>
        tpu.enqueue_dma source(%dma_start3A_2406 : memref<8x128xf32, #tpu.memory_space<hbm>>) target(%dma_start3A_2404 : memref<8x128xf32, #tpu.memory_space<vmem>>) target_semaphore(%arg12 : memref<!tpu.dma_semaphore, #tpu.memory_space<semaphore_mem>>)
        %dma_start3A_2407 = arith.constant 1 : i32
        %dma_start3A_2408 = arith.constant 0 : i32
        %dma_start3A_2409 = arith.constant 0 : i32
        %dma_start3A_2410 = tpu.memref_slice %arg10[%dma_start3A_2407, %dma_start3A_2408, %dma_start3A_2409] : memref<8x32x128xf32, #tpu.memory_space<vmem>> -> memref<1x32x128xf32, #tpu.memory_space<vmem>>
        %dma_start3A_2411 = tpu.memref_squeeze %dma_start3A_2410 : memref<1x32x128xf32, #tpu.memory_space<vmem>> -> memref<32x128xf32, #tpu.memory_space<vmem>>
        %dma_start3A_2412 = arith.constant 24 : i32
        %dma_start3A_2413 = arith.constant 0 : i32
        %dma_start3A_2414 = tpu.memref_slice %dma_start3A_2411[%dma_start3A_2412, %dma_start3A_2413] : memref<32x128xf32, #tpu.memory_space<vmem>> -> memref<8x128xf32, #tpu.memory_space<vmem>>
        %dma_start3A_2415 = arith.constant 24 : i32
        %dma_start3A_2416 = tpu.memref_slice %arg5[%dma_start3A_2415, %multiple_of3A_2273] : memref<32x1000000xf32, #tpu.memory_space<hbm>> -> memref<8x128xf32, #tpu.memory_space<hbm>>
        %dma_start3A_2417 = arith.constant 0 : i32
        %dma_start3A_2418 = arith.constant 0 : i32
        %dma_start3A_2419 = tpu.memref_slice %arg10[%dma_start3A_2407, %dma_start3A_2417, %dma_start3A_2418] : memref<8x32x128xf32, #tpu.memory_space<vmem>> -> memref<1x32x128xf32, #tpu.memory_space<vmem>>
        %dma_start3A_2420 = tpu.memref_squeeze %dma_start3A_2419 : memref<1x32x128xf32, #tpu.memory_space<vmem>> -> memref<32x128xf32, #tpu.memory_space<vmem>>
        %dma_start3A_2421 = arith.constant 24 : i32
        %dma_start3A_2422 = arith.constant 0 : i32
        %dma_start3A_2423 = tpu.memref_slice %dma_start3A_2420[%dma_start3A_2421, %dma_start3A_2422] : memref<32x128xf32, #tpu.memory_space<vmem>> -> memref<8x128xf32, #tpu.memory_space<vmem>>
        %dma_start3A_2424 = arith.constant 24 : i32
        %dma_start3A_2425 = tpu.memref_slice %arg5[%dma_start3A_2424, %multiple_of3A_2273] : memref<32x1000000xf32, #tpu.memory_space<hbm>> -> memref<8x128xf32, #tpu.memory_space<hbm>>
        tpu.enqueue_dma source(%dma_start3A_2425 : memref<8x128xf32, #tpu.memory_space<hbm>>) target(%dma_start3A_2423 : memref<8x128xf32, #tpu.memory_space<vmem>>) target_semaphore(%arg12 : memref<!tpu.dma_semaphore, #tpu.memory_space<semaphore_mem>>)
      } else {
      }
      %mul3A_1570 = arith.constant 8 : i32
      %mul3A_1571 = arith.muli %scan3A_1366, %mul3A_1570 : i32
      %add3A_1572 = arith.constant 2 : i32
      %add3A_1573 = arith.addi %mul3A_1571, %add3A_1572 : i32
      %dma_wait3A_1574 = arith.constant 2 : i32
      %dma_wait3A_1575 = arith.constant 0 : i32
      %dma_wait3A_1576 = arith.constant 0 : i32
      %dma_wait3A_1577 = tpu.memref_slice %arg9[%dma_wait3A_1574, %dma_wait3A_1575, %dma_wait3A_1576] : memref<8x32x128xf32, #tpu.memory_space<vmem>> -> memref<1x32x128xf32, #tpu.memory_space<vmem>>
      %dma_wait3A_1578 = tpu.memref_squeeze %dma_wait3A_1577 : memref<1x32x128xf32, #tpu.memory_space<vmem>> -> memref<32x128xf32, #tpu.memory_space<vmem>>
      %dma_wait3A_1579 = arith.constant 0 : i32
      %dma_wait3A_1580 = arith.constant 0 : i32
      %dma_wait3A_1581 = tpu.memref_slice %arg4[%dma_wait3A_1579, %dma_wait3A_1580] : memref<32x1000000xf32, #tpu.memory_space<hbm>> -> memref<32x128xf32, #tpu.memory_space<hbm>>
      %dma_wait3A_1582 = arith.constant 0 : i32
      %dma_wait3A_1583 = arith.constant 0 : i32
      %dma_wait3A_1584 = tpu.memref_slice %arg9[%dma_wait3A_1574, %dma_wait3A_1582, %dma_wait3A_1583] : memref<8x32x128xf32, #tpu.memory_space<vmem>> -> memref<1x32x128xf32, #tpu.memory_space<vmem>>
      %dma_wait3A_1585 = tpu.memref_squeeze %dma_wait3A_1584 : memref<1x32x128xf32, #tpu.memory_space<vmem>> -> memref<32x128xf32, #tpu.memory_space<vmem>>
      %dma_wait3A_1586 = arith.constant 0 : i32
      %dma_wait3A_1587 = arith.constant 0 : i32
      %dma_wait3A_1588 = tpu.memref_slice %arg4[%dma_wait3A_1586, %dma_wait3A_1587] : memref<32x1000000xf32, #tpu.memory_space<hbm>> -> memref<32x128xf32, #tpu.memory_space<hbm>>
      tpu.wait_dma2 semaphore(%arg12 : memref<!tpu.dma_semaphore, #tpu.memory_space<semaphore_mem>>) src(%dma_wait3A_1588 : memref<32x128xf32, #tpu.memory_space<hbm>>) dst(%dma_wait3A_1585 : memref<32x128xf32, #tpu.memory_space<vmem>>)
      %dma_wait3A_1589 = arith.constant 2 : i32
      %dma_wait3A_1590 = arith.constant 0 : i32
      %dma_wait3A_1591 = arith.constant 0 : i32
      %dma_wait3A_1592 = tpu.memref_slice %arg10[%dma_wait3A_1589, %dma_wait3A_1590, %dma_wait3A_1591] : memref<8x32x128xf32, #tpu.memory_space<vmem>> -> memref<1x32x128xf32, #tpu.memory_space<vmem>>
      %dma_wait3A_1593 = tpu.memref_squeeze %dma_wait3A_1592 : memref<1x32x128xf32, #tpu.memory_space<vmem>> -> memref<32x128xf32, #tpu.memory_space<vmem>>
      %dma_wait3A_1594 = arith.constant 0 : i32
      %dma_wait3A_1595 = arith.constant 0 : i32
      %dma_wait3A_1596 = tpu.memref_slice %arg5[%dma_wait3A_1594, %dma_wait3A_1595] : memref<32x1000000xf32, #tpu.memory_space<hbm>> -> memref<32x128xf32, #tpu.memory_space<hbm>>
      %dma_wait3A_1597 = arith.constant 0 : i32
      %dma_wait3A_1598 = arith.constant 0 : i32
      %dma_wait3A_1599 = tpu.memref_slice %arg10[%dma_wait3A_1589, %dma_wait3A_1597, %dma_wait3A_1598] : memref<8x32x128xf32, #tpu.memory_space<vmem>> -> memref<1x32x128xf32, #tpu.memory_space<vmem>>
      %dma_wait3A_1600 = tpu.memref_squeeze %dma_wait3A_1599 : memref<1x32x128xf32, #tpu.memory_space<vmem>> -> memref<32x128xf32, #tpu.memory_space<vmem>>
      %dma_wait3A_1601 = arith.constant 0 : i32
      %dma_wait3A_1602 = arith.constant 0 : i32
      %dma_wait3A_1603 = tpu.memref_slice %arg5[%dma_wait3A_1601, %dma_wait3A_1602] : memref<32x1000000xf32, #tpu.memory_space<hbm>> -> memref<32x128xf32, #tpu.memory_space<hbm>>
      tpu.wait_dma2 semaphore(%arg12 : memref<!tpu.dma_semaphore, #tpu.memory_space<semaphore_mem>>) src(%dma_wait3A_1603 : memref<32x128xf32, #tpu.memory_space<hbm>>) dst(%dma_wait3A_1600 : memref<32x128xf32, #tpu.memory_space<vmem>>)
      %get3A_1604 = arith.index_cast %add3A_1573 : i32 to index
      %get3A_1605 = tpu.vector_load %arg7[%get3A_1604] {strides = array<i32>} : memref<528xi32, #tpu.memory_space<vmem>>, vector<16xi32>,
      %get3A_1606 = arith.index_cast %add3A_1573 : i32 to index
      %get3A_1607 = tpu.vector_load %arg8[%get3A_1606] {strides = array<i32>} : memref<528xi32, #tpu.memory_space<vmem>>, vector<16xi32>,
      %slice3A_1608 = vector.extract_strided_slice %get3A_1605 {offsets = [0], sizes = [1], strides = [1]} : vector<16xi32> to vector<1xi32>
      %squeeze3A_1609 = vector.extract %slice3A_1608[0] : i32 from vector<1xi32>
      %and3A_1610 = arith.constant 127 : i32
      %and3A_1611 = arith.andi %squeeze3A_1609, %and3A_1610 : i32
      %broadcast_in_dim3A_1612 = vector.broadcast %and3A_1611 : i32 to vector<16xi32>
      %slice3A_1613 = vector.extract_strided_slice %get3A_1607 {offsets = [0], sizes = [1], strides = [1]} : vector<16xi32> to vector<1xi32>
      %squeeze3A_1614 = vector.extract %slice3A_1613[0] : i32 from vector<1xi32>
      %and3A_1615 = arith.constant 127 : i32
      %and3A_1616 = arith.andi %squeeze3A_1614, %and3A_1615 : i32
      %broadcast_in_dim3A_1617 = vector.broadcast %and3A_1616 : i32 to vector<16xi32>
      %gather3A_1618 = arith.constant 2 : i32
      %gather3A_1619 = arith.constant 0 : i32
      %gather3A_1620 = arith.constant 0 : i32
      %gather3A_1621 = tpu.memref_slice %arg9[%gather3A_1618, %gather3A_1619, %gather3A_1620] : memref<8x32x128xf32, #tpu.memory_space<vmem>> -> memref<1x32x128xf32, #tpu.memory_space<vmem>>
      %gather3A_1622 = tpu.memref_squeeze %gather3A_1621 : memref<1x32x128xf32, #tpu.memory_space<vmem>> -> memref<32x128xf32, #tpu.memory_space<vmem>>
      %gather3A_1623 = tpu.vector_load_idx %gather3A_1622[%iota3A, %broadcast_in_dim3A_1612] : memref<32x128xf32, #tpu.memory_space<vmem>>[vector<16xi32>, vector<16xi32>], vector<16xf32>,
      %gather3A_1624 = arith.constant 2 : i32
      %gather3A_1625 = arith.constant 0 : i32
      %gather3A_1626 = arith.constant 0 : i32
      %gather3A_1627 = tpu.memref_slice %arg9[%gather3A_1624, %gather3A_1625, %gather3A_1626] : memref<8x32x128xf32, #tpu.memory_space<vmem>> -> memref<1x32x128xf32, #tpu.memory_space<vmem>>
      %gather3A_1628 = tpu.memref_squeeze %gather3A_1627 : memref<1x32x128xf32, #tpu.memory_space<vmem>> -> memref<32x128xf32, #tpu.memory_space<vmem>>
      %gather3A_1629 = tpu.vector_load_idx %gather3A_1628[%add3A_1358, %broadcast_in_dim3A_1612] : memref<32x128xf32, #tpu.memory_space<vmem>>[vector<16xi32>, vector<16xi32>], vector<16xf32>,
      %gather3A_1630 = arith.constant 2 : i32
      %gather3A_1631 = arith.constant 0 : i32
      %gather3A_1632 = arith.constant 0 : i32
      %gather3A_1633 = tpu.memref_slice %arg10[%gather3A_1630, %gather3A_1631, %gather3A_1632] : memref<8x32x128xf32, #tpu.memory_space<vmem>> -> memref<1x32x128xf32, #tpu.memory_space<vmem>>
      %gather3A_1634 = tpu.memref_squeeze %gather3A_1633 : memref<1x32x128xf32, #tpu.memory_space<vmem>> -> memref<32x128xf32, #tpu.memory_space<vmem>>
      %gather3A_1635 = tpu.vector_load_idx %gather3A_1634[%iota3A, %broadcast_in_dim3A_1617] : memref<32x128xf32, #tpu.memory_space<vmem>>[vector<16xi32>, vector<16xi32>], vector<16xf32>,
      %gather3A_1636 = arith.constant 2 : i32
      %gather3A_1637 = arith.constant 0 : i32
      %gather3A_1638 = arith.constant 0 : i32
      %gather3A_1639 = tpu.memref_slice %arg10[%gather3A_1636, %gather3A_1637, %gather3A_1638] : memref<8x32x128xf32, #tpu.memory_space<vmem>> -> memref<1x32x128xf32, #tpu.memory_space<vmem>>
      %gather3A_1640 = tpu.memref_squeeze %gather3A_1639 : memref<1x32x128xf32, #tpu.memory_space<vmem>> -> memref<32x128xf32, #tpu.memory_space<vmem>>
      %gather3A_1641 = tpu.vector_load_idx %gather3A_1640[%add3A_1358, %broadcast_in_dim3A_1617] : memref<32x128xf32, #tpu.memory_space<vmem>>[vector<16xi32>, vector<16xi32>], vector<16xf32>,
      %mul3A_1642 = arith.mulf %gather3A_1623, %gather3A_1635 : vector<16xf32>
      %mul3A_1643 = arith.mulf %gather3A_1629, %gather3A_1641 : vector<16xf32>
      %add3A_1644 = arith.addf %mul3A_1642, %mul3A_1643 : vector<16xf32>
      %reduce_sum3A_1645 = arith.constant true
      %reduce_sum3A_1646 = vector.broadcast %reduce_sum3A_1645 : i1 to vector<16xi1>
      %reduce_sum3A_1647 = tpu.scan <sum>, %add3A_1644 masked %reduce_sum3A_1646 : vector<16xf32>, vector<16xi1> -> vector<16xf32>
      %reduce_sum3A_1648 = vector.extract %reduce_sum3A_1647[15] : f32 from vector<16xf32>
      %jit3A_1649 = arith.constant 16 : i32
      %eq3A_1650 = arith.constant 0 : i32
      %eq3A_1651 = arith.cmpi eq, %jit3A_1649, %eq3A_1650 : i32
      %jit3A_1652 = arith.constant 1 : i32
      %select_n3A_1653 = arith.select %eq3A_1651, %jit3A_1652, %jit3A_1649 : i32
      %rem3A_1654 = arith.remsi %add3A_1573, %select_n3A_1653 : i32
      %ne3A_1655 = arith.constant 0 : i32
      %ne3A_1656 = arith.cmpi ne, %rem3A_1654, %ne3A_1655 : i32
      %lt3A_1657 = arith.constant 0 : i32
      %lt3A_1658 = arith.cmpi slt, %rem3A_1654, %lt3A_1657 : i32
      %lt3A_1659 = arith.constant 0 : i32
      %lt3A_1660 = arith.cmpi slt, %select_n3A_1653, %lt3A_1659 : i32
      %ne3A_1661 = arith.xori %lt3A_1658, %lt3A_1660 : i1
      %and3A_1662 = arith.andi %ne3A_1661, %ne3A_1656 : i1
      %add3A_1663 = arith.addi %rem3A_1654, %select_n3A_1653 : i32
      %select_n3A_1664 = arith.select %and3A_1662, %add3A_1663, %rem3A_1654 : i32
      %eq3A_1665 = vector.broadcast %select_n3A_1664 : i32 to vector<16xi32>
      %eq3A_1666 = arith.cmpi eq, %iota3A_1359, %eq3A_1665 : vector<16xi32>
      %add3A_1667 = vector.broadcast %reduce_sum3A_1648 : f32 to vector<16xf32>
      %add3A_1668 = arith.addf %select_n3A_1562, %add3A_1667 : vector<16xf32>
      %select_n3A_1669 = arith.select %eq3A_1666, %add3A_1668, %select_n3A_1562 : vector<16xi1>, vector<16xf32>
      %add3A_1670 = arith.constant 8 : i32
      %add3A_1671 = arith.addi %add3A_1573, %add3A_1670 : i32
      %lt3A_1672 = arith.constant 512 : i32
      %lt3A_1673 = arith.cmpi slt, %add3A_1671, %lt3A_1672 : i32
      %convert_element_type3A_1674 = arith.extui %lt3A_1673 : i1 to i32
      %cond3A_1675 = arith.constant 0 : i32
      %cond3A_1676 = arith.cmpi ne, %convert_element_type3A_1674, %cond3A_1675 : i32
      scf.if %cond3A_1676 {
        %add3A_2254 = arith.constant 8 : i32
        %add3A_2255 = arith.addi %add3A_1573, %add3A_2254 : i32
        %get3A_2256 = arith.index_cast %add3A_2255 : i32 to index
        %get3A_2257 = tpu.vector_load %arg7[%get3A_2256] {strides = array<i32>} : memref<528xi32, #tpu.memory_space<vmem>>, vector<16xi32>,
        %slice3A_2258 = vector.extract_strided_slice %get3A_2257 {offsets = [0], sizes = [1], strides = [1]} : vector<16xi32> to vector<1xi32>
        %squeeze3A_2259 = vector.extract %slice3A_2258[0] : i32 from vector<1xi32>
        %get3A_2260 = arith.index_cast %add3A_2255 : i32 to index
        %get3A_2261 = tpu.vector_load %arg8[%get3A_2260] {strides = array<i32>} : memref<528xi32, #tpu.memory_space<vmem>>, vector<16xi32>,
        %slice3A_2262 = vector.extract_strided_slice %get3A_2261 {offsets = [0], sizes = [1], strides = [1]} : vector<16xi32> to vector<1xi32>
        %squeeze3A_2263 = vector.extract %slice3A_2262[0] : i32 from vector<1xi32>
        %shift_right_arithmetic3A_2264 = arith.constant 7 : i32
        %shift_right_arithmetic3A_2265 = arith.shrsi %squeeze3A_2259, %shift_right_arithmetic3A_2264 : i32
        %shift_left3A_2266 = arith.constant 7 : i32
        %shift_left3A_2267 = arith.shli %shift_right_arithmetic3A_2265, %shift_left3A_2266 : i32
        %multiple_of3A_2268 = tpu.assume_multiple %shift_left3A_2267, 128 : i32
        %shift_right_arithmetic3A_2269 = arith.constant 7 : i32
        %shift_right_arithmetic3A_2270 = arith.shrsi %squeeze3A_2263, %shift_right_arithmetic3A_2269 : i32
        %shift_left3A_2271 = arith.constant 7 : i32
        %shift_left3A_2272 = arith.shli %shift_right_arithmetic3A_2270, %shift_left3A_2271 : i32
        %multiple_of3A_2273 = tpu.assume_multiple %shift_left3A_2272, 128 : i32
        %dma_start3A_2274 = arith.constant 2 : i32
        %dma_start3A_2275 = arith.constant 0 : i32
        %dma_start3A_2276 = arith.constant 0 : i32
        %dma_start3A_2277 = tpu.memref_slice %arg9[%dma_start3A_2274, %dma_start3A_2275, %dma_start3A_2276] : memref<8x32x128xf32, #tpu.memory_space<vmem>> -> memref<1x32x128xf32, #tpu.memory_space<vmem>>
        %dma_start3A_2278 = tpu.memref_squeeze %dma_start3A_2277 : memref<1x32x128xf32, #tpu.memory_space<vmem>> -> memref<32x128xf32, #tpu.memory_space<vmem>>
        %dma_start3A_2279 = arith.constant 0 : i32
        %dma_start3A_2280 = arith.constant 0 : i32
        %dma_start3A_2281 = tpu.memref_slice %dma_start3A_2278[%dma_start3A_2279, %dma_start3A_2280] : memref<32x128xf32, #tpu.memory_space<vmem>> -> memref<8x128xf32, #tpu.memory_space<vmem>>
        %dma_start3A_2282 = arith.constant 0 : i32
        %dma_start3A_2283 = tpu.memref_slice %arg4[%dma_start3A_2282, %multiple_of3A_2268] : memref<32x1000000xf32, #tpu.memory_space<hbm>> -> memref<8x128xf32, #tpu.memory_space<hbm>>
        %dma_start3A_2284 = arith.constant 0 : i32
        %dma_start3A_2285 = arith.constant 0 : i32
        %dma_start3A_2286 = tpu.memref_slice %arg9[%dma_start3A_2274, %dma_start3A_2284, %dma_start3A_2285] : memref<8x32x128xf32, #tpu.memory_space<vmem>> -> memref<1x32x128xf32, #tpu.memory_space<vmem>>
        %dma_start3A_2287 = tpu.memref_squeeze %dma_start3A_2286 : memref<1x32x128xf32, #tpu.memory_space<vmem>> -> memref<32x128xf32, #tpu.memory_space<vmem>>
        %dma_start3A_2288 = arith.constant 0 : i32
        %dma_start3A_2289 = arith.constant 0 : i32
        %dma_start3A_2290 = tpu.memref_slice %dma_start3A_2287[%dma_start3A_2288, %dma_start3A_2289] : memref<32x128xf32, #tpu.memory_space<vmem>> -> memref<8x128xf32, #tpu.memory_space<vmem>>
        %dma_start3A_2291 = arith.constant 0 : i32
        %dma_start3A_2292 = tpu.memref_slice %arg4[%dma_start3A_2291, %multiple_of3A_2268] : memref<32x1000000xf32, #tpu.memory_space<hbm>> -> memref<8x128xf32, #tpu.memory_space<hbm>>
        tpu.enqueue_dma source(%dma_start3A_2292 : memref<8x128xf32, #tpu.memory_space<hbm>>) target(%dma_start3A_2290 : memref<8x128xf32, #tpu.memory_space<vmem>>) target_semaphore(%arg12 : memref<!tpu.dma_semaphore, #tpu.memory_space<semaphore_mem>>)
        %dma_start3A_2293 = arith.constant 2 : i32
        %dma_start3A_2294 = arith.constant 0 : i32
        %dma_start3A_2295 = arith.constant 0 : i32
        %dma_start3A_2296 = tpu.memref_slice %arg10[%dma_start3A_2293, %dma_start3A_2294, %dma_start3A_2295] : memref<8x32x128xf32, #tpu.memory_space<vmem>> -> memref<1x32x128xf32, #tpu.memory_space<vmem>>
        %dma_start3A_2297 = tpu.memref_squeeze %dma_start3A_2296 : memref<1x32x128xf32, #tpu.memory_space<vmem>> -> memref<32x128xf32, #tpu.memory_space<vmem>>
        %dma_start3A_2298 = arith.constant 0 : i32
        %dma_start3A_2299 = arith.constant 0 : i32
        %dma_start3A_2300 = tpu.memref_slice %dma_start3A_2297[%dma_start3A_2298, %dma_start3A_2299] : memref<32x128xf32, #tpu.memory_space<vmem>> -> memref<8x128xf32, #tpu.memory_space<vmem>>
        %dma_start3A_2301 = arith.constant 0 : i32
        %dma_start3A_2302 = tpu.memref_slice %arg5[%dma_start3A_2301, %multiple_of3A_2273] : memref<32x1000000xf32, #tpu.memory_space<hbm>> -> memref<8x128xf32, #tpu.memory_space<hbm>>
        %dma_start3A_2303 = arith.constant 0 : i32
        %dma_start3A_2304 = arith.constant 0 : i32
        %dma_start3A_2305 = tpu.memref_slice %arg10[%dma_start3A_2293, %dma_start3A_2303, %dma_start3A_2304] : memref<8x32x128xf32, #tpu.memory_space<vmem>> -> memref<1x32x128xf32, #tpu.memory_space<vmem>>
        %dma_start3A_2306 = tpu.memref_squeeze %dma_start3A_2305 : memref<1x32x128xf32, #tpu.memory_space<vmem>> -> memref<32x128xf32, #tpu.memory_space<vmem>>
        %dma_start3A_2307 = arith.constant 0 : i32
        %dma_start3A_2308 = arith.constant 0 : i32
        %dma_start3A_2309 = tpu.memref_slice %dma_start3A_2306[%dma_start3A_2307, %dma_start3A_2308] : memref<32x128xf32, #tpu.memory_space<vmem>> -> memref<8x128xf32, #tpu.memory_space<vmem>>
        %dma_start3A_2310 = arith.constant 0 : i32
        %dma_start3A_2311 = tpu.memref_slice %arg5[%dma_start3A_2310, %multiple_of3A_2273] : memref<32x1000000xf32, #tpu.memory_space<hbm>> -> memref<8x128xf32, #tpu.memory_space<hbm>>
        tpu.enqueue_dma source(%dma_start3A_2311 : memref<8x128xf32, #tpu.memory_space<hbm>>) target(%dma_start3A_2309 : memref<8x128xf32, #tpu.memory_space<vmem>>) target_semaphore(%arg12 : memref<!tpu.dma_semaphore, #tpu.memory_space<semaphore_mem>>)
        %dma_start3A_2312 = arith.constant 2 : i32
        %dma_start3A_2313 = arith.constant 0 : i32
        %dma_start3A_2314 = arith.constant 0 : i32
        %dma_start3A_2315 = tpu.memref_slice %arg9[%dma_start3A_2312, %dma_start3A_2313, %dma_start3A_2314] : memref<8x32x128xf32, #tpu.memory_space<vmem>> -> memref<1x32x128xf32, #tpu.memory_space<vmem>>
        %dma_start3A_2316 = tpu.memref_squeeze %dma_start3A_2315 : memref<1x32x128xf32, #tpu.memory_space<vmem>> -> memref<32x128xf32, #tpu.memory_space<vmem>>
        %dma_start3A_2317 = arith.constant 8 : i32
        %dma_start3A_2318 = arith.constant 0 : i32
        %dma_start3A_2319 = tpu.memref_slice %dma_start3A_2316[%dma_start3A_2317, %dma_start3A_2318] : memref<32x128xf32, #tpu.memory_space<vmem>> -> memref<8x128xf32, #tpu.memory_space<vmem>>
        %dma_start3A_2320 = arith.constant 8 : i32
        %dma_start3A_2321 = tpu.memref_slice %arg4[%dma_start3A_2320, %multiple_of3A_2268] : memref<32x1000000xf32, #tpu.memory_space<hbm>> -> memref<8x128xf32, #tpu.memory_space<hbm>>
        %dma_start3A_2322 = arith.constant 0 : i32
        %dma_start3A_2323 = arith.constant 0 : i32
        %dma_start3A_2324 = tpu.memref_slice %arg9[%dma_start3A_2312, %dma_start3A_2322, %dma_start3A_2323] : memref<8x32x128xf32, #tpu.memory_space<vmem>> -> memref<1x32x128xf32, #tpu.memory_space<vmem>>
        %dma_start3A_2325 = tpu.memref_squeeze %dma_start3A_2324 : memref<1x32x128xf32, #tpu.memory_space<vmem>> -> memref<32x128xf32, #tpu.memory_space<vmem>>
        %dma_start3A_2326 = arith.constant 8 : i32
        %dma_start3A_2327 = arith.constant 0 : i32
        %dma_start3A_2328 = tpu.memref_slice %dma_start3A_2325[%dma_start3A_2326, %dma_start3A_2327] : memref<32x128xf32, #tpu.memory_space<vmem>> -> memref<8x128xf32, #tpu.memory_space<vmem>>
        %dma_start3A_2329 = arith.constant 8 : i32
        %dma_start3A_2330 = tpu.memref_slice %arg4[%dma_start3A_2329, %multiple_of3A_2268] : memref<32x1000000xf32, #tpu.memory_space<hbm>> -> memref<8x128xf32, #tpu.memory_space<hbm>>
        tpu.enqueue_dma source(%dma_start3A_2330 : memref<8x128xf32, #tpu.memory_space<hbm>>) target(%dma_start3A_2328 : memref<8x128xf32, #tpu.memory_space<vmem>>) target_semaphore(%arg12 : memref<!tpu.dma_semaphore, #tpu.memory_space<semaphore_mem>>)
        %dma_start3A_2331 = arith.constant 2 : i32
        %dma_start3A_2332 = arith.constant 0 : i32
        %dma_start3A_2333 = arith.constant 0 : i32
        %dma_start3A_2334 = tpu.memref_slice %arg10[%dma_start3A_2331, %dma_start3A_2332, %dma_start3A_2333] : memref<8x32x128xf32, #tpu.memory_space<vmem>> -> memref<1x32x128xf32, #tpu.memory_space<vmem>>
        %dma_start3A_2335 = tpu.memref_squeeze %dma_start3A_2334 : memref<1x32x128xf32, #tpu.memory_space<vmem>> -> memref<32x128xf32, #tpu.memory_space<vmem>>
        %dma_start3A_2336 = arith.constant 8 : i32
        %dma_start3A_2337 = arith.constant 0 : i32
        %dma_start3A_2338 = tpu.memref_slice %dma_start3A_2335[%dma_start3A_2336, %dma_start3A_2337] : memref<32x128xf32, #tpu.memory_space<vmem>> -> memref<8x128xf32, #tpu.memory_space<vmem>>
        %dma_start3A_2339 = arith.constant 8 : i32
        %dma_start3A_2340 = tpu.memref_slice %arg5[%dma_start3A_2339, %multiple_of3A_2273] : memref<32x1000000xf32, #tpu.memory_space<hbm>> -> memref<8x128xf32, #tpu.memory_space<hbm>>
        %dma_start3A_2341 = arith.constant 0 : i32
        %dma_start3A_2342 = arith.constant 0 : i32
        %dma_start3A_2343 = tpu.memref_slice %arg10[%dma_start3A_2331, %dma_start3A_2341, %dma_start3A_2342] : memref<8x32x128xf32, #tpu.memory_space<vmem>> -> memref<1x32x128xf32, #tpu.memory_space<vmem>>
        %dma_start3A_2344 = tpu.memref_squeeze %dma_start3A_2343 : memref<1x32x128xf32, #tpu.memory_space<vmem>> -> memref<32x128xf32, #tpu.memory_space<vmem>>
        %dma_start3A_2345 = arith.constant 8 : i32
        %dma_start3A_2346 = arith.constant 0 : i32
        %dma_start3A_2347 = tpu.memref_slice %dma_start3A_2344[%dma_start3A_2345, %dma_start3A_2346] : memref<32x128xf32, #tpu.memory_space<vmem>> -> memref<8x128xf32, #tpu.memory_space<vmem>>
        %dma_start3A_2348 = arith.constant 8 : i32
        %dma_start3A_2349 = tpu.memref_slice %arg5[%dma_start3A_2348, %multiple_of3A_2273] : memref<32x1000000xf32, #tpu.memory_space<hbm>> -> memref<8x128xf32, #tpu.memory_space<hbm>>
        tpu.enqueue_dma source(%dma_start3A_2349 : memref<8x128xf32, #tpu.memory_space<hbm>>) target(%dma_start3A_2347 : memref<8x128xf32, #tpu.memory_space<vmem>>) target_semaphore(%arg12 : memref<!tpu.dma_semaphore, #tpu.memory_space<semaphore_mem>>)
        %dma_start3A_2350 = arith.constant 2 : i32
        %dma_start3A_2351 = arith.constant 0 : i32
        %dma_start3A_2352 = arith.constant 0 : i32
        %dma_start3A_2353 = tpu.memref_slice %arg9[%dma_start3A_2350, %dma_start3A_2351, %dma_start3A_2352] : memref<8x32x128xf32, #tpu.memory_space<vmem>> -> memref<1x32x128xf32, #tpu.memory_space<vmem>>
        %dma_start3A_2354 = tpu.memref_squeeze %dma_start3A_2353 : memref<1x32x128xf32, #tpu.memory_space<vmem>> -> memref<32x128xf32, #tpu.memory_space<vmem>>
        %dma_start3A_2355 = arith.constant 16 : i32
        %dma_start3A_2356 = arith.constant 0 : i32
        %dma_start3A_2357 = tpu.memref_slice %dma_start3A_2354[%dma_start3A_2355, %dma_start3A_2356] : memref<32x128xf32, #tpu.memory_space<vmem>> -> memref<8x128xf32, #tpu.memory_space<vmem>>
        %dma_start3A_2358 = arith.constant 16 : i32
        %dma_start3A_2359 = tpu.memref_slice %arg4[%dma_start3A_2358, %multiple_of3A_2268] : memref<32x1000000xf32, #tpu.memory_space<hbm>> -> memref<8x128xf32, #tpu.memory_space<hbm>>
        %dma_start3A_2360 = arith.constant 0 : i32
        %dma_start3A_2361 = arith.constant 0 : i32
        %dma_start3A_2362 = tpu.memref_slice %arg9[%dma_start3A_2350, %dma_start3A_2360, %dma_start3A_2361] : memref<8x32x128xf32, #tpu.memory_space<vmem>> -> memref<1x32x128xf32, #tpu.memory_space<vmem>>
        %dma_start3A_2363 = tpu.memref_squeeze %dma_start3A_2362 : memref<1x32x128xf32, #tpu.memory_space<vmem>> -> memref<32x128xf32, #tpu.memory_space<vmem>>
        %dma_start3A_2364 = arith.constant 16 : i32
        %dma_start3A_2365 = arith.constant 0 : i32
        %dma_start3A_2366 = tpu.memref_slice %dma_start3A_2363[%dma_start3A_2364, %dma_start3A_2365] : memref<32x128xf32, #tpu.memory_space<vmem>> -> memref<8x128xf32, #tpu.memory_space<vmem>>
        %dma_start3A_2367 = arith.constant 16 : i32
        %dma_start3A_2368 = tpu.memref_slice %arg4[%dma_start3A_2367, %multiple_of3A_2268] : memref<32x1000000xf32, #tpu.memory_space<hbm>> -> memref<8x128xf32, #tpu.memory_space<hbm>>
        tpu.enqueue_dma source(%dma_start3A_2368 : memref<8x128xf32, #tpu.memory_space<hbm>>) target(%dma_start3A_2366 : memref<8x128xf32, #tpu.memory_space<vmem>>) target_semaphore(%arg12 : memref<!tpu.dma_semaphore, #tpu.memory_space<semaphore_mem>>)
        %dma_start3A_2369 = arith.constant 2 : i32
        %dma_start3A_2370 = arith.constant 0 : i32
        %dma_start3A_2371 = arith.constant 0 : i32
        %dma_start3A_2372 = tpu.memref_slice %arg10[%dma_start3A_2369, %dma_start3A_2370, %dma_start3A_2371] : memref<8x32x128xf32, #tpu.memory_space<vmem>> -> memref<1x32x128xf32, #tpu.memory_space<vmem>>
        %dma_start3A_2373 = tpu.memref_squeeze %dma_start3A_2372 : memref<1x32x128xf32, #tpu.memory_space<vmem>> -> memref<32x128xf32, #tpu.memory_space<vmem>>
        %dma_start3A_2374 = arith.constant 16 : i32
        %dma_start3A_2375 = arith.constant 0 : i32
        %dma_start3A_2376 = tpu.memref_slice %dma_start3A_2373[%dma_start3A_2374, %dma_start3A_2375] : memref<32x128xf32, #tpu.memory_space<vmem>> -> memref<8x128xf32, #tpu.memory_space<vmem>>
        %dma_start3A_2377 = arith.constant 16 : i32
        %dma_start3A_2378 = tpu.memref_slice %arg5[%dma_start3A_2377, %multiple_of3A_2273] : memref<32x1000000xf32, #tpu.memory_space<hbm>> -> memref<8x128xf32, #tpu.memory_space<hbm>>
        %dma_start3A_2379 = arith.constant 0 : i32
        %dma_start3A_2380 = arith.constant 0 : i32
        %dma_start3A_2381 = tpu.memref_slice %arg10[%dma_start3A_2369, %dma_start3A_2379, %dma_start3A_2380] : memref<8x32x128xf32, #tpu.memory_space<vmem>> -> memref<1x32x128xf32, #tpu.memory_space<vmem>>
        %dma_start3A_2382 = tpu.memref_squeeze %dma_start3A_2381 : memref<1x32x128xf32, #tpu.memory_space<vmem>> -> memref<32x128xf32, #tpu.memory_space<vmem>>
        %dma_start3A_2383 = arith.constant 16 : i32
        %dma_start3A_2384 = arith.constant 0 : i32
        %dma_start3A_2385 = tpu.memref_slice %dma_start3A_2382[%dma_start3A_2383, %dma_start3A_2384] : memref<32x128xf32, #tpu.memory_space<vmem>> -> memref<8x128xf32, #tpu.memory_space<vmem>>
        %dma_start3A_2386 = arith.constant 16 : i32
        %dma_start3A_2387 = tpu.memref_slice %arg5[%dma_start3A_2386, %multiple_of3A_2273] : memref<32x1000000xf32, #tpu.memory_space<hbm>> -> memref<8x128xf32, #tpu.memory_space<hbm>>
        tpu.enqueue_dma source(%dma_start3A_2387 : memref<8x128xf32, #tpu.memory_space<hbm>>) target(%dma_start3A_2385 : memref<8x128xf32, #tpu.memory_space<vmem>>) target_semaphore(%arg12 : memref<!tpu.dma_semaphore, #tpu.memory_space<semaphore_mem>>)
        %dma_start3A_2388 = arith.constant 2 : i32
        %dma_start3A_2389 = arith.constant 0 : i32
        %dma_start3A_2390 = arith.constant 0 : i32
        %dma_start3A_2391 = tpu.memref_slice %arg9[%dma_start3A_2388, %dma_start3A_2389, %dma_start3A_2390] : memref<8x32x128xf32, #tpu.memory_space<vmem>> -> memref<1x32x128xf32, #tpu.memory_space<vmem>>
        %dma_start3A_2392 = tpu.memref_squeeze %dma_start3A_2391 : memref<1x32x128xf32, #tpu.memory_space<vmem>> -> memref<32x128xf32, #tpu.memory_space<vmem>>
        %dma_start3A_2393 = arith.constant 24 : i32
        %dma_start3A_2394 = arith.constant 0 : i32
        %dma_start3A_2395 = tpu.memref_slice %dma_start3A_2392[%dma_start3A_2393, %dma_start3A_2394] : memref<32x128xf32, #tpu.memory_space<vmem>> -> memref<8x128xf32, #tpu.memory_space<vmem>>
        %dma_start3A_2396 = arith.constant 24 : i32
        %dma_start3A_2397 = tpu.memref_slice %arg4[%dma_start3A_2396, %multiple_of3A_2268] : memref<32x1000000xf32, #tpu.memory_space<hbm>> -> memref<8x128xf32, #tpu.memory_space<hbm>>
        %dma_start3A_2398 = arith.constant 0 : i32
        %dma_start3A_2399 = arith.constant 0 : i32
        %dma_start3A_2400 = tpu.memref_slice %arg9[%dma_start3A_2388, %dma_start3A_2398, %dma_start3A_2399] : memref<8x32x128xf32, #tpu.memory_space<vmem>> -> memref<1x32x128xf32, #tpu.memory_space<vmem>>
        %dma_start3A_2401 = tpu.memref_squeeze %dma_start3A_2400 : memref<1x32x128xf32, #tpu.memory_space<vmem>> -> memref<32x128xf32, #tpu.memory_space<vmem>>
        %dma_start3A_2402 = arith.constant 24 : i32
        %dma_start3A_2403 = arith.constant 0 : i32
        %dma_start3A_2404 = tpu.memref_slice %dma_start3A_2401[%dma_start3A_2402, %dma_start3A_2403] : memref<32x128xf32, #tpu.memory_space<vmem>> -> memref<8x128xf32, #tpu.memory_space<vmem>>
        %dma_start3A_2405 = arith.constant 24 : i32
        %dma_start3A_2406 = tpu.memref_slice %arg4[%dma_start3A_2405, %multiple_of3A_2268] : memref<32x1000000xf32, #tpu.memory_space<hbm>> -> memref<8x128xf32, #tpu.memory_space<hbm>>
        tpu.enqueue_dma source(%dma_start3A_2406 : memref<8x128xf32, #tpu.memory_space<hbm>>) target(%dma_start3A_2404 : memref<8x128xf32, #tpu.memory_space<vmem>>) target_semaphore(%arg12 : memref<!tpu.dma_semaphore, #tpu.memory_space<semaphore_mem>>)
        %dma_start3A_2407 = arith.constant 2 : i32
        %dma_start3A_2408 = arith.constant 0 : i32
        %dma_start3A_2409 = arith.constant 0 : i32
        %dma_start3A_2410 = tpu.memref_slice %arg10[%dma_start3A_2407, %dma_start3A_2408, %dma_start3A_2409] : memref<8x32x128xf32, #tpu.memory_space<vmem>> -> memref<1x32x128xf32, #tpu.memory_space<vmem>>
        %dma_start3A_2411 = tpu.memref_squeeze %dma_start3A_2410 : memref<1x32x128xf32, #tpu.memory_space<vmem>> -> memref<32x128xf32, #tpu.memory_space<vmem>>
        %dma_start3A_2412 = arith.constant 24 : i32
        %dma_start3A_2413 = arith.constant 0 : i32
        %dma_start3A_2414 = tpu.memref_slice %dma_start3A_2411[%dma_start3A_2412, %dma_start3A_2413] : memref<32x128xf32, #tpu.memory_space<vmem>> -> memref<8x128xf32, #tpu.memory_space<vmem>>
        %dma_start3A_2415 = arith.constant 24 : i32
        %dma_start3A_2416 = tpu.memref_slice %arg5[%dma_start3A_2415, %multiple_of3A_2273] : memref<32x1000000xf32, #tpu.memory_space<hbm>> -> memref<8x128xf32, #tpu.memory_space<hbm>>
        %dma_start3A_2417 = arith.constant 0 : i32
        %dma_start3A_2418 = arith.constant 0 : i32
        %dma_start3A_2419 = tpu.memref_slice %arg10[%dma_start3A_2407, %dma_start3A_2417, %dma_start3A_2418] : memref<8x32x128xf32, #tpu.memory_space<vmem>> -> memref<1x32x128xf32, #tpu.memory_space<vmem>>
        %dma_start3A_2420 = tpu.memref_squeeze %dma_start3A_2419 : memref<1x32x128xf32, #tpu.memory_space<vmem>> -> memref<32x128xf32, #tpu.memory_space<vmem>>
        %dma_start3A_2421 = arith.constant 24 : i32
        %dma_start3A_2422 = arith.constant 0 : i32
        %dma_start3A_2423 = tpu.memref_slice %dma_start3A_2420[%dma_start3A_2421, %dma_start3A_2422] : memref<32x128xf32, #tpu.memory_space<vmem>> -> memref<8x128xf32, #tpu.memory_space<vmem>>
        %dma_start3A_2424 = arith.constant 24 : i32
        %dma_start3A_2425 = tpu.memref_slice %arg5[%dma_start3A_2424, %multiple_of3A_2273] : memref<32x1000000xf32, #tpu.memory_space<hbm>> -> memref<8x128xf32, #tpu.memory_space<hbm>>
        tpu.enqueue_dma source(%dma_start3A_2425 : memref<8x128xf32, #tpu.memory_space<hbm>>) target(%dma_start3A_2423 : memref<8x128xf32, #tpu.memory_space<vmem>>) target_semaphore(%arg12 : memref<!tpu.dma_semaphore, #tpu.memory_space<semaphore_mem>>)
      } else {
      }
      %mul3A_1677 = arith.constant 8 : i32
      %mul3A_1678 = arith.muli %scan3A_1366, %mul3A_1677 : i32
      %add3A_1679 = arith.constant 3 : i32
      %add3A_1680 = arith.addi %mul3A_1678, %add3A_1679 : i32
      %dma_wait3A_1681 = arith.constant 3 : i32
      %dma_wait3A_1682 = arith.constant 0 : i32
      %dma_wait3A_1683 = arith.constant 0 : i32
      %dma_wait3A_1684 = tpu.memref_slice %arg9[%dma_wait3A_1681, %dma_wait3A_1682, %dma_wait3A_1683] : memref<8x32x128xf32, #tpu.memory_space<vmem>> -> memref<1x32x128xf32, #tpu.memory_space<vmem>>
      %dma_wait3A_1685 = tpu.memref_squeeze %dma_wait3A_1684 : memref<1x32x128xf32, #tpu.memory_space<vmem>> -> memref<32x128xf32, #tpu.memory_space<vmem>>
      %dma_wait3A_1686 = arith.constant 0 : i32
      %dma_wait3A_1687 = arith.constant 0 : i32
      %dma_wait3A_1688 = tpu.memref_slice %arg4[%dma_wait3A_1686, %dma_wait3A_1687] : memref<32x1000000xf32, #tpu.memory_space<hbm>> -> memref<32x128xf32, #tpu.memory_space<hbm>>
      %dma_wait3A_1689 = arith.constant 0 : i32
      %dma_wait3A_1690 = arith.constant 0 : i32
      %dma_wait3A_1691 = tpu.memref_slice %arg9[%dma_wait3A_1681, %dma_wait3A_1689, %dma_wait3A_1690] : memref<8x32x128xf32, #tpu.memory_space<vmem>> -> memref<1x32x128xf32, #tpu.memory_space<vmem>>
      %dma_wait3A_1692 = tpu.memref_squeeze %dma_wait3A_1691 : memref<1x32x128xf32, #tpu.memory_space<vmem>> -> memref<32x128xf32, #tpu.memory_space<vmem>>
      %dma_wait3A_1693 = arith.constant 0 : i32
      %dma_wait3A_1694 = arith.constant 0 : i32
      %dma_wait3A_1695 = tpu.memref_slice %arg4[%dma_wait3A_1693, %dma_wait3A_1694] : memref<32x1000000xf32, #tpu.memory_space<hbm>> -> memref<32x128xf32, #tpu.memory_space<hbm>>
      tpu.wait_dma2 semaphore(%arg12 : memref<!tpu.dma_semaphore, #tpu.memory_space<semaphore_mem>>) src(%dma_wait3A_1695 : memref<32x128xf32, #tpu.memory_space<hbm>>) dst(%dma_wait3A_1692 : memref<32x128xf32, #tpu.memory_space<vmem>>)
      %dma_wait3A_1696 = arith.constant 3 : i32
      %dma_wait3A_1697 = arith.constant 0 : i32
      %dma_wait3A_1698 = arith.constant 0 : i32
      %dma_wait3A_1699 = tpu.memref_slice %arg10[%dma_wait3A_1696, %dma_wait3A_1697, %dma_wait3A_1698] : memref<8x32x128xf32, #tpu.memory_space<vmem>> -> memref<1x32x128xf32, #tpu.memory_space<vmem>>
      %dma_wait3A_1700 = tpu.memref_squeeze %dma_wait3A_1699 : memref<1x32x128xf32, #tpu.memory_space<vmem>> -> memref<32x128xf32, #tpu.memory_space<vmem>>
      %dma_wait3A_1701 = arith.constant 0 : i32
      %dma_wait3A_1702 = arith.constant 0 : i32
      %dma_wait3A_1703 = tpu.memref_slice %arg5[%dma_wait3A_1701, %dma_wait3A_1702] : memref<32x1000000xf32, #tpu.memory_space<hbm>> -> memref<32x128xf32, #tpu.memory_space<hbm>>
      %dma_wait3A_1704 = arith.constant 0 : i32
      %dma_wait3A_1705 = arith.constant 0 : i32
      %dma_wait3A_1706 = tpu.memref_slice %arg10[%dma_wait3A_1696, %dma_wait3A_1704, %dma_wait3A_1705] : memref<8x32x128xf32, #tpu.memory_space<vmem>> -> memref<1x32x128xf32, #tpu.memory_space<vmem>>
      %dma_wait3A_1707 = tpu.memref_squeeze %dma_wait3A_1706 : memref<1x32x128xf32, #tpu.memory_space<vmem>> -> memref<32x128xf32, #tpu.memory_space<vmem>>
      %dma_wait3A_1708 = arith.constant 0 : i32
      %dma_wait3A_1709 = arith.constant 0 : i32
      %dma_wait3A_1710 = tpu.memref_slice %arg5[%dma_wait3A_1708, %dma_wait3A_1709] : memref<32x1000000xf32, #tpu.memory_space<hbm>> -> memref<32x128xf32, #tpu.memory_space<hbm>>
      tpu.wait_dma2 semaphore(%arg12 : memref<!tpu.dma_semaphore, #tpu.memory_space<semaphore_mem>>) src(%dma_wait3A_1710 : memref<32x128xf32, #tpu.memory_space<hbm>>) dst(%dma_wait3A_1707 : memref<32x128xf32, #tpu.memory_space<vmem>>)
      %get3A_1711 = arith.index_cast %add3A_1680 : i32 to index
      %get3A_1712 = tpu.vector_load %arg7[%get3A_1711] {strides = array<i32>} : memref<528xi32, #tpu.memory_space<vmem>>, vector<16xi32>,
      %get3A_1713 = arith.index_cast %add3A_1680 : i32 to index
      %get3A_1714 = tpu.vector_load %arg8[%get3A_1713] {strides = array<i32>} : memref<528xi32, #tpu.memory_space<vmem>>, vector<16xi32>,
      %slice3A_1715 = vector.extract_strided_slice %get3A_1712 {offsets = [0], sizes = [1], strides = [1]} : vector<16xi32> to vector<1xi32>
      %squeeze3A_1716 = vector.extract %slice3A_1715[0] : i32 from vector<1xi32>
      %and3A_1717 = arith.constant 127 : i32
      %and3A_1718 = arith.andi %squeeze3A_1716, %and3A_1717 : i32
      %broadcast_in_dim3A_1719 = vector.broadcast %and3A_1718 : i32 to vector<16xi32>
      %slice3A_1720 = vector.extract_strided_slice %get3A_1714 {offsets = [0], sizes = [1], strides = [1]} : vector<16xi32> to vector<1xi32>
      %squeeze3A_1721 = vector.extract %slice3A_1720[0] : i32 from vector<1xi32>
      %and3A_1722 = arith.constant 127 : i32
      %and3A_1723 = arith.andi %squeeze3A_1721, %and3A_1722 : i32
      %broadcast_in_dim3A_1724 = vector.broadcast %and3A_1723 : i32 to vector<16xi32>
      %gather3A_1725 = arith.constant 3 : i32
      %gather3A_1726 = arith.constant 0 : i32
      %gather3A_1727 = arith.constant 0 : i32
      %gather3A_1728 = tpu.memref_slice %arg9[%gather3A_1725, %gather3A_1726, %gather3A_1727] : memref<8x32x128xf32, #tpu.memory_space<vmem>> -> memref<1x32x128xf32, #tpu.memory_space<vmem>>
      %gather3A_1729 = tpu.memref_squeeze %gather3A_1728 : memref<1x32x128xf32, #tpu.memory_space<vmem>> -> memref<32x128xf32, #tpu.memory_space<vmem>>
      %gather3A_1730 = tpu.vector_load_idx %gather3A_1729[%iota3A, %broadcast_in_dim3A_1719] : memref<32x128xf32, #tpu.memory_space<vmem>>[vector<16xi32>, vector<16xi32>], vector<16xf32>,
      %gather3A_1731 = arith.constant 3 : i32
      %gather3A_1732 = arith.constant 0 : i32
      %gather3A_1733 = arith.constant 0 : i32
      %gather3A_1734 = tpu.memref_slice %arg9[%gather3A_1731, %gather3A_1732, %gather3A_1733] : memref<8x32x128xf32, #tpu.memory_space<vmem>> -> memref<1x32x128xf32, #tpu.memory_space<vmem>>
      %gather3A_1735 = tpu.memref_squeeze %gather3A_1734 : memref<1x32x128xf32, #tpu.memory_space<vmem>> -> memref<32x128xf32, #tpu.memory_space<vmem>>
      %gather3A_1736 = tpu.vector_load_idx %gather3A_1735[%add3A_1358, %broadcast_in_dim3A_1719] : memref<32x128xf32, #tpu.memory_space<vmem>>[vector<16xi32>, vector<16xi32>], vector<16xf32>,
      %gather3A_1737 = arith.constant 3 : i32
      %gather3A_1738 = arith.constant 0 : i32
      %gather3A_1739 = arith.constant 0 : i32
      %gather3A_1740 = tpu.memref_slice %arg10[%gather3A_1737, %gather3A_1738, %gather3A_1739] : memref<8x32x128xf32, #tpu.memory_space<vmem>> -> memref<1x32x128xf32, #tpu.memory_space<vmem>>
      %gather3A_1741 = tpu.memref_squeeze %gather3A_1740 : memref<1x32x128xf32, #tpu.memory_space<vmem>> -> memref<32x128xf32, #tpu.memory_space<vmem>>
      %gather3A_1742 = tpu.vector_load_idx %gather3A_1741[%iota3A, %broadcast_in_dim3A_1724] : memref<32x128xf32, #tpu.memory_space<vmem>>[vector<16xi32>, vector<16xi32>], vector<16xf32>,
      %gather3A_1743 = arith.constant 3 : i32
      %gather3A_1744 = arith.constant 0 : i32
      %gather3A_1745 = arith.constant 0 : i32
      %gather3A_1746 = tpu.memref_slice %arg10[%gather3A_1743, %gather3A_1744, %gather3A_1745] : memref<8x32x128xf32, #tpu.memory_space<vmem>> -> memref<1x32x128xf32, #tpu.memory_space<vmem>>
      %gather3A_1747 = tpu.memref_squeeze %gather3A_1746 : memref<1x32x128xf32, #tpu.memory_space<vmem>> -> memref<32x128xf32, #tpu.memory_space<vmem>>
      %gather3A_1748 = tpu.vector_load_idx %gather3A_1747[%add3A_1358, %broadcast_in_dim3A_1724] : memref<32x128xf32, #tpu.memory_space<vmem>>[vector<16xi32>, vector<16xi32>], vector<16xf32>,
      %mul3A_1749 = arith.mulf %gather3A_1730, %gather3A_1742 : vector<16xf32>
      %mul3A_1750 = arith.mulf %gather3A_1736, %gather3A_1748 : vector<16xf32>
      %add3A_1751 = arith.addf %mul3A_1749, %mul3A_1750 : vector<16xf32>
      %reduce_sum3A_1752 = arith.constant true
      %reduce_sum3A_1753 = vector.broadcast %reduce_sum3A_1752 : i1 to vector<16xi1>
      %reduce_sum3A_1754 = tpu.scan <sum>, %add3A_1751 masked %reduce_sum3A_1753 : vector<16xf32>, vector<16xi1> -> vector<16xf32>
      %reduce_sum3A_1755 = vector.extract %reduce_sum3A_1754[15] : f32 from vector<16xf32>
      %jit3A_1756 = arith.constant 16 : i32
      %eq3A_1757 = arith.constant 0 : i32
      %eq3A_1758 = arith.cmpi eq, %jit3A_1756, %eq3A_1757 : i32
      %jit3A_1759 = arith.constant 1 : i32
      %select_n3A_1760 = arith.select %eq3A_1758, %jit3A_1759, %jit3A_1756 : i32
      %rem3A_1761 = arith.remsi %add3A_1680, %select_n3A_1760 : i32
      %ne3A_1762 = arith.constant 0 : i32
      %ne3A_1763 = arith.cmpi ne, %rem3A_1761, %ne3A_1762 : i32
      %lt3A_1764 = arith.constant 0 : i32
      %lt3A_1765 = arith.cmpi slt, %rem3A_1761, %lt3A_1764 : i32
      %lt3A_1766 = arith.constant 0 : i32
      %lt3A_1767 = arith.cmpi slt, %select_n3A_1760, %lt3A_1766 : i32
      %ne3A_1768 = arith.xori %lt3A_1765, %lt3A_1767 : i1
      %and3A_1769 = arith.andi %ne3A_1768, %ne3A_1763 : i1
      %add3A_1770 = arith.addi %rem3A_1761, %select_n3A_1760 : i32
      %select_n3A_1771 = arith.select %and3A_1769, %add3A_1770, %rem3A_1761 : i32
      %eq3A_1772 = vector.broadcast %select_n3A_1771 : i32 to vector<16xi32>
      %eq3A_1773 = arith.cmpi eq, %iota3A_1359, %eq3A_1772 : vector<16xi32>
      %add3A_1774 = vector.broadcast %reduce_sum3A_1755 : f32 to vector<16xf32>
      %add3A_1775 = arith.addf %select_n3A_1669, %add3A_1774 : vector<16xf32>
      %select_n3A_1776 = arith.select %eq3A_1773, %add3A_1775, %select_n3A_1669 : vector<16xi1>, vector<16xf32>
      %add3A_1777 = arith.constant 8 : i32
      %add3A_1778 = arith.addi %add3A_1680, %add3A_1777 : i32
      %lt3A_1779 = arith.constant 512 : i32
      %lt3A_1780 = arith.cmpi slt, %add3A_1778, %lt3A_1779 : i32
      %convert_element_type3A_1781 = arith.extui %lt3A_1780 : i1 to i32
      %cond3A_1782 = arith.constant 0 : i32
      %cond3A_1783 = arith.cmpi ne, %convert_element_type3A_1781, %cond3A_1782 : i32
      scf.if %cond3A_1783 {
        %add3A_2254 = arith.constant 8 : i32
        %add3A_2255 = arith.addi %add3A_1680, %add3A_2254 : i32
        %get3A_2256 = arith.index_cast %add3A_2255 : i32 to index
        %get3A_2257 = tpu.vector_load %arg7[%get3A_2256] {strides = array<i32>} : memref<528xi32, #tpu.memory_space<vmem>>, vector<16xi32>,
        %slice3A_2258 = vector.extract_strided_slice %get3A_2257 {offsets = [0], sizes = [1], strides = [1]} : vector<16xi32> to vector<1xi32>
        %squeeze3A_2259 = vector.extract %slice3A_2258[0] : i32 from vector<1xi32>
        %get3A_2260 = arith.index_cast %add3A_2255 : i32 to index
        %get3A_2261 = tpu.vector_load %arg8[%get3A_2260] {strides = array<i32>} : memref<528xi32, #tpu.memory_space<vmem>>, vector<16xi32>,
        %slice3A_2262 = vector.extract_strided_slice %get3A_2261 {offsets = [0], sizes = [1], strides = [1]} : vector<16xi32> to vector<1xi32>
        %squeeze3A_2263 = vector.extract %slice3A_2262[0] : i32 from vector<1xi32>
        %shift_right_arithmetic3A_2264 = arith.constant 7 : i32
        %shift_right_arithmetic3A_2265 = arith.shrsi %squeeze3A_2259, %shift_right_arithmetic3A_2264 : i32
        %shift_left3A_2266 = arith.constant 7 : i32
        %shift_left3A_2267 = arith.shli %shift_right_arithmetic3A_2265, %shift_left3A_2266 : i32
        %multiple_of3A_2268 = tpu.assume_multiple %shift_left3A_2267, 128 : i32
        %shift_right_arithmetic3A_2269 = arith.constant 7 : i32
        %shift_right_arithmetic3A_2270 = arith.shrsi %squeeze3A_2263, %shift_right_arithmetic3A_2269 : i32
        %shift_left3A_2271 = arith.constant 7 : i32
        %shift_left3A_2272 = arith.shli %shift_right_arithmetic3A_2270, %shift_left3A_2271 : i32
        %multiple_of3A_2273 = tpu.assume_multiple %shift_left3A_2272, 128 : i32
        %dma_start3A_2274 = arith.constant 3 : i32
        %dma_start3A_2275 = arith.constant 0 : i32
        %dma_start3A_2276 = arith.constant 0 : i32
        %dma_start3A_2277 = tpu.memref_slice %arg9[%dma_start3A_2274, %dma_start3A_2275, %dma_start3A_2276] : memref<8x32x128xf32, #tpu.memory_space<vmem>> -> memref<1x32x128xf32, #tpu.memory_space<vmem>>
        %dma_start3A_2278 = tpu.memref_squeeze %dma_start3A_2277 : memref<1x32x128xf32, #tpu.memory_space<vmem>> -> memref<32x128xf32, #tpu.memory_space<vmem>>
        %dma_start3A_2279 = arith.constant 0 : i32
        %dma_start3A_2280 = arith.constant 0 : i32
        %dma_start3A_2281 = tpu.memref_slice %dma_start3A_2278[%dma_start3A_2279, %dma_start3A_2280] : memref<32x128xf32, #tpu.memory_space<vmem>> -> memref<8x128xf32, #tpu.memory_space<vmem>>
        %dma_start3A_2282 = arith.constant 0 : i32
        %dma_start3A_2283 = tpu.memref_slice %arg4[%dma_start3A_2282, %multiple_of3A_2268] : memref<32x1000000xf32, #tpu.memory_space<hbm>> -> memref<8x128xf32, #tpu.memory_space<hbm>>
        %dma_start3A_2284 = arith.constant 0 : i32
        %dma_start3A_2285 = arith.constant 0 : i32
        %dma_start3A_2286 = tpu.memref_slice %arg9[%dma_start3A_2274, %dma_start3A_2284, %dma_start3A_2285] : memref<8x32x128xf32, #tpu.memory_space<vmem>> -> memref<1x32x128xf32, #tpu.memory_space<vmem>>
        %dma_start3A_2287 = tpu.memref_squeeze %dma_start3A_2286 : memref<1x32x128xf32, #tpu.memory_space<vmem>> -> memref<32x128xf32, #tpu.memory_space<vmem>>
        %dma_start3A_2288 = arith.constant 0 : i32
        %dma_start3A_2289 = arith.constant 0 : i32
        %dma_start3A_2290 = tpu.memref_slice %dma_start3A_2287[%dma_start3A_2288, %dma_start3A_2289] : memref<32x128xf32, #tpu.memory_space<vmem>> -> memref<8x128xf32, #tpu.memory_space<vmem>>
        %dma_start3A_2291 = arith.constant 0 : i32
        %dma_start3A_2292 = tpu.memref_slice %arg4[%dma_start3A_2291, %multiple_of3A_2268] : memref<32x1000000xf32, #tpu.memory_space<hbm>> -> memref<8x128xf32, #tpu.memory_space<hbm>>
        tpu.enqueue_dma source(%dma_start3A_2292 : memref<8x128xf32, #tpu.memory_space<hbm>>) target(%dma_start3A_2290 : memref<8x128xf32, #tpu.memory_space<vmem>>) target_semaphore(%arg12 : memref<!tpu.dma_semaphore, #tpu.memory_space<semaphore_mem>>)
        %dma_start3A_2293 = arith.constant 3 : i32
        %dma_start3A_2294 = arith.constant 0 : i32
        %dma_start3A_2295 = arith.constant 0 : i32
        %dma_start3A_2296 = tpu.memref_slice %arg10[%dma_start3A_2293, %dma_start3A_2294, %dma_start3A_2295] : memref<8x32x128xf32, #tpu.memory_space<vmem>> -> memref<1x32x128xf32, #tpu.memory_space<vmem>>
        %dma_start3A_2297 = tpu.memref_squeeze %dma_start3A_2296 : memref<1x32x128xf32, #tpu.memory_space<vmem>> -> memref<32x128xf32, #tpu.memory_space<vmem>>
        %dma_start3A_2298 = arith.constant 0 : i32
        %dma_start3A_2299 = arith.constant 0 : i32
        %dma_start3A_2300 = tpu.memref_slice %dma_start3A_2297[%dma_start3A_2298, %dma_start3A_2299] : memref<32x128xf32, #tpu.memory_space<vmem>> -> memref<8x128xf32, #tpu.memory_space<vmem>>
        %dma_start3A_2301 = arith.constant 0 : i32
        %dma_start3A_2302 = tpu.memref_slice %arg5[%dma_start3A_2301, %multiple_of3A_2273] : memref<32x1000000xf32, #tpu.memory_space<hbm>> -> memref<8x128xf32, #tpu.memory_space<hbm>>
        %dma_start3A_2303 = arith.constant 0 : i32
        %dma_start3A_2304 = arith.constant 0 : i32
        %dma_start3A_2305 = tpu.memref_slice %arg10[%dma_start3A_2293, %dma_start3A_2303, %dma_start3A_2304] : memref<8x32x128xf32, #tpu.memory_space<vmem>> -> memref<1x32x128xf32, #tpu.memory_space<vmem>>
        %dma_start3A_2306 = tpu.memref_squeeze %dma_start3A_2305 : memref<1x32x128xf32, #tpu.memory_space<vmem>> -> memref<32x128xf32, #tpu.memory_space<vmem>>
        %dma_start3A_2307 = arith.constant 0 : i32
        %dma_start3A_2308 = arith.constant 0 : i32
        %dma_start3A_2309 = tpu.memref_slice %dma_start3A_2306[%dma_start3A_2307, %dma_start3A_2308] : memref<32x128xf32, #tpu.memory_space<vmem>> -> memref<8x128xf32, #tpu.memory_space<vmem>>
        %dma_start3A_2310 = arith.constant 0 : i32
        %dma_start3A_2311 = tpu.memref_slice %arg5[%dma_start3A_2310, %multiple_of3A_2273] : memref<32x1000000xf32, #tpu.memory_space<hbm>> -> memref<8x128xf32, #tpu.memory_space<hbm>>
        tpu.enqueue_dma source(%dma_start3A_2311 : memref<8x128xf32, #tpu.memory_space<hbm>>) target(%dma_start3A_2309 : memref<8x128xf32, #tpu.memory_space<vmem>>) target_semaphore(%arg12 : memref<!tpu.dma_semaphore, #tpu.memory_space<semaphore_mem>>)
        %dma_start3A_2312 = arith.constant 3 : i32
        %dma_start3A_2313 = arith.constant 0 : i32
        %dma_start3A_2314 = arith.constant 0 : i32
        %dma_start3A_2315 = tpu.memref_slice %arg9[%dma_start3A_2312, %dma_start3A_2313, %dma_start3A_2314] : memref<8x32x128xf32, #tpu.memory_space<vmem>> -> memref<1x32x128xf32, #tpu.memory_space<vmem>>
        %dma_start3A_2316 = tpu.memref_squeeze %dma_start3A_2315 : memref<1x32x128xf32, #tpu.memory_space<vmem>> -> memref<32x128xf32, #tpu.memory_space<vmem>>
        %dma_start3A_2317 = arith.constant 8 : i32
        %dma_start3A_2318 = arith.constant 0 : i32
        %dma_start3A_2319 = tpu.memref_slice %dma_start3A_2316[%dma_start3A_2317, %dma_start3A_2318] : memref<32x128xf32, #tpu.memory_space<vmem>> -> memref<8x128xf32, #tpu.memory_space<vmem>>
        %dma_start3A_2320 = arith.constant 8 : i32
        %dma_start3A_2321 = tpu.memref_slice %arg4[%dma_start3A_2320, %multiple_of3A_2268] : memref<32x1000000xf32, #tpu.memory_space<hbm>> -> memref<8x128xf32, #tpu.memory_space<hbm>>
        %dma_start3A_2322 = arith.constant 0 : i32
        %dma_start3A_2323 = arith.constant 0 : i32
        %dma_start3A_2324 = tpu.memref_slice %arg9[%dma_start3A_2312, %dma_start3A_2322, %dma_start3A_2323] : memref<8x32x128xf32, #tpu.memory_space<vmem>> -> memref<1x32x128xf32, #tpu.memory_space<vmem>>
        %dma_start3A_2325 = tpu.memref_squeeze %dma_start3A_2324 : memref<1x32x128xf32, #tpu.memory_space<vmem>> -> memref<32x128xf32, #tpu.memory_space<vmem>>
        %dma_start3A_2326 = arith.constant 8 : i32
        %dma_start3A_2327 = arith.constant 0 : i32
        %dma_start3A_2328 = tpu.memref_slice %dma_start3A_2325[%dma_start3A_2326, %dma_start3A_2327] : memref<32x128xf32, #tpu.memory_space<vmem>> -> memref<8x128xf32, #tpu.memory_space<vmem>>
        %dma_start3A_2329 = arith.constant 8 : i32
        %dma_start3A_2330 = tpu.memref_slice %arg4[%dma_start3A_2329, %multiple_of3A_2268] : memref<32x1000000xf32, #tpu.memory_space<hbm>> -> memref<8x128xf32, #tpu.memory_space<hbm>>
        tpu.enqueue_dma source(%dma_start3A_2330 : memref<8x128xf32, #tpu.memory_space<hbm>>) target(%dma_start3A_2328 : memref<8x128xf32, #tpu.memory_space<vmem>>) target_semaphore(%arg12 : memref<!tpu.dma_semaphore, #tpu.memory_space<semaphore_mem>>)
        %dma_start3A_2331 = arith.constant 3 : i32
        %dma_start3A_2332 = arith.constant 0 : i32
        %dma_start3A_2333 = arith.constant 0 : i32
        %dma_start3A_2334 = tpu.memref_slice %arg10[%dma_start3A_2331, %dma_start3A_2332, %dma_start3A_2333] : memref<8x32x128xf32, #tpu.memory_space<vmem>> -> memref<1x32x128xf32, #tpu.memory_space<vmem>>
        %dma_start3A_2335 = tpu.memref_squeeze %dma_start3A_2334 : memref<1x32x128xf32, #tpu.memory_space<vmem>> -> memref<32x128xf32, #tpu.memory_space<vmem>>
        %dma_start3A_2336 = arith.constant 8 : i32
        %dma_start3A_2337 = arith.constant 0 : i32
        %dma_start3A_2338 = tpu.memref_slice %dma_start3A_2335[%dma_start3A_2336, %dma_start3A_2337] : memref<32x128xf32, #tpu.memory_space<vmem>> -> memref<8x128xf32, #tpu.memory_space<vmem>>
        %dma_start3A_2339 = arith.constant 8 : i32
        %dma_start3A_2340 = tpu.memref_slice %arg5[%dma_start3A_2339, %multiple_of3A_2273] : memref<32x1000000xf32, #tpu.memory_space<hbm>> -> memref<8x128xf32, #tpu.memory_space<hbm>>
        %dma_start3A_2341 = arith.constant 0 : i32
        %dma_start3A_2342 = arith.constant 0 : i32
        %dma_start3A_2343 = tpu.memref_slice %arg10[%dma_start3A_2331, %dma_start3A_2341, %dma_start3A_2342] : memref<8x32x128xf32, #tpu.memory_space<vmem>> -> memref<1x32x128xf32, #tpu.memory_space<vmem>>
        %dma_start3A_2344 = tpu.memref_squeeze %dma_start3A_2343 : memref<1x32x128xf32, #tpu.memory_space<vmem>> -> memref<32x128xf32, #tpu.memory_space<vmem>>
        %dma_start3A_2345 = arith.constant 8 : i32
        %dma_start3A_2346 = arith.constant 0 : i32
        %dma_start3A_2347 = tpu.memref_slice %dma_start3A_2344[%dma_start3A_2345, %dma_start3A_2346] : memref<32x128xf32, #tpu.memory_space<vmem>> -> memref<8x128xf32, #tpu.memory_space<vmem>>
        %dma_start3A_2348 = arith.constant 8 : i32
        %dma_start3A_2349 = tpu.memref_slice %arg5[%dma_start3A_2348, %multiple_of3A_2273] : memref<32x1000000xf32, #tpu.memory_space<hbm>> -> memref<8x128xf32, #tpu.memory_space<hbm>>
        tpu.enqueue_dma source(%dma_start3A_2349 : memref<8x128xf32, #tpu.memory_space<hbm>>) target(%dma_start3A_2347 : memref<8x128xf32, #tpu.memory_space<vmem>>) target_semaphore(%arg12 : memref<!tpu.dma_semaphore, #tpu.memory_space<semaphore_mem>>)
        %dma_start3A_2350 = arith.constant 3 : i32
        %dma_start3A_2351 = arith.constant 0 : i32
        %dma_start3A_2352 = arith.constant 0 : i32
        %dma_start3A_2353 = tpu.memref_slice %arg9[%dma_start3A_2350, %dma_start3A_2351, %dma_start3A_2352] : memref<8x32x128xf32, #tpu.memory_space<vmem>> -> memref<1x32x128xf32, #tpu.memory_space<vmem>>
        %dma_start3A_2354 = tpu.memref_squeeze %dma_start3A_2353 : memref<1x32x128xf32, #tpu.memory_space<vmem>> -> memref<32x128xf32, #tpu.memory_space<vmem>>
        %dma_start3A_2355 = arith.constant 16 : i32
        %dma_start3A_2356 = arith.constant 0 : i32
        %dma_start3A_2357 = tpu.memref_slice %dma_start3A_2354[%dma_start3A_2355, %dma_start3A_2356] : memref<32x128xf32, #tpu.memory_space<vmem>> -> memref<8x128xf32, #tpu.memory_space<vmem>>
        %dma_start3A_2358 = arith.constant 16 : i32
        %dma_start3A_2359 = tpu.memref_slice %arg4[%dma_start3A_2358, %multiple_of3A_2268] : memref<32x1000000xf32, #tpu.memory_space<hbm>> -> memref<8x128xf32, #tpu.memory_space<hbm>>
        %dma_start3A_2360 = arith.constant 0 : i32
        %dma_start3A_2361 = arith.constant 0 : i32
        %dma_start3A_2362 = tpu.memref_slice %arg9[%dma_start3A_2350, %dma_start3A_2360, %dma_start3A_2361] : memref<8x32x128xf32, #tpu.memory_space<vmem>> -> memref<1x32x128xf32, #tpu.memory_space<vmem>>
        %dma_start3A_2363 = tpu.memref_squeeze %dma_start3A_2362 : memref<1x32x128xf32, #tpu.memory_space<vmem>> -> memref<32x128xf32, #tpu.memory_space<vmem>>
        %dma_start3A_2364 = arith.constant 16 : i32
        %dma_start3A_2365 = arith.constant 0 : i32
        %dma_start3A_2366 = tpu.memref_slice %dma_start3A_2363[%dma_start3A_2364, %dma_start3A_2365] : memref<32x128xf32, #tpu.memory_space<vmem>> -> memref<8x128xf32, #tpu.memory_space<vmem>>
        %dma_start3A_2367 = arith.constant 16 : i32
        %dma_start3A_2368 = tpu.memref_slice %arg4[%dma_start3A_2367, %multiple_of3A_2268] : memref<32x1000000xf32, #tpu.memory_space<hbm>> -> memref<8x128xf32, #tpu.memory_space<hbm>>
        tpu.enqueue_dma source(%dma_start3A_2368 : memref<8x128xf32, #tpu.memory_space<hbm>>) target(%dma_start3A_2366 : memref<8x128xf32, #tpu.memory_space<vmem>>) target_semaphore(%arg12 : memref<!tpu.dma_semaphore, #tpu.memory_space<semaphore_mem>>)
        %dma_start3A_2369 = arith.constant 3 : i32
        %dma_start3A_2370 = arith.constant 0 : i32
        %dma_start3A_2371 = arith.constant 0 : i32
        %dma_start3A_2372 = tpu.memref_slice %arg10[%dma_start3A_2369, %dma_start3A_2370, %dma_start3A_2371] : memref<8x32x128xf32, #tpu.memory_space<vmem>> -> memref<1x32x128xf32, #tpu.memory_space<vmem>>
        %dma_start3A_2373 = tpu.memref_squeeze %dma_start3A_2372 : memref<1x32x128xf32, #tpu.memory_space<vmem>> -> memref<32x128xf32, #tpu.memory_space<vmem>>
        %dma_start3A_2374 = arith.constant 16 : i32
        %dma_start3A_2375 = arith.constant 0 : i32
        %dma_start3A_2376 = tpu.memref_slice %dma_start3A_2373[%dma_start3A_2374, %dma_start3A_2375] : memref<32x128xf32, #tpu.memory_space<vmem>> -> memref<8x128xf32, #tpu.memory_space<vmem>>
        %dma_start3A_2377 = arith.constant 16 : i32
        %dma_start3A_2378 = tpu.memref_slice %arg5[%dma_start3A_2377, %multiple_of3A_2273] : memref<32x1000000xf32, #tpu.memory_space<hbm>> -> memref<8x128xf32, #tpu.memory_space<hbm>>
        %dma_start3A_2379 = arith.constant 0 : i32
        %dma_start3A_2380 = arith.constant 0 : i32
        %dma_start3A_2381 = tpu.memref_slice %arg10[%dma_start3A_2369, %dma_start3A_2379, %dma_start3A_2380] : memref<8x32x128xf32, #tpu.memory_space<vmem>> -> memref<1x32x128xf32, #tpu.memory_space<vmem>>
        %dma_start3A_2382 = tpu.memref_squeeze %dma_start3A_2381 : memref<1x32x128xf32, #tpu.memory_space<vmem>> -> memref<32x128xf32, #tpu.memory_space<vmem>>
        %dma_start3A_2383 = arith.constant 16 : i32
        %dma_start3A_2384 = arith.constant 0 : i32
        %dma_start3A_2385 = tpu.memref_slice %dma_start3A_2382[%dma_start3A_2383, %dma_start3A_2384] : memref<32x128xf32, #tpu.memory_space<vmem>> -> memref<8x128xf32, #tpu.memory_space<vmem>>
        %dma_start3A_2386 = arith.constant 16 : i32
        %dma_start3A_2387 = tpu.memref_slice %arg5[%dma_start3A_2386, %multiple_of3A_2273] : memref<32x1000000xf32, #tpu.memory_space<hbm>> -> memref<8x128xf32, #tpu.memory_space<hbm>>
        tpu.enqueue_dma source(%dma_start3A_2387 : memref<8x128xf32, #tpu.memory_space<hbm>>) target(%dma_start3A_2385 : memref<8x128xf32, #tpu.memory_space<vmem>>) target_semaphore(%arg12 : memref<!tpu.dma_semaphore, #tpu.memory_space<semaphore_mem>>)
        %dma_start3A_2388 = arith.constant 3 : i32
        %dma_start3A_2389 = arith.constant 0 : i32
        %dma_start3A_2390 = arith.constant 0 : i32
        %dma_start3A_2391 = tpu.memref_slice %arg9[%dma_start3A_2388, %dma_start3A_2389, %dma_start3A_2390] : memref<8x32x128xf32, #tpu.memory_space<vmem>> -> memref<1x32x128xf32, #tpu.memory_space<vmem>>
        %dma_start3A_2392 = tpu.memref_squeeze %dma_start3A_2391 : memref<1x32x128xf32, #tpu.memory_space<vmem>> -> memref<32x128xf32, #tpu.memory_space<vmem>>
        %dma_start3A_2393 = arith.constant 24 : i32
        %dma_start3A_2394 = arith.constant 0 : i32
        %dma_start3A_2395 = tpu.memref_slice %dma_start3A_2392[%dma_start3A_2393, %dma_start3A_2394] : memref<32x128xf32, #tpu.memory_space<vmem>> -> memref<8x128xf32, #tpu.memory_space<vmem>>
        %dma_start3A_2396 = arith.constant 24 : i32
        %dma_start3A_2397 = tpu.memref_slice %arg4[%dma_start3A_2396, %multiple_of3A_2268] : memref<32x1000000xf32, #tpu.memory_space<hbm>> -> memref<8x128xf32, #tpu.memory_space<hbm>>
        %dma_start3A_2398 = arith.constant 0 : i32
        %dma_start3A_2399 = arith.constant 0 : i32
        %dma_start3A_2400 = tpu.memref_slice %arg9[%dma_start3A_2388, %dma_start3A_2398, %dma_start3A_2399] : memref<8x32x128xf32, #tpu.memory_space<vmem>> -> memref<1x32x128xf32, #tpu.memory_space<vmem>>
        %dma_start3A_2401 = tpu.memref_squeeze %dma_start3A_2400 : memref<1x32x128xf32, #tpu.memory_space<vmem>> -> memref<32x128xf32, #tpu.memory_space<vmem>>
        %dma_start3A_2402 = arith.constant 24 : i32
        %dma_start3A_2403 = arith.constant 0 : i32
        %dma_start3A_2404 = tpu.memref_slice %dma_start3A_2401[%dma_start3A_2402, %dma_start3A_2403] : memref<32x128xf32, #tpu.memory_space<vmem>> -> memref<8x128xf32, #tpu.memory_space<vmem>>
        %dma_start3A_2405 = arith.constant 24 : i32
        %dma_start3A_2406 = tpu.memref_slice %arg4[%dma_start3A_2405, %multiple_of3A_2268] : memref<32x1000000xf32, #tpu.memory_space<hbm>> -> memref<8x128xf32, #tpu.memory_space<hbm>>
        tpu.enqueue_dma source(%dma_start3A_2406 : memref<8x128xf32, #tpu.memory_space<hbm>>) target(%dma_start3A_2404 : memref<8x128xf32, #tpu.memory_space<vmem>>) target_semaphore(%arg12 : memref<!tpu.dma_semaphore, #tpu.memory_space<semaphore_mem>>)
        %dma_start3A_2407 = arith.constant 3 : i32
        %dma_start3A_2408 = arith.constant 0 : i32
        %dma_start3A_2409 = arith.constant 0 : i32
        %dma_start3A_2410 = tpu.memref_slice %arg10[%dma_start3A_2407, %dma_start3A_2408, %dma_start3A_2409] : memref<8x32x128xf32, #tpu.memory_space<vmem>> -> memref<1x32x128xf32, #tpu.memory_space<vmem>>
        %dma_start3A_2411 = tpu.memref_squeeze %dma_start3A_2410 : memref<1x32x128xf32, #tpu.memory_space<vmem>> -> memref<32x128xf32, #tpu.memory_space<vmem>>
        %dma_start3A_2412 = arith.constant 24 : i32
        %dma_start3A_2413 = arith.constant 0 : i32
        %dma_start3A_2414 = tpu.memref_slice %dma_start3A_2411[%dma_start3A_2412, %dma_start3A_2413] : memref<32x128xf32, #tpu.memory_space<vmem>> -> memref<8x128xf32, #tpu.memory_space<vmem>>
        %dma_start3A_2415 = arith.constant 24 : i32
        %dma_start3A_2416 = tpu.memref_slice %arg5[%dma_start3A_2415, %multiple_of3A_2273] : memref<32x1000000xf32, #tpu.memory_space<hbm>> -> memref<8x128xf32, #tpu.memory_space<hbm>>
        %dma_start3A_2417 = arith.constant 0 : i32
        %dma_start3A_2418 = arith.constant 0 : i32
        %dma_start3A_2419 = tpu.memref_slice %arg10[%dma_start3A_2407, %dma_start3A_2417, %dma_start3A_2418] : memref<8x32x128xf32, #tpu.memory_space<vmem>> -> memref<1x32x128xf32, #tpu.memory_space<vmem>>
        %dma_start3A_2420 = tpu.memref_squeeze %dma_start3A_2419 : memref<1x32x128xf32, #tpu.memory_space<vmem>> -> memref<32x128xf32, #tpu.memory_space<vmem>>
        %dma_start3A_2421 = arith.constant 24 : i32
        %dma_start3A_2422 = arith.constant 0 : i32
        %dma_start3A_2423 = tpu.memref_slice %dma_start3A_2420[%dma_start3A_2421, %dma_start3A_2422] : memref<32x128xf32, #tpu.memory_space<vmem>> -> memref<8x128xf32, #tpu.memory_space<vmem>>
        %dma_start3A_2424 = arith.constant 24 : i32
        %dma_start3A_2425 = tpu.memref_slice %arg5[%dma_start3A_2424, %multiple_of3A_2273] : memref<32x1000000xf32, #tpu.memory_space<hbm>> -> memref<8x128xf32, #tpu.memory_space<hbm>>
        tpu.enqueue_dma source(%dma_start3A_2425 : memref<8x128xf32, #tpu.memory_space<hbm>>) target(%dma_start3A_2423 : memref<8x128xf32, #tpu.memory_space<vmem>>) target_semaphore(%arg12 : memref<!tpu.dma_semaphore, #tpu.memory_space<semaphore_mem>>)
      } else {
      }
      %mul3A_1784 = arith.constant 8 : i32
      %mul3A_1785 = arith.muli %scan3A_1366, %mul3A_1784 : i32
      %add3A_1786 = arith.constant 4 : i32
      %add3A_1787 = arith.addi %mul3A_1785, %add3A_1786 : i32
      %dma_wait3A_1788 = arith.constant 4 : i32
      %dma_wait3A_1789 = arith.constant 0 : i32
      %dma_wait3A_1790 = arith.constant 0 : i32
      %dma_wait3A_1791 = tpu.memref_slice %arg9[%dma_wait3A_1788, %dma_wait3A_1789, %dma_wait3A_1790] : memref<8x32x128xf32, #tpu.memory_space<vmem>> -> memref<1x32x128xf32, #tpu.memory_space<vmem>>
      %dma_wait3A_1792 = tpu.memref_squeeze %dma_wait3A_1791 : memref<1x32x128xf32, #tpu.memory_space<vmem>> -> memref<32x128xf32, #tpu.memory_space<vmem>>
      %dma_wait3A_1793 = arith.constant 0 : i32
      %dma_wait3A_1794 = arith.constant 0 : i32
      %dma_wait3A_1795 = tpu.memref_slice %arg4[%dma_wait3A_1793, %dma_wait3A_1794] : memref<32x1000000xf32, #tpu.memory_space<hbm>> -> memref<32x128xf32, #tpu.memory_space<hbm>>
      %dma_wait3A_1796 = arith.constant 0 : i32
      %dma_wait3A_1797 = arith.constant 0 : i32
      %dma_wait3A_1798 = tpu.memref_slice %arg9[%dma_wait3A_1788, %dma_wait3A_1796, %dma_wait3A_1797] : memref<8x32x128xf32, #tpu.memory_space<vmem>> -> memref<1x32x128xf32, #tpu.memory_space<vmem>>
      %dma_wait3A_1799 = tpu.memref_squeeze %dma_wait3A_1798 : memref<1x32x128xf32, #tpu.memory_space<vmem>> -> memref<32x128xf32, #tpu.memory_space<vmem>>
      %dma_wait3A_1800 = arith.constant 0 : i32
      %dma_wait3A_1801 = arith.constant 0 : i32
      %dma_wait3A_1802 = tpu.memref_slice %arg4[%dma_wait3A_1800, %dma_wait3A_1801] : memref<32x1000000xf32, #tpu.memory_space<hbm>> -> memref<32x128xf32, #tpu.memory_space<hbm>>
      tpu.wait_dma2 semaphore(%arg12 : memref<!tpu.dma_semaphore, #tpu.memory_space<semaphore_mem>>) src(%dma_wait3A_1802 : memref<32x128xf32, #tpu.memory_space<hbm>>) dst(%dma_wait3A_1799 : memref<32x128xf32, #tpu.memory_space<vmem>>)
      %dma_wait3A_1803 = arith.constant 4 : i32
      %dma_wait3A_1804 = arith.constant 0 : i32
      %dma_wait3A_1805 = arith.constant 0 : i32
      %dma_wait3A_1806 = tpu.memref_slice %arg10[%dma_wait3A_1803, %dma_wait3A_1804, %dma_wait3A_1805] : memref<8x32x128xf32, #tpu.memory_space<vmem>> -> memref<1x32x128xf32, #tpu.memory_space<vmem>>
      %dma_wait3A_1807 = tpu.memref_squeeze %dma_wait3A_1806 : memref<1x32x128xf32, #tpu.memory_space<vmem>> -> memref<32x128xf32, #tpu.memory_space<vmem>>
      %dma_wait3A_1808 = arith.constant 0 : i32
      %dma_wait3A_1809 = arith.constant 0 : i32
      %dma_wait3A_1810 = tpu.memref_slice %arg5[%dma_wait3A_1808, %dma_wait3A_1809] : memref<32x1000000xf32, #tpu.memory_space<hbm>> -> memref<32x128xf32, #tpu.memory_space<hbm>>
      %dma_wait3A_1811 = arith.constant 0 : i32
      %dma_wait3A_1812 = arith.constant 0 : i32
      %dma_wait3A_1813 = tpu.memref_slice %arg10[%dma_wait3A_1803, %dma_wait3A_1811, %dma_wait3A_1812] : memref<8x32x128xf32, #tpu.memory_space<vmem>> -> memref<1x32x128xf32, #tpu.memory_space<vmem>>
      %dma_wait3A_1814 = tpu.memref_squeeze %dma_wait3A_1813 : memref<1x32x128xf32, #tpu.memory_space<vmem>> -> memref<32x128xf32, #tpu.memory_space<vmem>>
      %dma_wait3A_1815 = arith.constant 0 : i32
      %dma_wait3A_1816 = arith.constant 0 : i32
      %dma_wait3A_1817 = tpu.memref_slice %arg5[%dma_wait3A_1815, %dma_wait3A_1816] : memref<32x1000000xf32, #tpu.memory_space<hbm>> -> memref<32x128xf32, #tpu.memory_space<hbm>>
      tpu.wait_dma2 semaphore(%arg12 : memref<!tpu.dma_semaphore, #tpu.memory_space<semaphore_mem>>) src(%dma_wait3A_1817 : memref<32x128xf32, #tpu.memory_space<hbm>>) dst(%dma_wait3A_1814 : memref<32x128xf32, #tpu.memory_space<vmem>>)
      %get3A_1818 = arith.index_cast %add3A_1787 : i32 to index
      %get3A_1819 = tpu.vector_load %arg7[%get3A_1818] {strides = array<i32>} : memref<528xi32, #tpu.memory_space<vmem>>, vector<16xi32>,
      %get3A_1820 = arith.index_cast %add3A_1787 : i32 to index
      %get3A_1821 = tpu.vector_load %arg8[%get3A_1820] {strides = array<i32>} : memref<528xi32, #tpu.memory_space<vmem>>, vector<16xi32>,
      %slice3A_1822 = vector.extract_strided_slice %get3A_1819 {offsets = [0], sizes = [1], strides = [1]} : vector<16xi32> to vector<1xi32>
      %squeeze3A_1823 = vector.extract %slice3A_1822[0] : i32 from vector<1xi32>
      %and3A_1824 = arith.constant 127 : i32
      %and3A_1825 = arith.andi %squeeze3A_1823, %and3A_1824 : i32
      %broadcast_in_dim3A_1826 = vector.broadcast %and3A_1825 : i32 to vector<16xi32>
      %slice3A_1827 = vector.extract_strided_slice %get3A_1821 {offsets = [0], sizes = [1], strides = [1]} : vector<16xi32> to vector<1xi32>
      %squeeze3A_1828 = vector.extract %slice3A_1827[0] : i32 from vector<1xi32>
      %and3A_1829 = arith.constant 127 : i32
      %and3A_1830 = arith.andi %squeeze3A_1828, %and3A_1829 : i32
      %broadcast_in_dim3A_1831 = vector.broadcast %and3A_1830 : i32 to vector<16xi32>
      %gather3A_1832 = arith.constant 4 : i32
      %gather3A_1833 = arith.constant 0 : i32
      %gather3A_1834 = arith.constant 0 : i32
      %gather3A_1835 = tpu.memref_slice %arg9[%gather3A_1832, %gather3A_1833, %gather3A_1834] : memref<8x32x128xf32, #tpu.memory_space<vmem>> -> memref<1x32x128xf32, #tpu.memory_space<vmem>>
      %gather3A_1836 = tpu.memref_squeeze %gather3A_1835 : memref<1x32x128xf32, #tpu.memory_space<vmem>> -> memref<32x128xf32, #tpu.memory_space<vmem>>
      %gather3A_1837 = tpu.vector_load_idx %gather3A_1836[%iota3A, %broadcast_in_dim3A_1826] : memref<32x128xf32, #tpu.memory_space<vmem>>[vector<16xi32>, vector<16xi32>], vector<16xf32>,
      %gather3A_1838 = arith.constant 4 : i32
      %gather3A_1839 = arith.constant 0 : i32
      %gather3A_1840 = arith.constant 0 : i32
      %gather3A_1841 = tpu.memref_slice %arg9[%gather3A_1838, %gather3A_1839, %gather3A_1840] : memref<8x32x128xf32, #tpu.memory_space<vmem>> -> memref<1x32x128xf32, #tpu.memory_space<vmem>>
      %gather3A_1842 = tpu.memref_squeeze %gather3A_1841 : memref<1x32x128xf32, #tpu.memory_space<vmem>> -> memref<32x128xf32, #tpu.memory_space<vmem>>
      %gather3A_1843 = tpu.vector_load_idx %gather3A_1842[%add3A_1358, %broadcast_in_dim3A_1826] : memref<32x128xf32, #tpu.memory_space<vmem>>[vector<16xi32>, vector<16xi32>], vector<16xf32>,
      %gather3A_1844 = arith.constant 4 : i32
      %gather3A_1845 = arith.constant 0 : i32
      %gather3A_1846 = arith.constant 0 : i32
      %gather3A_1847 = tpu.memref_slice %arg10[%gather3A_1844, %gather3A_1845, %gather3A_1846] : memref<8x32x128xf32, #tpu.memory_space<vmem>> -> memref<1x32x128xf32, #tpu.memory_space<vmem>>
      %gather3A_1848 = tpu.memref_squeeze %gather3A_1847 : memref<1x32x128xf32, #tpu.memory_space<vmem>> -> memref<32x128xf32, #tpu.memory_space<vmem>>
      %gather3A_1849 = tpu.vector_load_idx %gather3A_1848[%iota3A, %broadcast_in_dim3A_1831] : memref<32x128xf32, #tpu.memory_space<vmem>>[vector<16xi32>, vector<16xi32>], vector<16xf32>,
      %gather3A_1850 = arith.constant 4 : i32
      %gather3A_1851 = arith.constant 0 : i32
      %gather3A_1852 = arith.constant 0 : i32
      %gather3A_1853 = tpu.memref_slice %arg10[%gather3A_1850, %gather3A_1851, %gather3A_1852] : memref<8x32x128xf32, #tpu.memory_space<vmem>> -> memref<1x32x128xf32, #tpu.memory_space<vmem>>
      %gather3A_1854 = tpu.memref_squeeze %gather3A_1853 : memref<1x32x128xf32, #tpu.memory_space<vmem>> -> memref<32x128xf32, #tpu.memory_space<vmem>>
      %gather3A_1855 = tpu.vector_load_idx %gather3A_1854[%add3A_1358, %broadcast_in_dim3A_1831] : memref<32x128xf32, #tpu.memory_space<vmem>>[vector<16xi32>, vector<16xi32>], vector<16xf32>,
      %mul3A_1856 = arith.mulf %gather3A_1837, %gather3A_1849 : vector<16xf32>
      %mul3A_1857 = arith.mulf %gather3A_1843, %gather3A_1855 : vector<16xf32>
      %add3A_1858 = arith.addf %mul3A_1856, %mul3A_1857 : vector<16xf32>
      %reduce_sum3A_1859 = arith.constant true
      %reduce_sum3A_1860 = vector.broadcast %reduce_sum3A_1859 : i1 to vector<16xi1>
      %reduce_sum3A_1861 = tpu.scan <sum>, %add3A_1858 masked %reduce_sum3A_1860 : vector<16xf32>, vector<16xi1> -> vector<16xf32>
      %reduce_sum3A_1862 = vector.extract %reduce_sum3A_1861[15] : f32 from vector<16xf32>
      %jit3A_1863 = arith.constant 16 : i32
      %eq3A_1864 = arith.constant 0 : i32
      %eq3A_1865 = arith.cmpi eq, %jit3A_1863, %eq3A_1864 : i32
      %jit3A_1866 = arith.constant 1 : i32
      %select_n3A_1867 = arith.select %eq3A_1865, %jit3A_1866, %jit3A_1863 : i32
      %rem3A_1868 = arith.remsi %add3A_1787, %select_n3A_1867 : i32
      %ne3A_1869 = arith.constant 0 : i32
      %ne3A_1870 = arith.cmpi ne, %rem3A_1868, %ne3A_1869 : i32
      %lt3A_1871 = arith.constant 0 : i32
      %lt3A_1872 = arith.cmpi slt, %rem3A_1868, %lt3A_1871 : i32
      %lt3A_1873 = arith.constant 0 : i32
      %lt3A_1874 = arith.cmpi slt, %select_n3A_1867, %lt3A_1873 : i32
      %ne3A_1875 = arith.xori %lt3A_1872, %lt3A_1874 : i1
      %and3A_1876 = arith.andi %ne3A_1875, %ne3A_1870 : i1
      %add3A_1877 = arith.addi %rem3A_1868, %select_n3A_1867 : i32
      %select_n3A_1878 = arith.select %and3A_1876, %add3A_1877, %rem3A_1868 : i32
      %eq3A_1879 = vector.broadcast %select_n3A_1878 : i32 to vector<16xi32>
      %eq3A_1880 = arith.cmpi eq, %iota3A_1359, %eq3A_1879 : vector<16xi32>
      %add3A_1881 = vector.broadcast %reduce_sum3A_1862 : f32 to vector<16xf32>
      %add3A_1882 = arith.addf %select_n3A_1776, %add3A_1881 : vector<16xf32>
      %select_n3A_1883 = arith.select %eq3A_1880, %add3A_1882, %select_n3A_1776 : vector<16xi1>, vector<16xf32>
      %add3A_1884 = arith.constant 8 : i32
      %add3A_1885 = arith.addi %add3A_1787, %add3A_1884 : i32
      %lt3A_1886 = arith.constant 512 : i32
      %lt3A_1887 = arith.cmpi slt, %add3A_1885, %lt3A_1886 : i32
      %convert_element_type3A_1888 = arith.extui %lt3A_1887 : i1 to i32
      %cond3A_1889 = arith.constant 0 : i32
      %cond3A_1890 = arith.cmpi ne, %convert_element_type3A_1888, %cond3A_1889 : i32
      scf.if %cond3A_1890 {
        %add3A_2254 = arith.constant 8 : i32
        %add3A_2255 = arith.addi %add3A_1787, %add3A_2254 : i32
        %get3A_2256 = arith.index_cast %add3A_2255 : i32 to index
        %get3A_2257 = tpu.vector_load %arg7[%get3A_2256] {strides = array<i32>} : memref<528xi32, #tpu.memory_space<vmem>>, vector<16xi32>,
        %slice3A_2258 = vector.extract_strided_slice %get3A_2257 {offsets = [0], sizes = [1], strides = [1]} : vector<16xi32> to vector<1xi32>
        %squeeze3A_2259 = vector.extract %slice3A_2258[0] : i32 from vector<1xi32>
        %get3A_2260 = arith.index_cast %add3A_2255 : i32 to index
        %get3A_2261 = tpu.vector_load %arg8[%get3A_2260] {strides = array<i32>} : memref<528xi32, #tpu.memory_space<vmem>>, vector<16xi32>,
        %slice3A_2262 = vector.extract_strided_slice %get3A_2261 {offsets = [0], sizes = [1], strides = [1]} : vector<16xi32> to vector<1xi32>
        %squeeze3A_2263 = vector.extract %slice3A_2262[0] : i32 from vector<1xi32>
        %shift_right_arithmetic3A_2264 = arith.constant 7 : i32
        %shift_right_arithmetic3A_2265 = arith.shrsi %squeeze3A_2259, %shift_right_arithmetic3A_2264 : i32
        %shift_left3A_2266 = arith.constant 7 : i32
        %shift_left3A_2267 = arith.shli %shift_right_arithmetic3A_2265, %shift_left3A_2266 : i32
        %multiple_of3A_2268 = tpu.assume_multiple %shift_left3A_2267, 128 : i32
        %shift_right_arithmetic3A_2269 = arith.constant 7 : i32
        %shift_right_arithmetic3A_2270 = arith.shrsi %squeeze3A_2263, %shift_right_arithmetic3A_2269 : i32
        %shift_left3A_2271 = arith.constant 7 : i32
        %shift_left3A_2272 = arith.shli %shift_right_arithmetic3A_2270, %shift_left3A_2271 : i32
        %multiple_of3A_2273 = tpu.assume_multiple %shift_left3A_2272, 128 : i32
        %dma_start3A_2274 = arith.constant 4 : i32
        %dma_start3A_2275 = arith.constant 0 : i32
        %dma_start3A_2276 = arith.constant 0 : i32
        %dma_start3A_2277 = tpu.memref_slice %arg9[%dma_start3A_2274, %dma_start3A_2275, %dma_start3A_2276] : memref<8x32x128xf32, #tpu.memory_space<vmem>> -> memref<1x32x128xf32, #tpu.memory_space<vmem>>
        %dma_start3A_2278 = tpu.memref_squeeze %dma_start3A_2277 : memref<1x32x128xf32, #tpu.memory_space<vmem>> -> memref<32x128xf32, #tpu.memory_space<vmem>>
        %dma_start3A_2279 = arith.constant 0 : i32
        %dma_start3A_2280 = arith.constant 0 : i32
        %dma_start3A_2281 = tpu.memref_slice %dma_start3A_2278[%dma_start3A_2279, %dma_start3A_2280] : memref<32x128xf32, #tpu.memory_space<vmem>> -> memref<8x128xf32, #tpu.memory_space<vmem>>
        %dma_start3A_2282 = arith.constant 0 : i32
        %dma_start3A_2283 = tpu.memref_slice %arg4[%dma_start3A_2282, %multiple_of3A_2268] : memref<32x1000000xf32, #tpu.memory_space<hbm>> -> memref<8x128xf32, #tpu.memory_space<hbm>>
        %dma_start3A_2284 = arith.constant 0 : i32
        %dma_start3A_2285 = arith.constant 0 : i32
        %dma_start3A_2286 = tpu.memref_slice %arg9[%dma_start3A_2274, %dma_start3A_2284, %dma_start3A_2285] : memref<8x32x128xf32, #tpu.memory_space<vmem>> -> memref<1x32x128xf32, #tpu.memory_space<vmem>>
        %dma_start3A_2287 = tpu.memref_squeeze %dma_start3A_2286 : memref<1x32x128xf32, #tpu.memory_space<vmem>> -> memref<32x128xf32, #tpu.memory_space<vmem>>
        %dma_start3A_2288 = arith.constant 0 : i32
        %dma_start3A_2289 = arith.constant 0 : i32
        %dma_start3A_2290 = tpu.memref_slice %dma_start3A_2287[%dma_start3A_2288, %dma_start3A_2289] : memref<32x128xf32, #tpu.memory_space<vmem>> -> memref<8x128xf32, #tpu.memory_space<vmem>>
        %dma_start3A_2291 = arith.constant 0 : i32
        %dma_start3A_2292 = tpu.memref_slice %arg4[%dma_start3A_2291, %multiple_of3A_2268] : memref<32x1000000xf32, #tpu.memory_space<hbm>> -> memref<8x128xf32, #tpu.memory_space<hbm>>
        tpu.enqueue_dma source(%dma_start3A_2292 : memref<8x128xf32, #tpu.memory_space<hbm>>) target(%dma_start3A_2290 : memref<8x128xf32, #tpu.memory_space<vmem>>) target_semaphore(%arg12 : memref<!tpu.dma_semaphore, #tpu.memory_space<semaphore_mem>>)
        %dma_start3A_2293 = arith.constant 4 : i32
        %dma_start3A_2294 = arith.constant 0 : i32
        %dma_start3A_2295 = arith.constant 0 : i32
        %dma_start3A_2296 = tpu.memref_slice %arg10[%dma_start3A_2293, %dma_start3A_2294, %dma_start3A_2295] : memref<8x32x128xf32, #tpu.memory_space<vmem>> -> memref<1x32x128xf32, #tpu.memory_space<vmem>>
        %dma_start3A_2297 = tpu.memref_squeeze %dma_start3A_2296 : memref<1x32x128xf32, #tpu.memory_space<vmem>> -> memref<32x128xf32, #tpu.memory_space<vmem>>
        %dma_start3A_2298 = arith.constant 0 : i32
        %dma_start3A_2299 = arith.constant 0 : i32
        %dma_start3A_2300 = tpu.memref_slice %dma_start3A_2297[%dma_start3A_2298, %dma_start3A_2299] : memref<32x128xf32, #tpu.memory_space<vmem>> -> memref<8x128xf32, #tpu.memory_space<vmem>>
        %dma_start3A_2301 = arith.constant 0 : i32
        %dma_start3A_2302 = tpu.memref_slice %arg5[%dma_start3A_2301, %multiple_of3A_2273] : memref<32x1000000xf32, #tpu.memory_space<hbm>> -> memref<8x128xf32, #tpu.memory_space<hbm>>
        %dma_start3A_2303 = arith.constant 0 : i32
        %dma_start3A_2304 = arith.constant 0 : i32
        %dma_start3A_2305 = tpu.memref_slice %arg10[%dma_start3A_2293, %dma_start3A_2303, %dma_start3A_2304] : memref<8x32x128xf32, #tpu.memory_space<vmem>> -> memref<1x32x128xf32, #tpu.memory_space<vmem>>
        %dma_start3A_2306 = tpu.memref_squeeze %dma_start3A_2305 : memref<1x32x128xf32, #tpu.memory_space<vmem>> -> memref<32x128xf32, #tpu.memory_space<vmem>>
        %dma_start3A_2307 = arith.constant 0 : i32
        %dma_start3A_2308 = arith.constant 0 : i32
        %dma_start3A_2309 = tpu.memref_slice %dma_start3A_2306[%dma_start3A_2307, %dma_start3A_2308] : memref<32x128xf32, #tpu.memory_space<vmem>> -> memref<8x128xf32, #tpu.memory_space<vmem>>
        %dma_start3A_2310 = arith.constant 0 : i32
        %dma_start3A_2311 = tpu.memref_slice %arg5[%dma_start3A_2310, %multiple_of3A_2273] : memref<32x1000000xf32, #tpu.memory_space<hbm>> -> memref<8x128xf32, #tpu.memory_space<hbm>>
        tpu.enqueue_dma source(%dma_start3A_2311 : memref<8x128xf32, #tpu.memory_space<hbm>>) target(%dma_start3A_2309 : memref<8x128xf32, #tpu.memory_space<vmem>>) target_semaphore(%arg12 : memref<!tpu.dma_semaphore, #tpu.memory_space<semaphore_mem>>)
        %dma_start3A_2312 = arith.constant 4 : i32
        %dma_start3A_2313 = arith.constant 0 : i32
        %dma_start3A_2314 = arith.constant 0 : i32
        %dma_start3A_2315 = tpu.memref_slice %arg9[%dma_start3A_2312, %dma_start3A_2313, %dma_start3A_2314] : memref<8x32x128xf32, #tpu.memory_space<vmem>> -> memref<1x32x128xf32, #tpu.memory_space<vmem>>
        %dma_start3A_2316 = tpu.memref_squeeze %dma_start3A_2315 : memref<1x32x128xf32, #tpu.memory_space<vmem>> -> memref<32x128xf32, #tpu.memory_space<vmem>>
        %dma_start3A_2317 = arith.constant 8 : i32
        %dma_start3A_2318 = arith.constant 0 : i32
        %dma_start3A_2319 = tpu.memref_slice %dma_start3A_2316[%dma_start3A_2317, %dma_start3A_2318] : memref<32x128xf32, #tpu.memory_space<vmem>> -> memref<8x128xf32, #tpu.memory_space<vmem>>
        %dma_start3A_2320 = arith.constant 8 : i32
        %dma_start3A_2321 = tpu.memref_slice %arg4[%dma_start3A_2320, %multiple_of3A_2268] : memref<32x1000000xf32, #tpu.memory_space<hbm>> -> memref<8x128xf32, #tpu.memory_space<hbm>>
        %dma_start3A_2322 = arith.constant 0 : i32
        %dma_start3A_2323 = arith.constant 0 : i32
        %dma_start3A_2324 = tpu.memref_slice %arg9[%dma_start3A_2312, %dma_start3A_2322, %dma_start3A_2323] : memref<8x32x128xf32, #tpu.memory_space<vmem>> -> memref<1x32x128xf32, #tpu.memory_space<vmem>>
        %dma_start3A_2325 = tpu.memref_squeeze %dma_start3A_2324 : memref<1x32x128xf32, #tpu.memory_space<vmem>> -> memref<32x128xf32, #tpu.memory_space<vmem>>
        %dma_start3A_2326 = arith.constant 8 : i32
        %dma_start3A_2327 = arith.constant 0 : i32
        %dma_start3A_2328 = tpu.memref_slice %dma_start3A_2325[%dma_start3A_2326, %dma_start3A_2327] : memref<32x128xf32, #tpu.memory_space<vmem>> -> memref<8x128xf32, #tpu.memory_space<vmem>>
        %dma_start3A_2329 = arith.constant 8 : i32
        %dma_start3A_2330 = tpu.memref_slice %arg4[%dma_start3A_2329, %multiple_of3A_2268] : memref<32x1000000xf32, #tpu.memory_space<hbm>> -> memref<8x128xf32, #tpu.memory_space<hbm>>
        tpu.enqueue_dma source(%dma_start3A_2330 : memref<8x128xf32, #tpu.memory_space<hbm>>) target(%dma_start3A_2328 : memref<8x128xf32, #tpu.memory_space<vmem>>) target_semaphore(%arg12 : memref<!tpu.dma_semaphore, #tpu.memory_space<semaphore_mem>>)
        %dma_start3A_2331 = arith.constant 4 : i32
        %dma_start3A_2332 = arith.constant 0 : i32
        %dma_start3A_2333 = arith.constant 0 : i32
        %dma_start3A_2334 = tpu.memref_slice %arg10[%dma_start3A_2331, %dma_start3A_2332, %dma_start3A_2333] : memref<8x32x128xf32, #tpu.memory_space<vmem>> -> memref<1x32x128xf32, #tpu.memory_space<vmem>>
        %dma_start3A_2335 = tpu.memref_squeeze %dma_start3A_2334 : memref<1x32x128xf32, #tpu.memory_space<vmem>> -> memref<32x128xf32, #tpu.memory_space<vmem>>
        %dma_start3A_2336 = arith.constant 8 : i32
        %dma_start3A_2337 = arith.constant 0 : i32
        %dma_start3A_2338 = tpu.memref_slice %dma_start3A_2335[%dma_start3A_2336, %dma_start3A_2337] : memref<32x128xf32, #tpu.memory_space<vmem>> -> memref<8x128xf32, #tpu.memory_space<vmem>>
        %dma_start3A_2339 = arith.constant 8 : i32
        %dma_start3A_2340 = tpu.memref_slice %arg5[%dma_start3A_2339, %multiple_of3A_2273] : memref<32x1000000xf32, #tpu.memory_space<hbm>> -> memref<8x128xf32, #tpu.memory_space<hbm>>
        %dma_start3A_2341 = arith.constant 0 : i32
        %dma_start3A_2342 = arith.constant 0 : i32
        %dma_start3A_2343 = tpu.memref_slice %arg10[%dma_start3A_2331, %dma_start3A_2341, %dma_start3A_2342] : memref<8x32x128xf32, #tpu.memory_space<vmem>> -> memref<1x32x128xf32, #tpu.memory_space<vmem>>
        %dma_start3A_2344 = tpu.memref_squeeze %dma_start3A_2343 : memref<1x32x128xf32, #tpu.memory_space<vmem>> -> memref<32x128xf32, #tpu.memory_space<vmem>>
        %dma_start3A_2345 = arith.constant 8 : i32
        %dma_start3A_2346 = arith.constant 0 : i32
        %dma_start3A_2347 = tpu.memref_slice %dma_start3A_2344[%dma_start3A_2345, %dma_start3A_2346] : memref<32x128xf32, #tpu.memory_space<vmem>> -> memref<8x128xf32, #tpu.memory_space<vmem>>
        %dma_start3A_2348 = arith.constant 8 : i32
        %dma_start3A_2349 = tpu.memref_slice %arg5[%dma_start3A_2348, %multiple_of3A_2273] : memref<32x1000000xf32, #tpu.memory_space<hbm>> -> memref<8x128xf32, #tpu.memory_space<hbm>>
        tpu.enqueue_dma source(%dma_start3A_2349 : memref<8x128xf32, #tpu.memory_space<hbm>>) target(%dma_start3A_2347 : memref<8x128xf32, #tpu.memory_space<vmem>>) target_semaphore(%arg12 : memref<!tpu.dma_semaphore, #tpu.memory_space<semaphore_mem>>)
        %dma_start3A_2350 = arith.constant 4 : i32
        %dma_start3A_2351 = arith.constant 0 : i32
        %dma_start3A_2352 = arith.constant 0 : i32
        %dma_start3A_2353 = tpu.memref_slice %arg9[%dma_start3A_2350, %dma_start3A_2351, %dma_start3A_2352] : memref<8x32x128xf32, #tpu.memory_space<vmem>> -> memref<1x32x128xf32, #tpu.memory_space<vmem>>
        %dma_start3A_2354 = tpu.memref_squeeze %dma_start3A_2353 : memref<1x32x128xf32, #tpu.memory_space<vmem>> -> memref<32x128xf32, #tpu.memory_space<vmem>>
        %dma_start3A_2355 = arith.constant 16 : i32
        %dma_start3A_2356 = arith.constant 0 : i32
        %dma_start3A_2357 = tpu.memref_slice %dma_start3A_2354[%dma_start3A_2355, %dma_start3A_2356] : memref<32x128xf32, #tpu.memory_space<vmem>> -> memref<8x128xf32, #tpu.memory_space<vmem>>
        %dma_start3A_2358 = arith.constant 16 : i32
        %dma_start3A_2359 = tpu.memref_slice %arg4[%dma_start3A_2358, %multiple_of3A_2268] : memref<32x1000000xf32, #tpu.memory_space<hbm>> -> memref<8x128xf32, #tpu.memory_space<hbm>>
        %dma_start3A_2360 = arith.constant 0 : i32
        %dma_start3A_2361 = arith.constant 0 : i32
        %dma_start3A_2362 = tpu.memref_slice %arg9[%dma_start3A_2350, %dma_start3A_2360, %dma_start3A_2361] : memref<8x32x128xf32, #tpu.memory_space<vmem>> -> memref<1x32x128xf32, #tpu.memory_space<vmem>>
        %dma_start3A_2363 = tpu.memref_squeeze %dma_start3A_2362 : memref<1x32x128xf32, #tpu.memory_space<vmem>> -> memref<32x128xf32, #tpu.memory_space<vmem>>
        %dma_start3A_2364 = arith.constant 16 : i32
        %dma_start3A_2365 = arith.constant 0 : i32
        %dma_start3A_2366 = tpu.memref_slice %dma_start3A_2363[%dma_start3A_2364, %dma_start3A_2365] : memref<32x128xf32, #tpu.memory_space<vmem>> -> memref<8x128xf32, #tpu.memory_space<vmem>>
        %dma_start3A_2367 = arith.constant 16 : i32
        %dma_start3A_2368 = tpu.memref_slice %arg4[%dma_start3A_2367, %multiple_of3A_2268] : memref<32x1000000xf32, #tpu.memory_space<hbm>> -> memref<8x128xf32, #tpu.memory_space<hbm>>
        tpu.enqueue_dma source(%dma_start3A_2368 : memref<8x128xf32, #tpu.memory_space<hbm>>) target(%dma_start3A_2366 : memref<8x128xf32, #tpu.memory_space<vmem>>) target_semaphore(%arg12 : memref<!tpu.dma_semaphore, #tpu.memory_space<semaphore_mem>>)
        %dma_start3A_2369 = arith.constant 4 : i32
        %dma_start3A_2370 = arith.constant 0 : i32
        %dma_start3A_2371 = arith.constant 0 : i32
        %dma_start3A_2372 = tpu.memref_slice %arg10[%dma_start3A_2369, %dma_start3A_2370, %dma_start3A_2371] : memref<8x32x128xf32, #tpu.memory_space<vmem>> -> memref<1x32x128xf32, #tpu.memory_space<vmem>>
        %dma_start3A_2373 = tpu.memref_squeeze %dma_start3A_2372 : memref<1x32x128xf32, #tpu.memory_space<vmem>> -> memref<32x128xf32, #tpu.memory_space<vmem>>
        %dma_start3A_2374 = arith.constant 16 : i32
        %dma_start3A_2375 = arith.constant 0 : i32
        %dma_start3A_2376 = tpu.memref_slice %dma_start3A_2373[%dma_start3A_2374, %dma_start3A_2375] : memref<32x128xf32, #tpu.memory_space<vmem>> -> memref<8x128xf32, #tpu.memory_space<vmem>>
        %dma_start3A_2377 = arith.constant 16 : i32
        %dma_start3A_2378 = tpu.memref_slice %arg5[%dma_start3A_2377, %multiple_of3A_2273] : memref<32x1000000xf32, #tpu.memory_space<hbm>> -> memref<8x128xf32, #tpu.memory_space<hbm>>
        %dma_start3A_2379 = arith.constant 0 : i32
        %dma_start3A_2380 = arith.constant 0 : i32
        %dma_start3A_2381 = tpu.memref_slice %arg10[%dma_start3A_2369, %dma_start3A_2379, %dma_start3A_2380] : memref<8x32x128xf32, #tpu.memory_space<vmem>> -> memref<1x32x128xf32, #tpu.memory_space<vmem>>
        %dma_start3A_2382 = tpu.memref_squeeze %dma_start3A_2381 : memref<1x32x128xf32, #tpu.memory_space<vmem>> -> memref<32x128xf32, #tpu.memory_space<vmem>>
        %dma_start3A_2383 = arith.constant 16 : i32
        %dma_start3A_2384 = arith.constant 0 : i32
        %dma_start3A_2385 = tpu.memref_slice %dma_start3A_2382[%dma_start3A_2383, %dma_start3A_2384] : memref<32x128xf32, #tpu.memory_space<vmem>> -> memref<8x128xf32, #tpu.memory_space<vmem>>
        %dma_start3A_2386 = arith.constant 16 : i32
        %dma_start3A_2387 = tpu.memref_slice %arg5[%dma_start3A_2386, %multiple_of3A_2273] : memref<32x1000000xf32, #tpu.memory_space<hbm>> -> memref<8x128xf32, #tpu.memory_space<hbm>>
        tpu.enqueue_dma source(%dma_start3A_2387 : memref<8x128xf32, #tpu.memory_space<hbm>>) target(%dma_start3A_2385 : memref<8x128xf32, #tpu.memory_space<vmem>>) target_semaphore(%arg12 : memref<!tpu.dma_semaphore, #tpu.memory_space<semaphore_mem>>)
        %dma_start3A_2388 = arith.constant 4 : i32
        %dma_start3A_2389 = arith.constant 0 : i32
        %dma_start3A_2390 = arith.constant 0 : i32
        %dma_start3A_2391 = tpu.memref_slice %arg9[%dma_start3A_2388, %dma_start3A_2389, %dma_start3A_2390] : memref<8x32x128xf32, #tpu.memory_space<vmem>> -> memref<1x32x128xf32, #tpu.memory_space<vmem>>
        %dma_start3A_2392 = tpu.memref_squeeze %dma_start3A_2391 : memref<1x32x128xf32, #tpu.memory_space<vmem>> -> memref<32x128xf32, #tpu.memory_space<vmem>>
        %dma_start3A_2393 = arith.constant 24 : i32
        %dma_start3A_2394 = arith.constant 0 : i32
        %dma_start3A_2395 = tpu.memref_slice %dma_start3A_2392[%dma_start3A_2393, %dma_start3A_2394] : memref<32x128xf32, #tpu.memory_space<vmem>> -> memref<8x128xf32, #tpu.memory_space<vmem>>
        %dma_start3A_2396 = arith.constant 24 : i32
        %dma_start3A_2397 = tpu.memref_slice %arg4[%dma_start3A_2396, %multiple_of3A_2268] : memref<32x1000000xf32, #tpu.memory_space<hbm>> -> memref<8x128xf32, #tpu.memory_space<hbm>>
        %dma_start3A_2398 = arith.constant 0 : i32
        %dma_start3A_2399 = arith.constant 0 : i32
        %dma_start3A_2400 = tpu.memref_slice %arg9[%dma_start3A_2388, %dma_start3A_2398, %dma_start3A_2399] : memref<8x32x128xf32, #tpu.memory_space<vmem>> -> memref<1x32x128xf32, #tpu.memory_space<vmem>>
        %dma_start3A_2401 = tpu.memref_squeeze %dma_start3A_2400 : memref<1x32x128xf32, #tpu.memory_space<vmem>> -> memref<32x128xf32, #tpu.memory_space<vmem>>
        %dma_start3A_2402 = arith.constant 24 : i32
        %dma_start3A_2403 = arith.constant 0 : i32
        %dma_start3A_2404 = tpu.memref_slice %dma_start3A_2401[%dma_start3A_2402, %dma_start3A_2403] : memref<32x128xf32, #tpu.memory_space<vmem>> -> memref<8x128xf32, #tpu.memory_space<vmem>>
        %dma_start3A_2405 = arith.constant 24 : i32
        %dma_start3A_2406 = tpu.memref_slice %arg4[%dma_start3A_2405, %multiple_of3A_2268] : memref<32x1000000xf32, #tpu.memory_space<hbm>> -> memref<8x128xf32, #tpu.memory_space<hbm>>
        tpu.enqueue_dma source(%dma_start3A_2406 : memref<8x128xf32, #tpu.memory_space<hbm>>) target(%dma_start3A_2404 : memref<8x128xf32, #tpu.memory_space<vmem>>) target_semaphore(%arg12 : memref<!tpu.dma_semaphore, #tpu.memory_space<semaphore_mem>>)
        %dma_start3A_2407 = arith.constant 4 : i32
        %dma_start3A_2408 = arith.constant 0 : i32
        %dma_start3A_2409 = arith.constant 0 : i32
        %dma_start3A_2410 = tpu.memref_slice %arg10[%dma_start3A_2407, %dma_start3A_2408, %dma_start3A_2409] : memref<8x32x128xf32, #tpu.memory_space<vmem>> -> memref<1x32x128xf32, #tpu.memory_space<vmem>>
        %dma_start3A_2411 = tpu.memref_squeeze %dma_start3A_2410 : memref<1x32x128xf32, #tpu.memory_space<vmem>> -> memref<32x128xf32, #tpu.memory_space<vmem>>
        %dma_start3A_2412 = arith.constant 24 : i32
        %dma_start3A_2413 = arith.constant 0 : i32
        %dma_start3A_2414 = tpu.memref_slice %dma_start3A_2411[%dma_start3A_2412, %dma_start3A_2413] : memref<32x128xf32, #tpu.memory_space<vmem>> -> memref<8x128xf32, #tpu.memory_space<vmem>>
        %dma_start3A_2415 = arith.constant 24 : i32
        %dma_start3A_2416 = tpu.memref_slice %arg5[%dma_start3A_2415, %multiple_of3A_2273] : memref<32x1000000xf32, #tpu.memory_space<hbm>> -> memref<8x128xf32, #tpu.memory_space<hbm>>
        %dma_start3A_2417 = arith.constant 0 : i32
        %dma_start3A_2418 = arith.constant 0 : i32
        %dma_start3A_2419 = tpu.memref_slice %arg10[%dma_start3A_2407, %dma_start3A_2417, %dma_start3A_2418] : memref<8x32x128xf32, #tpu.memory_space<vmem>> -> memref<1x32x128xf32, #tpu.memory_space<vmem>>
        %dma_start3A_2420 = tpu.memref_squeeze %dma_start3A_2419 : memref<1x32x128xf32, #tpu.memory_space<vmem>> -> memref<32x128xf32, #tpu.memory_space<vmem>>
        %dma_start3A_2421 = arith.constant 24 : i32
        %dma_start3A_2422 = arith.constant 0 : i32
        %dma_start3A_2423 = tpu.memref_slice %dma_start3A_2420[%dma_start3A_2421, %dma_start3A_2422] : memref<32x128xf32, #tpu.memory_space<vmem>> -> memref<8x128xf32, #tpu.memory_space<vmem>>
        %dma_start3A_2424 = arith.constant 24 : i32
        %dma_start3A_2425 = tpu.memref_slice %arg5[%dma_start3A_2424, %multiple_of3A_2273] : memref<32x1000000xf32, #tpu.memory_space<hbm>> -> memref<8x128xf32, #tpu.memory_space<hbm>>
        tpu.enqueue_dma source(%dma_start3A_2425 : memref<8x128xf32, #tpu.memory_space<hbm>>) target(%dma_start3A_2423 : memref<8x128xf32, #tpu.memory_space<vmem>>) target_semaphore(%arg12 : memref<!tpu.dma_semaphore, #tpu.memory_space<semaphore_mem>>)
      } else {
      }
      %mul3A_1891 = arith.constant 8 : i32
      %mul3A_1892 = arith.muli %scan3A_1366, %mul3A_1891 : i32
      %add3A_1893 = arith.constant 5 : i32
      %add3A_1894 = arith.addi %mul3A_1892, %add3A_1893 : i32
      %dma_wait3A_1895 = arith.constant 5 : i32
      %dma_wait3A_1896 = arith.constant 0 : i32
      %dma_wait3A_1897 = arith.constant 0 : i32
      %dma_wait3A_1898 = tpu.memref_slice %arg9[%dma_wait3A_1895, %dma_wait3A_1896, %dma_wait3A_1897] : memref<8x32x128xf32, #tpu.memory_space<vmem>> -> memref<1x32x128xf32, #tpu.memory_space<vmem>>
      %dma_wait3A_1899 = tpu.memref_squeeze %dma_wait3A_1898 : memref<1x32x128xf32, #tpu.memory_space<vmem>> -> memref<32x128xf32, #tpu.memory_space<vmem>>
      %dma_wait3A_1900 = arith.constant 0 : i32
      %dma_wait3A_1901 = arith.constant 0 : i32
      %dma_wait3A_1902 = tpu.memref_slice %arg4[%dma_wait3A_1900, %dma_wait3A_1901] : memref<32x1000000xf32, #tpu.memory_space<hbm>> -> memref<32x128xf32, #tpu.memory_space<hbm>>
      %dma_wait3A_1903 = arith.constant 0 : i32
      %dma_wait3A_1904 = arith.constant 0 : i32
      %dma_wait3A_1905 = tpu.memref_slice %arg9[%dma_wait3A_1895, %dma_wait3A_1903, %dma_wait3A_1904] : memref<8x32x128xf32, #tpu.memory_space<vmem>> -> memref<1x32x128xf32, #tpu.memory_space<vmem>>
      %dma_wait3A_1906 = tpu.memref_squeeze %dma_wait3A_1905 : memref<1x32x128xf32, #tpu.memory_space<vmem>> -> memref<32x128xf32, #tpu.memory_space<vmem>>
      %dma_wait3A_1907 = arith.constant 0 : i32
      %dma_wait3A_1908 = arith.constant 0 : i32
      %dma_wait3A_1909 = tpu.memref_slice %arg4[%dma_wait3A_1907, %dma_wait3A_1908] : memref<32x1000000xf32, #tpu.memory_space<hbm>> -> memref<32x128xf32, #tpu.memory_space<hbm>>
      tpu.wait_dma2 semaphore(%arg12 : memref<!tpu.dma_semaphore, #tpu.memory_space<semaphore_mem>>) src(%dma_wait3A_1909 : memref<32x128xf32, #tpu.memory_space<hbm>>) dst(%dma_wait3A_1906 : memref<32x128xf32, #tpu.memory_space<vmem>>)
      %dma_wait3A_1910 = arith.constant 5 : i32
      %dma_wait3A_1911 = arith.constant 0 : i32
      %dma_wait3A_1912 = arith.constant 0 : i32
      %dma_wait3A_1913 = tpu.memref_slice %arg10[%dma_wait3A_1910, %dma_wait3A_1911, %dma_wait3A_1912] : memref<8x32x128xf32, #tpu.memory_space<vmem>> -> memref<1x32x128xf32, #tpu.memory_space<vmem>>
      %dma_wait3A_1914 = tpu.memref_squeeze %dma_wait3A_1913 : memref<1x32x128xf32, #tpu.memory_space<vmem>> -> memref<32x128xf32, #tpu.memory_space<vmem>>
      %dma_wait3A_1915 = arith.constant 0 : i32
      %dma_wait3A_1916 = arith.constant 0 : i32
      %dma_wait3A_1917 = tpu.memref_slice %arg5[%dma_wait3A_1915, %dma_wait3A_1916] : memref<32x1000000xf32, #tpu.memory_space<hbm>> -> memref<32x128xf32, #tpu.memory_space<hbm>>
      %dma_wait3A_1918 = arith.constant 0 : i32
      %dma_wait3A_1919 = arith.constant 0 : i32
      %dma_wait3A_1920 = tpu.memref_slice %arg10[%dma_wait3A_1910, %dma_wait3A_1918, %dma_wait3A_1919] : memref<8x32x128xf32, #tpu.memory_space<vmem>> -> memref<1x32x128xf32, #tpu.memory_space<vmem>>
      %dma_wait3A_1921 = tpu.memref_squeeze %dma_wait3A_1920 : memref<1x32x128xf32, #tpu.memory_space<vmem>> -> memref<32x128xf32, #tpu.memory_space<vmem>>
      %dma_wait3A_1922 = arith.constant 0 : i32
      %dma_wait3A_1923 = arith.constant 0 : i32
      %dma_wait3A_1924 = tpu.memref_slice %arg5[%dma_wait3A_1922, %dma_wait3A_1923] : memref<32x1000000xf32, #tpu.memory_space<hbm>> -> memref<32x128xf32, #tpu.memory_space<hbm>>
      tpu.wait_dma2 semaphore(%arg12 : memref<!tpu.dma_semaphore, #tpu.memory_space<semaphore_mem>>) src(%dma_wait3A_1924 : memref<32x128xf32, #tpu.memory_space<hbm>>) dst(%dma_wait3A_1921 : memref<32x128xf32, #tpu.memory_space<vmem>>)
      %get3A_1925 = arith.index_cast %add3A_1894 : i32 to index
      %get3A_1926 = tpu.vector_load %arg7[%get3A_1925] {strides = array<i32>} : memref<528xi32, #tpu.memory_space<vmem>>, vector<16xi32>,
      %get3A_1927 = arith.index_cast %add3A_1894 : i32 to index
      %get3A_1928 = tpu.vector_load %arg8[%get3A_1927] {strides = array<i32>} : memref<528xi32, #tpu.memory_space<vmem>>, vector<16xi32>,
      %slice3A_1929 = vector.extract_strided_slice %get3A_1926 {offsets = [0], sizes = [1], strides = [1]} : vector<16xi32> to vector<1xi32>
      %squeeze3A_1930 = vector.extract %slice3A_1929[0] : i32 from vector<1xi32>
      %and3A_1931 = arith.constant 127 : i32
      %and3A_1932 = arith.andi %squeeze3A_1930, %and3A_1931 : i32
      %broadcast_in_dim3A_1933 = vector.broadcast %and3A_1932 : i32 to vector<16xi32>
      %slice3A_1934 = vector.extract_strided_slice %get3A_1928 {offsets = [0], sizes = [1], strides = [1]} : vector<16xi32> to vector<1xi32>
      %squeeze3A_1935 = vector.extract %slice3A_1934[0] : i32 from vector<1xi32>
      %and3A_1936 = arith.constant 127 : i32
      %and3A_1937 = arith.andi %squeeze3A_1935, %and3A_1936 : i32
      %broadcast_in_dim3A_1938 = vector.broadcast %and3A_1937 : i32 to vector<16xi32>
      %gather3A_1939 = arith.constant 5 : i32
      %gather3A_1940 = arith.constant 0 : i32
      %gather3A_1941 = arith.constant 0 : i32
      %gather3A_1942 = tpu.memref_slice %arg9[%gather3A_1939, %gather3A_1940, %gather3A_1941] : memref<8x32x128xf32, #tpu.memory_space<vmem>> -> memref<1x32x128xf32, #tpu.memory_space<vmem>>
      %gather3A_1943 = tpu.memref_squeeze %gather3A_1942 : memref<1x32x128xf32, #tpu.memory_space<vmem>> -> memref<32x128xf32, #tpu.memory_space<vmem>>
      %gather3A_1944 = tpu.vector_load_idx %gather3A_1943[%iota3A, %broadcast_in_dim3A_1933] : memref<32x128xf32, #tpu.memory_space<vmem>>[vector<16xi32>, vector<16xi32>], vector<16xf32>,
      %gather3A_1945 = arith.constant 5 : i32
      %gather3A_1946 = arith.constant 0 : i32
      %gather3A_1947 = arith.constant 0 : i32
      %gather3A_1948 = tpu.memref_slice %arg9[%gather3A_1945, %gather3A_1946, %gather3A_1947] : memref<8x32x128xf32, #tpu.memory_space<vmem>> -> memref<1x32x128xf32, #tpu.memory_space<vmem>>
      %gather3A_1949 = tpu.memref_squeeze %gather3A_1948 : memref<1x32x128xf32, #tpu.memory_space<vmem>> -> memref<32x128xf32, #tpu.memory_space<vmem>>
      %gather3A_1950 = tpu.vector_load_idx %gather3A_1949[%add3A_1358, %broadcast_in_dim3A_1933] : memref<32x128xf32, #tpu.memory_space<vmem>>[vector<16xi32>, vector<16xi32>], vector<16xf32>,
      %gather3A_1951 = arith.constant 5 : i32
      %gather3A_1952 = arith.constant 0 : i32
      %gather3A_1953 = arith.constant 0 : i32
      %gather3A_1954 = tpu.memref_slice %arg10[%gather3A_1951, %gather3A_1952, %gather3A_1953] : memref<8x32x128xf32, #tpu.memory_space<vmem>> -> memref<1x32x128xf32, #tpu.memory_space<vmem>>
      %gather3A_1955 = tpu.memref_squeeze %gather3A_1954 : memref<1x32x128xf32, #tpu.memory_space<vmem>> -> memref<32x128xf32, #tpu.memory_space<vmem>>
      %gather3A_1956 = tpu.vector_load_idx %gather3A_1955[%iota3A, %broadcast_in_dim3A_1938] : memref<32x128xf32, #tpu.memory_space<vmem>>[vector<16xi32>, vector<16xi32>], vector<16xf32>,
      %gather3A_1957 = arith.constant 5 : i32
      %gather3A_1958 = arith.constant 0 : i32
      %gather3A_1959 = arith.constant 0 : i32
      %gather3A_1960 = tpu.memref_slice %arg10[%gather3A_1957, %gather3A_1958, %gather3A_1959] : memref<8x32x128xf32, #tpu.memory_space<vmem>> -> memref<1x32x128xf32, #tpu.memory_space<vmem>>
      %gather3A_1961 = tpu.memref_squeeze %gather3A_1960 : memref<1x32x128xf32, #tpu.memory_space<vmem>> -> memref<32x128xf32, #tpu.memory_space<vmem>>
      %gather3A_1962 = tpu.vector_load_idx %gather3A_1961[%add3A_1358, %broadcast_in_dim3A_1938] : memref<32x128xf32, #tpu.memory_space<vmem>>[vector<16xi32>, vector<16xi32>], vector<16xf32>,
      %mul3A_1963 = arith.mulf %gather3A_1944, %gather3A_1956 : vector<16xf32>
      %mul3A_1964 = arith.mulf %gather3A_1950, %gather3A_1962 : vector<16xf32>
      %add3A_1965 = arith.addf %mul3A_1963, %mul3A_1964 : vector<16xf32>
      %reduce_sum3A_1966 = arith.constant true
      %reduce_sum3A_1967 = vector.broadcast %reduce_sum3A_1966 : i1 to vector<16xi1>
      %reduce_sum3A_1968 = tpu.scan <sum>, %add3A_1965 masked %reduce_sum3A_1967 : vector<16xf32>, vector<16xi1> -> vector<16xf32>
      %reduce_sum3A_1969 = vector.extract %reduce_sum3A_1968[15] : f32 from vector<16xf32>
      %jit3A_1970 = arith.constant 16 : i32
      %eq3A_1971 = arith.constant 0 : i32
      %eq3A_1972 = arith.cmpi eq, %jit3A_1970, %eq3A_1971 : i32
      %jit3A_1973 = arith.constant 1 : i32
      %select_n3A_1974 = arith.select %eq3A_1972, %jit3A_1973, %jit3A_1970 : i32
      %rem3A_1975 = arith.remsi %add3A_1894, %select_n3A_1974 : i32
      %ne3A_1976 = arith.constant 0 : i32
      %ne3A_1977 = arith.cmpi ne, %rem3A_1975, %ne3A_1976 : i32
      %lt3A_1978 = arith.constant 0 : i32
      %lt3A_1979 = arith.cmpi slt, %rem3A_1975, %lt3A_1978 : i32
      %lt3A_1980 = arith.constant 0 : i32
      %lt3A_1981 = arith.cmpi slt, %select_n3A_1974, %lt3A_1980 : i32
      %ne3A_1982 = arith.xori %lt3A_1979, %lt3A_1981 : i1
      %and3A_1983 = arith.andi %ne3A_1982, %ne3A_1977 : i1
      %add3A_1984 = arith.addi %rem3A_1975, %select_n3A_1974 : i32
      %select_n3A_1985 = arith.select %and3A_1983, %add3A_1984, %rem3A_1975 : i32
      %eq3A_1986 = vector.broadcast %select_n3A_1985 : i32 to vector<16xi32>
      %eq3A_1987 = arith.cmpi eq, %iota3A_1359, %eq3A_1986 : vector<16xi32>
      %add3A_1988 = vector.broadcast %reduce_sum3A_1969 : f32 to vector<16xf32>
      %add3A_1989 = arith.addf %select_n3A_1883, %add3A_1988 : vector<16xf32>
      %select_n3A_1990 = arith.select %eq3A_1987, %add3A_1989, %select_n3A_1883 : vector<16xi1>, vector<16xf32>
      %add3A_1991 = arith.constant 8 : i32
      %add3A_1992 = arith.addi %add3A_1894, %add3A_1991 : i32
      %lt3A_1993 = arith.constant 512 : i32
      %lt3A_1994 = arith.cmpi slt, %add3A_1992, %lt3A_1993 : i32
      %convert_element_type3A_1995 = arith.extui %lt3A_1994 : i1 to i32
      %cond3A_1996 = arith.constant 0 : i32
      %cond3A_1997 = arith.cmpi ne, %convert_element_type3A_1995, %cond3A_1996 : i32
      scf.if %cond3A_1997 {
        %add3A_2254 = arith.constant 8 : i32
        %add3A_2255 = arith.addi %add3A_1894, %add3A_2254 : i32
        %get3A_2256 = arith.index_cast %add3A_2255 : i32 to index
        %get3A_2257 = tpu.vector_load %arg7[%get3A_2256] {strides = array<i32>} : memref<528xi32, #tpu.memory_space<vmem>>, vector<16xi32>,
        %slice3A_2258 = vector.extract_strided_slice %get3A_2257 {offsets = [0], sizes = [1], strides = [1]} : vector<16xi32> to vector<1xi32>
        %squeeze3A_2259 = vector.extract %slice3A_2258[0] : i32 from vector<1xi32>
        %get3A_2260 = arith.index_cast %add3A_2255 : i32 to index
        %get3A_2261 = tpu.vector_load %arg8[%get3A_2260] {strides = array<i32>} : memref<528xi32, #tpu.memory_space<vmem>>, vector<16xi32>,
        %slice3A_2262 = vector.extract_strided_slice %get3A_2261 {offsets = [0], sizes = [1], strides = [1]} : vector<16xi32> to vector<1xi32>
        %squeeze3A_2263 = vector.extract %slice3A_2262[0] : i32 from vector<1xi32>
        %shift_right_arithmetic3A_2264 = arith.constant 7 : i32
        %shift_right_arithmetic3A_2265 = arith.shrsi %squeeze3A_2259, %shift_right_arithmetic3A_2264 : i32
        %shift_left3A_2266 = arith.constant 7 : i32
        %shift_left3A_2267 = arith.shli %shift_right_arithmetic3A_2265, %shift_left3A_2266 : i32
        %multiple_of3A_2268 = tpu.assume_multiple %shift_left3A_2267, 128 : i32
        %shift_right_arithmetic3A_2269 = arith.constant 7 : i32
        %shift_right_arithmetic3A_2270 = arith.shrsi %squeeze3A_2263, %shift_right_arithmetic3A_2269 : i32
        %shift_left3A_2271 = arith.constant 7 : i32
        %shift_left3A_2272 = arith.shli %shift_right_arithmetic3A_2270, %shift_left3A_2271 : i32
        %multiple_of3A_2273 = tpu.assume_multiple %shift_left3A_2272, 128 : i32
        %dma_start3A_2274 = arith.constant 5 : i32
        %dma_start3A_2275 = arith.constant 0 : i32
        %dma_start3A_2276 = arith.constant 0 : i32
        %dma_start3A_2277 = tpu.memref_slice %arg9[%dma_start3A_2274, %dma_start3A_2275, %dma_start3A_2276] : memref<8x32x128xf32, #tpu.memory_space<vmem>> -> memref<1x32x128xf32, #tpu.memory_space<vmem>>
        %dma_start3A_2278 = tpu.memref_squeeze %dma_start3A_2277 : memref<1x32x128xf32, #tpu.memory_space<vmem>> -> memref<32x128xf32, #tpu.memory_space<vmem>>
        %dma_start3A_2279 = arith.constant 0 : i32
        %dma_start3A_2280 = arith.constant 0 : i32
        %dma_start3A_2281 = tpu.memref_slice %dma_start3A_2278[%dma_start3A_2279, %dma_start3A_2280] : memref<32x128xf32, #tpu.memory_space<vmem>> -> memref<8x128xf32, #tpu.memory_space<vmem>>
        %dma_start3A_2282 = arith.constant 0 : i32
        %dma_start3A_2283 = tpu.memref_slice %arg4[%dma_start3A_2282, %multiple_of3A_2268] : memref<32x1000000xf32, #tpu.memory_space<hbm>> -> memref<8x128xf32, #tpu.memory_space<hbm>>
        %dma_start3A_2284 = arith.constant 0 : i32
        %dma_start3A_2285 = arith.constant 0 : i32
        %dma_start3A_2286 = tpu.memref_slice %arg9[%dma_start3A_2274, %dma_start3A_2284, %dma_start3A_2285] : memref<8x32x128xf32, #tpu.memory_space<vmem>> -> memref<1x32x128xf32, #tpu.memory_space<vmem>>
        %dma_start3A_2287 = tpu.memref_squeeze %dma_start3A_2286 : memref<1x32x128xf32, #tpu.memory_space<vmem>> -> memref<32x128xf32, #tpu.memory_space<vmem>>
        %dma_start3A_2288 = arith.constant 0 : i32
        %dma_start3A_2289 = arith.constant 0 : i32
        %dma_start3A_2290 = tpu.memref_slice %dma_start3A_2287[%dma_start3A_2288, %dma_start3A_2289] : memref<32x128xf32, #tpu.memory_space<vmem>> -> memref<8x128xf32, #tpu.memory_space<vmem>>
        %dma_start3A_2291 = arith.constant 0 : i32
        %dma_start3A_2292 = tpu.memref_slice %arg4[%dma_start3A_2291, %multiple_of3A_2268] : memref<32x1000000xf32, #tpu.memory_space<hbm>> -> memref<8x128xf32, #tpu.memory_space<hbm>>
        tpu.enqueue_dma source(%dma_start3A_2292 : memref<8x128xf32, #tpu.memory_space<hbm>>) target(%dma_start3A_2290 : memref<8x128xf32, #tpu.memory_space<vmem>>) target_semaphore(%arg12 : memref<!tpu.dma_semaphore, #tpu.memory_space<semaphore_mem>>)
        %dma_start3A_2293 = arith.constant 5 : i32
        %dma_start3A_2294 = arith.constant 0 : i32
        %dma_start3A_2295 = arith.constant 0 : i32
        %dma_start3A_2296 = tpu.memref_slice %arg10[%dma_start3A_2293, %dma_start3A_2294, %dma_start3A_2295] : memref<8x32x128xf32, #tpu.memory_space<vmem>> -> memref<1x32x128xf32, #tpu.memory_space<vmem>>
        %dma_start3A_2297 = tpu.memref_squeeze %dma_start3A_2296 : memref<1x32x128xf32, #tpu.memory_space<vmem>> -> memref<32x128xf32, #tpu.memory_space<vmem>>
        %dma_start3A_2298 = arith.constant 0 : i32
        %dma_start3A_2299 = arith.constant 0 : i32
        %dma_start3A_2300 = tpu.memref_slice %dma_start3A_2297[%dma_start3A_2298, %dma_start3A_2299] : memref<32x128xf32, #tpu.memory_space<vmem>> -> memref<8x128xf32, #tpu.memory_space<vmem>>
        %dma_start3A_2301 = arith.constant 0 : i32
        %dma_start3A_2302 = tpu.memref_slice %arg5[%dma_start3A_2301, %multiple_of3A_2273] : memref<32x1000000xf32, #tpu.memory_space<hbm>> -> memref<8x128xf32, #tpu.memory_space<hbm>>
        %dma_start3A_2303 = arith.constant 0 : i32
        %dma_start3A_2304 = arith.constant 0 : i32
        %dma_start3A_2305 = tpu.memref_slice %arg10[%dma_start3A_2293, %dma_start3A_2303, %dma_start3A_2304] : memref<8x32x128xf32, #tpu.memory_space<vmem>> -> memref<1x32x128xf32, #tpu.memory_space<vmem>>
        %dma_start3A_2306 = tpu.memref_squeeze %dma_start3A_2305 : memref<1x32x128xf32, #tpu.memory_space<vmem>> -> memref<32x128xf32, #tpu.memory_space<vmem>>
        %dma_start3A_2307 = arith.constant 0 : i32
        %dma_start3A_2308 = arith.constant 0 : i32
        %dma_start3A_2309 = tpu.memref_slice %dma_start3A_2306[%dma_start3A_2307, %dma_start3A_2308] : memref<32x128xf32, #tpu.memory_space<vmem>> -> memref<8x128xf32, #tpu.memory_space<vmem>>
        %dma_start3A_2310 = arith.constant 0 : i32
        %dma_start3A_2311 = tpu.memref_slice %arg5[%dma_start3A_2310, %multiple_of3A_2273] : memref<32x1000000xf32, #tpu.memory_space<hbm>> -> memref<8x128xf32, #tpu.memory_space<hbm>>
        tpu.enqueue_dma source(%dma_start3A_2311 : memref<8x128xf32, #tpu.memory_space<hbm>>) target(%dma_start3A_2309 : memref<8x128xf32, #tpu.memory_space<vmem>>) target_semaphore(%arg12 : memref<!tpu.dma_semaphore, #tpu.memory_space<semaphore_mem>>)
        %dma_start3A_2312 = arith.constant 5 : i32
        %dma_start3A_2313 = arith.constant 0 : i32
        %dma_start3A_2314 = arith.constant 0 : i32
        %dma_start3A_2315 = tpu.memref_slice %arg9[%dma_start3A_2312, %dma_start3A_2313, %dma_start3A_2314] : memref<8x32x128xf32, #tpu.memory_space<vmem>> -> memref<1x32x128xf32, #tpu.memory_space<vmem>>
        %dma_start3A_2316 = tpu.memref_squeeze %dma_start3A_2315 : memref<1x32x128xf32, #tpu.memory_space<vmem>> -> memref<32x128xf32, #tpu.memory_space<vmem>>
        %dma_start3A_2317 = arith.constant 8 : i32
        %dma_start3A_2318 = arith.constant 0 : i32
        %dma_start3A_2319 = tpu.memref_slice %dma_start3A_2316[%dma_start3A_2317, %dma_start3A_2318] : memref<32x128xf32, #tpu.memory_space<vmem>> -> memref<8x128xf32, #tpu.memory_space<vmem>>
        %dma_start3A_2320 = arith.constant 8 : i32
        %dma_start3A_2321 = tpu.memref_slice %arg4[%dma_start3A_2320, %multiple_of3A_2268] : memref<32x1000000xf32, #tpu.memory_space<hbm>> -> memref<8x128xf32, #tpu.memory_space<hbm>>
        %dma_start3A_2322 = arith.constant 0 : i32
        %dma_start3A_2323 = arith.constant 0 : i32
        %dma_start3A_2324 = tpu.memref_slice %arg9[%dma_start3A_2312, %dma_start3A_2322, %dma_start3A_2323] : memref<8x32x128xf32, #tpu.memory_space<vmem>> -> memref<1x32x128xf32, #tpu.memory_space<vmem>>
        %dma_start3A_2325 = tpu.memref_squeeze %dma_start3A_2324 : memref<1x32x128xf32, #tpu.memory_space<vmem>> -> memref<32x128xf32, #tpu.memory_space<vmem>>
        %dma_start3A_2326 = arith.constant 8 : i32
        %dma_start3A_2327 = arith.constant 0 : i32
        %dma_start3A_2328 = tpu.memref_slice %dma_start3A_2325[%dma_start3A_2326, %dma_start3A_2327] : memref<32x128xf32, #tpu.memory_space<vmem>> -> memref<8x128xf32, #tpu.memory_space<vmem>>
        %dma_start3A_2329 = arith.constant 8 : i32
        %dma_start3A_2330 = tpu.memref_slice %arg4[%dma_start3A_2329, %multiple_of3A_2268] : memref<32x1000000xf32, #tpu.memory_space<hbm>> -> memref<8x128xf32, #tpu.memory_space<hbm>>
        tpu.enqueue_dma source(%dma_start3A_2330 : memref<8x128xf32, #tpu.memory_space<hbm>>) target(%dma_start3A_2328 : memref<8x128xf32, #tpu.memory_space<vmem>>) target_semaphore(%arg12 : memref<!tpu.dma_semaphore, #tpu.memory_space<semaphore_mem>>)
        %dma_start3A_2331 = arith.constant 5 : i32
        %dma_start3A_2332 = arith.constant 0 : i32
        %dma_start3A_2333 = arith.constant 0 : i32
        %dma_start3A_2334 = tpu.memref_slice %arg10[%dma_start3A_2331, %dma_start3A_2332, %dma_start3A_2333] : memref<8x32x128xf32, #tpu.memory_space<vmem>> -> memref<1x32x128xf32, #tpu.memory_space<vmem>>
        %dma_start3A_2335 = tpu.memref_squeeze %dma_start3A_2334 : memref<1x32x128xf32, #tpu.memory_space<vmem>> -> memref<32x128xf32, #tpu.memory_space<vmem>>
        %dma_start3A_2336 = arith.constant 8 : i32
        %dma_start3A_2337 = arith.constant 0 : i32
        %dma_start3A_2338 = tpu.memref_slice %dma_start3A_2335[%dma_start3A_2336, %dma_start3A_2337] : memref<32x128xf32, #tpu.memory_space<vmem>> -> memref<8x128xf32, #tpu.memory_space<vmem>>
        %dma_start3A_2339 = arith.constant 8 : i32
        %dma_start3A_2340 = tpu.memref_slice %arg5[%dma_start3A_2339, %multiple_of3A_2273] : memref<32x1000000xf32, #tpu.memory_space<hbm>> -> memref<8x128xf32, #tpu.memory_space<hbm>>
        %dma_start3A_2341 = arith.constant 0 : i32
        %dma_start3A_2342 = arith.constant 0 : i32
        %dma_start3A_2343 = tpu.memref_slice %arg10[%dma_start3A_2331, %dma_start3A_2341, %dma_start3A_2342] : memref<8x32x128xf32, #tpu.memory_space<vmem>> -> memref<1x32x128xf32, #tpu.memory_space<vmem>>
        %dma_start3A_2344 = tpu.memref_squeeze %dma_start3A_2343 : memref<1x32x128xf32, #tpu.memory_space<vmem>> -> memref<32x128xf32, #tpu.memory_space<vmem>>
        %dma_start3A_2345 = arith.constant 8 : i32
        %dma_start3A_2346 = arith.constant 0 : i32
        %dma_start3A_2347 = tpu.memref_slice %dma_start3A_2344[%dma_start3A_2345, %dma_start3A_2346] : memref<32x128xf32, #tpu.memory_space<vmem>> -> memref<8x128xf32, #tpu.memory_space<vmem>>
        %dma_start3A_2348 = arith.constant 8 : i32
        %dma_start3A_2349 = tpu.memref_slice %arg5[%dma_start3A_2348, %multiple_of3A_2273] : memref<32x1000000xf32, #tpu.memory_space<hbm>> -> memref<8x128xf32, #tpu.memory_space<hbm>>
        tpu.enqueue_dma source(%dma_start3A_2349 : memref<8x128xf32, #tpu.memory_space<hbm>>) target(%dma_start3A_2347 : memref<8x128xf32, #tpu.memory_space<vmem>>) target_semaphore(%arg12 : memref<!tpu.dma_semaphore, #tpu.memory_space<semaphore_mem>>)
        %dma_start3A_2350 = arith.constant 5 : i32
        %dma_start3A_2351 = arith.constant 0 : i32
        %dma_start3A_2352 = arith.constant 0 : i32
        %dma_start3A_2353 = tpu.memref_slice %arg9[%dma_start3A_2350, %dma_start3A_2351, %dma_start3A_2352] : memref<8x32x128xf32, #tpu.memory_space<vmem>> -> memref<1x32x128xf32, #tpu.memory_space<vmem>>
        %dma_start3A_2354 = tpu.memref_squeeze %dma_start3A_2353 : memref<1x32x128xf32, #tpu.memory_space<vmem>> -> memref<32x128xf32, #tpu.memory_space<vmem>>
        %dma_start3A_2355 = arith.constant 16 : i32
        %dma_start3A_2356 = arith.constant 0 : i32
        %dma_start3A_2357 = tpu.memref_slice %dma_start3A_2354[%dma_start3A_2355, %dma_start3A_2356] : memref<32x128xf32, #tpu.memory_space<vmem>> -> memref<8x128xf32, #tpu.memory_space<vmem>>
        %dma_start3A_2358 = arith.constant 16 : i32
        %dma_start3A_2359 = tpu.memref_slice %arg4[%dma_start3A_2358, %multiple_of3A_2268] : memref<32x1000000xf32, #tpu.memory_space<hbm>> -> memref<8x128xf32, #tpu.memory_space<hbm>>
        %dma_start3A_2360 = arith.constant 0 : i32
        %dma_start3A_2361 = arith.constant 0 : i32
        %dma_start3A_2362 = tpu.memref_slice %arg9[%dma_start3A_2350, %dma_start3A_2360, %dma_start3A_2361] : memref<8x32x128xf32, #tpu.memory_space<vmem>> -> memref<1x32x128xf32, #tpu.memory_space<vmem>>
        %dma_start3A_2363 = tpu.memref_squeeze %dma_start3A_2362 : memref<1x32x128xf32, #tpu.memory_space<vmem>> -> memref<32x128xf32, #tpu.memory_space<vmem>>
        %dma_start3A_2364 = arith.constant 16 : i32
        %dma_start3A_2365 = arith.constant 0 : i32
        %dma_start3A_2366 = tpu.memref_slice %dma_start3A_2363[%dma_start3A_2364, %dma_start3A_2365] : memref<32x128xf32, #tpu.memory_space<vmem>> -> memref<8x128xf32, #tpu.memory_space<vmem>>
        %dma_start3A_2367 = arith.constant 16 : i32
        %dma_start3A_2368 = tpu.memref_slice %arg4[%dma_start3A_2367, %multiple_of3A_2268] : memref<32x1000000xf32, #tpu.memory_space<hbm>> -> memref<8x128xf32, #tpu.memory_space<hbm>>
        tpu.enqueue_dma source(%dma_start3A_2368 : memref<8x128xf32, #tpu.memory_space<hbm>>) target(%dma_start3A_2366 : memref<8x128xf32, #tpu.memory_space<vmem>>) target_semaphore(%arg12 : memref<!tpu.dma_semaphore, #tpu.memory_space<semaphore_mem>>)
        %dma_start3A_2369 = arith.constant 5 : i32
        %dma_start3A_2370 = arith.constant 0 : i32
        %dma_start3A_2371 = arith.constant 0 : i32
        %dma_start3A_2372 = tpu.memref_slice %arg10[%dma_start3A_2369, %dma_start3A_2370, %dma_start3A_2371] : memref<8x32x128xf32, #tpu.memory_space<vmem>> -> memref<1x32x128xf32, #tpu.memory_space<vmem>>
        %dma_start3A_2373 = tpu.memref_squeeze %dma_start3A_2372 : memref<1x32x128xf32, #tpu.memory_space<vmem>> -> memref<32x128xf32, #tpu.memory_space<vmem>>
        %dma_start3A_2374 = arith.constant 16 : i32
        %dma_start3A_2375 = arith.constant 0 : i32
        %dma_start3A_2376 = tpu.memref_slice %dma_start3A_2373[%dma_start3A_2374, %dma_start3A_2375] : memref<32x128xf32, #tpu.memory_space<vmem>> -> memref<8x128xf32, #tpu.memory_space<vmem>>
        %dma_start3A_2377 = arith.constant 16 : i32
        %dma_start3A_2378 = tpu.memref_slice %arg5[%dma_start3A_2377, %multiple_of3A_2273] : memref<32x1000000xf32, #tpu.memory_space<hbm>> -> memref<8x128xf32, #tpu.memory_space<hbm>>
        %dma_start3A_2379 = arith.constant 0 : i32
        %dma_start3A_2380 = arith.constant 0 : i32
        %dma_start3A_2381 = tpu.memref_slice %arg10[%dma_start3A_2369, %dma_start3A_2379, %dma_start3A_2380] : memref<8x32x128xf32, #tpu.memory_space<vmem>> -> memref<1x32x128xf32, #tpu.memory_space<vmem>>
        %dma_start3A_2382 = tpu.memref_squeeze %dma_start3A_2381 : memref<1x32x128xf32, #tpu.memory_space<vmem>> -> memref<32x128xf32, #tpu.memory_space<vmem>>
        %dma_start3A_2383 = arith.constant 16 : i32
        %dma_start3A_2384 = arith.constant 0 : i32
        %dma_start3A_2385 = tpu.memref_slice %dma_start3A_2382[%dma_start3A_2383, %dma_start3A_2384] : memref<32x128xf32, #tpu.memory_space<vmem>> -> memref<8x128xf32, #tpu.memory_space<vmem>>
        %dma_start3A_2386 = arith.constant 16 : i32
        %dma_start3A_2387 = tpu.memref_slice %arg5[%dma_start3A_2386, %multiple_of3A_2273] : memref<32x1000000xf32, #tpu.memory_space<hbm>> -> memref<8x128xf32, #tpu.memory_space<hbm>>
        tpu.enqueue_dma source(%dma_start3A_2387 : memref<8x128xf32, #tpu.memory_space<hbm>>) target(%dma_start3A_2385 : memref<8x128xf32, #tpu.memory_space<vmem>>) target_semaphore(%arg12 : memref<!tpu.dma_semaphore, #tpu.memory_space<semaphore_mem>>)
        %dma_start3A_2388 = arith.constant 5 : i32
        %dma_start3A_2389 = arith.constant 0 : i32
        %dma_start3A_2390 = arith.constant 0 : i32
        %dma_start3A_2391 = tpu.memref_slice %arg9[%dma_start3A_2388, %dma_start3A_2389, %dma_start3A_2390] : memref<8x32x128xf32, #tpu.memory_space<vmem>> -> memref<1x32x128xf32, #tpu.memory_space<vmem>>
        %dma_start3A_2392 = tpu.memref_squeeze %dma_start3A_2391 : memref<1x32x128xf32, #tpu.memory_space<vmem>> -> memref<32x128xf32, #tpu.memory_space<vmem>>
        %dma_start3A_2393 = arith.constant 24 : i32
        %dma_start3A_2394 = arith.constant 0 : i32
        %dma_start3A_2395 = tpu.memref_slice %dma_start3A_2392[%dma_start3A_2393, %dma_start3A_2394] : memref<32x128xf32, #tpu.memory_space<vmem>> -> memref<8x128xf32, #tpu.memory_space<vmem>>
        %dma_start3A_2396 = arith.constant 24 : i32
        %dma_start3A_2397 = tpu.memref_slice %arg4[%dma_start3A_2396, %multiple_of3A_2268] : memref<32x1000000xf32, #tpu.memory_space<hbm>> -> memref<8x128xf32, #tpu.memory_space<hbm>>
        %dma_start3A_2398 = arith.constant 0 : i32
        %dma_start3A_2399 = arith.constant 0 : i32
        %dma_start3A_2400 = tpu.memref_slice %arg9[%dma_start3A_2388, %dma_start3A_2398, %dma_start3A_2399] : memref<8x32x128xf32, #tpu.memory_space<vmem>> -> memref<1x32x128xf32, #tpu.memory_space<vmem>>
        %dma_start3A_2401 = tpu.memref_squeeze %dma_start3A_2400 : memref<1x32x128xf32, #tpu.memory_space<vmem>> -> memref<32x128xf32, #tpu.memory_space<vmem>>
        %dma_start3A_2402 = arith.constant 24 : i32
        %dma_start3A_2403 = arith.constant 0 : i32
        %dma_start3A_2404 = tpu.memref_slice %dma_start3A_2401[%dma_start3A_2402, %dma_start3A_2403] : memref<32x128xf32, #tpu.memory_space<vmem>> -> memref<8x128xf32, #tpu.memory_space<vmem>>
        %dma_start3A_2405 = arith.constant 24 : i32
        %dma_start3A_2406 = tpu.memref_slice %arg4[%dma_start3A_2405, %multiple_of3A_2268] : memref<32x1000000xf32, #tpu.memory_space<hbm>> -> memref<8x128xf32, #tpu.memory_space<hbm>>
        tpu.enqueue_dma source(%dma_start3A_2406 : memref<8x128xf32, #tpu.memory_space<hbm>>) target(%dma_start3A_2404 : memref<8x128xf32, #tpu.memory_space<vmem>>) target_semaphore(%arg12 : memref<!tpu.dma_semaphore, #tpu.memory_space<semaphore_mem>>)
        %dma_start3A_2407 = arith.constant 5 : i32
        %dma_start3A_2408 = arith.constant 0 : i32
        %dma_start3A_2409 = arith.constant 0 : i32
        %dma_start3A_2410 = tpu.memref_slice %arg10[%dma_start3A_2407, %dma_start3A_2408, %dma_start3A_2409] : memref<8x32x128xf32, #tpu.memory_space<vmem>> -> memref<1x32x128xf32, #tpu.memory_space<vmem>>
        %dma_start3A_2411 = tpu.memref_squeeze %dma_start3A_2410 : memref<1x32x128xf32, #tpu.memory_space<vmem>> -> memref<32x128xf32, #tpu.memory_space<vmem>>
        %dma_start3A_2412 = arith.constant 24 : i32
        %dma_start3A_2413 = arith.constant 0 : i32
        %dma_start3A_2414 = tpu.memref_slice %dma_start3A_2411[%dma_start3A_2412, %dma_start3A_2413] : memref<32x128xf32, #tpu.memory_space<vmem>> -> memref<8x128xf32, #tpu.memory_space<vmem>>
        %dma_start3A_2415 = arith.constant 24 : i32
        %dma_start3A_2416 = tpu.memref_slice %arg5[%dma_start3A_2415, %multiple_of3A_2273] : memref<32x1000000xf32, #tpu.memory_space<hbm>> -> memref<8x128xf32, #tpu.memory_space<hbm>>
        %dma_start3A_2417 = arith.constant 0 : i32
        %dma_start3A_2418 = arith.constant 0 : i32
        %dma_start3A_2419 = tpu.memref_slice %arg10[%dma_start3A_2407, %dma_start3A_2417, %dma_start3A_2418] : memref<8x32x128xf32, #tpu.memory_space<vmem>> -> memref<1x32x128xf32, #tpu.memory_space<vmem>>
        %dma_start3A_2420 = tpu.memref_squeeze %dma_start3A_2419 : memref<1x32x128xf32, #tpu.memory_space<vmem>> -> memref<32x128xf32, #tpu.memory_space<vmem>>
        %dma_start3A_2421 = arith.constant 24 : i32
        %dma_start3A_2422 = arith.constant 0 : i32
        %dma_start3A_2423 = tpu.memref_slice %dma_start3A_2420[%dma_start3A_2421, %dma_start3A_2422] : memref<32x128xf32, #tpu.memory_space<vmem>> -> memref<8x128xf32, #tpu.memory_space<vmem>>
        %dma_start3A_2424 = arith.constant 24 : i32
        %dma_start3A_2425 = tpu.memref_slice %arg5[%dma_start3A_2424, %multiple_of3A_2273] : memref<32x1000000xf32, #tpu.memory_space<hbm>> -> memref<8x128xf32, #tpu.memory_space<hbm>>
        tpu.enqueue_dma source(%dma_start3A_2425 : memref<8x128xf32, #tpu.memory_space<hbm>>) target(%dma_start3A_2423 : memref<8x128xf32, #tpu.memory_space<vmem>>) target_semaphore(%arg12 : memref<!tpu.dma_semaphore, #tpu.memory_space<semaphore_mem>>)
      } else {
      }
      %mul3A_1998 = arith.constant 8 : i32
      %mul3A_1999 = arith.muli %scan3A_1366, %mul3A_1998 : i32
      %add3A_2000 = arith.constant 6 : i32
      %add3A_2001 = arith.addi %mul3A_1999, %add3A_2000 : i32
      %dma_wait3A_2002 = arith.constant 6 : i32
      %dma_wait3A_2003 = arith.constant 0 : i32
      %dma_wait3A_2004 = arith.constant 0 : i32
      %dma_wait3A_2005 = tpu.memref_slice %arg9[%dma_wait3A_2002, %dma_wait3A_2003, %dma_wait3A_2004] : memref<8x32x128xf32, #tpu.memory_space<vmem>> -> memref<1x32x128xf32, #tpu.memory_space<vmem>>
      %dma_wait3A_2006 = tpu.memref_squeeze %dma_wait3A_2005 : memref<1x32x128xf32, #tpu.memory_space<vmem>> -> memref<32x128xf32, #tpu.memory_space<vmem>>
      %dma_wait3A_2007 = arith.constant 0 : i32
      %dma_wait3A_2008 = arith.constant 0 : i32
      %dma_wait3A_2009 = tpu.memref_slice %arg4[%dma_wait3A_2007, %dma_wait3A_2008] : memref<32x1000000xf32, #tpu.memory_space<hbm>> -> memref<32x128xf32, #tpu.memory_space<hbm>>
      %dma_wait3A_2010 = arith.constant 0 : i32
      %dma_wait3A_2011 = arith.constant 0 : i32
      %dma_wait3A_2012 = tpu.memref_slice %arg9[%dma_wait3A_2002, %dma_wait3A_2010, %dma_wait3A_2011] : memref<8x32x128xf32, #tpu.memory_space<vmem>> -> memref<1x32x128xf32, #tpu.memory_space<vmem>>
      %dma_wait3A_2013 = tpu.memref_squeeze %dma_wait3A_2012 : memref<1x32x128xf32, #tpu.memory_space<vmem>> -> memref<32x128xf32, #tpu.memory_space<vmem>>
      %dma_wait3A_2014 = arith.constant 0 : i32
      %dma_wait3A_2015 = arith.constant 0 : i32
      %dma_wait3A_2016 = tpu.memref_slice %arg4[%dma_wait3A_2014, %dma_wait3A_2015] : memref<32x1000000xf32, #tpu.memory_space<hbm>> -> memref<32x128xf32, #tpu.memory_space<hbm>>
      tpu.wait_dma2 semaphore(%arg12 : memref<!tpu.dma_semaphore, #tpu.memory_space<semaphore_mem>>) src(%dma_wait3A_2016 : memref<32x128xf32, #tpu.memory_space<hbm>>) dst(%dma_wait3A_2013 : memref<32x128xf32, #tpu.memory_space<vmem>>)
      %dma_wait3A_2017 = arith.constant 6 : i32
      %dma_wait3A_2018 = arith.constant 0 : i32
      %dma_wait3A_2019 = arith.constant 0 : i32
      %dma_wait3A_2020 = tpu.memref_slice %arg10[%dma_wait3A_2017, %dma_wait3A_2018, %dma_wait3A_2019] : memref<8x32x128xf32, #tpu.memory_space<vmem>> -> memref<1x32x128xf32, #tpu.memory_space<vmem>>
      %dma_wait3A_2021 = tpu.memref_squeeze %dma_wait3A_2020 : memref<1x32x128xf32, #tpu.memory_space<vmem>> -> memref<32x128xf32, #tpu.memory_space<vmem>>
      %dma_wait3A_2022 = arith.constant 0 : i32
      %dma_wait3A_2023 = arith.constant 0 : i32
      %dma_wait3A_2024 = tpu.memref_slice %arg5[%dma_wait3A_2022, %dma_wait3A_2023] : memref<32x1000000xf32, #tpu.memory_space<hbm>> -> memref<32x128xf32, #tpu.memory_space<hbm>>
      %dma_wait3A_2025 = arith.constant 0 : i32
      %dma_wait3A_2026 = arith.constant 0 : i32
      %dma_wait3A_2027 = tpu.memref_slice %arg10[%dma_wait3A_2017, %dma_wait3A_2025, %dma_wait3A_2026] : memref<8x32x128xf32, #tpu.memory_space<vmem>> -> memref<1x32x128xf32, #tpu.memory_space<vmem>>
      %dma_wait3A_2028 = tpu.memref_squeeze %dma_wait3A_2027 : memref<1x32x128xf32, #tpu.memory_space<vmem>> -> memref<32x128xf32, #tpu.memory_space<vmem>>
      %dma_wait3A_2029 = arith.constant 0 : i32
      %dma_wait3A_2030 = arith.constant 0 : i32
      %dma_wait3A_2031 = tpu.memref_slice %arg5[%dma_wait3A_2029, %dma_wait3A_2030] : memref<32x1000000xf32, #tpu.memory_space<hbm>> -> memref<32x128xf32, #tpu.memory_space<hbm>>
      tpu.wait_dma2 semaphore(%arg12 : memref<!tpu.dma_semaphore, #tpu.memory_space<semaphore_mem>>) src(%dma_wait3A_2031 : memref<32x128xf32, #tpu.memory_space<hbm>>) dst(%dma_wait3A_2028 : memref<32x128xf32, #tpu.memory_space<vmem>>)
      %get3A_2032 = arith.index_cast %add3A_2001 : i32 to index
      %get3A_2033 = tpu.vector_load %arg7[%get3A_2032] {strides = array<i32>} : memref<528xi32, #tpu.memory_space<vmem>>, vector<16xi32>,
      %get3A_2034 = arith.index_cast %add3A_2001 : i32 to index
      %get3A_2035 = tpu.vector_load %arg8[%get3A_2034] {strides = array<i32>} : memref<528xi32, #tpu.memory_space<vmem>>, vector<16xi32>,
      %slice3A_2036 = vector.extract_strided_slice %get3A_2033 {offsets = [0], sizes = [1], strides = [1]} : vector<16xi32> to vector<1xi32>
      %squeeze3A_2037 = vector.extract %slice3A_2036[0] : i32 from vector<1xi32>
      %and3A_2038 = arith.constant 127 : i32
      %and3A_2039 = arith.andi %squeeze3A_2037, %and3A_2038 : i32
      %broadcast_in_dim3A_2040 = vector.broadcast %and3A_2039 : i32 to vector<16xi32>
      %slice3A_2041 = vector.extract_strided_slice %get3A_2035 {offsets = [0], sizes = [1], strides = [1]} : vector<16xi32> to vector<1xi32>
      %squeeze3A_2042 = vector.extract %slice3A_2041[0] : i32 from vector<1xi32>
      %and3A_2043 = arith.constant 127 : i32
      %and3A_2044 = arith.andi %squeeze3A_2042, %and3A_2043 : i32
      %broadcast_in_dim3A_2045 = vector.broadcast %and3A_2044 : i32 to vector<16xi32>
      %gather3A_2046 = arith.constant 6 : i32
      %gather3A_2047 = arith.constant 0 : i32
      %gather3A_2048 = arith.constant 0 : i32
      %gather3A_2049 = tpu.memref_slice %arg9[%gather3A_2046, %gather3A_2047, %gather3A_2048] : memref<8x32x128xf32, #tpu.memory_space<vmem>> -> memref<1x32x128xf32, #tpu.memory_space<vmem>>
      %gather3A_2050 = tpu.memref_squeeze %gather3A_2049 : memref<1x32x128xf32, #tpu.memory_space<vmem>> -> memref<32x128xf32, #tpu.memory_space<vmem>>
      %gather3A_2051 = tpu.vector_load_idx %gather3A_2050[%iota3A, %broadcast_in_dim3A_2040] : memref<32x128xf32, #tpu.memory_space<vmem>>[vector<16xi32>, vector<16xi32>], vector<16xf32>,
      %gather3A_2052 = arith.constant 6 : i32
      %gather3A_2053 = arith.constant 0 : i32
      %gather3A_2054 = arith.constant 0 : i32
      %gather3A_2055 = tpu.memref_slice %arg9[%gather3A_2052, %gather3A_2053, %gather3A_2054] : memref<8x32x128xf32, #tpu.memory_space<vmem>> -> memref<1x32x128xf32, #tpu.memory_space<vmem>>
      %gather3A_2056 = tpu.memref_squeeze %gather3A_2055 : memref<1x32x128xf32, #tpu.memory_space<vmem>> -> memref<32x128xf32, #tpu.memory_space<vmem>>
      %gather3A_2057 = tpu.vector_load_idx %gather3A_2056[%add3A_1358, %broadcast_in_dim3A_2040] : memref<32x128xf32, #tpu.memory_space<vmem>>[vector<16xi32>, vector<16xi32>], vector<16xf32>,
      %gather3A_2058 = arith.constant 6 : i32
      %gather3A_2059 = arith.constant 0 : i32
      %gather3A_2060 = arith.constant 0 : i32
      %gather3A_2061 = tpu.memref_slice %arg10[%gather3A_2058, %gather3A_2059, %gather3A_2060] : memref<8x32x128xf32, #tpu.memory_space<vmem>> -> memref<1x32x128xf32, #tpu.memory_space<vmem>>
      %gather3A_2062 = tpu.memref_squeeze %gather3A_2061 : memref<1x32x128xf32, #tpu.memory_space<vmem>> -> memref<32x128xf32, #tpu.memory_space<vmem>>
      %gather3A_2063 = tpu.vector_load_idx %gather3A_2062[%iota3A, %broadcast_in_dim3A_2045] : memref<32x128xf32, #tpu.memory_space<vmem>>[vector<16xi32>, vector<16xi32>], vector<16xf32>,
      %gather3A_2064 = arith.constant 6 : i32
      %gather3A_2065 = arith.constant 0 : i32
      %gather3A_2066 = arith.constant 0 : i32
      %gather3A_2067 = tpu.memref_slice %arg10[%gather3A_2064, %gather3A_2065, %gather3A_2066] : memref<8x32x128xf32, #tpu.memory_space<vmem>> -> memref<1x32x128xf32, #tpu.memory_space<vmem>>
      %gather3A_2068 = tpu.memref_squeeze %gather3A_2067 : memref<1x32x128xf32, #tpu.memory_space<vmem>> -> memref<32x128xf32, #tpu.memory_space<vmem>>
      %gather3A_2069 = tpu.vector_load_idx %gather3A_2068[%add3A_1358, %broadcast_in_dim3A_2045] : memref<32x128xf32, #tpu.memory_space<vmem>>[vector<16xi32>, vector<16xi32>], vector<16xf32>,
      %mul3A_2070 = arith.mulf %gather3A_2051, %gather3A_2063 : vector<16xf32>
      %mul3A_2071 = arith.mulf %gather3A_2057, %gather3A_2069 : vector<16xf32>
      %add3A_2072 = arith.addf %mul3A_2070, %mul3A_2071 : vector<16xf32>
      %reduce_sum3A_2073 = arith.constant true
      %reduce_sum3A_2074 = vector.broadcast %reduce_sum3A_2073 : i1 to vector<16xi1>
      %reduce_sum3A_2075 = tpu.scan <sum>, %add3A_2072 masked %reduce_sum3A_2074 : vector<16xf32>, vector<16xi1> -> vector<16xf32>
      %reduce_sum3A_2076 = vector.extract %reduce_sum3A_2075[15] : f32 from vector<16xf32>
      %jit3A_2077 = arith.constant 16 : i32
      %eq3A_2078 = arith.constant 0 : i32
      %eq3A_2079 = arith.cmpi eq, %jit3A_2077, %eq3A_2078 : i32
      %jit3A_2080 = arith.constant 1 : i32
      %select_n3A_2081 = arith.select %eq3A_2079, %jit3A_2080, %jit3A_2077 : i32
      %rem3A_2082 = arith.remsi %add3A_2001, %select_n3A_2081 : i32
      %ne3A_2083 = arith.constant 0 : i32
      %ne3A_2084 = arith.cmpi ne, %rem3A_2082, %ne3A_2083 : i32
      %lt3A_2085 = arith.constant 0 : i32
      %lt3A_2086 = arith.cmpi slt, %rem3A_2082, %lt3A_2085 : i32
      %lt3A_2087 = arith.constant 0 : i32
      %lt3A_2088 = arith.cmpi slt, %select_n3A_2081, %lt3A_2087 : i32
      %ne3A_2089 = arith.xori %lt3A_2086, %lt3A_2088 : i1
      %and3A_2090 = arith.andi %ne3A_2089, %ne3A_2084 : i1
      %add3A_2091 = arith.addi %rem3A_2082, %select_n3A_2081 : i32
      %select_n3A_2092 = arith.select %and3A_2090, %add3A_2091, %rem3A_2082 : i32
      %eq3A_2093 = vector.broadcast %select_n3A_2092 : i32 to vector<16xi32>
      %eq3A_2094 = arith.cmpi eq, %iota3A_1359, %eq3A_2093 : vector<16xi32>
      %add3A_2095 = vector.broadcast %reduce_sum3A_2076 : f32 to vector<16xf32>
      %add3A_2096 = arith.addf %select_n3A_1990, %add3A_2095 : vector<16xf32>
      %select_n3A_2097 = arith.select %eq3A_2094, %add3A_2096, %select_n3A_1990 : vector<16xi1>, vector<16xf32>
      %add3A_2098 = arith.constant 8 : i32
      %add3A_2099 = arith.addi %add3A_2001, %add3A_2098 : i32
      %lt3A_2100 = arith.constant 512 : i32
      %lt3A_2101 = arith.cmpi slt, %add3A_2099, %lt3A_2100 : i32
      %convert_element_type3A_2102 = arith.extui %lt3A_2101 : i1 to i32
      %cond3A_2103 = arith.constant 0 : i32
      %cond3A_2104 = arith.cmpi ne, %convert_element_type3A_2102, %cond3A_2103 : i32
      scf.if %cond3A_2104 {
        %add3A_2254 = arith.constant 8 : i32
        %add3A_2255 = arith.addi %add3A_2001, %add3A_2254 : i32
        %get3A_2256 = arith.index_cast %add3A_2255 : i32 to index
        %get3A_2257 = tpu.vector_load %arg7[%get3A_2256] {strides = array<i32>} : memref<528xi32, #tpu.memory_space<vmem>>, vector<16xi32>,
        %slice3A_2258 = vector.extract_strided_slice %get3A_2257 {offsets = [0], sizes = [1], strides = [1]} : vector<16xi32> to vector<1xi32>
        %squeeze3A_2259 = vector.extract %slice3A_2258[0] : i32 from vector<1xi32>
        %get3A_2260 = arith.index_cast %add3A_2255 : i32 to index
        %get3A_2261 = tpu.vector_load %arg8[%get3A_2260] {strides = array<i32>} : memref<528xi32, #tpu.memory_space<vmem>>, vector<16xi32>,
        %slice3A_2262 = vector.extract_strided_slice %get3A_2261 {offsets = [0], sizes = [1], strides = [1]} : vector<16xi32> to vector<1xi32>
        %squeeze3A_2263 = vector.extract %slice3A_2262[0] : i32 from vector<1xi32>
        %shift_right_arithmetic3A_2264 = arith.constant 7 : i32
        %shift_right_arithmetic3A_2265 = arith.shrsi %squeeze3A_2259, %shift_right_arithmetic3A_2264 : i32
        %shift_left3A_2266 = arith.constant 7 : i32
        %shift_left3A_2267 = arith.shli %shift_right_arithmetic3A_2265, %shift_left3A_2266 : i32
        %multiple_of3A_2268 = tpu.assume_multiple %shift_left3A_2267, 128 : i32
        %shift_right_arithmetic3A_2269 = arith.constant 7 : i32
        %shift_right_arithmetic3A_2270 = arith.shrsi %squeeze3A_2263, %shift_right_arithmetic3A_2269 : i32
        %shift_left3A_2271 = arith.constant 7 : i32
        %shift_left3A_2272 = arith.shli %shift_right_arithmetic3A_2270, %shift_left3A_2271 : i32
        %multiple_of3A_2273 = tpu.assume_multiple %shift_left3A_2272, 128 : i32
        %dma_start3A_2274 = arith.constant 6 : i32
        %dma_start3A_2275 = arith.constant 0 : i32
        %dma_start3A_2276 = arith.constant 0 : i32
        %dma_start3A_2277 = tpu.memref_slice %arg9[%dma_start3A_2274, %dma_start3A_2275, %dma_start3A_2276] : memref<8x32x128xf32, #tpu.memory_space<vmem>> -> memref<1x32x128xf32, #tpu.memory_space<vmem>>
        %dma_start3A_2278 = tpu.memref_squeeze %dma_start3A_2277 : memref<1x32x128xf32, #tpu.memory_space<vmem>> -> memref<32x128xf32, #tpu.memory_space<vmem>>
        %dma_start3A_2279 = arith.constant 0 : i32
        %dma_start3A_2280 = arith.constant 0 : i32
        %dma_start3A_2281 = tpu.memref_slice %dma_start3A_2278[%dma_start3A_2279, %dma_start3A_2280] : memref<32x128xf32, #tpu.memory_space<vmem>> -> memref<8x128xf32, #tpu.memory_space<vmem>>
        %dma_start3A_2282 = arith.constant 0 : i32
        %dma_start3A_2283 = tpu.memref_slice %arg4[%dma_start3A_2282, %multiple_of3A_2268] : memref<32x1000000xf32, #tpu.memory_space<hbm>> -> memref<8x128xf32, #tpu.memory_space<hbm>>
        %dma_start3A_2284 = arith.constant 0 : i32
        %dma_start3A_2285 = arith.constant 0 : i32
        %dma_start3A_2286 = tpu.memref_slice %arg9[%dma_start3A_2274, %dma_start3A_2284, %dma_start3A_2285] : memref<8x32x128xf32, #tpu.memory_space<vmem>> -> memref<1x32x128xf32, #tpu.memory_space<vmem>>
        %dma_start3A_2287 = tpu.memref_squeeze %dma_start3A_2286 : memref<1x32x128xf32, #tpu.memory_space<vmem>> -> memref<32x128xf32, #tpu.memory_space<vmem>>
        %dma_start3A_2288 = arith.constant 0 : i32
        %dma_start3A_2289 = arith.constant 0 : i32
        %dma_start3A_2290 = tpu.memref_slice %dma_start3A_2287[%dma_start3A_2288, %dma_start3A_2289] : memref<32x128xf32, #tpu.memory_space<vmem>> -> memref<8x128xf32, #tpu.memory_space<vmem>>
        %dma_start3A_2291 = arith.constant 0 : i32
        %dma_start3A_2292 = tpu.memref_slice %arg4[%dma_start3A_2291, %multiple_of3A_2268] : memref<32x1000000xf32, #tpu.memory_space<hbm>> -> memref<8x128xf32, #tpu.memory_space<hbm>>
        tpu.enqueue_dma source(%dma_start3A_2292 : memref<8x128xf32, #tpu.memory_space<hbm>>) target(%dma_start3A_2290 : memref<8x128xf32, #tpu.memory_space<vmem>>) target_semaphore(%arg12 : memref<!tpu.dma_semaphore, #tpu.memory_space<semaphore_mem>>)
        %dma_start3A_2293 = arith.constant 6 : i32
        %dma_start3A_2294 = arith.constant 0 : i32
        %dma_start3A_2295 = arith.constant 0 : i32
        %dma_start3A_2296 = tpu.memref_slice %arg10[%dma_start3A_2293, %dma_start3A_2294, %dma_start3A_2295] : memref<8x32x128xf32, #tpu.memory_space<vmem>> -> memref<1x32x128xf32, #tpu.memory_space<vmem>>
        %dma_start3A_2297 = tpu.memref_squeeze %dma_start3A_2296 : memref<1x32x128xf32, #tpu.memory_space<vmem>> -> memref<32x128xf32, #tpu.memory_space<vmem>>
        %dma_start3A_2298 = arith.constant 0 : i32
        %dma_start3A_2299 = arith.constant 0 : i32
        %dma_start3A_2300 = tpu.memref_slice %dma_start3A_2297[%dma_start3A_2298, %dma_start3A_2299] : memref<32x128xf32, #tpu.memory_space<vmem>> -> memref<8x128xf32, #tpu.memory_space<vmem>>
        %dma_start3A_2301 = arith.constant 0 : i32
        %dma_start3A_2302 = tpu.memref_slice %arg5[%dma_start3A_2301, %multiple_of3A_2273] : memref<32x1000000xf32, #tpu.memory_space<hbm>> -> memref<8x128xf32, #tpu.memory_space<hbm>>
        %dma_start3A_2303 = arith.constant 0 : i32
        %dma_start3A_2304 = arith.constant 0 : i32
        %dma_start3A_2305 = tpu.memref_slice %arg10[%dma_start3A_2293, %dma_start3A_2303, %dma_start3A_2304] : memref<8x32x128xf32, #tpu.memory_space<vmem>> -> memref<1x32x128xf32, #tpu.memory_space<vmem>>
        %dma_start3A_2306 = tpu.memref_squeeze %dma_start3A_2305 : memref<1x32x128xf32, #tpu.memory_space<vmem>> -> memref<32x128xf32, #tpu.memory_space<vmem>>
        %dma_start3A_2307 = arith.constant 0 : i32
        %dma_start3A_2308 = arith.constant 0 : i32
        %dma_start3A_2309 = tpu.memref_slice %dma_start3A_2306[%dma_start3A_2307, %dma_start3A_2308] : memref<32x128xf32, #tpu.memory_space<vmem>> -> memref<8x128xf32, #tpu.memory_space<vmem>>
        %dma_start3A_2310 = arith.constant 0 : i32
        %dma_start3A_2311 = tpu.memref_slice %arg5[%dma_start3A_2310, %multiple_of3A_2273] : memref<32x1000000xf32, #tpu.memory_space<hbm>> -> memref<8x128xf32, #tpu.memory_space<hbm>>
        tpu.enqueue_dma source(%dma_start3A_2311 : memref<8x128xf32, #tpu.memory_space<hbm>>) target(%dma_start3A_2309 : memref<8x128xf32, #tpu.memory_space<vmem>>) target_semaphore(%arg12 : memref<!tpu.dma_semaphore, #tpu.memory_space<semaphore_mem>>)
        %dma_start3A_2312 = arith.constant 6 : i32
        %dma_start3A_2313 = arith.constant 0 : i32
        %dma_start3A_2314 = arith.constant 0 : i32
        %dma_start3A_2315 = tpu.memref_slice %arg9[%dma_start3A_2312, %dma_start3A_2313, %dma_start3A_2314] : memref<8x32x128xf32, #tpu.memory_space<vmem>> -> memref<1x32x128xf32, #tpu.memory_space<vmem>>
        %dma_start3A_2316 = tpu.memref_squeeze %dma_start3A_2315 : memref<1x32x128xf32, #tpu.memory_space<vmem>> -> memref<32x128xf32, #tpu.memory_space<vmem>>
        %dma_start3A_2317 = arith.constant 8 : i32
        %dma_start3A_2318 = arith.constant 0 : i32
        %dma_start3A_2319 = tpu.memref_slice %dma_start3A_2316[%dma_start3A_2317, %dma_start3A_2318] : memref<32x128xf32, #tpu.memory_space<vmem>> -> memref<8x128xf32, #tpu.memory_space<vmem>>
        %dma_start3A_2320 = arith.constant 8 : i32
        %dma_start3A_2321 = tpu.memref_slice %arg4[%dma_start3A_2320, %multiple_of3A_2268] : memref<32x1000000xf32, #tpu.memory_space<hbm>> -> memref<8x128xf32, #tpu.memory_space<hbm>>
        %dma_start3A_2322 = arith.constant 0 : i32
        %dma_start3A_2323 = arith.constant 0 : i32
        %dma_start3A_2324 = tpu.memref_slice %arg9[%dma_start3A_2312, %dma_start3A_2322, %dma_start3A_2323] : memref<8x32x128xf32, #tpu.memory_space<vmem>> -> memref<1x32x128xf32, #tpu.memory_space<vmem>>
        %dma_start3A_2325 = tpu.memref_squeeze %dma_start3A_2324 : memref<1x32x128xf32, #tpu.memory_space<vmem>> -> memref<32x128xf32, #tpu.memory_space<vmem>>
        %dma_start3A_2326 = arith.constant 8 : i32
        %dma_start3A_2327 = arith.constant 0 : i32
        %dma_start3A_2328 = tpu.memref_slice %dma_start3A_2325[%dma_start3A_2326, %dma_start3A_2327] : memref<32x128xf32, #tpu.memory_space<vmem>> -> memref<8x128xf32, #tpu.memory_space<vmem>>
        %dma_start3A_2329 = arith.constant 8 : i32
        %dma_start3A_2330 = tpu.memref_slice %arg4[%dma_start3A_2329, %multiple_of3A_2268] : memref<32x1000000xf32, #tpu.memory_space<hbm>> -> memref<8x128xf32, #tpu.memory_space<hbm>>
        tpu.enqueue_dma source(%dma_start3A_2330 : memref<8x128xf32, #tpu.memory_space<hbm>>) target(%dma_start3A_2328 : memref<8x128xf32, #tpu.memory_space<vmem>>) target_semaphore(%arg12 : memref<!tpu.dma_semaphore, #tpu.memory_space<semaphore_mem>>)
        %dma_start3A_2331 = arith.constant 6 : i32
        %dma_start3A_2332 = arith.constant 0 : i32
        %dma_start3A_2333 = arith.constant 0 : i32
        %dma_start3A_2334 = tpu.memref_slice %arg10[%dma_start3A_2331, %dma_start3A_2332, %dma_start3A_2333] : memref<8x32x128xf32, #tpu.memory_space<vmem>> -> memref<1x32x128xf32, #tpu.memory_space<vmem>>
        %dma_start3A_2335 = tpu.memref_squeeze %dma_start3A_2334 : memref<1x32x128xf32, #tpu.memory_space<vmem>> -> memref<32x128xf32, #tpu.memory_space<vmem>>
        %dma_start3A_2336 = arith.constant 8 : i32
        %dma_start3A_2337 = arith.constant 0 : i32
        %dma_start3A_2338 = tpu.memref_slice %dma_start3A_2335[%dma_start3A_2336, %dma_start3A_2337] : memref<32x128xf32, #tpu.memory_space<vmem>> -> memref<8x128xf32, #tpu.memory_space<vmem>>
        %dma_start3A_2339 = arith.constant 8 : i32
        %dma_start3A_2340 = tpu.memref_slice %arg5[%dma_start3A_2339, %multiple_of3A_2273] : memref<32x1000000xf32, #tpu.memory_space<hbm>> -> memref<8x128xf32, #tpu.memory_space<hbm>>
        %dma_start3A_2341 = arith.constant 0 : i32
        %dma_start3A_2342 = arith.constant 0 : i32
        %dma_start3A_2343 = tpu.memref_slice %arg10[%dma_start3A_2331, %dma_start3A_2341, %dma_start3A_2342] : memref<8x32x128xf32, #tpu.memory_space<vmem>> -> memref<1x32x128xf32, #tpu.memory_space<vmem>>
        %dma_start3A_2344 = tpu.memref_squeeze %dma_start3A_2343 : memref<1x32x128xf32, #tpu.memory_space<vmem>> -> memref<32x128xf32, #tpu.memory_space<vmem>>
        %dma_start3A_2345 = arith.constant 8 : i32
        %dma_start3A_2346 = arith.constant 0 : i32
        %dma_start3A_2347 = tpu.memref_slice %dma_start3A_2344[%dma_start3A_2345, %dma_start3A_2346] : memref<32x128xf32, #tpu.memory_space<vmem>> -> memref<8x128xf32, #tpu.memory_space<vmem>>
        %dma_start3A_2348 = arith.constant 8 : i32
        %dma_start3A_2349 = tpu.memref_slice %arg5[%dma_start3A_2348, %multiple_of3A_2273] : memref<32x1000000xf32, #tpu.memory_space<hbm>> -> memref<8x128xf32, #tpu.memory_space<hbm>>
        tpu.enqueue_dma source(%dma_start3A_2349 : memref<8x128xf32, #tpu.memory_space<hbm>>) target(%dma_start3A_2347 : memref<8x128xf32, #tpu.memory_space<vmem>>) target_semaphore(%arg12 : memref<!tpu.dma_semaphore, #tpu.memory_space<semaphore_mem>>)
        %dma_start3A_2350 = arith.constant 6 : i32
        %dma_start3A_2351 = arith.constant 0 : i32
        %dma_start3A_2352 = arith.constant 0 : i32
        %dma_start3A_2353 = tpu.memref_slice %arg9[%dma_start3A_2350, %dma_start3A_2351, %dma_start3A_2352] : memref<8x32x128xf32, #tpu.memory_space<vmem>> -> memref<1x32x128xf32, #tpu.memory_space<vmem>>
        %dma_start3A_2354 = tpu.memref_squeeze %dma_start3A_2353 : memref<1x32x128xf32, #tpu.memory_space<vmem>> -> memref<32x128xf32, #tpu.memory_space<vmem>>
        %dma_start3A_2355 = arith.constant 16 : i32
        %dma_start3A_2356 = arith.constant 0 : i32
        %dma_start3A_2357 = tpu.memref_slice %dma_start3A_2354[%dma_start3A_2355, %dma_start3A_2356] : memref<32x128xf32, #tpu.memory_space<vmem>> -> memref<8x128xf32, #tpu.memory_space<vmem>>
        %dma_start3A_2358 = arith.constant 16 : i32
        %dma_start3A_2359 = tpu.memref_slice %arg4[%dma_start3A_2358, %multiple_of3A_2268] : memref<32x1000000xf32, #tpu.memory_space<hbm>> -> memref<8x128xf32, #tpu.memory_space<hbm>>
        %dma_start3A_2360 = arith.constant 0 : i32
        %dma_start3A_2361 = arith.constant 0 : i32
        %dma_start3A_2362 = tpu.memref_slice %arg9[%dma_start3A_2350, %dma_start3A_2360, %dma_start3A_2361] : memref<8x32x128xf32, #tpu.memory_space<vmem>> -> memref<1x32x128xf32, #tpu.memory_space<vmem>>
        %dma_start3A_2363 = tpu.memref_squeeze %dma_start3A_2362 : memref<1x32x128xf32, #tpu.memory_space<vmem>> -> memref<32x128xf32, #tpu.memory_space<vmem>>
        %dma_start3A_2364 = arith.constant 16 : i32
        %dma_start3A_2365 = arith.constant 0 : i32
        %dma_start3A_2366 = tpu.memref_slice %dma_start3A_2363[%dma_start3A_2364, %dma_start3A_2365] : memref<32x128xf32, #tpu.memory_space<vmem>> -> memref<8x128xf32, #tpu.memory_space<vmem>>
        %dma_start3A_2367 = arith.constant 16 : i32
        %dma_start3A_2368 = tpu.memref_slice %arg4[%dma_start3A_2367, %multiple_of3A_2268] : memref<32x1000000xf32, #tpu.memory_space<hbm>> -> memref<8x128xf32, #tpu.memory_space<hbm>>
        tpu.enqueue_dma source(%dma_start3A_2368 : memref<8x128xf32, #tpu.memory_space<hbm>>) target(%dma_start3A_2366 : memref<8x128xf32, #tpu.memory_space<vmem>>) target_semaphore(%arg12 : memref<!tpu.dma_semaphore, #tpu.memory_space<semaphore_mem>>)
        %dma_start3A_2369 = arith.constant 6 : i32
        %dma_start3A_2370 = arith.constant 0 : i32
        %dma_start3A_2371 = arith.constant 0 : i32
        %dma_start3A_2372 = tpu.memref_slice %arg10[%dma_start3A_2369, %dma_start3A_2370, %dma_start3A_2371] : memref<8x32x128xf32, #tpu.memory_space<vmem>> -> memref<1x32x128xf32, #tpu.memory_space<vmem>>
        %dma_start3A_2373 = tpu.memref_squeeze %dma_start3A_2372 : memref<1x32x128xf32, #tpu.memory_space<vmem>> -> memref<32x128xf32, #tpu.memory_space<vmem>>
        %dma_start3A_2374 = arith.constant 16 : i32
        %dma_start3A_2375 = arith.constant 0 : i32
        %dma_start3A_2376 = tpu.memref_slice %dma_start3A_2373[%dma_start3A_2374, %dma_start3A_2375] : memref<32x128xf32, #tpu.memory_space<vmem>> -> memref<8x128xf32, #tpu.memory_space<vmem>>
        %dma_start3A_2377 = arith.constant 16 : i32
        %dma_start3A_2378 = tpu.memref_slice %arg5[%dma_start3A_2377, %multiple_of3A_2273] : memref<32x1000000xf32, #tpu.memory_space<hbm>> -> memref<8x128xf32, #tpu.memory_space<hbm>>
        %dma_start3A_2379 = arith.constant 0 : i32
        %dma_start3A_2380 = arith.constant 0 : i32
        %dma_start3A_2381 = tpu.memref_slice %arg10[%dma_start3A_2369, %dma_start3A_2379, %dma_start3A_2380] : memref<8x32x128xf32, #tpu.memory_space<vmem>> -> memref<1x32x128xf32, #tpu.memory_space<vmem>>
        %dma_start3A_2382 = tpu.memref_squeeze %dma_start3A_2381 : memref<1x32x128xf32, #tpu.memory_space<vmem>> -> memref<32x128xf32, #tpu.memory_space<vmem>>
        %dma_start3A_2383 = arith.constant 16 : i32
        %dma_start3A_2384 = arith.constant 0 : i32
        %dma_start3A_2385 = tpu.memref_slice %dma_start3A_2382[%dma_start3A_2383, %dma_start3A_2384] : memref<32x128xf32, #tpu.memory_space<vmem>> -> memref<8x128xf32, #tpu.memory_space<vmem>>
        %dma_start3A_2386 = arith.constant 16 : i32
        %dma_start3A_2387 = tpu.memref_slice %arg5[%dma_start3A_2386, %multiple_of3A_2273] : memref<32x1000000xf32, #tpu.memory_space<hbm>> -> memref<8x128xf32, #tpu.memory_space<hbm>>
        tpu.enqueue_dma source(%dma_start3A_2387 : memref<8x128xf32, #tpu.memory_space<hbm>>) target(%dma_start3A_2385 : memref<8x128xf32, #tpu.memory_space<vmem>>) target_semaphore(%arg12 : memref<!tpu.dma_semaphore, #tpu.memory_space<semaphore_mem>>)
        %dma_start3A_2388 = arith.constant 6 : i32
        %dma_start3A_2389 = arith.constant 0 : i32
        %dma_start3A_2390 = arith.constant 0 : i32
        %dma_start3A_2391 = tpu.memref_slice %arg9[%dma_start3A_2388, %dma_start3A_2389, %dma_start3A_2390] : memref<8x32x128xf32, #tpu.memory_space<vmem>> -> memref<1x32x128xf32, #tpu.memory_space<vmem>>
        %dma_start3A_2392 = tpu.memref_squeeze %dma_start3A_2391 : memref<1x32x128xf32, #tpu.memory_space<vmem>> -> memref<32x128xf32, #tpu.memory_space<vmem>>
        %dma_start3A_2393 = arith.constant 24 : i32
        %dma_start3A_2394 = arith.constant 0 : i32
        %dma_start3A_2395 = tpu.memref_slice %dma_start3A_2392[%dma_start3A_2393, %dma_start3A_2394] : memref<32x128xf32, #tpu.memory_space<vmem>> -> memref<8x128xf32, #tpu.memory_space<vmem>>
        %dma_start3A_2396 = arith.constant 24 : i32
        %dma_start3A_2397 = tpu.memref_slice %arg4[%dma_start3A_2396, %multiple_of3A_2268] : memref<32x1000000xf32, #tpu.memory_space<hbm>> -> memref<8x128xf32, #tpu.memory_space<hbm>>
        %dma_start3A_2398 = arith.constant 0 : i32
        %dma_start3A_2399 = arith.constant 0 : i32
        %dma_start3A_2400 = tpu.memref_slice %arg9[%dma_start3A_2388, %dma_start3A_2398, %dma_start3A_2399] : memref<8x32x128xf32, #tpu.memory_space<vmem>> -> memref<1x32x128xf32, #tpu.memory_space<vmem>>
        %dma_start3A_2401 = tpu.memref_squeeze %dma_start3A_2400 : memref<1x32x128xf32, #tpu.memory_space<vmem>> -> memref<32x128xf32, #tpu.memory_space<vmem>>
        %dma_start3A_2402 = arith.constant 24 : i32
        %dma_start3A_2403 = arith.constant 0 : i32
        %dma_start3A_2404 = tpu.memref_slice %dma_start3A_2401[%dma_start3A_2402, %dma_start3A_2403] : memref<32x128xf32, #tpu.memory_space<vmem>> -> memref<8x128xf32, #tpu.memory_space<vmem>>
        %dma_start3A_2405 = arith.constant 24 : i32
        %dma_start3A_2406 = tpu.memref_slice %arg4[%dma_start3A_2405, %multiple_of3A_2268] : memref<32x1000000xf32, #tpu.memory_space<hbm>> -> memref<8x128xf32, #tpu.memory_space<hbm>>
        tpu.enqueue_dma source(%dma_start3A_2406 : memref<8x128xf32, #tpu.memory_space<hbm>>) target(%dma_start3A_2404 : memref<8x128xf32, #tpu.memory_space<vmem>>) target_semaphore(%arg12 : memref<!tpu.dma_semaphore, #tpu.memory_space<semaphore_mem>>)
        %dma_start3A_2407 = arith.constant 6 : i32
        %dma_start3A_2408 = arith.constant 0 : i32
        %dma_start3A_2409 = arith.constant 0 : i32
        %dma_start3A_2410 = tpu.memref_slice %arg10[%dma_start3A_2407, %dma_start3A_2408, %dma_start3A_2409] : memref<8x32x128xf32, #tpu.memory_space<vmem>> -> memref<1x32x128xf32, #tpu.memory_space<vmem>>
        %dma_start3A_2411 = tpu.memref_squeeze %dma_start3A_2410 : memref<1x32x128xf32, #tpu.memory_space<vmem>> -> memref<32x128xf32, #tpu.memory_space<vmem>>
        %dma_start3A_2412 = arith.constant 24 : i32
        %dma_start3A_2413 = arith.constant 0 : i32
        %dma_start3A_2414 = tpu.memref_slice %dma_start3A_2411[%dma_start3A_2412, %dma_start3A_2413] : memref<32x128xf32, #tpu.memory_space<vmem>> -> memref<8x128xf32, #tpu.memory_space<vmem>>
        %dma_start3A_2415 = arith.constant 24 : i32
        %dma_start3A_2416 = tpu.memref_slice %arg5[%dma_start3A_2415, %multiple_of3A_2273] : memref<32x1000000xf32, #tpu.memory_space<hbm>> -> memref<8x128xf32, #tpu.memory_space<hbm>>
        %dma_start3A_2417 = arith.constant 0 : i32
        %dma_start3A_2418 = arith.constant 0 : i32
        %dma_start3A_2419 = tpu.memref_slice %arg10[%dma_start3A_2407, %dma_start3A_2417, %dma_start3A_2418] : memref<8x32x128xf32, #tpu.memory_space<vmem>> -> memref<1x32x128xf32, #tpu.memory_space<vmem>>
        %dma_start3A_2420 = tpu.memref_squeeze %dma_start3A_2419 : memref<1x32x128xf32, #tpu.memory_space<vmem>> -> memref<32x128xf32, #tpu.memory_space<vmem>>
        %dma_start3A_2421 = arith.constant 24 : i32
        %dma_start3A_2422 = arith.constant 0 : i32
        %dma_start3A_2423 = tpu.memref_slice %dma_start3A_2420[%dma_start3A_2421, %dma_start3A_2422] : memref<32x128xf32, #tpu.memory_space<vmem>> -> memref<8x128xf32, #tpu.memory_space<vmem>>
        %dma_start3A_2424 = arith.constant 24 : i32
        %dma_start3A_2425 = tpu.memref_slice %arg5[%dma_start3A_2424, %multiple_of3A_2273] : memref<32x1000000xf32, #tpu.memory_space<hbm>> -> memref<8x128xf32, #tpu.memory_space<hbm>>
        tpu.enqueue_dma source(%dma_start3A_2425 : memref<8x128xf32, #tpu.memory_space<hbm>>) target(%dma_start3A_2423 : memref<8x128xf32, #tpu.memory_space<vmem>>) target_semaphore(%arg12 : memref<!tpu.dma_semaphore, #tpu.memory_space<semaphore_mem>>)
      } else {
      }
      %mul3A_2105 = arith.constant 8 : i32
      %mul3A_2106 = arith.muli %scan3A_1366, %mul3A_2105 : i32
      %add3A_2107 = arith.constant 7 : i32
      %add3A_2108 = arith.addi %mul3A_2106, %add3A_2107 : i32
      %dma_wait3A_2109 = arith.constant 7 : i32
      %dma_wait3A_2110 = arith.constant 0 : i32
      %dma_wait3A_2111 = arith.constant 0 : i32
      %dma_wait3A_2112 = tpu.memref_slice %arg9[%dma_wait3A_2109, %dma_wait3A_2110, %dma_wait3A_2111] : memref<8x32x128xf32, #tpu.memory_space<vmem>> -> memref<1x32x128xf32, #tpu.memory_space<vmem>>
      %dma_wait3A_2113 = tpu.memref_squeeze %dma_wait3A_2112 : memref<1x32x128xf32, #tpu.memory_space<vmem>> -> memref<32x128xf32, #tpu.memory_space<vmem>>
      %dma_wait3A_2114 = arith.constant 0 : i32
      %dma_wait3A_2115 = arith.constant 0 : i32
      %dma_wait3A_2116 = tpu.memref_slice %arg4[%dma_wait3A_2114, %dma_wait3A_2115] : memref<32x1000000xf32, #tpu.memory_space<hbm>> -> memref<32x128xf32, #tpu.memory_space<hbm>>
      %dma_wait3A_2117 = arith.constant 0 : i32
      %dma_wait3A_2118 = arith.constant 0 : i32
      %dma_wait3A_2119 = tpu.memref_slice %arg9[%dma_wait3A_2109, %dma_wait3A_2117, %dma_wait3A_2118] : memref<8x32x128xf32, #tpu.memory_space<vmem>> -> memref<1x32x128xf32, #tpu.memory_space<vmem>>
      %dma_wait3A_2120 = tpu.memref_squeeze %dma_wait3A_2119 : memref<1x32x128xf32, #tpu.memory_space<vmem>> -> memref<32x128xf32, #tpu.memory_space<vmem>>
      %dma_wait3A_2121 = arith.constant 0 : i32
      %dma_wait3A_2122 = arith.constant 0 : i32
      %dma_wait3A_2123 = tpu.memref_slice %arg4[%dma_wait3A_2121, %dma_wait3A_2122] : memref<32x1000000xf32, #tpu.memory_space<hbm>> -> memref<32x128xf32, #tpu.memory_space<hbm>>
      tpu.wait_dma2 semaphore(%arg12 : memref<!tpu.dma_semaphore, #tpu.memory_space<semaphore_mem>>) src(%dma_wait3A_2123 : memref<32x128xf32, #tpu.memory_space<hbm>>) dst(%dma_wait3A_2120 : memref<32x128xf32, #tpu.memory_space<vmem>>)
      %dma_wait3A_2124 = arith.constant 7 : i32
      %dma_wait3A_2125 = arith.constant 0 : i32
      %dma_wait3A_2126 = arith.constant 0 : i32
      %dma_wait3A_2127 = tpu.memref_slice %arg10[%dma_wait3A_2124, %dma_wait3A_2125, %dma_wait3A_2126] : memref<8x32x128xf32, #tpu.memory_space<vmem>> -> memref<1x32x128xf32, #tpu.memory_space<vmem>>
      %dma_wait3A_2128 = tpu.memref_squeeze %dma_wait3A_2127 : memref<1x32x128xf32, #tpu.memory_space<vmem>> -> memref<32x128xf32, #tpu.memory_space<vmem>>
      %dma_wait3A_2129 = arith.constant 0 : i32
      %dma_wait3A_2130 = arith.constant 0 : i32
      %dma_wait3A_2131 = tpu.memref_slice %arg5[%dma_wait3A_2129, %dma_wait3A_2130] : memref<32x1000000xf32, #tpu.memory_space<hbm>> -> memref<32x128xf32, #tpu.memory_space<hbm>>
      %dma_wait3A_2132 = arith.constant 0 : i32
      %dma_wait3A_2133 = arith.constant 0 : i32
      %dma_wait3A_2134 = tpu.memref_slice %arg10[%dma_wait3A_2124, %dma_wait3A_2132, %dma_wait3A_2133] : memref<8x32x128xf32, #tpu.memory_space<vmem>> -> memref<1x32x128xf32, #tpu.memory_space<vmem>>
      %dma_wait3A_2135 = tpu.memref_squeeze %dma_wait3A_2134 : memref<1x32x128xf32, #tpu.memory_space<vmem>> -> memref<32x128xf32, #tpu.memory_space<vmem>>
      %dma_wait3A_2136 = arith.constant 0 : i32
      %dma_wait3A_2137 = arith.constant 0 : i32
      %dma_wait3A_2138 = tpu.memref_slice %arg5[%dma_wait3A_2136, %dma_wait3A_2137] : memref<32x1000000xf32, #tpu.memory_space<hbm>> -> memref<32x128xf32, #tpu.memory_space<hbm>>
      tpu.wait_dma2 semaphore(%arg12 : memref<!tpu.dma_semaphore, #tpu.memory_space<semaphore_mem>>) src(%dma_wait3A_2138 : memref<32x128xf32, #tpu.memory_space<hbm>>) dst(%dma_wait3A_2135 : memref<32x128xf32, #tpu.memory_space<vmem>>)
      %get3A_2139 = arith.index_cast %add3A_2108 : i32 to index
      %get3A_2140 = tpu.vector_load %arg7[%get3A_2139] {strides = array<i32>} : memref<528xi32, #tpu.memory_space<vmem>>, vector<16xi32>,
      %get3A_2141 = arith.index_cast %add3A_2108 : i32 to index
      %get3A_2142 = tpu.vector_load %arg8[%get3A_2141] {strides = array<i32>} : memref<528xi32, #tpu.memory_space<vmem>>, vector<16xi32>,
      %slice3A_2143 = vector.extract_strided_slice %get3A_2140 {offsets = [0], sizes = [1], strides = [1]} : vector<16xi32> to vector<1xi32>
      %squeeze3A_2144 = vector.extract %slice3A_2143[0] : i32 from vector<1xi32>
      %and3A_2145 = arith.constant 127 : i32
      %and3A_2146 = arith.andi %squeeze3A_2144, %and3A_2145 : i32
      %broadcast_in_dim3A_2147 = vector.broadcast %and3A_2146 : i32 to vector<16xi32>
      %slice3A_2148 = vector.extract_strided_slice %get3A_2142 {offsets = [0], sizes = [1], strides = [1]} : vector<16xi32> to vector<1xi32>
      %squeeze3A_2149 = vector.extract %slice3A_2148[0] : i32 from vector<1xi32>
      %and3A_2150 = arith.constant 127 : i32
      %and3A_2151 = arith.andi %squeeze3A_2149, %and3A_2150 : i32
      %broadcast_in_dim3A_2152 = vector.broadcast %and3A_2151 : i32 to vector<16xi32>
      %gather3A_2153 = arith.constant 7 : i32
      %gather3A_2154 = arith.constant 0 : i32
      %gather3A_2155 = arith.constant 0 : i32
      %gather3A_2156 = tpu.memref_slice %arg9[%gather3A_2153, %gather3A_2154, %gather3A_2155] : memref<8x32x128xf32, #tpu.memory_space<vmem>> -> memref<1x32x128xf32, #tpu.memory_space<vmem>>
      %gather3A_2157 = tpu.memref_squeeze %gather3A_2156 : memref<1x32x128xf32, #tpu.memory_space<vmem>> -> memref<32x128xf32, #tpu.memory_space<vmem>>
      %gather3A_2158 = tpu.vector_load_idx %gather3A_2157[%iota3A, %broadcast_in_dim3A_2147] : memref<32x128xf32, #tpu.memory_space<vmem>>[vector<16xi32>, vector<16xi32>], vector<16xf32>,
      %gather3A_2159 = arith.constant 7 : i32
      %gather3A_2160 = arith.constant 0 : i32
      %gather3A_2161 = arith.constant 0 : i32
      %gather3A_2162 = tpu.memref_slice %arg9[%gather3A_2159, %gather3A_2160, %gather3A_2161] : memref<8x32x128xf32, #tpu.memory_space<vmem>> -> memref<1x32x128xf32, #tpu.memory_space<vmem>>
      %gather3A_2163 = tpu.memref_squeeze %gather3A_2162 : memref<1x32x128xf32, #tpu.memory_space<vmem>> -> memref<32x128xf32, #tpu.memory_space<vmem>>
      %gather3A_2164 = tpu.vector_load_idx %gather3A_2163[%add3A_1358, %broadcast_in_dim3A_2147] : memref<32x128xf32, #tpu.memory_space<vmem>>[vector<16xi32>, vector<16xi32>], vector<16xf32>,
      %gather3A_2165 = arith.constant 7 : i32
      %gather3A_2166 = arith.constant 0 : i32
      %gather3A_2167 = arith.constant 0 : i32
      %gather3A_2168 = tpu.memref_slice %arg10[%gather3A_2165, %gather3A_2166, %gather3A_2167] : memref<8x32x128xf32, #tpu.memory_space<vmem>> -> memref<1x32x128xf32, #tpu.memory_space<vmem>>
      %gather3A_2169 = tpu.memref_squeeze %gather3A_2168 : memref<1x32x128xf32, #tpu.memory_space<vmem>> -> memref<32x128xf32, #tpu.memory_space<vmem>>
      %gather3A_2170 = tpu.vector_load_idx %gather3A_2169[%iota3A, %broadcast_in_dim3A_2152] : memref<32x128xf32, #tpu.memory_space<vmem>>[vector<16xi32>, vector<16xi32>], vector<16xf32>,
      %gather3A_2171 = arith.constant 7 : i32
      %gather3A_2172 = arith.constant 0 : i32
      %gather3A_2173 = arith.constant 0 : i32
      %gather3A_2174 = tpu.memref_slice %arg10[%gather3A_2171, %gather3A_2172, %gather3A_2173] : memref<8x32x128xf32, #tpu.memory_space<vmem>> -> memref<1x32x128xf32, #tpu.memory_space<vmem>>
      %gather3A_2175 = tpu.memref_squeeze %gather3A_2174 : memref<1x32x128xf32, #tpu.memory_space<vmem>> -> memref<32x128xf32, #tpu.memory_space<vmem>>
      %gather3A_2176 = tpu.vector_load_idx %gather3A_2175[%add3A_1358, %broadcast_in_dim3A_2152] : memref<32x128xf32, #tpu.memory_space<vmem>>[vector<16xi32>, vector<16xi32>], vector<16xf32>,
      %mul3A_2177 = arith.mulf %gather3A_2158, %gather3A_2170 : vector<16xf32>
      %mul3A_2178 = arith.mulf %gather3A_2164, %gather3A_2176 : vector<16xf32>
      %add3A_2179 = arith.addf %mul3A_2177, %mul3A_2178 : vector<16xf32>
      %reduce_sum3A_2180 = arith.constant true
      %reduce_sum3A_2181 = vector.broadcast %reduce_sum3A_2180 : i1 to vector<16xi1>
      %reduce_sum3A_2182 = tpu.scan <sum>, %add3A_2179 masked %reduce_sum3A_2181 : vector<16xf32>, vector<16xi1> -> vector<16xf32>
      %reduce_sum3A_2183 = vector.extract %reduce_sum3A_2182[15] : f32 from vector<16xf32>
      %jit3A_2184 = arith.constant 16 : i32
      %eq3A_2185 = arith.constant 0 : i32
      %eq3A_2186 = arith.cmpi eq, %jit3A_2184, %eq3A_2185 : i32
      %jit3A_2187 = arith.constant 1 : i32
      %select_n3A_2188 = arith.select %eq3A_2186, %jit3A_2187, %jit3A_2184 : i32
      %rem3A_2189 = arith.remsi %add3A_2108, %select_n3A_2188 : i32
      %ne3A_2190 = arith.constant 0 : i32
      %ne3A_2191 = arith.cmpi ne, %rem3A_2189, %ne3A_2190 : i32
      %lt3A_2192 = arith.constant 0 : i32
      %lt3A_2193 = arith.cmpi slt, %rem3A_2189, %lt3A_2192 : i32
      %lt3A_2194 = arith.constant 0 : i32
      %lt3A_2195 = arith.cmpi slt, %select_n3A_2188, %lt3A_2194 : i32
      %ne3A_2196 = arith.xori %lt3A_2193, %lt3A_2195 : i1
      %and3A_2197 = arith.andi %ne3A_2196, %ne3A_2191 : i1
      %add3A_2198 = arith.addi %rem3A_2189, %select_n3A_2188 : i32
      %select_n3A_2199 = arith.select %and3A_2197, %add3A_2198, %rem3A_2189 : i32
      %eq3A_2200 = vector.broadcast %select_n3A_2199 : i32 to vector<16xi32>
      %eq3A_2201 = arith.cmpi eq, %iota3A_1359, %eq3A_2200 : vector<16xi32>
      %add3A_2202 = vector.broadcast %reduce_sum3A_2183 : f32 to vector<16xf32>
      %add3A_2203 = arith.addf %select_n3A_2097, %add3A_2202 : vector<16xf32>
      %select_n3A_2204 = arith.select %eq3A_2201, %add3A_2203, %select_n3A_2097 : vector<16xi1>, vector<16xf32>
      %add3A_2205 = arith.constant 8 : i32
      %add3A_2206 = arith.addi %add3A_2108, %add3A_2205 : i32
      %lt3A_2207 = arith.constant 512 : i32
      %lt3A_2208 = arith.cmpi slt, %add3A_2206, %lt3A_2207 : i32
      %convert_element_type3A_2209 = arith.extui %lt3A_2208 : i1 to i32
      %cond3A_2210 = arith.constant 0 : i32
      %cond3A_2211 = arith.cmpi ne, %convert_element_type3A_2209, %cond3A_2210 : i32
      scf.if %cond3A_2211 {
        %add3A_2254 = arith.constant 8 : i32
        %add3A_2255 = arith.addi %add3A_2108, %add3A_2254 : i32
        %get3A_2256 = arith.index_cast %add3A_2255 : i32 to index
        %get3A_2257 = tpu.vector_load %arg7[%get3A_2256] {strides = array<i32>} : memref<528xi32, #tpu.memory_space<vmem>>, vector<16xi32>,
        %slice3A_2258 = vector.extract_strided_slice %get3A_2257 {offsets = [0], sizes = [1], strides = [1]} : vector<16xi32> to vector<1xi32>
        %squeeze3A_2259 = vector.extract %slice3A_2258[0] : i32 from vector<1xi32>
        %get3A_2260 = arith.index_cast %add3A_2255 : i32 to index
        %get3A_2261 = tpu.vector_load %arg8[%get3A_2260] {strides = array<i32>} : memref<528xi32, #tpu.memory_space<vmem>>, vector<16xi32>,
        %slice3A_2262 = vector.extract_strided_slice %get3A_2261 {offsets = [0], sizes = [1], strides = [1]} : vector<16xi32> to vector<1xi32>
        %squeeze3A_2263 = vector.extract %slice3A_2262[0] : i32 from vector<1xi32>
        %shift_right_arithmetic3A_2264 = arith.constant 7 : i32
        %shift_right_arithmetic3A_2265 = arith.shrsi %squeeze3A_2259, %shift_right_arithmetic3A_2264 : i32
        %shift_left3A_2266 = arith.constant 7 : i32
        %shift_left3A_2267 = arith.shli %shift_right_arithmetic3A_2265, %shift_left3A_2266 : i32
        %multiple_of3A_2268 = tpu.assume_multiple %shift_left3A_2267, 128 : i32
        %shift_right_arithmetic3A_2269 = arith.constant 7 : i32
        %shift_right_arithmetic3A_2270 = arith.shrsi %squeeze3A_2263, %shift_right_arithmetic3A_2269 : i32
        %shift_left3A_2271 = arith.constant 7 : i32
        %shift_left3A_2272 = arith.shli %shift_right_arithmetic3A_2270, %shift_left3A_2271 : i32
        %multiple_of3A_2273 = tpu.assume_multiple %shift_left3A_2272, 128 : i32
        %dma_start3A_2274 = arith.constant 7 : i32
        %dma_start3A_2275 = arith.constant 0 : i32
        %dma_start3A_2276 = arith.constant 0 : i32
        %dma_start3A_2277 = tpu.memref_slice %arg9[%dma_start3A_2274, %dma_start3A_2275, %dma_start3A_2276] : memref<8x32x128xf32, #tpu.memory_space<vmem>> -> memref<1x32x128xf32, #tpu.memory_space<vmem>>
        %dma_start3A_2278 = tpu.memref_squeeze %dma_start3A_2277 : memref<1x32x128xf32, #tpu.memory_space<vmem>> -> memref<32x128xf32, #tpu.memory_space<vmem>>
        %dma_start3A_2279 = arith.constant 0 : i32
        %dma_start3A_2280 = arith.constant 0 : i32
        %dma_start3A_2281 = tpu.memref_slice %dma_start3A_2278[%dma_start3A_2279, %dma_start3A_2280] : memref<32x128xf32, #tpu.memory_space<vmem>> -> memref<8x128xf32, #tpu.memory_space<vmem>>
        %dma_start3A_2282 = arith.constant 0 : i32
        %dma_start3A_2283 = tpu.memref_slice %arg4[%dma_start3A_2282, %multiple_of3A_2268] : memref<32x1000000xf32, #tpu.memory_space<hbm>> -> memref<8x128xf32, #tpu.memory_space<hbm>>
        %dma_start3A_2284 = arith.constant 0 : i32
        %dma_start3A_2285 = arith.constant 0 : i32
        %dma_start3A_2286 = tpu.memref_slice %arg9[%dma_start3A_2274, %dma_start3A_2284, %dma_start3A_2285] : memref<8x32x128xf32, #tpu.memory_space<vmem>> -> memref<1x32x128xf32, #tpu.memory_space<vmem>>
        %dma_start3A_2287 = tpu.memref_squeeze %dma_start3A_2286 : memref<1x32x128xf32, #tpu.memory_space<vmem>> -> memref<32x128xf32, #tpu.memory_space<vmem>>
        %dma_start3A_2288 = arith.constant 0 : i32
        %dma_start3A_2289 = arith.constant 0 : i32
        %dma_start3A_2290 = tpu.memref_slice %dma_start3A_2287[%dma_start3A_2288, %dma_start3A_2289] : memref<32x128xf32, #tpu.memory_space<vmem>> -> memref<8x128xf32, #tpu.memory_space<vmem>>
        %dma_start3A_2291 = arith.constant 0 : i32
        %dma_start3A_2292 = tpu.memref_slice %arg4[%dma_start3A_2291, %multiple_of3A_2268] : memref<32x1000000xf32, #tpu.memory_space<hbm>> -> memref<8x128xf32, #tpu.memory_space<hbm>>
        tpu.enqueue_dma source(%dma_start3A_2292 : memref<8x128xf32, #tpu.memory_space<hbm>>) target(%dma_start3A_2290 : memref<8x128xf32, #tpu.memory_space<vmem>>) target_semaphore(%arg12 : memref<!tpu.dma_semaphore, #tpu.memory_space<semaphore_mem>>)
        %dma_start3A_2293 = arith.constant 7 : i32
        %dma_start3A_2294 = arith.constant 0 : i32
        %dma_start3A_2295 = arith.constant 0 : i32
        %dma_start3A_2296 = tpu.memref_slice %arg10[%dma_start3A_2293, %dma_start3A_2294, %dma_start3A_2295] : memref<8x32x128xf32, #tpu.memory_space<vmem>> -> memref<1x32x128xf32, #tpu.memory_space<vmem>>
        %dma_start3A_2297 = tpu.memref_squeeze %dma_start3A_2296 : memref<1x32x128xf32, #tpu.memory_space<vmem>> -> memref<32x128xf32, #tpu.memory_space<vmem>>
        %dma_start3A_2298 = arith.constant 0 : i32
        %dma_start3A_2299 = arith.constant 0 : i32
        %dma_start3A_2300 = tpu.memref_slice %dma_start3A_2297[%dma_start3A_2298, %dma_start3A_2299] : memref<32x128xf32, #tpu.memory_space<vmem>> -> memref<8x128xf32, #tpu.memory_space<vmem>>
        %dma_start3A_2301 = arith.constant 0 : i32
        %dma_start3A_2302 = tpu.memref_slice %arg5[%dma_start3A_2301, %multiple_of3A_2273] : memref<32x1000000xf32, #tpu.memory_space<hbm>> -> memref<8x128xf32, #tpu.memory_space<hbm>>
        %dma_start3A_2303 = arith.constant 0 : i32
        %dma_start3A_2304 = arith.constant 0 : i32
        %dma_start3A_2305 = tpu.memref_slice %arg10[%dma_start3A_2293, %dma_start3A_2303, %dma_start3A_2304] : memref<8x32x128xf32, #tpu.memory_space<vmem>> -> memref<1x32x128xf32, #tpu.memory_space<vmem>>
        %dma_start3A_2306 = tpu.memref_squeeze %dma_start3A_2305 : memref<1x32x128xf32, #tpu.memory_space<vmem>> -> memref<32x128xf32, #tpu.memory_space<vmem>>
        %dma_start3A_2307 = arith.constant 0 : i32
        %dma_start3A_2308 = arith.constant 0 : i32
        %dma_start3A_2309 = tpu.memref_slice %dma_start3A_2306[%dma_start3A_2307, %dma_start3A_2308] : memref<32x128xf32, #tpu.memory_space<vmem>> -> memref<8x128xf32, #tpu.memory_space<vmem>>
        %dma_start3A_2310 = arith.constant 0 : i32
        %dma_start3A_2311 = tpu.memref_slice %arg5[%dma_start3A_2310, %multiple_of3A_2273] : memref<32x1000000xf32, #tpu.memory_space<hbm>> -> memref<8x128xf32, #tpu.memory_space<hbm>>
        tpu.enqueue_dma source(%dma_start3A_2311 : memref<8x128xf32, #tpu.memory_space<hbm>>) target(%dma_start3A_2309 : memref<8x128xf32, #tpu.memory_space<vmem>>) target_semaphore(%arg12 : memref<!tpu.dma_semaphore, #tpu.memory_space<semaphore_mem>>)
        %dma_start3A_2312 = arith.constant 7 : i32
        %dma_start3A_2313 = arith.constant 0 : i32
        %dma_start3A_2314 = arith.constant 0 : i32
        %dma_start3A_2315 = tpu.memref_slice %arg9[%dma_start3A_2312, %dma_start3A_2313, %dma_start3A_2314] : memref<8x32x128xf32, #tpu.memory_space<vmem>> -> memref<1x32x128xf32, #tpu.memory_space<vmem>>
        %dma_start3A_2316 = tpu.memref_squeeze %dma_start3A_2315 : memref<1x32x128xf32, #tpu.memory_space<vmem>> -> memref<32x128xf32, #tpu.memory_space<vmem>>
        %dma_start3A_2317 = arith.constant 8 : i32
        %dma_start3A_2318 = arith.constant 0 : i32
        %dma_start3A_2319 = tpu.memref_slice %dma_start3A_2316[%dma_start3A_2317, %dma_start3A_2318] : memref<32x128xf32, #tpu.memory_space<vmem>> -> memref<8x128xf32, #tpu.memory_space<vmem>>
        %dma_start3A_2320 = arith.constant 8 : i32
        %dma_start3A_2321 = tpu.memref_slice %arg4[%dma_start3A_2320, %multiple_of3A_2268] : memref<32x1000000xf32, #tpu.memory_space<hbm>> -> memref<8x128xf32, #tpu.memory_space<hbm>>
        %dma_start3A_2322 = arith.constant 0 : i32
        %dma_start3A_2323 = arith.constant 0 : i32
        %dma_start3A_2324 = tpu.memref_slice %arg9[%dma_start3A_2312, %dma_start3A_2322, %dma_start3A_2323] : memref<8x32x128xf32, #tpu.memory_space<vmem>> -> memref<1x32x128xf32, #tpu.memory_space<vmem>>
        %dma_start3A_2325 = tpu.memref_squeeze %dma_start3A_2324 : memref<1x32x128xf32, #tpu.memory_space<vmem>> -> memref<32x128xf32, #tpu.memory_space<vmem>>
        %dma_start3A_2326 = arith.constant 8 : i32
        %dma_start3A_2327 = arith.constant 0 : i32
        %dma_start3A_2328 = tpu.memref_slice %dma_start3A_2325[%dma_start3A_2326, %dma_start3A_2327] : memref<32x128xf32, #tpu.memory_space<vmem>> -> memref<8x128xf32, #tpu.memory_space<vmem>>
        %dma_start3A_2329 = arith.constant 8 : i32
        %dma_start3A_2330 = tpu.memref_slice %arg4[%dma_start3A_2329, %multiple_of3A_2268] : memref<32x1000000xf32, #tpu.memory_space<hbm>> -> memref<8x128xf32, #tpu.memory_space<hbm>>
        tpu.enqueue_dma source(%dma_start3A_2330 : memref<8x128xf32, #tpu.memory_space<hbm>>) target(%dma_start3A_2328 : memref<8x128xf32, #tpu.memory_space<vmem>>) target_semaphore(%arg12 : memref<!tpu.dma_semaphore, #tpu.memory_space<semaphore_mem>>)
        %dma_start3A_2331 = arith.constant 7 : i32
        %dma_start3A_2332 = arith.constant 0 : i32
        %dma_start3A_2333 = arith.constant 0 : i32
        %dma_start3A_2334 = tpu.memref_slice %arg10[%dma_start3A_2331, %dma_start3A_2332, %dma_start3A_2333] : memref<8x32x128xf32, #tpu.memory_space<vmem>> -> memref<1x32x128xf32, #tpu.memory_space<vmem>>
        %dma_start3A_2335 = tpu.memref_squeeze %dma_start3A_2334 : memref<1x32x128xf32, #tpu.memory_space<vmem>> -> memref<32x128xf32, #tpu.memory_space<vmem>>
        %dma_start3A_2336 = arith.constant 8 : i32
        %dma_start3A_2337 = arith.constant 0 : i32
        %dma_start3A_2338 = tpu.memref_slice %dma_start3A_2335[%dma_start3A_2336, %dma_start3A_2337] : memref<32x128xf32, #tpu.memory_space<vmem>> -> memref<8x128xf32, #tpu.memory_space<vmem>>
        %dma_start3A_2339 = arith.constant 8 : i32
        %dma_start3A_2340 = tpu.memref_slice %arg5[%dma_start3A_2339, %multiple_of3A_2273] : memref<32x1000000xf32, #tpu.memory_space<hbm>> -> memref<8x128xf32, #tpu.memory_space<hbm>>
        %dma_start3A_2341 = arith.constant 0 : i32
        %dma_start3A_2342 = arith.constant 0 : i32
        %dma_start3A_2343 = tpu.memref_slice %arg10[%dma_start3A_2331, %dma_start3A_2341, %dma_start3A_2342] : memref<8x32x128xf32, #tpu.memory_space<vmem>> -> memref<1x32x128xf32, #tpu.memory_space<vmem>>
        %dma_start3A_2344 = tpu.memref_squeeze %dma_start3A_2343 : memref<1x32x128xf32, #tpu.memory_space<vmem>> -> memref<32x128xf32, #tpu.memory_space<vmem>>
        %dma_start3A_2345 = arith.constant 8 : i32
        %dma_start3A_2346 = arith.constant 0 : i32
        %dma_start3A_2347 = tpu.memref_slice %dma_start3A_2344[%dma_start3A_2345, %dma_start3A_2346] : memref<32x128xf32, #tpu.memory_space<vmem>> -> memref<8x128xf32, #tpu.memory_space<vmem>>
        %dma_start3A_2348 = arith.constant 8 : i32
        %dma_start3A_2349 = tpu.memref_slice %arg5[%dma_start3A_2348, %multiple_of3A_2273] : memref<32x1000000xf32, #tpu.memory_space<hbm>> -> memref<8x128xf32, #tpu.memory_space<hbm>>
        tpu.enqueue_dma source(%dma_start3A_2349 : memref<8x128xf32, #tpu.memory_space<hbm>>) target(%dma_start3A_2347 : memref<8x128xf32, #tpu.memory_space<vmem>>) target_semaphore(%arg12 : memref<!tpu.dma_semaphore, #tpu.memory_space<semaphore_mem>>)
        %dma_start3A_2350 = arith.constant 7 : i32
        %dma_start3A_2351 = arith.constant 0 : i32
        %dma_start3A_2352 = arith.constant 0 : i32
        %dma_start3A_2353 = tpu.memref_slice %arg9[%dma_start3A_2350, %dma_start3A_2351, %dma_start3A_2352] : memref<8x32x128xf32, #tpu.memory_space<vmem>> -> memref<1x32x128xf32, #tpu.memory_space<vmem>>
        %dma_start3A_2354 = tpu.memref_squeeze %dma_start3A_2353 : memref<1x32x128xf32, #tpu.memory_space<vmem>> -> memref<32x128xf32, #tpu.memory_space<vmem>>
        %dma_start3A_2355 = arith.constant 16 : i32
        %dma_start3A_2356 = arith.constant 0 : i32
        %dma_start3A_2357 = tpu.memref_slice %dma_start3A_2354[%dma_start3A_2355, %dma_start3A_2356] : memref<32x128xf32, #tpu.memory_space<vmem>> -> memref<8x128xf32, #tpu.memory_space<vmem>>
        %dma_start3A_2358 = arith.constant 16 : i32
        %dma_start3A_2359 = tpu.memref_slice %arg4[%dma_start3A_2358, %multiple_of3A_2268] : memref<32x1000000xf32, #tpu.memory_space<hbm>> -> memref<8x128xf32, #tpu.memory_space<hbm>>
        %dma_start3A_2360 = arith.constant 0 : i32
        %dma_start3A_2361 = arith.constant 0 : i32
        %dma_start3A_2362 = tpu.memref_slice %arg9[%dma_start3A_2350, %dma_start3A_2360, %dma_start3A_2361] : memref<8x32x128xf32, #tpu.memory_space<vmem>> -> memref<1x32x128xf32, #tpu.memory_space<vmem>>
        %dma_start3A_2363 = tpu.memref_squeeze %dma_start3A_2362 : memref<1x32x128xf32, #tpu.memory_space<vmem>> -> memref<32x128xf32, #tpu.memory_space<vmem>>
        %dma_start3A_2364 = arith.constant 16 : i32
        %dma_start3A_2365 = arith.constant 0 : i32
        %dma_start3A_2366 = tpu.memref_slice %dma_start3A_2363[%dma_start3A_2364, %dma_start3A_2365] : memref<32x128xf32, #tpu.memory_space<vmem>> -> memref<8x128xf32, #tpu.memory_space<vmem>>
        %dma_start3A_2367 = arith.constant 16 : i32
        %dma_start3A_2368 = tpu.memref_slice %arg4[%dma_start3A_2367, %multiple_of3A_2268] : memref<32x1000000xf32, #tpu.memory_space<hbm>> -> memref<8x128xf32, #tpu.memory_space<hbm>>
        tpu.enqueue_dma source(%dma_start3A_2368 : memref<8x128xf32, #tpu.memory_space<hbm>>) target(%dma_start3A_2366 : memref<8x128xf32, #tpu.memory_space<vmem>>) target_semaphore(%arg12 : memref<!tpu.dma_semaphore, #tpu.memory_space<semaphore_mem>>)
        %dma_start3A_2369 = arith.constant 7 : i32
        %dma_start3A_2370 = arith.constant 0 : i32
        %dma_start3A_2371 = arith.constant 0 : i32
        %dma_start3A_2372 = tpu.memref_slice %arg10[%dma_start3A_2369, %dma_start3A_2370, %dma_start3A_2371] : memref<8x32x128xf32, #tpu.memory_space<vmem>> -> memref<1x32x128xf32, #tpu.memory_space<vmem>>
        %dma_start3A_2373 = tpu.memref_squeeze %dma_start3A_2372 : memref<1x32x128xf32, #tpu.memory_space<vmem>> -> memref<32x128xf32, #tpu.memory_space<vmem>>
        %dma_start3A_2374 = arith.constant 16 : i32
        %dma_start3A_2375 = arith.constant 0 : i32
        %dma_start3A_2376 = tpu.memref_slice %dma_start3A_2373[%dma_start3A_2374, %dma_start3A_2375] : memref<32x128xf32, #tpu.memory_space<vmem>> -> memref<8x128xf32, #tpu.memory_space<vmem>>
        %dma_start3A_2377 = arith.constant 16 : i32
        %dma_start3A_2378 = tpu.memref_slice %arg5[%dma_start3A_2377, %multiple_of3A_2273] : memref<32x1000000xf32, #tpu.memory_space<hbm>> -> memref<8x128xf32, #tpu.memory_space<hbm>>
        %dma_start3A_2379 = arith.constant 0 : i32
        %dma_start3A_2380 = arith.constant 0 : i32
        %dma_start3A_2381 = tpu.memref_slice %arg10[%dma_start3A_2369, %dma_start3A_2379, %dma_start3A_2380] : memref<8x32x128xf32, #tpu.memory_space<vmem>> -> memref<1x32x128xf32, #tpu.memory_space<vmem>>
        %dma_start3A_2382 = tpu.memref_squeeze %dma_start3A_2381 : memref<1x32x128xf32, #tpu.memory_space<vmem>> -> memref<32x128xf32, #tpu.memory_space<vmem>>
        %dma_start3A_2383 = arith.constant 16 : i32
        %dma_start3A_2384 = arith.constant 0 : i32
        %dma_start3A_2385 = tpu.memref_slice %dma_start3A_2382[%dma_start3A_2383, %dma_start3A_2384] : memref<32x128xf32, #tpu.memory_space<vmem>> -> memref<8x128xf32, #tpu.memory_space<vmem>>
        %dma_start3A_2386 = arith.constant 16 : i32
        %dma_start3A_2387 = tpu.memref_slice %arg5[%dma_start3A_2386, %multiple_of3A_2273] : memref<32x1000000xf32, #tpu.memory_space<hbm>> -> memref<8x128xf32, #tpu.memory_space<hbm>>
        tpu.enqueue_dma source(%dma_start3A_2387 : memref<8x128xf32, #tpu.memory_space<hbm>>) target(%dma_start3A_2385 : memref<8x128xf32, #tpu.memory_space<vmem>>) target_semaphore(%arg12 : memref<!tpu.dma_semaphore, #tpu.memory_space<semaphore_mem>>)
        %dma_start3A_2388 = arith.constant 7 : i32
        %dma_start3A_2389 = arith.constant 0 : i32
        %dma_start3A_2390 = arith.constant 0 : i32
        %dma_start3A_2391 = tpu.memref_slice %arg9[%dma_start3A_2388, %dma_start3A_2389, %dma_start3A_2390] : memref<8x32x128xf32, #tpu.memory_space<vmem>> -> memref<1x32x128xf32, #tpu.memory_space<vmem>>
        %dma_start3A_2392 = tpu.memref_squeeze %dma_start3A_2391 : memref<1x32x128xf32, #tpu.memory_space<vmem>> -> memref<32x128xf32, #tpu.memory_space<vmem>>
        %dma_start3A_2393 = arith.constant 24 : i32
        %dma_start3A_2394 = arith.constant 0 : i32
        %dma_start3A_2395 = tpu.memref_slice %dma_start3A_2392[%dma_start3A_2393, %dma_start3A_2394] : memref<32x128xf32, #tpu.memory_space<vmem>> -> memref<8x128xf32, #tpu.memory_space<vmem>>
        %dma_start3A_2396 = arith.constant 24 : i32
        %dma_start3A_2397 = tpu.memref_slice %arg4[%dma_start3A_2396, %multiple_of3A_2268] : memref<32x1000000xf32, #tpu.memory_space<hbm>> -> memref<8x128xf32, #tpu.memory_space<hbm>>
        %dma_start3A_2398 = arith.constant 0 : i32
        %dma_start3A_2399 = arith.constant 0 : i32
        %dma_start3A_2400 = tpu.memref_slice %arg9[%dma_start3A_2388, %dma_start3A_2398, %dma_start3A_2399] : memref<8x32x128xf32, #tpu.memory_space<vmem>> -> memref<1x32x128xf32, #tpu.memory_space<vmem>>
        %dma_start3A_2401 = tpu.memref_squeeze %dma_start3A_2400 : memref<1x32x128xf32, #tpu.memory_space<vmem>> -> memref<32x128xf32, #tpu.memory_space<vmem>>
        %dma_start3A_2402 = arith.constant 24 : i32
        %dma_start3A_2403 = arith.constant 0 : i32
        %dma_start3A_2404 = tpu.memref_slice %dma_start3A_2401[%dma_start3A_2402, %dma_start3A_2403] : memref<32x128xf32, #tpu.memory_space<vmem>> -> memref<8x128xf32, #tpu.memory_space<vmem>>
        %dma_start3A_2405 = arith.constant 24 : i32
        %dma_start3A_2406 = tpu.memref_slice %arg4[%dma_start3A_2405, %multiple_of3A_2268] : memref<32x1000000xf32, #tpu.memory_space<hbm>> -> memref<8x128xf32, #tpu.memory_space<hbm>>
        tpu.enqueue_dma source(%dma_start3A_2406 : memref<8x128xf32, #tpu.memory_space<hbm>>) target(%dma_start3A_2404 : memref<8x128xf32, #tpu.memory_space<vmem>>) target_semaphore(%arg12 : memref<!tpu.dma_semaphore, #tpu.memory_space<semaphore_mem>>)
        %dma_start3A_2407 = arith.constant 7 : i32
        %dma_start3A_2408 = arith.constant 0 : i32
        %dma_start3A_2409 = arith.constant 0 : i32
        %dma_start3A_2410 = tpu.memref_slice %arg10[%dma_start3A_2407, %dma_start3A_2408, %dma_start3A_2409] : memref<8x32x128xf32, #tpu.memory_space<vmem>> -> memref<1x32x128xf32, #tpu.memory_space<vmem>>
        %dma_start3A_2411 = tpu.memref_squeeze %dma_start3A_2410 : memref<1x32x128xf32, #tpu.memory_space<vmem>> -> memref<32x128xf32, #tpu.memory_space<vmem>>
        %dma_start3A_2412 = arith.constant 24 : i32
        %dma_start3A_2413 = arith.constant 0 : i32
        %dma_start3A_2414 = tpu.memref_slice %dma_start3A_2411[%dma_start3A_2412, %dma_start3A_2413] : memref<32x128xf32, #tpu.memory_space<vmem>> -> memref<8x128xf32, #tpu.memory_space<vmem>>
        %dma_start3A_2415 = arith.constant 24 : i32
        %dma_start3A_2416 = tpu.memref_slice %arg5[%dma_start3A_2415, %multiple_of3A_2273] : memref<32x1000000xf32, #tpu.memory_space<hbm>> -> memref<8x128xf32, #tpu.memory_space<hbm>>
        %dma_start3A_2417 = arith.constant 0 : i32
        %dma_start3A_2418 = arith.constant 0 : i32
        %dma_start3A_2419 = tpu.memref_slice %arg10[%dma_start3A_2407, %dma_start3A_2417, %dma_start3A_2418] : memref<8x32x128xf32, #tpu.memory_space<vmem>> -> memref<1x32x128xf32, #tpu.memory_space<vmem>>
        %dma_start3A_2420 = tpu.memref_squeeze %dma_start3A_2419 : memref<1x32x128xf32, #tpu.memory_space<vmem>> -> memref<32x128xf32, #tpu.memory_space<vmem>>
        %dma_start3A_2421 = arith.constant 24 : i32
        %dma_start3A_2422 = arith.constant 0 : i32
        %dma_start3A_2423 = tpu.memref_slice %dma_start3A_2420[%dma_start3A_2421, %dma_start3A_2422] : memref<32x128xf32, #tpu.memory_space<vmem>> -> memref<8x128xf32, #tpu.memory_space<vmem>>
        %dma_start3A_2424 = arith.constant 24 : i32
        %dma_start3A_2425 = tpu.memref_slice %arg5[%dma_start3A_2424, %multiple_of3A_2273] : memref<32x1000000xf32, #tpu.memory_space<hbm>> -> memref<8x128xf32, #tpu.memory_space<hbm>>
        tpu.enqueue_dma source(%dma_start3A_2425 : memref<8x128xf32, #tpu.memory_space<hbm>>) target(%dma_start3A_2423 : memref<8x128xf32, #tpu.memory_space<vmem>>) target_semaphore(%arg12 : memref<!tpu.dma_semaphore, #tpu.memory_space<semaphore_mem>>)
      } else {
      }
      %jit3A_2212 = arith.constant 2 : i32
      %eq3A_2213 = arith.constant 0 : i32
      %eq3A_2214 = arith.cmpi eq, %jit3A_2212, %eq3A_2213 : i32
      %jit3A_2215 = arith.constant 1 : i32
      %select_n3A_2216 = arith.select %eq3A_2214, %jit3A_2215, %jit3A_2212 : i32
      %rem3A_2217 = arith.remsi %scan3A_1366, %select_n3A_2216 : i32
      %ne3A_2218 = arith.constant 0 : i32
      %ne3A_2219 = arith.cmpi ne, %rem3A_2217, %ne3A_2218 : i32
      %lt3A_2220 = arith.constant 0 : i32
      %lt3A_2221 = arith.cmpi slt, %rem3A_2217, %lt3A_2220 : i32
      %lt3A_2222 = arith.constant 0 : i32
      %lt3A_2223 = arith.cmpi slt, %select_n3A_2216, %lt3A_2222 : i32
      %ne3A_2224 = arith.xori %lt3A_2221, %lt3A_2223 : i1
      %and3A_2225 = arith.andi %ne3A_2224, %ne3A_2219 : i1
      %add3A_2226 = arith.addi %rem3A_2217, %select_n3A_2216 : i32
      %select_n3A_2227 = arith.select %and3A_2225, %add3A_2226, %rem3A_2217 : i32
      %eq3A_2228 = arith.constant 1 : i32
      %eq3A_2229 = arith.cmpi eq, %select_n3A_2227, %eq3A_2228 : i32
      %convert_element_type3A_2230 = arith.extui %eq3A_2229 : i1 to i32
      %cond3A_2231 = arith.constant 0 : i32
      %cond3A_2232 = arith.cmpi ne, %convert_element_type3A_2230, %cond3A_2231 : i32
      scf.if %cond3A_2232 {
        %jit3A_2254 = arith.constant 2 : i32
        %div3A = arith.divsi %scan3A_1366, %jit3A_2254 : i32
        %sign3A = arith.constant 0 : i32
        %sign3A_2255 = arith.cmpi sgt, %scan3A_1366, %sign3A : i32
        %sign3A_2256 = arith.extui %sign3A_2255 : i1 to i32
        %sign3A_2257 = arith.constant 0 : i32
        %sign3A_2258 = arith.cmpi slt, %scan3A_1366, %sign3A_2257 : i32
        %sign3A_2259 = arith.extui %sign3A_2258 : i1 to i32
        %sign3A_2260 = arith.subi %sign3A_2256, %sign3A_2259 : i32
        %sign3A_2261 = arith.constant 0 : i32
        %sign3A_2262 = arith.cmpi sgt, %jit3A_2254, %sign3A_2261 : i32
        %sign3A_2263 = arith.extui %sign3A_2262 : i1 to i32
        %sign3A_2264 = arith.constant 0 : i32
        %sign3A_2265 = arith.cmpi slt, %jit3A_2254, %sign3A_2264 : i32
        %sign3A_2266 = arith.extui %sign3A_2265 : i1 to i32
        %sign3A_2267 = arith.subi %sign3A_2263, %sign3A_2266 : i32
        %ne3A_2268 = arith.cmpi ne, %sign3A_2260, %sign3A_2267 : i32
        %rem3A_2269 = arith.remsi %scan3A_1366, %jit3A_2254 : i32
        %ne3A_2270 = arith.constant 0 : i32
        %ne3A_2271 = arith.cmpi ne, %rem3A_2269, %ne3A_2270 : i32
        %and3A_2272 = arith.andi %ne3A_2268, %ne3A_2271 : i1
        %sub3A = arith.constant 1 : i32
        %sub3A_2273 = arith.subi %div3A, %sub3A : i32
        %select_n3A_2274 = arith.select %and3A_2272, %sub3A_2273, %div3A : i32
        %mul3A_2275 = arith.constant 16 : i32
        %mul3A_2276 = arith.muli %select_n3A_2274, %mul3A_2275 : i32
        %swap3A = arith.index_cast %mul3A_2276 : i32 to index
        %swap3A_2277 = tpu.vector_load %arg11[%swap3A] {strides = array<i32>} : memref<512xf32, #tpu.memory_space<vmem>>, vector<16xf32>,
        tpu.vector_store %arg11[%swap3A], %select_n3A_2204 {strides = array<i32>} : memref<512xf32, #tpu.memory_space<vmem>>, vector<16xf32>,
      } else {
      }
      %jit3A_2233 = arith.constant 2 : i32
      %eq3A_2234 = arith.constant 0 : i32
      %eq3A_2235 = arith.cmpi eq, %jit3A_2233, %eq3A_2234 : i32
      %jit3A_2236 = arith.constant 1 : i32
      %select_n3A_2237 = arith.select %eq3A_2235, %jit3A_2236, %jit3A_2233 : i32
      %rem3A_2238 = arith.remsi %scan3A_1366, %select_n3A_2237 : i32
      %ne3A_2239 = arith.constant 0 : i32
      %ne3A_2240 = arith.cmpi ne, %rem3A_2238, %ne3A_2239 : i32
      %lt3A_2241 = arith.constant 0 : i32
      %lt3A_2242 = arith.cmpi slt, %rem3A_2238, %lt3A_2241 : i32
      %lt3A_2243 = arith.constant 0 : i32
      %lt3A_2244 = arith.cmpi slt, %select_n3A_2237, %lt3A_2243 : i32
      %ne3A_2245 = arith.xori %lt3A_2242, %lt3A_2244 : i1
      %and3A_2246 = arith.andi %ne3A_2245, %ne3A_2240 : i1
      %add3A_2247 = arith.addi %rem3A_2238, %select_n3A_2237 : i32
      %select_n3A_2248 = arith.select %and3A_2246, %add3A_2247, %rem3A_2238 : i32
      %eq3A_2249 = arith.constant 1 : i32
      %eq3A_2250 = arith.cmpi eq, %select_n3A_2248, %eq3A_2249 : i32
      %broadcast_in_dim3A_2251 = arith.constant 0.000000e+00 : f32
      %broadcast_in_dim3A_2252 = vector.broadcast %broadcast_in_dim3A_2251 : f32 to vector<16xf32>
      %select_n3A_2253 = arith.select %eq3A_2250, %broadcast_in_dim3A_2252, %select_n3A_2204 : vector<16xf32>
      scf.yield %select_n3A_2253 : vector<16xf32>
    }
    %scan3A_1365 = arith.constant 64 : i32
    "tpu.region"() ({
      %run_scoped3A = tpu.sem_alloc : memref<!tpu.dma_semaphore, #tpu.memory_space<semaphore_mem>>
      %dma_start3A_1366 = tpu.memref_slice %arg6[%mul3A_2] : memref<16384xf32, #tpu.memory_space<hbm>> -> memref<512xf32, #tpu.memory_space<hbm>>
      %dma_start3A_1367 = tpu.memref_slice %arg6[%mul3A_2] : memref<16384xf32, #tpu.memory_space<hbm>> -> memref<512xf32, #tpu.memory_space<hbm>>
      tpu.enqueue_dma source(%arg11 : memref<512xf32, #tpu.memory_space<vmem>>) target(%dma_start3A_1367 : memref<512xf32, #tpu.memory_space<hbm>>) target_semaphore(%run_scoped3A : memref<!tpu.dma_semaphore, #tpu.memory_space<semaphore_mem>>)
      %dma_wait3A = tpu.memref_slice %arg6[%mul3A_2] : memref<16384xf32, #tpu.memory_space<hbm>> -> memref<512xf32, #tpu.memory_space<hbm>>
      %dma_wait3A_1368 = tpu.memref_slice %arg6[%mul3A_2] : memref<16384xf32, #tpu.memory_space<hbm>> -> memref<512xf32, #tpu.memory_space<hbm>>
      tpu.wait_dma2 semaphore(%run_scoped3A : memref<!tpu.dma_semaphore, #tpu.memory_space<semaphore_mem>>) src(%arg11 : memref<512xf32, #tpu.memory_space<vmem>>) dst(%dma_wait3A_1368 : memref<512xf32, #tpu.memory_space<hbm>>)
      tpu.yield
    }) : () -> ()
    return
  }
}

</mosaic_0001>

<sc_bundles>
// kernel: kernel.4.cloned.1.call-start
scs
__scs_entry_jumppad:
0x0: {  	(pc) =	sbr.rel $0x88, $3  }
0x1: {  	(tag) =	ssettag $0x0;
	lr =	simm.s32 $0x1  }
0x2: {  	[smem:$0x3F9B] =	sst lr;
	_ =	strace $0xD0000000  }
0x3: {  	_ = 	snop  }
0x4: {  	_ = 	snop  }
0x5: {  	_ = 	snop  }
0x6: {  	_ = 	snop  }
0x7: {  	_ = 	snop  }
__scs_overlays_trampoline_lowered:
0x8: {  	[smem:$0x3FAA] =	sst s0  }
0x9: {  	[smem:$0x3FAB] =	sst s1  }
0xa: {  	[smem:$0x3FAC] =	sst s2  }
0xb: {  	[smem:$0x3FAD] =	sst s3  }
0xc: {  	[smem:$0x3FAE] =	sst s4  }
0xd: {  	[smem:$0x3FAF] =	sst s5  }
0xe: {  	[smem:$0x3FB0] =	sst s6  }
0xf: {  	[smem:$0x3FB1] =	sst s7  }
0x10: {  	[smem:$0x3FB2] =	sst s8  }
0x11: {  	[smem:$0x3FB3] =	sst s9;
	s0 =	simm.s32 @!p0 $0x0  }
0x12: {  	s1 =	sld [smem:$0x3F99];
	s0 =	simm.s32 @p0 $0x1  }
0x13: {  	[smem:$0x3FB4] =	sst s0;
	s0 =	simm.s32 @!p1 $0x0  }
0x14: {  	s2 =	sld [smem:$0x3F98];
	s0 =	simm.s32 @p1 $0x1  }
0x15: {  	[smem:$0x3FB5] =	sst s0;
	s0 =	simm.s32 @!p2 $0x0  }
0x16: {  	s3 =	sld [smem:$0x3FDB];
	s0 =	simm.s32 @p2 $0x1  }
0x17: {  	s4 =	simm.s32 $0x1BF5;
	[smem:$0x3FB7] =	sst s0  }
0x18: {  	s0 =	sld [smem:$0x3F9A];
	_ =	swait.ge [sflag:s4], $0x0  }
0x19: {  	s7 =	sld [smem:$0x3F9B]  }
0x1a: {  	s8 =	sadd.s32 $0xFFFFE003, lr  }
0x1b: {  	s9 =	sadd.s32 $0xFFFFFEF7, lr;
	s5 =	simm.s32 $0xFFFFFFFF;
	p2 =	slt.u32 s8, $0xFFFFF086  }
0x1c: {  	p1 =	slt.u32 s9, $0xF7A;
	s5 =	simm.s32 @!p2 $0x0  }
0x1d: {  	s5 =	simm.s32 @p1 $0x1;
	p0 =	seq.s32 s7, s2  }
0x1e: {  	s7 =	smul.u32 @!p0 $0xF7A, s2;
	p2 =	seq.s32 @!p0 s5, $0x0  }
0x1f: {  	s9 =	smul.u32 $0xF7A, s1;
	s8 =	simm.s32 @!p0 $0x1BF5;
	p2 =	por !p2, p0  }
0x20: {  	[sflag:s8] =	ssyncset.s32 @!p0 $0xFFFFF086;
	s6 =	sadd.s32 @!p0 s3, s7;
	s7 =	simm.s32 @!p0 $0x108  }
0x21: {  	s3 =	sadd.s32 s3, s9;
	s6 =	sadd.s32 @!p0 $0x88, s6;
	s7 =	simm.s32 @p2 $0x1082  }
0x22: {  	[simem:s7], [sflag:s8] =	dma.local @!p0 [hbm:s6], $0xF7A  }
0x23: {  	s9 =	sor.u32 $0xD0000000, s2;
	s6 =	simm.s32 $0x108;
	_ =	swait.ge @!p0 [sflag:s8], $0x0  }
0x24: {  	s3 =	sadd.s32 $0x88, s3;
	s6 =	simm.s32 @!p1 $0x1082;
	[sflag:s4] =	ssyncset.s32 $0xFFFFF086  }
0x25: {  	[simem:s6], [sflag:s4] =	dma.local [hbm:s3], $0xF7A  }
0x26: {  	[smem:$0x3F9B] =	sst s1;
	(tag) =	ssettag s2;
	_ =	strace s9  }
0x27: {  	s1 =	sld [smem:$0x3FAB]  }
0x28: {  	s2 =	sld [smem:$0x3FAC]  }
0x29: {  	s4 =	sld [smem:$0x3FAE]  }
0x2a: {  	p0 =	seq.s32 s5, $0x0;
	s5 =	sld [smem:$0x3FAF]  }
0x2b: {  	s6 =	sld [smem:$0x3FB0]  }
0x2c: {  	s7 =	sld [smem:$0x3FB1]  }
0x2d: {  	s3 =	simm.s32 $0x108;
	s8 =	sld [smem:$0x3FB2]  }
0x2e: {  	s3 =	simm.s32 @!p0 $0x1082;
	s9 =	sld [smem:$0x3FB3]  }
0x2f: {  	lr =	sadd.s32 s0, s3;
	s0 =	sld [smem:$0x3FAA]  }
0x30: {  	s3 =	sld [smem:$0x3FAD]  }
0x31: {  	[smem:$0x3FB6] =	sst s10  }
0x32: {  	s10 =	sld [smem:$0x3FB4];
	_ =	sdelay $0x3  }
0x33: {  	p0 =	seq.s32 s10, $0x1;
	s10 =	sld [smem:$0x3FB6];
	_ =	sdelay $0x3  }
0x34: {  	[smem:$0x3FB6] =	sst s10  }
0x35: {  	s10 =	sld [smem:$0x3FB5];
	_ =	sdelay $0x3  }
0x36: {  	p1 =	seq.s32 s10, $0x1;
	s10 =	sld [smem:$0x3FB6];
	_ =	sdelay $0x3  }
0x37: {  	[smem:$0x3FB6] =	sst s10  }
0x38: {  	s10 =	sld [smem:$0x3FB7]  }
0x39: {  	_ = 	snop;
	(pc) =	sbr.ind lr, $3  }
0x3a: {  	_ = 	snop  }
0x3b: {  	_ = 	snop  }
0x3c: {  	p2 =	seq.s32 s10, $0x1;
	s10 =	sld [smem:$0x3FB6]  }
0x3d: {  	_ =	shalt  }
0x3e: {  	_ =	shalt  }
0x3f: {  	_ =	shalt  }
0x40: {  	_ =	shalt  }
0x41: {  	_ =	shalt  }
0x42: {  	_ =	shalt  }
0x43: {  	_ =	shalt  }
0x44: {  	_ =	shalt  }
0x45: {  	_ =	shalt  }
0x46: {  	_ =	shalt  }
0x47: {  	_ =	shalt  }
0x48: {  	_ =	shalt  }
0x49: {  	_ =	shalt  }
0x4a: {  	_ =	shalt  }
0x4b: {  	_ =	shalt  }
0x4c: {  	_ =	shalt  }
0x4d: {  	_ =	shalt  }
0x4e: {  	_ =	shalt  }
0x4f: {  	_ =	shalt  }
0x50: {  	_ =	shalt  }
0x51: {  	_ =	shalt  }
0x52: {  	_ =	shalt  }
0x53: {  	_ =	shalt  }
0x54: {  	_ =	shalt  }
0x55: {  	_ =	shalt  }
0x56: {  	_ =	shalt  }
0x57: {  	_ =	shalt  }
0x58: {  	_ =	shalt  }
0x59: {  	_ =	shalt  }
0x5a: {  	_ =	shalt  }
0x5b: {  	_ =	shalt  }
0x5c: {  	_ =	shalt  }
0x5d: {  	_ =	shalt  }
0x5e: {  	_ =	shalt  }
0x5f: {  	_ =	shalt  }
0x60: {  	_ =	shalt  }
0x61: {  	_ =	shalt  }
0x62: {  	_ =	shalt  }
0x63: {  	_ =	shalt  }
0x64: {  	_ =	shalt  }
0x65: {  	_ =	shalt  }
0x66: {  	_ =	shalt  }
0x67: {  	_ =	shalt  }
0x68: {  	_ =	shalt  }
0x69: {  	_ =	shalt  }
0x6a: {  	_ =	shalt  }
0x6b: {  	_ =	shalt  }
0x6c: {  	_ =	shalt  }
0x6d: {  	_ =	shalt  }
0x6e: {  	_ =	shalt  }
0x6f: {  	_ =	shalt  }
0x70: {  	_ =	shalt  }
0x71: {  	_ =	shalt  }
0x72: {  	_ =	shalt  }
0x73: {  	_ =	shalt  }
0x74: {  	_ =	shalt  }
0x75: {  	_ =	shalt  }
0x76: {  	_ =	shalt  }
0x77: {  	_ =	shalt  }
0x78: {  	_ =	shalt  }
0x79: {  	_ =	shalt  }
0x7a: {  	_ =	shalt  }
0x7b: {  	_ =	shalt  }
0x7c: {  	_ =	shalt  }
0x7d: {  	_ =	shalt  }
0x7e: {  	_ =	shalt  }
0x7f: {  	_ =	shalt  }
0x80: {  	_ =	shalt  }
0x81: {  	_ =	shalt  }
0x82: {  	_ =	shalt  }
0x83: {  	_ =	shalt  }
0x84: {  	_ =	shalt  }
0x85: {  	_ =	shalt  }
0x86: {  	_ =	shalt  }
0x87: {  	_ =	shalt  }
.Lfunc_end0:
.L_simem_size_0:
called_computation_lowered:
.L_overlay_start_0:
0x88: {  	s2 =	sld [smem:$0x3FD9]  }
0x89: {  	s3 =	sld [smem:$0x3FFE];
	_ =	sdelay $0x1  }
0x8a: {  	s1 =	srdreg.scid  }
0x8b: {  	s0 =	sand.u32 $0x1, s1  }
0x8c: {  	s17 =	sshll.u32 s0, $0xA;
	s2 =	sadd.s32 s3, s2  }
0x8d: {  	s2 =	sadd.s32 s2, s17  }
0x8e: {  	[smem:$0x3FC2] =	sst s2  }
0x8f: {  	_ = 	snop  }
0x90: {  	s2 =	sld [smem:$0x3FC9]  }
0x91: {  	s18 =	sld [smem:$0x3FC8]  }
0x92: {  	s4 =	sld [smem:$0x3FC7]  }
0x93: {  	s5 =	sld [smem:$0x3FC6];
	(tm) =	ssettm $0x1  }
0x94: {  	s6 =	sld [smem:$0x3FFB];
	_ =	sdelay $0x3  }
0x95: {  	_ =	strace s6  }
0x96: {  	s6 =	sld [smem:$0x3FFC];
	_ =	sdelay $0x3  }
0x97: {  	_ =	strace s6  }
0x98: {  	s6 =	sld [smem:$0x3FFD];
	_ =	sdelay $0x3  }
0x99: {  	_ =	strace s6  }
0x9a: {  	_ =	strace $0x8FFFFFFF  }
0x9b: {  	s19 =	sld [smem:$0x3FDB];
	_ =	sdelay $0x1  }
0x9c: {  	s7 =	simm.s32 $_scs_section_size  }
0x9d: {  	s8 =	simm.s32 $_size__tile_overlayer_lowered;
	s9 =	simm.s32 $_tile_overlayer_lowered  }
0x9e: {  	s22 =	simm.s32 $0x1BFF;
	s21 =	sshll.u32 s9, $0x1;
	s6 =	sadd.s32 s7, s19  }
0x9f: {  	s10 =	simm.s32 $0x0;
	s20 =	sshll.u32 s8, $0x1;
	s8 =	sadd.s32 s21, s6  }
0xa0: {  	[timem:s10], [sflag:s22] =	dma.local [hbm:s8], s20  }
0xa1: {  	_ =	swait.ge [sflag:s22], s20  }
0xa2: {  	s7 =	ssub.s32 $0x0, s20;
	[sflag:s22] =	ssyncset.done $0x0  }
0xa3: {  	[sflag:s22] =	ssyncadd.s32 s7;
	_ =	sdelay $0x1  }
0xa4: {  	s23 =	simm.s32 $0x1B8B  }
0xa5: {  	_ =	swait.ge [sflag:s23], $0x1  }
0xa6: {  	[sflag:s23] =	ssyncset.done $0x0  }
0xa7: {  	s25 =	simm.s32 $0x1B8E;
	s24 =	sld [smem:$0x3FFE];
	[sflag:s23] =	ssyncadd.s32 $0xFFFFFFFF  }
0xa8: {  	s26 =	simm.s32 $execute0_lowered;
	[smem:$0x3FD2] =	sst s25  }
0xa9: {  	s8 =	sshll.u32 s26, $0x1;
	_ =	strace $0x80000046;
	[dreg:$0x1] =	wrdreg $0xFFFFFFFF  }
0xaa: {  	s28 =	simm.s32 $_size_execute0_lowered;
	s6 =	sadd.s32 s6, s8;
	[dreg:$0x0] =	wrdreg $0x0  }
0xab: {  	s8 =	sshll.u32 s28, $0x1;
	[dreg:$0x2] =	wrdreg s6  }
0xac: {  	[dreg:$0x3] =	wrdreg s8  }
0xad: {  	[dreg:$0x4] =	wrdreg $0xC0  }
0xae: {  	_ =	task [dreg:s10], $0x5FFFF  }
0xaf: {  	[dreg:$0x1] =	wrdreg $0xFFFFFFFF  }
0xb0: {  	[dreg:$0x0] =	wrdreg $0x60  }
0xb1: {  	[dreg:$0x2] =	wrdreg s2  }
0xb2: {  	[dreg:$0x3] =	wrdreg s18  }
0xb3: {  	[dreg:$0x4] =	wrdreg s4  }
0xb4: {  	[dreg:$0x5] =	wrdreg s5  }
0xb5: {  	[dreg:$0x6] =	wrdreg s24  }
0xb6: {  	[dreg:$0x7] =	wrdreg $0x9  }
0xb7: {  	_ =	task.clear_ibuf [dreg:s10], $0x8FFFF;
	_ =	strace $0x90000046  }
0xb8: {  	s29 =	simm.s32 $0x9;
	_ =	strace $0x80000048  }
0xb9: {  	_ =	swait.ge [sflag:s29], $0x1  }
0xba: {  	[sflag:s29] =	ssyncadd.s32 $0xFFFFFFFF  }
0xbb: {  	_ =	strace $0x90000048  }
0xbc: {  	_ =	sfence  }
0xbd: {  	s30 =	sld [smem:$0x0];
	_ =	sdelay $0x2  }
0xbe: {  	s31 =	sshll.u32 s1, $0xD;
	s1 =	sshrl.u32 s1, $0x2  }
0xbf: {  	s3 =	sand.u32 $0x4000, s31;
	s1 =	sadd.s32 s1, s30  }
0xc0: {  	s0 =	sor.u32 s3, s0;
	s1 =	sshll.u32 s1, $0x11  }
0xc1: {  	s0 =	sor.u32 s1, s0  }
0xc2: {  	s0 =	sadd.s32 $0x8F2B, s0  }
0xc3: {  	[sflag:s0] =	ssyncadd.remote.s32 $0x1  }
0xc4: {  	_ =	sfence.sel $0xFFFF  }
0xc5: {  	[dreg:$0x0] =	wrdreg $0xFFFFFFFF;
	(pc) =	sbr.abs _section_cstart, $3  }
0xc6: {  	[dreg:$0x1] =	wrdreg $0xFFFFFFFF  }
0xc7: {  	_ =	task.clear_ibuf [dreg:s10], $0x2FFFF;
	_ =	strace $0x9FFFFFFF  }
0xc8: {  	(tm) =	ssettm $0x7FFFFFFF  }
0xc9: {  	_ =	shalt  }
tec
execute0_lowered:
.L_overlay_start_1:
0x0: {  	(tag) =	ssettag $0x1  }
0x1: {  	s0 =	rddreg [dreg:$0x0]  }
0x2: {  	s3 =	rddreg [dreg:$0x1]  }
0x3: {  	s1 =	rddreg [dreg:$0x2]  }
0x4: {  	s2 =	rddreg [dreg:$0x3]  }
0x5: {  	s5 =	rddreg [dreg:$0x4];
	s4 =	simm.s32 $0x0  }
0x6: {  	s6 =	srdreg.scid;
	s7 =	stileid.u32;
	s11 =	simm.s32 $0x500  }
0x7: {  	s12 =	simm.s32 $0x8500;
	s19 =	simm.s32 $0x1500;
	s20 =	simm.s32 $0x9500  }
0x8: {  	s28 =	simm.s32 $0x2500;
	s29 =	simm.s32 $0xA500;
	s14 =	simm.s32 $0x3500  }
0x9: {  	s15 =	simm.s32 $0xB500;
	s13 =	simm.s32 $0x5500;
	s16 =	simm.s32 $0xD500  }
0xa: {  	s30 =	simm.s32 $0x6500;
	s31 =	simm.s32 $0xE500;
	s22 =	simm.s32 $0x7500  }
0xb: {  	s21 =	simm.s32 $0x1;
	[smem:$0x7FF] =	sst s4;
	s6 =	sand.u32 $0x1, s6  }
0xc: {  	s7 =	sshll.u32 s7, $0x7;
	s8 =	sshll.u32 s6, $0x6;
	s6 =	ssub.s32 $0x2, s6  }
0xd: {  	_ =	strace $0x80000047;
	s7 =	sor.u32 s8, s7;
	s23 =	sshrl.u32 s6, $0x1  }
0xe: {  	s5 =	sadd.s32 s7, s5;
	s8 =	ssub.s32 s6, s23;
	s0 =	sadd.s32 s0, s7  }
0xf: {  	v0 =	vlaneseq.u32;
	s24 =	sadd.s32 s3, s7;
	s3 =	simm.s32 $0x2;
	[dreg:$0x6] =	wrdreg s0  }
0x10: {  	v1 =	vmul.u32 $0x80, v0;
	s23 =	simm.s32 $0xF500;
	[dreg:$0x7] =	wrdreg s24;
	s25 =	sadd.s32 $0x200, s5  }
0x11: {  	s26 =	smax.u32 s8, $0x1;
	s24 =	simm.s32 $0x4500;
	[dreg:$0x8] =	wrdreg s25  }
0x12: {  	v2 =	vor.u32 $0x800, v1;
	s5 =	simm.s32 $0x0;
	[dreg:$0x9] =	wrdreg s26;
	s25 =	simm.s32 $0xC500  }
.LBB2_1:
0x13: {  	[dreg:$0xa] =	wrdreg s5  }
0x14: {  	s0 =	rddreg [dreg:$0x6]  }
0x15: {  	[tilespmem:s4], [sflag:$0x2] =	stream.linear.gather [hbm4b:s0+s4], $0x200, $0x38;
	[tilespmem:$0x10700] =	vst v63  }
0x16: {  	_ =	swait.ge [sflag:s3], $0x200  }
0x17: {  	[sflag:s3] =	ssyncset.done $0x0  }
0x18: {  	s10 =	simm.s32 $0x280;
	s9 =	rddreg [dreg:$0x7];
	[sflag:s3] =	ssyncadd.s32 $0xFFFFFE00  }
0x19: {  	[tilespmem:s10], [sflag:$0x2] =	stream.linear.gather [hbm4b:s9+s4], $0x200, $0x38;
	[tilespmem:$0x10700] =	vst v63  }
0x1a: {  	_ =	swait.ge [sflag:s3], $0x200  }
0x1b: {  	[sflag:s3] =	ssyncset.done $0x0  }
0x1c: {  	[sflag:s3] =	ssyncadd.s32 $0xFFFFFE00  }
0x1d: {  	v3 =	vld [tilespmem:$0x0]  }
0x1e: {  	v4 =	vld [tilespmem:$0x280];
	_ =	sdelay $0x3  }
0x1f: {  	(v2sf) =	vpush v3, $0x0  }
0x20: {  	(v2sf) =	vpush v4, $0x0;
	_ =	sdelay $0xd  }
0x21: {  	s17 =	spop (v2sf)  }
0x22: {  	s3 =	sand.u32 $0xFFFFF80, s17;
	s18 =	spop (v2sf)  }
0x23: {  	s3 =	sadd.s32 s1, s3;
	s5 =	sand.u32 $0xFFFFF80, s18  }
0x24: {  	[tilespmem:s11], [sflag:$0x1] =	stream.linear.gather [hbm4b:s3+s4], $0x400, $0x38;
	[tilespmem:$0x10700] =	vst v63  }
0x25: {  	s5 =	sadd.s32 s2, s5  }
0x26: {  	[tilespmem:s12], [sflag:$0x1] =	stream.linear.gather [hbm4b:s5+s4], $0x400, $0x38;
	[tilespmem:$0x10700] =	vst v63  }
0x27: {  	s26 =	simm.s32 $0x900;
	s10 =	sadd.s32 $0xF4280, s3  }
0x28: {  	[tilespmem:s26], [sflag:$0x1] =	stream.linear.gather [hbm4b:s10+s4], $0x400, $0x38;
	[tilespmem:$0x10700] =	vst v63  }
0x29: {  	s7 =	simm.s32 $0x8900;
	s6 =	sadd.s32 $0xF4280, s5  }
0x2a: {  	[tilespmem:s7], [sflag:$0x1] =	stream.linear.gather [hbm4b:s6+s4], $0x400, $0x38;
	[tilespmem:$0x10700] =	vst v63  }
0x2b: {  	s9 =	simm.s32 $0xD00;
	s8 =	sadd.s32 $0x1E8500, s3  }
0x2c: {  	[tilespmem:s9], [sflag:$0x1] =	stream.linear.gather [hbm4b:s8+s4], $0x400, $0x38;
	[tilespmem:$0x10700] =	vst v63  }
0x2d: {  	s18 =	simm.s32 $0x8D00;
	s17 =	sadd.s32 $0x1E8500, s5  }
0x2e: {  	[tilespmem:s18], [sflag:$0x1] =	stream.linear.gather [hbm4b:s17+s4], $0x400, $0x38;
	[tilespmem:$0x10700] =	vst v63  }
0x2f: {  	s3 =	sadd.s32 $0x2DC780, s3;
	s26 =	simm.s32 $0x1100  }
0x30: {  	[tilespmem:s26], [sflag:$0x1] =	stream.linear.gather [hbm4b:s3+s4], $0x400, $0x38;
	[tilespmem:$0x10700] =	vst v63  }
0x31: {  	s5 =	sadd.s32 $0x2DC780, s5;
	s6 =	simm.s32 $0x9100  }
0x32: {  	[tilespmem:s6], [sflag:$0x1] =	stream.linear.gather [hbm4b:s5+s4], $0x400, $0x38;
	[tilespmem:$0x10700] =	vst v63  }
0x33: {  	v3 =	vld [tilespmem:$0x1]  }
0x34: {  	v4 =	vld [tilespmem:$0x281];
	_ =	sdelay $0x3  }
0x35: {  	(v2sf) =	vpush v3, $0x0  }
0x36: {  	(v2sf) =	vpush v4, $0x0;
	_ =	sdelay $0xd  }
0x37: {  	s7 =	spop (v2sf)  }
0x38: {  	s3 =	sand.u32 $0xFFFFF80, s7;
	s8 =	spop (v2sf)  }
0x39: {  	s3 =	sadd.s32 s1, s3;
	s5 =	sand.u32 $0xFFFFF80, s8  }
0x3a: {  	[tilespmem:s19], [sflag:$0x1] =	stream.linear.gather [hbm4b:s3+s4], $0x400, $0x38;
	[tilespmem:$0x10700] =	vst v63  }
0x3b: {  	s5 =	sadd.s32 s2, s5  }
0x3c: {  	[tilespmem:s20], [sflag:$0x1] =	stream.linear.gather [hbm4b:s5+s4], $0x400, $0x38;
	[tilespmem:$0x10700] =	vst v63  }
0x3d: {  	s17 =	simm.s32 $0x1900;
	s9 =	sadd.s32 $0xF4280, s3  }
0x3e: {  	[tilespmem:s17], [sflag:$0x1] =	stream.linear.gather [hbm4b:s9+s4], $0x400, $0x38;
	[tilespmem:$0x10700] =	vst v63  }
0x3f: {  	s26 =	simm.s32 $0x9900;
	s18 =	sadd.s32 $0xF4280, s5  }
0x40: {  	[tilespmem:s26], [sflag:$0x1] =	stream.linear.gather [hbm4b:s18+s4], $0x400, $0x38;
	[tilespmem:$0x10700] =	vst v63  }
0x41: {  	s7 =	simm.s32 $0x1D00;
	s6 =	sadd.s32 $0x1E8500, s3  }
0x42: {  	[tilespmem:s7], [sflag:$0x1] =	stream.linear.gather [hbm4b:s6+s4], $0x400, $0x38;
	[tilespmem:$0x10700] =	vst v63  }
0x43: {  	s8 =	sadd.s32 $0x1E8500, s5;
	s9 =	simm.s32 $0x9D00  }
0x44: {  	[tilespmem:s9], [sflag:$0x1] =	stream.linear.gather [hbm4b:s8+s4], $0x400, $0x38;
	[tilespmem:$0x10700] =	vst v63  }
0x45: {  	s3 =	sadd.s32 $0x2DC780, s3;
	s17 =	simm.s32 $0x2100  }
0x46: {  	[tilespmem:s17], [sflag:$0x1] =	stream.linear.gather [hbm4b:s3+s4], $0x400, $0x38;
	[tilespmem:$0x10700] =	vst v63  }
0x47: {  	s18 =	sadd.s32 $0x2DC780, s5;
	s26 =	simm.s32 $0xA100  }
0x48: {  	[tilespmem:s26], [sflag:$0x1] =	stream.linear.gather [hbm4b:s18+s4], $0x400, $0x38;
	[tilespmem:$0x10700] =	vst v63  }
0x49: {  	v3 =	vld [tilespmem:$0x2]  }
0x4a: {  	v4 =	vld [tilespmem:$0x282];
	_ =	sdelay $0x3  }
0x4b: {  	(v2sf) =	vpush v3, $0x0  }
0x4c: {  	(v2sf) =	vpush v4, $0x0;
	_ =	sdelay $0xd  }
0x4d: {  	s5 =	spop (v2sf)  }
0x4e: {  	s3 =	sand.u32 $0xFFFFF80, s5;
	s6 =	spop (v2sf)  }
0x4f: {  	s3 =	sadd.s32 s1, s3;
	s5 =	sand.u32 $0xFFFFF80, s6  }
0x50: {  	[tilespmem:s28], [sflag:$0x1] =	stream.linear.gather [hbm4b:s3+s4], $0x400, $0x38;
	[tilespmem:$0x10700] =	vst v63  }
0x51: {  	s5 =	sadd.s32 s2, s5  }
0x52: {  	[tilespmem:s29], [sflag:$0x1] =	stream.linear.gather [hbm4b:s5+s4], $0x400, $0x38;
	[tilespmem:$0x10700] =	vst v63  }
0x53: {  	s8 =	simm.s32 $0x2900;
	s7 =	sadd.s32 $0xF4280, s3  }
0x54: {  	[tilespmem:s8], [sflag:$0x1] =	stream.linear.gather [hbm4b:s7+s4], $0x400, $0x38;
	[tilespmem:$0x10700] =	vst v63  }
0x55: {  	s17 =	simm.s32 $0xA900;
	s9 =	sadd.s32 $0xF4280, s5  }
0x56: {  	[tilespmem:s17], [sflag:$0x1] =	stream.linear.gather [hbm4b:s9+s4], $0x400, $0x38;
	[tilespmem:$0x10700] =	vst v63  }
0x57: {  	s26 =	simm.s32 $0x2D00;
	s18 =	sadd.s32 $0x1E8500, s3  }
0x58: {  	[tilespmem:s26], [sflag:$0x1] =	stream.linear.gather [hbm4b:s18+s4], $0x400, $0x38;
	[tilespmem:$0x10700] =	vst v63  }
0x59: {  	s6 =	simm.s32 $0xAD00;
	s0 =	sadd.s32 $0x1E8500, s5  }
0x5a: {  	[tilespmem:s6], [sflag:$0x1] =	stream.linear.gather [hbm4b:s0+s4], $0x400, $0x38;
	[tilespmem:$0x10700] =	vst v63  }
0x5b: {  	s3 =	sadd.s32 $0x2DC780, s3;
	s7 =	simm.s32 $0x3100  }
0x5c: {  	[tilespmem:s7], [sflag:$0x1] =	stream.linear.gather [hbm4b:s3+s4], $0x400, $0x38;
	[tilespmem:$0x10700] =	vst v63  }
0x5d: {  	s8 =	sadd.s32 $0x2DC780, s5;
	s9 =	simm.s32 $0xB100  }
0x5e: {  	[tilespmem:s9], [sflag:$0x1] =	stream.linear.gather [hbm4b:s8+s4], $0x400, $0x38;
	[tilespmem:$0x10700] =	vst v63  }
0x5f: {  	v3 =	vld [tilespmem:$0x3]  }
0x60: {  	v4 =	vld [tilespmem:$0x283];
	_ =	sdelay $0x3  }
0x61: {  	(v2sf) =	vpush v3, $0x0  }
0x62: {  	(v2sf) =	vpush v4, $0x0;
	_ =	sdelay $0xd  }
0x63: {  	s10 =	spop (v2sf)  }
0x64: {  	s3 =	sand.u32 $0xFFFFF80, s10;
	s17 =	spop (v2sf)  }
0x65: {  	s3 =	sadd.s32 s1, s3;
	s5 =	sand.u32 $0xFFFFF80, s17  }
0x66: {  	[tilespmem:s14], [sflag:$0x1] =	stream.linear.gather [hbm4b:s3+s4], $0x400, $0x38;
	[tilespmem:$0x10700] =	vst v63  }
0x67: {  	s5 =	sadd.s32 s2, s5  }
0x68: {  	[tilespmem:s15], [sflag:$0x1] =	stream.linear.gather [hbm4b:s5+s4], $0x400, $0x38;
	[tilespmem:$0x10700] =	vst v63  }
0x69: {  	s26 =	simm.s32 $0x3900;
	s18 =	sadd.s32 $0xF4280, s3  }
0x6a: {  	[tilespmem:s26], [sflag:$0x1] =	stream.linear.gather [hbm4b:s18+s4], $0x400, $0x38;
	[tilespmem:$0x10700] =	vst v63  }
0x6b: {  	s7 =	simm.s32 $0xB900;
	s6 =	sadd.s32 $0xF4280, s5  }
0x6c: {  	[tilespmem:s7], [sflag:$0x1] =	stream.linear.gather [hbm4b:s6+s4], $0x400, $0x38;
	[tilespmem:$0x10700] =	vst v63  }
0x6d: {  	s9 =	simm.s32 $0x3D00;
	s8 =	sadd.s32 $0x1E8500, s3  }
0x6e: {  	[tilespmem:s9], [sflag:$0x1] =	stream.linear.gather [hbm4b:s8+s4], $0x400, $0x38;
	[tilespmem:$0x10700] =	vst v63  }
0x6f: {  	s17 =	sadd.s32 $0x1E8500, s5;
	s18 =	simm.s32 $0xBD00  }
0x70: {  	[tilespmem:s18], [sflag:$0x1] =	stream.linear.gather [hbm4b:s17+s4], $0x400, $0x38;
	[tilespmem:$0x10700] =	vst v63  }
0x71: {  	s3 =	sadd.s32 $0x2DC780, s3;
	s26 =	simm.s32 $0x4100  }
0x72: {  	[tilespmem:s26], [sflag:$0x1] =	stream.linear.gather [hbm4b:s3+s4], $0x400, $0x38;
	[tilespmem:$0x10700] =	vst v63  }
0x73: {  	s5 =	sadd.s32 $0x2DC780, s5;
	s6 =	simm.s32 $0xC100  }
0x74: {  	[tilespmem:s6], [sflag:$0x1] =	stream.linear.gather [hbm4b:s5+s4], $0x400, $0x38;
	[tilespmem:$0x10700] =	vst v63  }
0x75: {  	v3 =	vld [tilespmem:$0x4]  }
0x76: {  	v4 =	vld [tilespmem:$0x284];
	_ =	sdelay $0x3  }
0x77: {  	(v2sf) =	vpush v3, $0x0  }
0x78: {  	(v2sf) =	vpush v4, $0x0;
	_ =	sdelay $0xd  }
0x79: {  	s7 =	spop (v2sf)  }
0x7a: {  	s3 =	sand.u32 $0xFFFFF80, s7;
	s8 =	spop (v2sf)  }
0x7b: {  	s3 =	sadd.s32 s1, s3;
	s5 =	sand.u32 $0xFFFFF80, s8  }
0x7c: {  	[tilespmem:s24], [sflag:$0x1] =	stream.linear.gather [hbm4b:s3+s4], $0x400, $0x38;
	[tilespmem:$0x10700] =	vst v63  }
0x7d: {  	s5 =	sadd.s32 s2, s5  }
0x7e: {  	[tilespmem:s25], [sflag:$0x1] =	stream.linear.gather [hbm4b:s5+s4], $0x400, $0x38;
	[tilespmem:$0x10700] =	vst v63  }
0x7f: {  	s17 =	simm.s32 $0x4900;
	s9 =	sadd.s32 $0xF4280, s3  }
0x80: {  	[tilespmem:s17], [sflag:$0x1] =	stream.linear.gather [hbm4b:s9+s4], $0x400, $0x38;
	[tilespmem:$0x10700] =	vst v63  }
0x81: {  	s26 =	simm.s32 $0xC900;
	s18 =	sadd.s32 $0xF4280, s5  }
0x82: {  	[tilespmem:s26], [sflag:$0x1] =	stream.linear.gather [hbm4b:s18+s4], $0x400, $0x38;
	[tilespmem:$0x10700] =	vst v63  }
0x83: {  	s7 =	simm.s32 $0x4D00;
	s6 =	sadd.s32 $0x1E8500, s3  }
0x84: {  	[tilespmem:s7], [sflag:$0x1] =	stream.linear.gather [hbm4b:s6+s4], $0x400, $0x38;
	[tilespmem:$0x10700] =	vst v63  }
0x85: {  	s8 =	sadd.s32 $0x1E8500, s5;
	s9 =	simm.s32 $0xCD00  }
0x86: {  	[tilespmem:s9], [sflag:$0x1] =	stream.linear.gather [hbm4b:s8+s4], $0x400, $0x38;
	[tilespmem:$0x10700] =	vst v63  }
0x87: {  	s3 =	sadd.s32 $0x2DC780, s3;
	s17 =	simm.s32 $0x5100  }
0x88: {  	[tilespmem:s17], [sflag:$0x1] =	stream.linear.gather [hbm4b:s3+s4], $0x400, $0x38;
	[tilespmem:$0x10700] =	vst v63  }
0x89: {  	s18 =	sadd.s32 $0x2DC780, s5;
	s26 =	simm.s32 $0xD100  }
0x8a: {  	[tilespmem:s26], [sflag:$0x1] =	stream.linear.gather [hbm4b:s18+s4], $0x400, $0x38;
	[tilespmem:$0x10700] =	vst v63  }
0x8b: {  	v3 =	vld [tilespmem:$0x5]  }
0x8c: {  	v4 =	vld [tilespmem:$0x285];
	_ =	sdelay $0x3  }
0x8d: {  	(v2sf) =	vpush v3, $0x0  }
0x8e: {  	(v2sf) =	vpush v4, $0x0;
	_ =	sdelay $0xd  }
0x8f: {  	s5 =	spop (v2sf)  }
0x90: {  	s3 =	sand.u32 $0xFFFFF80, s5;
	s6 =	spop (v2sf)  }
0x91: {  	s3 =	sadd.s32 s1, s3;
	s5 =	sand.u32 $0xFFFFF80, s6  }
0x92: {  	[tilespmem:s13], [sflag:$0x1] =	stream.linear.gather [hbm4b:s3+s4], $0x400, $0x38;
	[tilespmem:$0x10700] =	vst v63  }
0x93: {  	s5 =	sadd.s32 s2, s5  }
0x94: {  	[tilespmem:s16], [sflag:$0x1] =	stream.linear.gather [hbm4b:s5+s4], $0x400, $0x38;
	[tilespmem:$0x10700] =	vst v63  }
0x95: {  	s8 =	simm.s32 $0x5900;
	s7 =	sadd.s32 $0xF4280, s3  }
0x96: {  	[tilespmem:s8], [sflag:$0x1] =	stream.linear.gather [hbm4b:s7+s4], $0x400, $0x38;
	[tilespmem:$0x10700] =	vst v63  }
0x97: {  	s17 =	simm.s32 $0xD900;
	s9 =	sadd.s32 $0xF4280, s5  }
0x98: {  	[tilespmem:s17], [sflag:$0x1] =	stream.linear.gather [hbm4b:s9+s4], $0x400, $0x38;
	[tilespmem:$0x10700] =	vst v63  }
0x99: {  	s26 =	simm.s32 $0x5D00;
	s18 =	sadd.s32 $0x1E8500, s3  }
0x9a: {  	[tilespmem:s26], [sflag:$0x1] =	stream.linear.gather [hbm4b:s18+s4], $0x400, $0x38;
	[tilespmem:$0x10700] =	vst v63  }
0x9b: {  	s6 =	simm.s32 $0xDD00;
	s0 =	sadd.s32 $0x1E8500, s5  }
0x9c: {  	[tilespmem:s6], [sflag:$0x1] =	stream.linear.gather [hbm4b:s0+s4], $0x400, $0x38;
	[tilespmem:$0x10700] =	vst v63  }
0x9d: {  	s3 =	sadd.s32 $0x2DC780, s3;
	s7 =	simm.s32 $0x6100  }
0x9e: {  	[tilespmem:s7], [sflag:$0x1] =	stream.linear.gather [hbm4b:s3+s4], $0x400, $0x38;
	[tilespmem:$0x10700] =	vst v63  }
0x9f: {  	s8 =	sadd.s32 $0x2DC780, s5;
	s9 =	simm.s32 $0xE100  }
0xa0: {  	[tilespmem:s9], [sflag:$0x1] =	stream.linear.gather [hbm4b:s8+s4], $0x400, $0x38;
	[tilespmem:$0x10700] =	vst v63  }
0xa1: {  	v3 =	vld [tilespmem:$0x6]  }
0xa2: {  	v4 =	vld [tilespmem:$0x286];
	_ =	sdelay $0x3  }
0xa3: {  	(v2sf) =	vpush v3, $0x0  }
0xa4: {  	(v2sf) =	vpush v4, $0x0;
	_ =	sdelay $0xd  }
0xa5: {  	s10 =	spop (v2sf)  }
0xa6: {  	s3 =	sand.u32 $0xFFFFF80, s10;
	s17 =	spop (v2sf)  }
0xa7: {  	s3 =	sadd.s32 s1, s3;
	s5 =	sand.u32 $0xFFFFF80, s17  }
0xa8: {  	[tilespmem:s30], [sflag:$0x1] =	stream.linear.gather [hbm4b:s3+s4], $0x400, $0x38;
	[tilespmem:$0x10700] =	vst v63  }
0xa9: {  	s5 =	sadd.s32 s2, s5  }
0xaa: {  	[tilespmem:s31], [sflag:$0x1] =	stream.linear.gather [hbm4b:s5+s4], $0x400, $0x38;
	[tilespmem:$0x10700] =	vst v63  }
0xab: {  	s26 =	simm.s32 $0x6900;
	s18 =	sadd.s32 $0xF4280, s3  }
0xac: {  	[tilespmem:s26], [sflag:$0x1] =	stream.linear.gather [hbm4b:s18+s4], $0x400, $0x38;
	[tilespmem:$0x10700] =	vst v63  }
0xad: {  	s7 =	simm.s32 $0xE900;
	s6 =	sadd.s32 $0xF4280, s5  }
0xae: {  	[tilespmem:s7], [sflag:$0x1] =	stream.linear.gather [hbm4b:s6+s4], $0x400, $0x38;
	[tilespmem:$0x10700] =	vst v63  }
0xaf: {  	s9 =	simm.s32 $0x6D00;
	s8 =	sadd.s32 $0x1E8500, s3  }
0xb0: {  	[tilespmem:s9], [sflag:$0x1] =	stream.linear.gather [hbm4b:s8+s4], $0x400, $0x38;
	[tilespmem:$0x10700] =	vst v63  }
0xb1: {  	s17 =	sadd.s32 $0x1E8500, s5;
	s18 =	simm.s32 $0xED00  }
0xb2: {  	[tilespmem:s18], [sflag:$0x1] =	stream.linear.gather [hbm4b:s17+s4], $0x400, $0x38;
	[tilespmem:$0x10700] =	vst v63  }
0xb3: {  	s3 =	sadd.s32 $0x2DC780, s3;
	s26 =	simm.s32 $0x7100  }
0xb4: {  	[tilespmem:s26], [sflag:$0x1] =	stream.linear.gather [hbm4b:s3+s4], $0x400, $0x38;
	[tilespmem:$0x10700] =	vst v63  }
0xb5: {  	s5 =	sadd.s32 $0x2DC780, s5;
	s6 =	simm.s32 $0xF100  }
0xb6: {  	[tilespmem:s6], [sflag:$0x1] =	stream.linear.gather [hbm4b:s5+s4], $0x400, $0x38;
	[tilespmem:$0x10700] =	vst v63  }
0xb7: {  	v3 =	vld [tilespmem:$0x7]  }
0xb8: {  	v4 =	vld [tilespmem:$0x287];
	_ =	sdelay $0x3  }
0xb9: {  	(v2sf) =	vpush v3, $0x0  }
0xba: {  	(v2sf) =	vpush v4, $0x0;
	_ =	sdelay $0xd  }
0xbb: {  	s7 =	spop (v2sf)  }
0xbc: {  	s3 =	sand.u32 $0xFFFFF80, s7;
	s8 =	spop (v2sf)  }
0xbd: {  	s3 =	sadd.s32 s1, s3;
	s5 =	sand.u32 $0xFFFFF80, s8  }
0xbe: {  	[tilespmem:s22], [sflag:$0x1] =	stream.linear.gather [hbm4b:s3+s4], $0x400, $0x38;
	[tilespmem:$0x10700] =	vst v63  }
0xbf: {  	s5 =	sadd.s32 s2, s5  }
0xc0: {  	[tilespmem:s23], [sflag:$0x1] =	stream.linear.gather [hbm4b:s5+s4], $0x400, $0x38;
	[tilespmem:$0x10700] =	vst v63  }
0xc1: {  	s17 =	simm.s32 $0x7900;
	s9 =	sadd.s32 $0xF4280, s3  }
0xc2: {  	[tilespmem:s17], [sflag:$0x1] =	stream.linear.gather [hbm4b:s9+s4], $0x400, $0x38;
	[tilespmem:$0x10700] =	vst v63  }
0xc3: {  	s26 =	simm.s32 $0xF900;
	s18 =	sadd.s32 $0xF4280, s5  }
0xc4: {  	[tilespmem:s26], [sflag:$0x1] =	stream.linear.gather [hbm4b:s18+s4], $0x400, $0x38;
	[tilespmem:$0x10700] =	vst v63  }
0xc5: {  	s7 =	simm.s32 $0x7D00;
	s6 =	sadd.s32 $0x1E8500, s3  }
0xc6: {  	[tilespmem:s7], [sflag:$0x1] =	stream.linear.gather [hbm4b:s6+s4], $0x400, $0x38;
	[tilespmem:$0x10700] =	vst v63  }
0xc7: {  	s10 =	simm.s32 $0x0;
	s8 =	sadd.s32 $0x1E8500, s5;
	s9 =	simm.s32 $0xFD00  }
0xc8: {  	[tilespmem:s9], [sflag:$0x1] =	stream.linear.gather [hbm4b:s8+s4], $0x400, $0x38;
	[tilespmem:$0x10700] =	vst v63  }
0xc9: {  	s3 =	sadd.s32 $0x2DC780, s3;
	s17 =	simm.s32 $0x8100;
	s18 =	sadd.s32 $0x2DC780, s5  }
0xca: {  	[tilespmem:s17], [sflag:$0x1] =	stream.linear.gather [hbm4b:s3+s4], $0x400, $0x38;
	[tilespmem:$0x10700] =	vst v63  }
0xcb: {  	s26 =	simm.s32 $0x10100;
	s3 =	simm.s32 $0x6;
	s17 =	simm.s32 $0x0  }
0xcc: {  	v3 =	vimm.f32 $0.0e+00;
	[tilespmem:s26], [sflag:$0x1] =	stream.linear.gather [hbm4b:s18+s4], $0x400, $0x38;
	[tilespmem:$0x10700] =	vst v63  }
.LBB2_2:
0xcd: {  	_ =	swait.ge [sflag:s21], $0x1000  }
0xce: {  	[sflag:s21] =	ssyncset.done $0x0  }
0xcf: {  	[sflag:s21] =	ssyncadd.s32 $0xFFFFF000  }
0xd0: {  	_ =	swait.ge [sflag:s21], $0x1000  }
0xd1: {  	[sflag:s21] =	ssyncset.done $0x0  }
0xd2: {  	s26 =	sshra.s32 s10, $0x2;
	[sflag:s21] =	ssyncadd.s32 $0xFFFFF000  }
0xd3: {  	v4 =	vld [tilespmem:s26+$0x0];
	_ =	sdelay $0x1  }
0xd4: {  	v5 =	vld [tilespmem:s26+$0x280];
	_ =	sdelay $0x2  }
0xd5: {  	(v2sf) =	vpush v4, $0x0;
	_ =	sdelay $0x1  }
0xd6: {  	(v2sf) =	vpush v5, $0x0;
	_ =	sdelay $0x1  }
0xd7: {  	p0 =	seq.s32 s3, $0x1FE  }
0xd8: {  	s5 =	sshra.s32 @!p0 s10, $0x2  }
0xd9: {  	v4 =	vld @!p0 [tilespmem:s5+$0x8]  }
0xda: {  	v5 =	vld @!p0 [tilespmem:s5+$0x288];
	_ =	sdelay $0x3  }
0xdb: {  	(v2sf) =	vpush @!p0 v4, $0x0  }
0xdc: {  	(v2sf) =	vpush @!p0 v5, $0x0;
	_ =	sdelay $0x2  }
0xdd: {  	s18 =	spop (v2sf)  }
0xde: {  	s18 =	sand.u32 $0x7F, s18  }
0xdf: {  	s6 =	spop (v2sf);
	v4 =	vor.u32 s18, v1  }
0xe0: {  	s6 =	sand.u32 $0x7F, s6;
	v5 =	vor.u32 s18, v2  }
0xe1: {  	v6 =	vor.u32 s6, v1  }
0xe2: {  	v7 =	vor.u32 s6, v2;
	_ =	sdelay $0x1  }
0xe3: {  	v4 =	vld.idx.msk [tilespmem:v4+s11+$0x0], $0xffff  }
0xe4: {  	v5 =	vld.idx.msk [tilespmem:v5+s11+$0x0], $0xffff  }
0xe5: {  	v6 =	vld.idx.msk [tilespmem:v6+s12+$0x0], $0xffff  }
0xe6: {  	v7 =	vld.idx.msk [tilespmem:v7+s12+$0x0], $0xffff  }
0xe7: {  	s6 =	spop @!p0 (v2sf)  }
0xe8: {  	s8 =	simm.s32 @!p0 $0x500;
	s7 =	spop @!p0 (v2sf);
	s6 =	sand.u32 @!p0 $0xFFFFF80, s6  }
0xe9: {  	s18 =	simm.s32 @!p0 $0x0;
	s6 =	sadd.s32 @!p0 s1, s6;
	s7 =	sand.u32 @!p0 $0xFFFFF80, s7  }
0xea: {  	[tilespmem:s8], [sflag:$0x1] =	stream.linear.gather @!p0 [hbm4b:s6+s18], $0x400, $0x38;
	[tilespmem:$0x10700] =	vst v63  }
0xeb: {  	s7 =	sadd.s32 @!p0 s2, s7;
	s8 =	simm.s32 @!p0 $0x8500;
	v4 =	vmul.f32 v6, v4;
	v5 =	vmul.f32 v7, v5  }
0xec: {  	[tilespmem:s8], [sflag:$0x1] =	stream.linear.gather @!p0 [hbm4b:s7+s18], $0x400, $0x38;
	[tilespmem:$0x10700] =	vst v63  }
0xed: {  	s9 =	simm.s32 @!p0 $0x900;
	s8 =	sadd.s32 @!p0 $0xF4280, s6;
	v4 =	vadd.f32 v5, v4  }
0xee: {  	[tilespmem:s9], [sflag:$0x1] =	stream.linear.gather @!p0 [hbm4b:s8+s18], $0x400, $0x38;
	[tilespmem:$0x10700] =	vst v63  }
0xef: {  	(xrf2) =	vadd.scan.msk.f32 $0xffff, v4  }
0xf0: {  	s8 =	sadd.s32 @!p0 $0xF4280, s7;
	s9 =	simm.s32 @!p0 $0x8900  }
0xf1: {  	[tilespmem:s9], [sflag:$0x1] =	stream.linear.gather @!p0 [hbm4b:s8+s18], $0x400, $0x38;
	[tilespmem:$0x10700] =	vst v63  }
0xf2: {  	s8 =	sadd.s32 @!p0 $0x1E8500, s6;
	s9 =	simm.s32 @!p0 $0xD00  }
0xf3: {  	[tilespmem:s9], [sflag:$0x1] =	stream.linear.gather @!p0 [hbm4b:s8+s18], $0x400, $0x38;
	[tilespmem:$0x10700] =	vst v63  }
0xf4: {  	s8 =	sadd.s32 @!p0 $0x1E8500, s7;
	s9 =	simm.s32 @!p0 $0x8D00  }
0xf5: {  	[tilespmem:s9], [sflag:$0x1] =	stream.linear.gather @!p0 [hbm4b:s8+s18], $0x400, $0x38;
	[tilespmem:$0x10700] =	vst v63  }
0xf6: {  	s6 =	sadd.s32 @!p0 $0x2DC780, s6;
	s8 =	simm.s32 @!p0 $0x1100  }
0xf7: {  	[tilespmem:s8], [sflag:$0x1] =	stream.linear.gather @!p0 [hbm4b:s6+s18], $0x400, $0x38;
	[tilespmem:$0x10700] =	vst v63  }
0xf8: {  	s6 =	sadd.s32 @!p0 $0x2DC780, s7;
	s7 =	simm.s32 @!p0 $0x9100  }
0xf9: {  	[tilespmem:s7], [sflag:$0x1] =	stream.linear.gather @!p0 [hbm4b:s6+s18], $0x400, $0x38;
	v4, _, _ =	vpop (xrf2);
	[tilespmem:$0x10700] =	vst v63  }
0xfa: {  	_ =	swait.ge [sflag:s21], $0x1000  }
0xfb: {  	[sflag:s21] =	ssyncset.done $0x0  }
0xfc: {  	[sflag:s21] =	ssyncadd.s32 $0xFFFFF000  }
0xfd: {  	_ =	swait.ge [sflag:s21], $0x1000  }
0xfe: {  	[sflag:s21] =	ssyncset.done $0x0  }
0xff: {  	[sflag:s21] =	ssyncadd.s32 $0xFFFFF000  }
0x100: {  	v5 =	vld [tilespmem:s26+$0x1];
	_ =	sdelay $0x1  }
0x101: {  	v28 =	vld [tilespmem:s26+$0x281];
	_ =	sdelay $0x2  }
0x102: {  	(v2sf) =	vpush v5, $0x0;
	_ =	sdelay $0x1  }
0x103: {  	(v2sf) =	vpush v28, $0x0;
	_ =	sdelay $0x3  }
0x104: {  	v5 =	vld @!p0 [tilespmem:s5+$0x9]  }
0x105: {  	v6 =	vld @!p0 [tilespmem:s5+$0x289];
	_ =	sdelay $0x3  }
0x106: {  	(v2sf) =	vpush @!p0 v5, $0x0  }
0x107: {  	(v2sf) =	vpush @!p0 v6, $0x0;
	_ =	sdelay $0x2  }
0x108: {  	s7 =	spop (v2sf)  }
0x109: {  	s6 =	sand.u32 $0x7F, s7  }
0x10a: {  	s8 =	spop (v2sf);
	v5 =	vor.u32 s6, v1  }
0x10b: {  	s7 =	sand.u32 $0x7F, s8;
	v29 =	vor.u32 s6, v2  }
0x10c: {  	v30 =	vor.u32 s7, v1  }
0x10d: {  	v8 =	vor.u32 s7, v2;
	_ =	sdelay $0x1  }
0x10e: {  	v5 =	vld.idx.msk [tilespmem:v5+s19+$0x0], $0xffff  }
0x10f: {  	v6 =	vld.idx.msk [tilespmem:v29+s19+$0x0], $0xffff  }
0x110: {  	v7 =	vld.idx.msk [tilespmem:v30+s20+$0x0], $0xffff  }
0x111: {  	v8 =	vld.idx.msk [tilespmem:v8+s20+$0x0], $0xffff  }
0x112: {  	s6 =	spop @!p0 (v2sf)  }
0x113: {  	s6 =	sand.u32 @!p0 $0xFFFFF80, s6;
	s7 =	spop @!p0 (v2sf)  }
0x114: {  	s8 =	simm.s32 @!p0 $0x1500;
	s6 =	sadd.s32 @!p0 s1, s6;
	s7 =	sand.u32 @!p0 $0xFFFFF80, s7  }
0x115: {  	[tilespmem:s8], [sflag:$0x1] =	stream.linear.gather @!p0 [hbm4b:s6+s18], $0x400, $0x38;
	[tilespmem:$0x10700] =	vst v63  }
0x116: {  	s7 =	sadd.s32 @!p0 s2, s7;
	s8 =	simm.s32 @!p0 $0x9500;
	v5 =	vmul.f32 v7, v5;
	v6 =	vmul.f32 v8, v6  }
0x117: {  	[tilespmem:s8], [sflag:$0x1] =	stream.linear.gather @!p0 [hbm4b:s7+s18], $0x400, $0x38;
	[tilespmem:$0x10700] =	vst v63  }
0x118: {  	s9 =	simm.s32 @!p0 $0x1900;
	s8 =	sadd.s32 @!p0 $0xF4280, s6;
	v5 =	vadd.f32 v6, v5  }
0x119: {  	[tilespmem:s9], [sflag:$0x1] =	stream.linear.gather @!p0 [hbm4b:s8+s18], $0x400, $0x38;
	[tilespmem:$0x10700] =	vst v63  }
0x11a: {  	(xrf2) =	vadd.scan.msk.f32 $0xffff, v5  }
0x11b: {  	s8 =	sadd.s32 @!p0 $0xF4280, s7;
	s9 =	simm.s32 @!p0 $0x9900  }
0x11c: {  	[tilespmem:s9], [sflag:$0x1] =	stream.linear.gather @!p0 [hbm4b:s8+s18], $0x400, $0x38;
	[tilespmem:$0x10700] =	vst v63  }
0x11d: {  	s8 =	sadd.s32 @!p0 $0x1E8500, s6;
	s9 =	simm.s32 @!p0 $0x1D00  }
0x11e: {  	[tilespmem:s9], [sflag:$0x1] =	stream.linear.gather @!p0 [hbm4b:s8+s18], $0x400, $0x38;
	[tilespmem:$0x10700] =	vst v63  }
0x11f: {  	s8 =	sadd.s32 @!p0 $0x1E8500, s7;
	s9 =	simm.s32 @!p0 $0x9D00  }
0x120: {  	[tilespmem:s9], [sflag:$0x1] =	stream.linear.gather @!p0 [hbm4b:s8+s18], $0x400, $0x38;
	[tilespmem:$0x10700] =	vst v63  }
0x121: {  	s6 =	sadd.s32 @!p0 $0x2DC780, s6;
	s8 =	simm.s32 @!p0 $0x2100  }
0x122: {  	[tilespmem:s8], [sflag:$0x1] =	stream.linear.gather @!p0 [hbm4b:s6+s18], $0x400, $0x38;
	[tilespmem:$0x10700] =	vst v63  }
0x123: {  	s6 =	sadd.s32 @!p0 $0x2DC780, s7;
	s7 =	simm.s32 @!p0 $0xA100  }
0x124: {  	[tilespmem:s7], [sflag:$0x1] =	stream.linear.gather @!p0 [hbm4b:s6+s18], $0x400, $0x38;
	v5, _, _ =	vpop (xrf2);
	[tilespmem:$0x10700] =	vst v63  }
0x125: {  	_ =	swait.ge [sflag:s21], $0x1000  }
0x126: {  	[sflag:s21] =	ssyncset.done $0x0  }
0x127: {  	[sflag:s21] =	ssyncadd.s32 $0xFFFFF000  }
0x128: {  	_ =	swait.ge [sflag:s21], $0x1000  }
0x129: {  	[sflag:s21] =	ssyncset.done $0x0  }
0x12a: {  	[sflag:s21] =	ssyncadd.s32 $0xFFFFF000  }
0x12b: {  	v31 =	vld [tilespmem:s26+$0x2];
	_ =	sdelay $0x1  }
0x12c: {  	v32 =	vld [tilespmem:s26+$0x282];
	_ =	sdelay $0x2  }
0x12d: {  	(v2sf) =	vpush v31, $0x0;
	_ =	sdelay $0x1  }
0x12e: {  	(v2sf) =	vpush v32, $0x0;
	_ =	sdelay $0x3  }
0x12f: {  	v6 =	vld @!p0 [tilespmem:s5+$0xA]  }
0x130: {  	v7 =	vld @!p0 [tilespmem:s5+$0x28A];
	_ =	sdelay $0x3  }
0x131: {  	(v2sf) =	vpush @!p0 v6, $0x0  }
0x132: {  	(v2sf) =	vpush @!p0 v7, $0x0;
	_ =	sdelay $0x2  }
0x133: {  	s9 =	spop (v2sf)  }
0x134: {  	s6 =	sand.u32 $0x7F, s9  }
0x135: {  	s0 =	spop (v2sf);
	v33 =	vor.u32 s6, v1  }
0x136: {  	s7 =	sand.u32 $0x7F, s0;
	v34 =	vor.u32 s6, v2  }
0x137: {  	v35 =	vor.u32 s7, v1  }
0x138: {  	v9 =	vor.u32 s7, v2;
	_ =	sdelay $0x1  }
0x139: {  	v6 =	vld.idx.msk [tilespmem:v33+s28+$0x0], $0xffff  }
0x13a: {  	v7 =	vld.idx.msk [tilespmem:v34+s28+$0x0], $0xffff  }
0x13b: {  	v8 =	vld.idx.msk [tilespmem:v35+s29+$0x0], $0xffff  }
0x13c: {  	v9 =	vld.idx.msk [tilespmem:v9+s29+$0x0], $0xffff  }
0x13d: {  	s6 =	spop @!p0 (v2sf)  }
0x13e: {  	s6 =	sand.u32 @!p0 $0xFFFFF80, s6;
	s7 =	spop @!p0 (v2sf)  }
0x13f: {  	s8 =	simm.s32 @!p0 $0x2500;
	s6 =	sadd.s32 @!p0 s1, s6;
	s7 =	sand.u32 @!p0 $0xFFFFF80, s7  }
0x140: {  	[tilespmem:s8], [sflag:$0x1] =	stream.linear.gather @!p0 [hbm4b:s6+s18], $0x400, $0x38;
	[tilespmem:$0x10700] =	vst v63  }
0x141: {  	s7 =	sadd.s32 @!p0 s2, s7;
	s8 =	simm.s32 @!p0 $0xA500;
	v6 =	vmul.f32 v8, v6;
	v7 =	vmul.f32 v9, v7  }
0x142: {  	[tilespmem:s8], [sflag:$0x1] =	stream.linear.gather @!p0 [hbm4b:s7+s18], $0x400, $0x38;
	[tilespmem:$0x10700] =	vst v63  }
0x143: {  	s9 =	simm.s32 @!p0 $0x2900;
	s8 =	sadd.s32 @!p0 $0xF4280, s6;
	v6 =	vadd.f32 v7, v6  }
0x144: {  	[tilespmem:s9], [sflag:$0x1] =	stream.linear.gather @!p0 [hbm4b:s8+s18], $0x400, $0x38;
	[tilespmem:$0x10700] =	vst v63  }
0x145: {  	(xrf2) =	vadd.scan.msk.f32 $0xffff, v6  }
0x146: {  	s8 =	sadd.s32 @!p0 $0xF4280, s7;
	s9 =	simm.s32 @!p0 $0xA900  }
0x147: {  	[tilespmem:s9], [sflag:$0x1] =	stream.linear.gather @!p0 [hbm4b:s8+s18], $0x400, $0x38;
	[tilespmem:$0x10700] =	vst v63  }
0x148: {  	s8 =	sadd.s32 @!p0 $0x1E8500, s6;
	s9 =	simm.s32 @!p0 $0x2D00  }
0x149: {  	[tilespmem:s9], [sflag:$0x1] =	stream.linear.gather @!p0 [hbm4b:s8+s18], $0x400, $0x38;
	[tilespmem:$0x10700] =	vst v63  }
0x14a: {  	s8 =	sadd.s32 @!p0 $0x1E8500, s7;
	s9 =	simm.s32 @!p0 $0xAD00  }
0x14b: {  	[tilespmem:s9], [sflag:$0x1] =	stream.linear.gather @!p0 [hbm4b:s8+s18], $0x400, $0x38;
	[tilespmem:$0x10700] =	vst v63  }
0x14c: {  	s6 =	sadd.s32 @!p0 $0x2DC780, s6;
	s8 =	simm.s32 @!p0 $0x3100  }
0x14d: {  	[tilespmem:s8], [sflag:$0x1] =	stream.linear.gather @!p0 [hbm4b:s6+s18], $0x400, $0x38;
	[tilespmem:$0x10700] =	vst v63  }
0x14e: {  	s6 =	sadd.s32 @!p0 $0x2DC780, s7;
	s7 =	simm.s32 @!p0 $0xB100  }
0x14f: {  	[tilespmem:s7], [sflag:$0x1] =	stream.linear.gather @!p0 [hbm4b:s6+s18], $0x400, $0x38;
	v6, _, _ =	vpop (xrf2);
	[tilespmem:$0x10700] =	vst v63  }
0x150: {  	_ =	swait.ge [sflag:s21], $0x1000  }
0x151: {  	[sflag:s21] =	ssyncset.done $0x0  }
0x152: {  	[sflag:s21] =	ssyncadd.s32 $0xFFFFF000  }
0x153: {  	_ =	swait.ge [sflag:s21], $0x1000  }
0x154: {  	[sflag:s21] =	ssyncset.done $0x0  }
0x155: {  	[sflag:s21] =	ssyncadd.s32 $0xFFFFF000  }
0x156: {  	v36 =	vld [tilespmem:s26+$0x3];
	_ =	sdelay $0x1  }
0x157: {  	v37 =	vld [tilespmem:s26+$0x283];
	_ =	sdelay $0x2  }
0x158: {  	(v2sf) =	vpush v36, $0x0;
	_ =	sdelay $0x1  }
0x159: {  	(v2sf) =	vpush v37, $0x0;
	_ =	sdelay $0x3  }
0x15a: {  	v7 =	vld @!p0 [tilespmem:s5+$0xB]  }
0x15b: {  	v8 =	vld @!p0 [tilespmem:s5+$0x28B];
	_ =	sdelay $0x3  }
0x15c: {  	(v2sf) =	vpush @!p0 v7, $0x0  }
0x15d: {  	(v2sf) =	vpush @!p0 v8, $0x0;
	_ =	sdelay $0x2  }
0x15e: {  	s7 =	spop (v2sf)  }
0x15f: {  	s6 =	sand.u32 $0x7F, s7  }
0x160: {  	s8 =	spop (v2sf);
	v38 =	vor.u32 s6, v1  }
0x161: {  	s7 =	sand.u32 $0x7F, s8;
	v39 =	vor.u32 s6, v2  }
0x162: {  	v40 =	vor.u32 s7, v1  }
0x163: {  	v10 =	vor.u32 s7, v2;
	_ =	sdelay $0x1  }
0x164: {  	v7 =	vld.idx.msk [tilespmem:v38+s14+$0x0], $0xffff  }
0x165: {  	v8 =	vld.idx.msk [tilespmem:v39+s14+$0x0], $0xffff  }
0x166: {  	v9 =	vld.idx.msk [tilespmem:v40+s15+$0x0], $0xffff  }
0x167: {  	v10 =	vld.idx.msk [tilespmem:v10+s15+$0x0], $0xffff  }
0x168: {  	s6 =	spop @!p0 (v2sf)  }
0x169: {  	s6 =	sand.u32 @!p0 $0xFFFFF80, s6;
	s7 =	spop @!p0 (v2sf)  }
0x16a: {  	s8 =	simm.s32 @!p0 $0x3500;
	s6 =	sadd.s32 @!p0 s1, s6;
	s7 =	sand.u32 @!p0 $0xFFFFF80, s7  }
0x16b: {  	[tilespmem:s8], [sflag:$0x1] =	stream.linear.gather @!p0 [hbm4b:s6+s18], $0x400, $0x38;
	[tilespmem:$0x10700] =	vst v63  }
0x16c: {  	s7 =	sadd.s32 @!p0 s2, s7;
	s8 =	simm.s32 @!p0 $0xB500;
	v7 =	vmul.f32 v9, v7;
	v8 =	vmul.f32 v10, v8  }
0x16d: {  	[tilespmem:s8], [sflag:$0x1] =	stream.linear.gather @!p0 [hbm4b:s7+s18], $0x400, $0x38;
	[tilespmem:$0x10700] =	vst v63  }
0x16e: {  	s9 =	simm.s32 @!p0 $0x3900;
	s8 =	sadd.s32 @!p0 $0xF4280, s6;
	v7 =	vadd.f32 v8, v7  }
0x16f: {  	[tilespmem:s9], [sflag:$0x1] =	stream.linear.gather @!p0 [hbm4b:s8+s18], $0x400, $0x38;
	[tilespmem:$0x10700] =	vst v63  }
0x170: {  	(xrf2) =	vadd.scan.msk.f32 $0xffff, v7  }
0x171: {  	s8 =	sadd.s32 @!p0 $0xF4280, s7;
	s9 =	simm.s32 @!p0 $0xB900  }
0x172: {  	[tilespmem:s9], [sflag:$0x1] =	stream.linear.gather @!p0 [hbm4b:s8+s18], $0x400, $0x38;
	[tilespmem:$0x10700] =	vst v63  }
0x173: {  	s8 =	sadd.s32 @!p0 $0x1E8500, s6;
	s9 =	simm.s32 @!p0 $0x3D00  }
0x174: {  	[tilespmem:s9], [sflag:$0x1] =	stream.linear.gather @!p0 [hbm4b:s8+s18], $0x400, $0x38;
	[tilespmem:$0x10700] =	vst v63  }
0x175: {  	s8 =	sadd.s32 @!p0 $0x1E8500, s7;
	s9 =	simm.s32 @!p0 $0xBD00  }
0x176: {  	[tilespmem:s9], [sflag:$0x1] =	stream.linear.gather @!p0 [hbm4b:s8+s18], $0x400, $0x38;
	[tilespmem:$0x10700] =	vst v63  }
0x177: {  	s6 =	sadd.s32 @!p0 $0x2DC780, s6;
	s8 =	simm.s32 @!p0 $0x4100  }
0x178: {  	[tilespmem:s8], [sflag:$0x1] =	stream.linear.gather @!p0 [hbm4b:s6+s18], $0x400, $0x38;
	[tilespmem:$0x10700] =	vst v63  }
0x179: {  	s6 =	sadd.s32 @!p0 $0x2DC780, s7;
	s7 =	simm.s32 @!p0 $0xC100  }
0x17a: {  	[tilespmem:s7], [sflag:$0x1] =	stream.linear.gather @!p0 [hbm4b:s6+s18], $0x400, $0x38;
	v7, _, _ =	vpop (xrf2);
	[tilespmem:$0x10700] =	vst v63  }
0x17b: {  	_ =	swait.ge [sflag:s21], $0x1000  }
0x17c: {  	[sflag:s21] =	ssyncset.done $0x0  }
0x17d: {  	[sflag:s21] =	ssyncadd.s32 $0xFFFFF000  }
0x17e: {  	_ =	swait.ge [sflag:s21], $0x1000  }
0x17f: {  	[sflag:s21] =	ssyncset.done $0x0  }
0x180: {  	[sflag:s21] =	ssyncadd.s32 $0xFFFFF000  }
0x181: {  	v41 =	vld [tilespmem:s26+$0x4];
	_ =	sdelay $0x1  }
0x182: {  	v42 =	vld [tilespmem:s26+$0x284];
	_ =	sdelay $0x2  }
0x183: {  	(v2sf) =	vpush v41, $0x0;
	_ =	sdelay $0x1  }
0x184: {  	(v2sf) =	vpush v42, $0x0;
	_ =	sdelay $0x3  }
0x185: {  	v8 =	vld @!p0 [tilespmem:s5+$0xC]  }
0x186: {  	v9 =	vld @!p0 [tilespmem:s5+$0x28C];
	_ =	sdelay $0x3  }
0x187: {  	(v2sf) =	vpush @!p0 v8, $0x0  }
0x188: {  	(v2sf) =	vpush @!p0 v9, $0x0;
	_ =	sdelay $0x2  }
0x189: {  	s9 =	spop (v2sf)  }
0x18a: {  	s6 =	sand.u32 $0x7F, s9  }
0x18b: {  	s0 =	spop (v2sf);
	v43 =	vor.u32 s6, v1  }
0x18c: {  	s7 =	sand.u32 $0x7F, s0;
	v44 =	vor.u32 s6, v2  }
0x18d: {  	v45 =	vor.u32 s7, v1  }
0x18e: {  	v11 =	vor.u32 s7, v2;
	_ =	sdelay $0x1  }
0x18f: {  	v8 =	vld.idx.msk [tilespmem:v43+s24+$0x0], $0xffff  }
0x190: {  	v9 =	vld.idx.msk [tilespmem:v44+s24+$0x0], $0xffff  }
0x191: {  	v10 =	vld.idx.msk [tilespmem:v45+s25+$0x0], $0xffff  }
0x192: {  	v11 =	vld.idx.msk [tilespmem:v11+s25+$0x0], $0xffff  }
0x193: {  	s6 =	spop @!p0 (v2sf)  }
0x194: {  	s6 =	sand.u32 @!p0 $0xFFFFF80, s6;
	s7 =	spop @!p0 (v2sf)  }
0x195: {  	s8 =	simm.s32 @!p0 $0x4500;
	s6 =	sadd.s32 @!p0 s1, s6;
	s7 =	sand.u32 @!p0 $0xFFFFF80, s7  }
0x196: {  	[tilespmem:s8], [sflag:$0x1] =	stream.linear.gather @!p0 [hbm4b:s6+s18], $0x400, $0x38;
	[tilespmem:$0x10700] =	vst v63  }
0x197: {  	s7 =	sadd.s32 @!p0 s2, s7;
	s8 =	simm.s32 @!p0 $0xC500;
	v8 =	vmul.f32 v10, v8;
	v9 =	vmul.f32 v11, v9  }
0x198: {  	[tilespmem:s8], [sflag:$0x1] =	stream.linear.gather @!p0 [hbm4b:s7+s18], $0x400, $0x38;
	[tilespmem:$0x10700] =	vst v63  }
0x199: {  	s9 =	simm.s32 @!p0 $0x4900;
	s8 =	sadd.s32 @!p0 $0xF4280, s6;
	v8 =	vadd.f32 v9, v8  }
0x19a: {  	[tilespmem:s9], [sflag:$0x1] =	stream.linear.gather @!p0 [hbm4b:s8+s18], $0x400, $0x38;
	[tilespmem:$0x10700] =	vst v63  }
0x19b: {  	(xrf2) =	vadd.scan.msk.f32 $0xffff, v8  }
0x19c: {  	s8 =	sadd.s32 @!p0 $0xF4280, s7;
	s9 =	simm.s32 @!p0 $0xC900  }
0x19d: {  	[tilespmem:s9], [sflag:$0x1] =	stream.linear.gather @!p0 [hbm4b:s8+s18], $0x400, $0x38;
	[tilespmem:$0x10700] =	vst v63  }
0x19e: {  	s8 =	sadd.s32 @!p0 $0x1E8500, s6;
	s9 =	simm.s32 @!p0 $0x4D00  }
0x19f: {  	[tilespmem:s9], [sflag:$0x1] =	stream.linear.gather @!p0 [hbm4b:s8+s18], $0x400, $0x38;
	[tilespmem:$0x10700] =	vst v63  }
0x1a0: {  	s8 =	sadd.s32 @!p0 $0x1E8500, s7;
	s9 =	simm.s32 @!p0 $0xCD00  }
0x1a1: {  	[tilespmem:s9], [sflag:$0x1] =	stream.linear.gather @!p0 [hbm4b:s8+s18], $0x400, $0x38;
	[tilespmem:$0x10700] =	vst v63  }
0x1a2: {  	s6 =	sadd.s32 @!p0 $0x2DC780, s6;
	s8 =	simm.s32 @!p0 $0x5100  }
0x1a3: {  	[tilespmem:s8], [sflag:$0x1] =	stream.linear.gather @!p0 [hbm4b:s6+s18], $0x400, $0x38;
	[tilespmem:$0x10700] =	vst v63  }
0x1a4: {  	s6 =	sadd.s32 @!p0 $0x2DC780, s7;
	s7 =	simm.s32 @!p0 $0xD100  }
0x1a5: {  	[tilespmem:s7], [sflag:$0x1] =	stream.linear.gather @!p0 [hbm4b:s6+s18], $0x400, $0x38;
	v8, _, _ =	vpop (xrf2);
	[tilespmem:$0x10700] =	vst v63  }
0x1a6: {  	_ =	swait.ge [sflag:s21], $0x1000  }
0x1a7: {  	[sflag:s21] =	ssyncset.done $0x0  }
0x1a8: {  	[sflag:s21] =	ssyncadd.s32 $0xFFFFF000  }
0x1a9: {  	_ =	swait.ge [sflag:s21], $0x1000  }
0x1aa: {  	[sflag:s21] =	ssyncset.done $0x0  }
0x1ab: {  	[sflag:s21] =	ssyncadd.s32 $0xFFFFF000  }
0x1ac: {  	v46 =	vld [tilespmem:s26+$0x5];
	_ =	sdelay $0x1  }
0x1ad: {  	v47 =	vld [tilespmem:s26+$0x285];
	_ =	sdelay $0x2  }
0x1ae: {  	(v2sf) =	vpush v46, $0x0;
	_ =	sdelay $0x1  }
0x1af: {  	(v2sf) =	vpush v47, $0x0;
	_ =	sdelay $0x3  }
0x1b0: {  	v9 =	vld @!p0 [tilespmem:s5+$0xD]  }
0x1b1: {  	v10 =	vld @!p0 [tilespmem:s5+$0x28D];
	_ =	sdelay $0x3  }
0x1b2: {  	(v2sf) =	vpush @!p0 v9, $0x0  }
0x1b3: {  	(v2sf) =	vpush @!p0 v10, $0x0;
	_ =	sdelay $0x2  }
0x1b4: {  	s7 =	spop (v2sf)  }
0x1b5: {  	s6 =	sand.u32 $0x7F, s7  }
0x1b6: {  	s8 =	spop (v2sf);
	v48 =	vor.u32 s6, v1  }
0x1b7: {  	s7 =	sand.u32 $0x7F, s8;
	v49 =	vor.u32 s6, v2  }
0x1b8: {  	v50 =	vor.u32 s7, v1  }
0x1b9: {  	v12 =	vor.u32 s7, v2;
	_ =	sdelay $0x1  }
0x1ba: {  	v9 =	vld.idx.msk [tilespmem:v48+s13+$0x0], $0xffff  }
0x1bb: {  	v10 =	vld.idx.msk [tilespmem:v49+s13+$0x0], $0xffff  }
0x1bc: {  	v11 =	vld.idx.msk [tilespmem:v50+s16+$0x0], $0xffff  }
0x1bd: {  	v12 =	vld.idx.msk [tilespmem:v12+s16+$0x0], $0xffff  }
0x1be: {  	s6 =	spop @!p0 (v2sf)  }
0x1bf: {  	s6 =	sand.u32 @!p0 $0xFFFFF80, s6;
	s7 =	spop @!p0 (v2sf)  }
0x1c0: {  	s8 =	simm.s32 @!p0 $0x5500;
	s6 =	sadd.s32 @!p0 s1, s6;
	s7 =	sand.u32 @!p0 $0xFFFFF80, s7  }
0x1c1: {  	[tilespmem:s8], [sflag:$0x1] =	stream.linear.gather @!p0 [hbm4b:s6+s18], $0x400, $0x38;
	[tilespmem:$0x10700] =	vst v63  }
0x1c2: {  	s7 =	sadd.s32 @!p0 s2, s7;
	s8 =	simm.s32 @!p0 $0xD500;
	v9 =	vmul.f32 v11, v9;
	v10 =	vmul.f32 v12, v10  }
0x1c3: {  	[tilespmem:s8], [sflag:$0x1] =	stream.linear.gather @!p0 [hbm4b:s7+s18], $0x400, $0x38;
	[tilespmem:$0x10700] =	vst v63  }
0x1c4: {  	s9 =	simm.s32 @!p0 $0x5900;
	s8 =	sadd.s32 @!p0 $0xF4280, s6;
	v9 =	vadd.f32 v10, v9  }
0x1c5: {  	[tilespmem:s9], [sflag:$0x1] =	stream.linear.gather @!p0 [hbm4b:s8+s18], $0x400, $0x38;
	[tilespmem:$0x10700] =	vst v63  }
0x1c6: {  	(xrf2) =	vadd.scan.msk.f32 $0xffff, v9  }
0x1c7: {  	s8 =	sadd.s32 @!p0 $0xF4280, s7;
	s9 =	simm.s32 @!p0 $0xD900  }
0x1c8: {  	[tilespmem:s9], [sflag:$0x1] =	stream.linear.gather @!p0 [hbm4b:s8+s18], $0x400, $0x38;
	[tilespmem:$0x10700] =	vst v63  }
0x1c9: {  	s8 =	sadd.s32 @!p0 $0x1E8500, s6;
	s9 =	simm.s32 @!p0 $0x5D00  }
0x1ca: {  	[tilespmem:s9], [sflag:$0x1] =	stream.linear.gather @!p0 [hbm4b:s8+s18], $0x400, $0x38;
	[tilespmem:$0x10700] =	vst v63  }
0x1cb: {  	s8 =	sadd.s32 @!p0 $0x1E8500, s7;
	s9 =	simm.s32 @!p0 $0xDD00  }
0x1cc: {  	[tilespmem:s9], [sflag:$0x1] =	stream.linear.gather @!p0 [hbm4b:s8+s18], $0x400, $0x38;
	[tilespmem:$0x10700] =	vst v63  }
0x1cd: {  	s6 =	sadd.s32 @!p0 $0x2DC780, s6;
	s8 =	simm.s32 @!p0 $0x6100  }
0x1ce: {  	[tilespmem:s8], [sflag:$0x1] =	stream.linear.gather @!p0 [hbm4b:s6+s18], $0x400, $0x38;
	[tilespmem:$0x10700] =	vst v63  }
0x1cf: {  	s6 =	sadd.s32 @!p0 $0x2DC780, s7;
	s7 =	simm.s32 @!p0 $0xE100  }
0x1d0: {  	[tilespmem:s7], [sflag:$0x1] =	stream.linear.gather @!p0 [hbm4b:s6+s18], $0x400, $0x38;
	v9, _, _ =	vpop (xrf2);
	[tilespmem:$0x10700] =	vst v63  }
0x1d1: {  	_ =	swait.ge [sflag:s21], $0x1000  }
0x1d2: {  	[sflag:s21] =	ssyncset.done $0x0  }
0x1d3: {  	[sflag:s21] =	ssyncadd.s32 $0xFFFFF000  }
0x1d4: {  	_ =	swait.ge [sflag:s21], $0x1000  }
0x1d5: {  	[sflag:s21] =	ssyncset.done $0x0  }
0x1d6: {  	[sflag:s21] =	ssyncadd.s32 $0xFFFFF000  }
0x1d7: {  	v51 =	vld [tilespmem:s26+$0x6];
	_ =	sdelay $0x1  }
0x1d8: {  	v52 =	vld [tilespmem:s26+$0x286];
	_ =	sdelay $0x2  }
0x1d9: {  	(v2sf) =	vpush v51, $0x0;
	_ =	sdelay $0x1  }
0x1da: {  	(v2sf) =	vpush v52, $0x0;
	_ =	sdelay $0x3  }
0x1db: {  	v10 =	vld @!p0 [tilespmem:s5+$0xE]  }
0x1dc: {  	v11 =	vld @!p0 [tilespmem:s5+$0x28E];
	_ =	sdelay $0x3  }
0x1dd: {  	(v2sf) =	vpush @!p0 v10, $0x0  }
0x1de: {  	(v2sf) =	vpush @!p0 v11, $0x0;
	_ =	sdelay $0x2  }
0x1df: {  	s9 =	spop (v2sf)  }
0x1e0: {  	s6 =	sand.u32 $0x7F, s9  }
0x1e1: {  	s0 =	spop (v2sf);
	v53 =	vor.u32 s6, v1  }
0x1e2: {  	s7 =	sand.u32 $0x7F, s0;
	v54 =	vor.u32 s6, v2  }
0x1e3: {  	v55 =	vor.u32 s7, v1  }
0x1e4: {  	v13 =	vor.u32 s7, v2;
	_ =	sdelay $0x1  }
0x1e5: {  	v10 =	vld.idx.msk [tilespmem:v53+s30+$0x0], $0xffff  }
0x1e6: {  	v11 =	vld.idx.msk [tilespmem:v54+s30+$0x0], $0xffff  }
0x1e7: {  	v12 =	vld.idx.msk [tilespmem:v55+s31+$0x0], $0xffff  }
0x1e8: {  	v13 =	vld.idx.msk [tilespmem:v13+s31+$0x0], $0xffff  }
0x1e9: {  	s6 =	spop @!p0 (v2sf)  }
0x1ea: {  	s6 =	sand.u32 @!p0 $0xFFFFF80, s6;
	s7 =	spop @!p0 (v2sf)  }
0x1eb: {  	s8 =	simm.s32 @!p0 $0x6500;
	s6 =	sadd.s32 @!p0 s1, s6;
	s7 =	sand.u32 @!p0 $0xFFFFF80, s7  }
0x1ec: {  	[tilespmem:s8], [sflag:$0x1] =	stream.linear.gather @!p0 [hbm4b:s6+s18], $0x400, $0x38;
	[tilespmem:$0x10700] =	vst v63  }
0x1ed: {  	s7 =	sadd.s32 @!p0 s2, s7;
	s8 =	simm.s32 @!p0 $0xE500;
	v10 =	vmul.f32 v12, v10;
	v11 =	vmul.f32 v13, v11  }
0x1ee: {  	[tilespmem:s8], [sflag:$0x1] =	stream.linear.gather @!p0 [hbm4b:s7+s18], $0x400, $0x38;
	[tilespmem:$0x10700] =	vst v63  }
0x1ef: {  	s9 =	simm.s32 @!p0 $0x6900;
	s8 =	sadd.s32 @!p0 $0xF4280, s6;
	v10 =	vadd.f32 v11, v10  }
0x1f0: {  	[tilespmem:s9], [sflag:$0x1] =	stream.linear.gather @!p0 [hbm4b:s8+s18], $0x400, $0x38;
	[tilespmem:$0x10700] =	vst v63  }
0x1f1: {  	(xrf2) =	vadd.scan.msk.f32 $0xffff, v10  }
0x1f2: {  	s8 =	sadd.s32 @!p0 $0xF4280, s7;
	s9 =	simm.s32 @!p0 $0xE900  }
0x1f3: {  	[tilespmem:s9], [sflag:$0x1] =	stream.linear.gather @!p0 [hbm4b:s8+s18], $0x400, $0x38;
	[tilespmem:$0x10700] =	vst v63  }
0x1f4: {  	s8 =	sadd.s32 @!p0 $0x1E8500, s6;
	s9 =	simm.s32 @!p0 $0x6D00  }
0x1f5: {  	[tilespmem:s9], [sflag:$0x1] =	stream.linear.gather @!p0 [hbm4b:s8+s18], $0x400, $0x38;
	[tilespmem:$0x10700] =	vst v63  }
0x1f6: {  	s8 =	sadd.s32 @!p0 $0x1E8500, s7;
	s9 =	simm.s32 @!p0 $0xED00  }
0x1f7: {  	[tilespmem:s9], [sflag:$0x1] =	stream.linear.gather @!p0 [hbm4b:s8+s18], $0x400, $0x38;
	[tilespmem:$0x10700] =	vst v63  }
0x1f8: {  	s6 =	sadd.s32 @!p0 $0x2DC780, s6;
	s8 =	simm.s32 @!p0 $0x7100  }
0x1f9: {  	[tilespmem:s8], [sflag:$0x1] =	stream.linear.gather @!p0 [hbm4b:s6+s18], $0x400, $0x38;
	[tilespmem:$0x10700] =	vst v63  }
0x1fa: {  	s6 =	sadd.s32 @!p0 $0x2DC780, s7;
	s7 =	simm.s32 @!p0 $0xF100  }
0x1fb: {  	[tilespmem:s7], [sflag:$0x1] =	stream.linear.gather @!p0 [hbm4b:s6+s18], $0x400, $0x38;
	v10, _, _ =	vpop (xrf2);
	[tilespmem:$0x10700] =	vst v63  }
0x1fc: {  	_ =	swait.ge [sflag:s21], $0x1000  }
0x1fd: {  	[sflag:s21] =	ssyncset.done $0x0  }
0x1fe: {  	[sflag:s21] =	ssyncadd.s32 $0xFFFFF000  }
0x1ff: {  	_ =	swait.ge [sflag:s21], $0x1000  }
0x200: {  	[sflag:s21] =	ssyncset.done $0x0  }
0x201: {  	[sflag:s21] =	ssyncadd.s32 $0xFFFFF000  }
0x202: {  	v56 =	vld [tilespmem:s26+$0x7];
	_ =	sdelay $0x1  }
0x203: {  	v57 =	vld [tilespmem:s26+$0x287];
	_ =	sdelay $0x2  }
0x204: {  	(v2sf) =	vpush v56, $0x0;
	_ =	sdelay $0x1  }
0x205: {  	(v2sf) =	vpush v57, $0x0;
	_ =	sdelay $0x3  }
0x206: {  	v11 =	vld @!p0 [tilespmem:s5+$0xF]  }
0x207: {  	v12 =	vld @!p0 [tilespmem:s5+$0x28F];
	_ =	sdelay $0x3  }
0x208: {  	(v2sf) =	vpush @!p0 v11, $0x0  }
0x209: {  	(v2sf) =	vpush @!p0 v12, $0x0;
	_ =	sdelay $0x2  }
0x20a: {  	s7 =	spop (v2sf)  }
0x20b: {  	s5 =	sand.u32 $0x7F, s7  }
0x20c: {  	s8 =	spop (v2sf);
	v58 =	vor.u32 s5, v1  }
0x20d: {  	s6 =	sand.u32 $0x7F, s8;
	v59 =	vor.u32 s5, v2  }
0x20e: {  	v60 =	vor.u32 s6, v1  }
0x20f: {  	v14 =	vor.u32 s6, v2;
	_ =	sdelay $0x1  }
0x210: {  	v11 =	vld.idx.msk [tilespmem:v58+s22+$0x0], $0xffff  }
0x211: {  	v12 =	vld.idx.msk [tilespmem:v59+s22+$0x0], $0xffff  }
0x212: {  	v13 =	vld.idx.msk [tilespmem:v60+s23+$0x0], $0xffff  }
0x213: {  	v4 =	vbroadcast v4, $0xF;
	s0 =	sadd.s32 $0xFFFFFFFC, s3;
	s9 =	sadd.s32 $0xFFFFFFFA, s3;
	v14 =	vld.idx.msk [tilespmem:v14+s23+$0x0], $0xffff  }
0x214: {  	s26 =	sadd.s32 $0xFFFFFFFB, s3;
	s5 =	sand.u32 $0x8, s9;
	s6 =	spop @!p0 (v2sf)  }
0x215: {  	v4 =	vadd.f32 v4, v3;
	s7 =	sand.u32 $0x9, s26;
	v15 =	vmov s5;
	s6 =	sand.u32 @!p0 $0xFFFFF80, s6;
	s8 =	spop @!p0 (v2sf)  }
0x216: {  	v5 =	vbroadcast v5, $0xF;
	s9 =	simm.s32 @!p0 $0x7500;
	vm0 =	veq.s32 v15, v0;
	s6 =	sadd.s32 @!p0 s1, s6;
	s8 =	sand.u32 @!p0 $0xFFFFF80, s8  }
0x217: {  	v62 =	vmov s7;
	v3 =	vsel vm0, v4, v3;
	[tilespmem:s9], [sflag:$0x1] =	stream.linear.gather @!p0 [hbm4b:s6+s18], $0x400, $0x38;
	[tilespmem:$0x10700] =	vst v63  }
0x218: {  	s7 =	sand.u32 $0xA, s0;
	v5 =	vadd.f32 v5, v3;
	s8 =	sadd.s32 @!p0 s2, s8;
	s9 =	simm.s32 @!p0 $0xF500;
	v4 =	vmul.f32 v13, v11;
	v61 =	vmul.f32 v14, v12  }
0x219: {  	v6 =	vbroadcast v6, $0xF;
	vm9 =	veq.s32 v62, v0;
	[tilespmem:s9], [sflag:$0x1] =	stream.linear.gather @!p0 [hbm4b:s8+s18], $0x400, $0x38;
	[tilespmem:$0x10700] =	vst v63  }
0x21a: {  	s0 =	simm.s32 @!p0 $0x7900;
	s26 =	sadd.s32 @!p0 $0xF4280, s6;
	v3 =	vsel vm9, v5, v3;
	s9 =	sadd.s32 $0xFFFFFFFD, s3;
	v4 =	vadd.f32 v61, v4  }
0x21b: {  	v5 =	vmov s7;
	v6 =	vadd.f32 v6, v3;
	[tilespmem:s0], [sflag:$0x1] =	stream.linear.gather @!p0 [hbm4b:s26+s18], $0x400, $0x38;
	[tilespmem:$0x10700] =	vst v63  }
0x21c: {  	s7 =	sadd.s32 @!p0 $0xF4280, s8;
	vm10 =	veq.s32 v5, v0;
	s26 =	sand.u32 $0xB, s9;
	s9 =	simm.s32 @!p0 $0xF900;
	(xrf2) =	vadd.scan.msk.f32 $0xffff, v4;
	v4 =	vbroadcast v7, $0xF  }
0x21d: {  	v3 =	vsel vm10, v6, v3;
	[tilespmem:s9], [sflag:$0x1] =	stream.linear.gather @!p0 [hbm4b:s7+s18], $0x400, $0x38;
	[tilespmem:$0x10700] =	vst v63  }
0x21e: {  	v5 =	vmov s26;
	s26 =	sadd.s32 $0xFFFFFFFE, s3;
	s7 =	sadd.s32 @!p0 $0x1E8500, s6;
	s9 =	simm.s32 @!p0 $0x7D00;
	v4 =	vadd.f32 v4, v3  }
0x21f: {  	vm11 =	veq.s32 v5, v0;
	v5 =	vbroadcast v8, $0xF;
	[tilespmem:s9], [sflag:$0x1] =	stream.linear.gather @!p0 [hbm4b:s7+s18], $0x400, $0x38;
	[tilespmem:$0x10700] =	vst v63  }
0x220: {  	s0 =	sand.u32 $0xC, s26;
	s7 =	sadd.s32 @!p0 $0x1E8500, s8;
	s9 =	simm.s32 @!p0 $0xFD00;
	v3 =	vsel vm11, v4, v3  }
0x221: {  	[tilespmem:s9], [sflag:$0x1] =	stream.linear.gather @!p0 [hbm4b:s7+s18], $0x400, $0x38;
	v4 =	vmov s0;
	v5 =	vadd.f32 v5, v3;
	[tilespmem:$0x10700] =	vst v63  }
0x222: {  	s7 =	sadd.s32 $0xFFFFFFFF, s3;
	vm12 =	veq.s32 v4, v0;
	v4 =	vbroadcast v9, $0xF  }
0x223: {  	s0 =	sand.u32 $0xD, s7;
	v3 =	vsel vm12, v5, v3  }
0x224: {  	v5 =	vmov s0;
	v4 =	vadd.f32 v4, v3  }
0x225: {  	s26 =	sor.u32 $0x7, s5;
	s5 =	sand.u32 @!p0 $0x1, s17;
	vm13 =	veq.s32 v5, v0;
	v5 =	vbroadcast v10, $0xF  }
0x226: {  	s9 =	sand.u32 $0xE, s3;
	s0 =	sadd.s32 @!p0 $0x2DC780, s6;
	s6 =	simm.s32 @!p0 $0x8100;
	v3 =	vsel vm13, v4, v3  }
0x227: {  	[tilespmem:s6], [sflag:$0x1] =	stream.linear.gather @!p0 [hbm4b:s0+s18], $0x400, $0x38;
	v4 =	vmov s9;
	v63, _, _ =	vpop (xrf2);
	v5 =	vadd.f32 v5, v3;
	[tilespmem:$0x10700] =	vst v63  }
0x228: {  	p1 =	seq.s32 @!p0 s5, $0x0;
	s0 =	sadd.s32 @!p0 $0x2DC780, s8;
	s6 =	simm.s32 @!p0 $0x10100;
	vm14 =	veq.s32 v4, v0;
	v4 =	vbroadcast v63, $0xF  }
0x229: {  	[tilespmem:s6], [sflag:$0x1] =	stream.linear.gather @!p0 [hbm4b:s0+s18], $0x400, $0x38;
	v3 =	vsel vm14, v5, v3;
	[tilespmem:$0x10700] =	vst v63  }
0x22a: {  	p0 =	por p0, !p1;
	v5 =	vmov s26;
	v4 =	vadd.f32 v4, v3  }
0x22b: {  	s0 =	sand.u32 @p0 $0x7C0, s10;
	vm15 =	veq.s32 v5, v0  }
0x22c: {  	s3 =	sadd.s32 $0x8, s3;
	s0 =	sshrl.u32 @p0 s0, $0x2;
	v3 =	vsel vm15, v4, v3  }
0x22d: {  	[tilespmem:s0+$0x10500] =	vst @p0 v3;
	v3 =	vimm.f32 @p0 $0.0e+00;
	p0 =	sne.s32 s3, $0x206  }
.Ltmp0:
0x22e: {  	_ = 	snop;
	(pc) =	sbr.rel @p0 .LBB2_2-.Ltmp0, $2  }
0x22f: {  	_ =	sdelay $0x2  }
0x230: {  	s17 =	sadd.s32 $0x1, s17;
	s10 =	sadd.s32 $0x20, s10  }
0x231: {  	s0 =	rddreg [dreg:$0x8];
	s3 =	simm.s32 $0x10500  }
0x232: {  	[hbm4b:s0+s4] =	stream.linear.scatter [tilespmem:s3], [sflag:$0x2], $0x200, $0x38;
	[tilespmem:$0x10700] =	vst v63  }
0x233: {  	s3 =	simm.s32 $0x2  }
0x234: {  	_ =	swait.ge [sflag:s3], $0x200  }
0x235: {  	s5 =	rddreg [dreg:$0xa]  }
0x236: {  	s26 =	rddreg [dreg:$0x9];
	s5 =	sadd.s32 $0x1, s5  }
0x237: {  	p0 =	sne.s32 s5, s26  }
.Ltmp1:
0x238: {  	_ = 	snop;
	(pc) =	sbr.rel @p0 .LBB2_1-.Ltmp1, $3  }
0x239: {  	_ =	sdelay $0x1  }
0x23a: {  	[sflag:s3] =	ssyncset.done $0x0  }
0x23b: {  	[sflag:s3] =	ssyncadd.s32 $0xFFFFFE00  }
0x23c: {  	_ =	sfence.sel $0x180000  }
0x23d: {  	[bflag:$0x0] =	sbarrier.arrive $0xFFFF  }
0x23e: {  	_ =	strace $0x90000047  }
0x23f: {  	s0 =	stileid.u32;
	[bflag:$0x2] =	sbarrier.arrive $0xFFFF  }
0x240: {  	p0 =	sne.s32 s0, $0x0;
	s0 =	rddreg [dreg:$0x5]  }
0x241: {  	s0 =	sadd.s32 @!p0 $0x100000, s0  }
0x242: {  	[sflag:s0] =	ssyncadd.tile.s32 @!p0 $0x1;
	_ =	shalt  }
.Lfunc_end2:
_tile_overlayer_lowered:
.L_overlay_start_2:
0x243: {  	(tag) =	ssettag $0x2  }
0x244: {  	s0 =	rddreg [dreg:$0x0];
	s2 =	stileid.u32  }
0x245: {  	s1 =	rddreg [dreg:$0x1];
	p0 =	sne.s32 s2, $0x0  }
0x246: {  	s3 =	rddreg [dreg:$0x2];
	[bflag:$0x3] =	sbarrier.arrive $0xFFFF;
	s2 =	simm.s32 @!p0 $0x1C02  }
0x247: {  	[timem:s3], [sflag:s2] =	dma.local @!p0 [hbm:s0], s1  }
0x248: {  	s0 =	simm.s32 @!p0 $0x2  }
0x249: {  	_ =	swait.ge @!p0 [sflag:s0], s1  }
0x24a: {  	s1 =	ssub.s32 @!p0 $0x0, s1;
	[sflag:s0] =	ssyncset.done @!p0 $0x0  }
0x24b: {  	[sflag:s0] =	ssyncadd.s32 @!p0 s1  }
0x24c: {  	[bflag:$0x3] =	sbarrier.arrive $0xFFFF  }
0x24d: {  	_ =	shalt  }

// kernel: kernel.7.cloned.1.call-start
scs
__scs_entry_jumppad:
0x0: {  	(pc) =	sbr.rel $0x88, $3  }
0x1: {  	(tag) =	ssettag $0x0;
	lr =	simm.s32 $0x1  }
0x2: {  	[smem:$0x3F9B] =	sst lr;
	_ =	strace $0xD0000000  }
0x3: {  	_ = 	snop  }
0x4: {  	_ = 	snop  }
0x5: {  	_ = 	snop  }
0x6: {  	_ = 	snop  }
0x7: {  	_ = 	snop  }
__scs_overlays_trampoline_lowered:
0x8: {  	[smem:$0x3FAA] =	sst s0  }
0x9: {  	[smem:$0x3FAB] =	sst s1  }
0xa: {  	[smem:$0x3FAC] =	sst s2  }
0xb: {  	[smem:$0x3FAD] =	sst s3  }
0xc: {  	[smem:$0x3FAE] =	sst s4  }
0xd: {  	[smem:$0x3FAF] =	sst s5  }
0xe: {  	[smem:$0x3FB0] =	sst s6  }
0xf: {  	[smem:$0x3FB1] =	sst s7  }
0x10: {  	[smem:$0x3FB2] =	sst s8  }
0x11: {  	[smem:$0x3FB3] =	sst s9;
	s0 =	simm.s32 @!p0 $0x0  }
0x12: {  	s1 =	sld [smem:$0x3F99];
	s0 =	simm.s32 @p0 $0x1  }
0x13: {  	[smem:$0x3FB4] =	sst s0;
	s0 =	simm.s32 @!p1 $0x0  }
0x14: {  	s2 =	sld [smem:$0x3F98];
	s0 =	simm.s32 @p1 $0x1  }
0x15: {  	[smem:$0x3FB5] =	sst s0;
	s0 =	simm.s32 @!p2 $0x0  }
0x16: {  	s3 =	sld [smem:$0x3FDB];
	s0 =	simm.s32 @p2 $0x1  }
0x17: {  	s4 =	simm.s32 $0x1BF5;
	[smem:$0x3FB7] =	sst s0  }
0x18: {  	s0 =	sld [smem:$0x3F9A];
	_ =	swait.ge [sflag:s4], $0x0  }
0x19: {  	s7 =	sld [smem:$0x3F9B]  }
0x1a: {  	s8 =	sadd.s32 $0xFFFFE003, lr  }
0x1b: {  	s9 =	sadd.s32 $0xFFFFFEF7, lr;
	s5 =	simm.s32 $0xFFFFFFFF;
	p2 =	slt.u32 s8, $0xFFFFF086  }
0x1c: {  	p1 =	slt.u32 s9, $0xF7A;
	s5 =	simm.s32 @!p2 $0x0  }
0x1d: {  	s5 =	simm.s32 @p1 $0x1;
	p0 =	seq.s32 s7, s2  }
0x1e: {  	s7 =	smul.u32 @!p0 $0xF7A, s2;
	p2 =	seq.s32 @!p0 s5, $0x0  }
0x1f: {  	s9 =	smul.u32 $0xF7A, s1;
	s8 =	simm.s32 @!p0 $0x1BF5;
	p2 =	por !p2, p0  }
0x20: {  	[sflag:s8] =	ssyncset.s32 @!p0 $0xFFFFF086;
	s6 =	sadd.s32 @!p0 s3, s7;
	s7 =	simm.s32 @!p0 $0x108  }
0x21: {  	s3 =	sadd.s32 s3, s9;
	s6 =	sadd.s32 @!p0 $0x88, s6;
	s7 =	simm.s32 @p2 $0x1082  }
0x22: {  	[simem:s7], [sflag:s8] =	dma.local @!p0 [hbm:s6], $0xF7A  }
0x23: {  	s9 =	sor.u32 $0xD0000000, s2;
	s6 =	simm.s32 $0x108;
	_ =	swait.ge @!p0 [sflag:s8], $0x0  }
0x24: {  	s3 =	sadd.s32 $0x88, s3;
	s6 =	simm.s32 @!p1 $0x1082;
	[sflag:s4] =	ssyncset.s32 $0xFFFFF086  }
0x25: {  	[simem:s6], [sflag:s4] =	dma.local [hbm:s3], $0xF7A  }
0x26: {  	[smem:$0x3F9B] =	sst s1;
	(tag) =	ssettag s2;
	_ =	strace s9  }
0x27: {  	s1 =	sld [smem:$0x3FAB]  }
0x28: {  	s2 =	sld [smem:$0x3FAC]  }
0x29: {  	s4 =	sld [smem:$0x3FAE]  }
0x2a: {  	p0 =	seq.s32 s5, $0x0;
	s5 =	sld [smem:$0x3FAF]  }
0x2b: {  	s6 =	sld [smem:$0x3FB0]  }
0x2c: {  	s7 =	sld [smem:$0x3FB1]  }
0x2d: {  	s3 =	simm.s32 $0x108;
	s8 =	sld [smem:$0x3FB2]  }
0x2e: {  	s3 =	simm.s32 @!p0 $0x1082;
	s9 =	sld [smem:$0x3FB3]  }
0x2f: {  	lr =	sadd.s32 s0, s3;
	s0 =	sld [smem:$0x3FAA]  }
0x30: {  	s3 =	sld [smem:$0x3FAD]  }
0x31: {  	[smem:$0x3FB6] =	sst s10  }
0x32: {  	s10 =	sld [smem:$0x3FB4];
	_ =	sdelay $0x3  }
0x33: {  	p0 =	seq.s32 s10, $0x1;
	s10 =	sld [smem:$0x3FB6];
	_ =	sdelay $0x3  }
0x34: {  	[smem:$0x3FB6] =	sst s10  }
0x35: {  	s10 =	sld [smem:$0x3FB5];
	_ =	sdelay $0x3  }
0x36: {  	p1 =	seq.s32 s10, $0x1;
	s10 =	sld [smem:$0x3FB6];
	_ =	sdelay $0x3  }
0x37: {  	[smem:$0x3FB6] =	sst s10  }
0x38: {  	s10 =	sld [smem:$0x3FB7]  }
0x39: {  	_ = 	snop;
	(pc) =	sbr.ind lr, $3  }
0x3a: {  	_ = 	snop  }
0x3b: {  	_ = 	snop  }
0x3c: {  	p2 =	seq.s32 s10, $0x1;
	s10 =	sld [smem:$0x3FB6]  }
0x3d: {  	_ =	shalt  }
0x3e: {  	_ =	shalt  }
0x3f: {  	_ =	shalt  }
0x40: {  	_ =	shalt  }
0x41: {  	_ =	shalt  }
0x42: {  	_ =	shalt  }
0x43: {  	_ =	shalt  }
0x44: {  	_ =	shalt  }
0x45: {  	_ =	shalt  }
0x46: {  	_ =	shalt  }
0x47: {  	_ =	shalt  }
0x48: {  	_ =	shalt  }
0x49: {  	_ =	shalt  }
0x4a: {  	_ =	shalt  }
0x4b: {  	_ =	shalt  }
0x4c: {  	_ =	shalt  }
0x4d: {  	_ =	shalt  }
0x4e: {  	_ =	shalt  }
0x4f: {  	_ =	shalt  }
0x50: {  	_ =	shalt  }
0x51: {  	_ =	shalt  }
0x52: {  	_ =	shalt  }
0x53: {  	_ =	shalt  }
0x54: {  	_ =	shalt  }
0x55: {  	_ =	shalt  }
0x56: {  	_ =	shalt  }
0x57: {  	_ =	shalt  }
0x58: {  	_ =	shalt  }
0x59: {  	_ =	shalt  }
0x5a: {  	_ =	shalt  }
0x5b: {  	_ =	shalt  }
0x5c: {  	_ =	shalt  }
0x5d: {  	_ =	shalt  }
0x5e: {  	_ =	shalt  }
0x5f: {  	_ =	shalt  }
0x60: {  	_ =	shalt  }
0x61: {  	_ =	shalt  }
0x62: {  	_ =	shalt  }
0x63: {  	_ =	shalt  }
0x64: {  	_ =	shalt  }
0x65: {  	_ =	shalt  }
0x66: {  	_ =	shalt  }
0x67: {  	_ =	shalt  }
0x68: {  	_ =	shalt  }
0x69: {  	_ =	shalt  }
0x6a: {  	_ =	shalt  }
0x6b: {  	_ =	shalt  }
0x6c: {  	_ =	shalt  }
0x6d: {  	_ =	shalt  }
0x6e: {  	_ =	shalt  }
0x6f: {  	_ =	shalt  }
0x70: {  	_ =	shalt  }
0x71: {  	_ =	shalt  }
0x72: {  	_ =	shalt  }
0x73: {  	_ =	shalt  }
0x74: {  	_ =	shalt  }
0x75: {  	_ =	shalt  }
0x76: {  	_ =	shalt  }
0x77: {  	_ =	shalt  }
0x78: {  	_ =	shalt  }
0x79: {  	_ =	shalt  }
0x7a: {  	_ =	shalt  }
0x7b: {  	_ =	shalt  }
0x7c: {  	_ =	shalt  }
0x7d: {  	_ =	shalt  }
0x7e: {  	_ =	shalt  }
0x7f: {  	_ =	shalt  }
0x80: {  	_ =	shalt  }
0x81: {  	_ =	shalt  }
0x82: {  	_ =	shalt  }
0x83: {  	_ =	shalt  }
0x84: {  	_ =	shalt  }
0x85: {  	_ =	shalt  }
0x86: {  	_ =	shalt  }
0x87: {  	_ =	shalt  }
.Lfunc_end0:
.L_simem_size_0:
called_computation.1_lowered:
.L_overlay_start_0:
0x88: {  	s2 =	sld [smem:$0x3FD9]  }
0x89: {  	s3 =	sld [smem:$0x3FFE];
	_ =	sdelay $0x1  }
0x8a: {  	s1 =	srdreg.scid  }
0x8b: {  	s0 =	sand.u32 $0x1, s1  }
0x8c: {  	s17 =	sshll.u32 s0, $0xA;
	s2 =	sadd.s32 s3, s2  }
0x8d: {  	s2 =	sadd.s32 s2, s17  }
0x8e: {  	[smem:$0x3FC2] =	sst s2  }
0x8f: {  	_ = 	snop  }
0x90: {  	s2 =	sld [smem:$0x3FC9]  }
0x91: {  	s18 =	sld [smem:$0x3FC8]  }
0x92: {  	s4 =	sld [smem:$0x3FD0];
	(tm) =	ssettm $0x1  }
0x93: {  	s5 =	sld [smem:$0x3FFB];
	_ =	sdelay $0x3  }
0x94: {  	_ =	strace s5  }
0x95: {  	s5 =	sld [smem:$0x3FFC];
	_ =	sdelay $0x3  }
0x96: {  	_ =	strace s5  }
0x97: {  	s5 =	sld [smem:$0x3FFD];
	_ =	sdelay $0x3  }
0x98: {  	_ =	strace s5  }
0x99: {  	_ =	strace $0x8FFFFFFF  }
0x9a: {  	s19 =	sld [smem:$0x3FDB];
	_ =	sdelay $0x1  }
0x9b: {  	s6 =	simm.s32 $_scs_section_size  }
0x9c: {  	s7 =	simm.s32 $_size__tile_overlayer_lowered;
	s8 =	simm.s32 $_tile_overlayer_lowered  }
0x9d: {  	s22 =	simm.s32 $0x1BFF;
	s21 =	sshll.u32 s8, $0x1;
	s5 =	sadd.s32 s6, s19  }
0x9e: {  	s9 =	simm.s32 $0x0;
	s20 =	sshll.u32 s7, $0x1;
	s7 =	sadd.s32 s21, s5  }
0x9f: {  	[timem:s9], [sflag:s22] =	dma.local [hbm:s7], s20  }
0xa0: {  	_ =	swait.ge [sflag:s22], s20  }
0xa1: {  	s6 =	ssub.s32 $0x0, s20;
	[sflag:s22] =	ssyncset.done $0x0  }
0xa2: {  	[sflag:s22] =	ssyncadd.s32 s6;
	_ =	sdelay $0x1  }
0xa3: {  	s23 =	simm.s32 $0x1B8B  }
0xa4: {  	_ =	swait.ge [sflag:s23], $0x1  }
0xa5: {  	[sflag:s23] =	ssyncset.done $0x0  }
0xa6: {  	s25 =	simm.s32 $0x1B8E;
	s24 =	sld [smem:$0x3FFE];
	[sflag:s23] =	ssyncadd.s32 $0xFFFFFFFF  }
0xa7: {  	s26 =	simm.s32 $execute0_lowered;
	[smem:$0x3FD2] =	sst s25  }
0xa8: {  	s7 =	sshll.u32 s26, $0x1;
	_ =	strace $0x80000049;
	[dreg:$0x1] =	wrdreg $0xFFFFFFFF  }
0xa9: {  	s28 =	simm.s32 $_size_execute0_lowered;
	s5 =	sadd.s32 s5, s7;
	[dreg:$0x0] =	wrdreg $0x0  }
0xaa: {  	s7 =	sshll.u32 s28, $0x1;
	[dreg:$0x2] =	wrdreg s5  }
0xab: {  	[dreg:$0x3] =	wrdreg s7  }
0xac: {  	[dreg:$0x4] =	wrdreg $0xC0  }
0xad: {  	_ =	task [dreg:s9], $0x5FFFF  }
0xae: {  	[dreg:$0x1] =	wrdreg $0xFFFFFFFF  }
0xaf: {  	[dreg:$0x0] =	wrdreg $0x60  }
0xb0: {  	[dreg:$0x2] =	wrdreg s24  }
0xb1: {  	[dreg:$0x3] =	wrdreg s2  }
0xb2: {  	[dreg:$0x4] =	wrdreg s18  }
0xb3: {  	[dreg:$0x5] =	wrdreg s4  }
0xb4: {  	[dreg:$0x6] =	wrdreg $0x9  }
0xb5: {  	_ =	task.clear_ibuf [dreg:s9], $0x7FFFF;
	_ =	strace $0x90000049  }
0xb6: {  	s29 =	simm.s32 $0x9;
	_ =	strace $0x8000004B  }
0xb7: {  	_ =	swait.ge [sflag:s29], $0x1  }
0xb8: {  	[sflag:s29] =	ssyncadd.s32 $0xFFFFFFFF  }
0xb9: {  	_ =	strace $0x9000004B  }
0xba: {  	_ =	sfence  }
0xbb: {  	s30 =	sld [smem:$0x0];
	_ =	sdelay $0x2  }
0xbc: {  	s31 =	sshll.u32 s1, $0xD;
	s1 =	sshrl.u32 s1, $0x2  }
0xbd: {  	s3 =	sand.u32 $0x4000, s31;
	s1 =	sadd.s32 s1, s30  }
0xbe: {  	s0 =	sor.u32 s3, s0;
	s1 =	sshll.u32 s1, $0x11  }
0xbf: {  	s0 =	sor.u32 s1, s0  }
0xc0: {  	s0 =	sadd.s32 $0x8F2B, s0  }
0xc1: {  	[sflag:s0] =	ssyncadd.remote.s32 $0x1  }
0xc2: {  	_ =	sfence.sel $0xFFFF  }
0xc3: {  	[dreg:$0x0] =	wrdreg $0xFFFFFFFF;
	(pc) =	sbr.abs _section_cstart, $3  }
0xc4: {  	[dreg:$0x1] =	wrdreg $0xFFFFFFFF  }
0xc5: {  	_ =	task.clear_ibuf [dreg:s9], $0x2FFFF;
	_ =	strace $0x9FFFFFFF  }
0xc6: {  	(tm) =	ssettm $0x7FFFFFFF  }
0xc7: {  	_ =	shalt  }
tec
execute0_lowered:
.L_overlay_start_1:
0x0: {  	(tag) =	ssettag $0x1  }
0x1: {  	s0 =	rddreg [dreg:$0x0]  }
0x2: {  	s1 =	rddreg [dreg:$0x1]  }
0x3: {  	s12 =	rddreg [dreg:$0x2]  }
0x4: {  	s14 =	rddreg [dreg:$0x3];
	s2 =	srdreg.scid  }
0x5: {  	s4 =	stileid.u32;
	s17 =	simm.s32 $0x200;
	s18 =	simm.s32 $0x80  }
0x6: {  	s19 =	simm.s32 $0x280;
	s20 =	simm.s32 $0x100;
	s21 =	simm.s32 $0x300  }
0x7: {  	s22 =	simm.s32 $0x180;
	s23 =	simm.s32 $0x380;
	s30 =	simm.s32 $0x900  }
0x8: {  	s31 =	simm.s32 $0x780;
	s24 =	simm.s32 $0x1;
	s25 =	simm.s32 $0x0  }
0x9: {  	s3 =	sand.u32 $0x1, s2;
	s2 =	simm.s32 $0x0;
	s4 =	sshll.u32 s4, $0x7  }
0xa: {  	s5 =	sshll.u32 s3, $0x6;
	[smem:$0x7FF] =	sst s2;
	s28 =	ssub.s32 $0x2, s3  }
0xb: {  	s3 =	sadd.s32 $0xA00, s0;
	s15 =	sor.u32 s5, s4;
	_ =	strace $0x8000004A  }
0xc: {  	s6 =	sshrl.u32 s28, $0x1;
	s4 =	sadd.s32 $0x1F400, s0;
	s13 =	sadd.s32 s15, s0  }
0xd: {  	s29 =	ssub.s32 s28, s6;
	s5 =	sadd.s32 s1, s15;
	s6 =	sadd.s32 s12, s15  }
0xe: {  	s8 =	sor.u32 $0x10, s15;
	s10 =	sor.u32 $0x20, s15;
	s16 =	sor.u32 $0x30, s15  }
0xf: {  	s14 =	sadd.s32 s14, s15;
	s0 =	simm.s32 $0x980;
	s7 =	sadd.s32 s1, s8  }
0x10: {  	s8 =	sadd.s32 s12, s8;
	s9 =	sadd.s32 s1, s10;
	s10 =	sadd.s32 s12, s10  }
0x11: {  	s11 =	sadd.s32 s1, s16;
	s12 =	sadd.s32 s12, s16;
	s13 =	sadd.s32 $0x200, s13  }
0x12: {  	s15 =	smax.u32 s29, $0x1;
	s16 =	simm.s32 $0x2;
	s1 =	simm.s32 $0x400  }
.LBB2_1:
0x13: {  	[tilespmem:s2], [sflag:$0x2] =	stream.linear.gather [hbm4b:s5+s2], $0x80, $0x38;
	[tilespmem:$0xA00] =	vst v63  }
0x14: {  	_ =	swait.ge [sflag:s16], $0x80  }
0x15: {  	[sflag:s16] =	ssyncset.done $0x0  }
0x16: {  	[sflag:s16] =	ssyncadd.s32 $0xFFFFFF80  }
0x17: {  	[tilespmem:s17], [sflag:$0x2] =	stream.linear.gather [hbm4b:s6+s2], $0x80, $0x38;
	[tilespmem:$0xA00] =	vst v63  }
0x18: {  	_ =	swait.ge [sflag:s16], $0x80  }
0x19: {  	[sflag:s16] =	ssyncset.done $0x0  }
0x1a: {  	[sflag:s16] =	ssyncadd.s32 $0xFFFFFF80  }
0x1b: {  	[tilespmem:s18], [sflag:$0x2] =	stream.linear.gather [hbm4b:s7+s2], $0x80, $0x38;
	[tilespmem:$0xA00] =	vst v63  }
0x1c: {  	_ =	swait.ge [sflag:s16], $0x80  }
0x1d: {  	[sflag:s16] =	ssyncset.done $0x0  }
0x1e: {  	[sflag:s16] =	ssyncadd.s32 $0xFFFFFF80  }
0x1f: {  	[tilespmem:s19], [sflag:$0x2] =	stream.linear.gather [hbm4b:s8+s2], $0x80, $0x38;
	[tilespmem:$0xA00] =	vst v63  }
0x20: {  	_ =	swait.ge [sflag:s16], $0x80  }
0x21: {  	[sflag:s16] =	ssyncset.done $0x0  }
0x22: {  	[sflag:s16] =	ssyncadd.s32 $0xFFFFFF80  }
0x23: {  	[tilespmem:s20], [sflag:$0x2] =	stream.linear.gather [hbm4b:s9+s2], $0x80, $0x38;
	[tilespmem:$0xA00] =	vst v63  }
0x24: {  	_ =	swait.ge [sflag:s16], $0x80  }
0x25: {  	[sflag:s16] =	ssyncset.done $0x0  }
0x26: {  	[sflag:s16] =	ssyncadd.s32 $0xFFFFFF80  }
0x27: {  	[tilespmem:s21], [sflag:$0x2] =	stream.linear.gather [hbm4b:s10+s2], $0x80, $0x38;
	[tilespmem:$0xA00] =	vst v63  }
0x28: {  	_ =	swait.ge [sflag:s16], $0x80  }
0x29: {  	[sflag:s16] =	ssyncset.done $0x0  }
0x2a: {  	[sflag:s16] =	ssyncadd.s32 $0xFFFFFF80  }
0x2b: {  	[tilespmem:s22], [sflag:$0x2] =	stream.linear.gather [hbm4b:s11+s2], $0x80, $0x38;
	[tilespmem:$0xA00] =	vst v63  }
0x2c: {  	_ =	swait.ge [sflag:s16], $0x80  }
0x2d: {  	[sflag:s16] =	ssyncset.done $0x0  }
0x2e: {  	[sflag:s16] =	ssyncadd.s32 $0xFFFFFF80  }
0x2f: {  	[tilespmem:s23], [sflag:$0x2] =	stream.linear.gather [hbm4b:s12+s2], $0x80, $0x38;
	[tilespmem:$0xA00] =	vst v63  }
0x30: {  	_ =	swait.ge [sflag:s16], $0x80  }
0x31: {  	[sflag:s16] =	ssyncset.done $0x0  }
0x32: {  	s26 =	simm.s32 $0x600;
	[sflag:s16] =	ssyncadd.s32 $0xFFFFFF80  }
0x33: {  	[tilespmem:s26], [sflag:$0x1] =	stream.indirect.gather [hbm4b:s3+s18], $0x1, s2, s18, $0xb8;
	[tilespmem:$0xA00] =	vst v63  }
0x34: {  	s29 =	simm.s32 $0x800  }
0x35: {  	[tilespmem:s29], [sflag:$0x1] =	stream.indirect.gather [hbm4b:s4+s18], $0x1, s17, s18, $0xb8;
	[tilespmem:$0xA00] =	vst v63  }
0x36: {  	s29 =	simm.s32 $0x680  }
0x37: {  	[tilespmem:s29], [sflag:$0x1] =	stream.indirect.gather [hbm4b:s3+s18], $0x1, s18, s18, $0xb8;
	[tilespmem:$0xA00] =	vst v63  }
0x38: {  	s29 =	simm.s32 $0x880  }
0x39: {  	[tilespmem:s29], [sflag:$0x1] =	stream.indirect.gather [hbm4b:s4+s18], $0x1, s19, s18, $0xb8;
	[tilespmem:$0xA00] =	vst v63  }
0x3a: {  	s29 =	simm.s32 $0x700  }
0x3b: {  	[tilespmem:s29], [sflag:$0x1] =	stream.indirect.gather [hbm4b:s3+s18], $0x1, s20, s18, $0xb8;
	[tilespmem:$0xA00] =	vst v63  }
0x3c: {  	_ = 	snop  }
0x3d: {  	[tilespmem:s30], [sflag:$0x1] =	stream.indirect.gather [hbm4b:s4+s18], $0x1, s21, s18, $0xb8;
	[tilespmem:$0xA00] =	vst v63  }
0x3e: {  	_ = 	snop  }
0x3f: {  	[tilespmem:s31], [sflag:$0x1] =	stream.indirect.gather [hbm4b:s3+s18], $0x1, s22, s18, $0xb8;
	[tilespmem:$0xA00] =	vst v63  }
0x40: {  	_ = 	snop  }
0x41: {  	[tilespmem:s0], [sflag:$0x1] =	stream.indirect.gather [hbm4b:s4+s18], $0x1, s23, s18, $0xb8;
	[tilespmem:$0xA00] =	vst v63  }
0x42: {  	_ = 	snop  }
0x43: {  	[tilespmem:s1], [sflag:$0x2] =	stream.linear.gather [hbm4b:s13+s2], $0x200, $0x38;
	[tilespmem:$0xA00] =	vst v63  }
0x44: {  	_ =	swait.ge [sflag:s16], $0x200  }
0x45: {  	[sflag:s16] =	ssyncset.done $0x0  }
0x46: {  	[sflag:s16] =	ssyncadd.s32 $0xFFFFFE00  }
0x47: {  	_ =	swait.ge [sflag:s24], $0x200  }
0x48: {  	[sflag:s24] =	ssyncset.done $0x0  }
0x49: {  	[sflag:s24] =	ssyncadd.s32 $0xFFFFFE00  }
0x4a: {  	_ =	swait.ge [sflag:s24], $0x200  }
0x4b: {  	[sflag:s24] =	ssyncset.done $0x0  }
0x4c: {  	s26 =	simm.s32 $0x0;
	[sflag:s24] =	ssyncadd.s32 $0xFFFFFE00  }
0x4d: {  	s28 =	simm.s32 $0x40;
	v0 =	vld [tilespmem:s26+$0x600]  }
.LBB2_2:
0x4e: {  	p0 =	sne.s32 s28, $0x7C0;
	v1 =	vld [tilespmem:s26+$0x400];
	_ =	sdelay $0x1  }
0x4f: {  	v2 =	vld [tilespmem:s26+$0x800];
	_ =	sdelay $0x2  }
.Ltmp0:
0x50: {  	v0 =	vadd.f32 v0, v1;
	(pc) =	sbr.rel @p0 .LBB2_2-.Ltmp0, $4  }
0x51: {  	_ = 	snop  }
0x52: {  	v1 =	vadd.f32 v2, v0  }
0x53: {  	s29 =	sshra.s32 s28, $0x2  }
0x54: {  	s28 =	sadd.s32 $0x40, s28;
	v0 =	vld [tilespmem:s29+$0x600];
	[tilespmem:s26+$0x400] =	vst v1;
	s26 =	smov.u32 s29  }
0x55: {  	v1 =	vld [tilespmem:s26+$0x400];
	_ =	sdelay $0x1  }
0x56: {  	v2 =	vld [tilespmem:s26+$0x800];
	_ =	sdelay $0x2  }
0x57: {  	v0 =	vadd.f32 v0, v1;
	_ =	sdelay $0x1  }
0x58: {  	s25 =	sadd.s32 $0x1, s25;
	v0 =	vadd.f32 v2, v0  }
0x59: {  	p0 =	sne.s32 s25, s15  }
.Ltmp1:
0x5a: {  	[tilespmem:s26+$0x400] =	vst v0;
	(pc) =	sbr.rel @p0 .LBB2_1-.Ltmp1, $4  }
0x5b: {  	[hbm4b:s14+s2] =	stream.linear.scatter [tilespmem:s1], [sflag:$0x2], $0x200, $0x38;
	[tilespmem:$0xA00] =	vst v63  }
0x5c: {  	_ =	swait.ge [sflag:s16], $0x200  }
0x5d: {  	[sflag:s16] =	ssyncset.done $0x0  }
0x5e: {  	[sflag:s16] =	ssyncadd.s32 $0xFFFFFE00  }
0x5f: {  	_ =	sfence.sel $0x180000  }
0x60: {  	[bflag:$0x0] =	sbarrier.arrive $0xFFFF  }
0x61: {  	_ =	strace $0x9000004A  }
0x62: {  	s0 =	stileid.u32;
	[bflag:$0x2] =	sbarrier.arrive $0xFFFF  }
0x63: {  	p0 =	sne.s32 s0, $0x0;
	s0 =	rddreg [dreg:$0x4]  }
0x64: {  	s0 =	sadd.s32 @!p0 $0x100000, s0  }
0x65: {  	[sflag:s0] =	ssyncadd.tile.s32 @!p0 $0x1;
	_ =	shalt  }
.Lfunc_end2:
_tile_overlayer_lowered:
.L_overlay_start_2:
0x66: {  	(tag) =	ssettag $0x2  }
0x67: {  	s0 =	rddreg [dreg:$0x0];
	s2 =	stileid.u32  }
0x68: {  	s1 =	rddreg [dreg:$0x1];
	p0 =	sne.s32 s2, $0x0  }
0x69: {  	s3 =	rddreg [dreg:$0x2];
	[bflag:$0x3] =	sbarrier.arrive $0xFFFF;
	s2 =	simm.s32 @!p0 $0x1C02  }
0x6a: {  	[timem:s3], [sflag:s2] =	dma.local @!p0 [hbm:s0], s1  }
0x6b: {  	s0 =	simm.s32 @!p0 $0x2  }
0x6c: {  	_ =	swait.ge @!p0 [sflag:s0], s1  }
0x6d: {  	s1 =	ssub.s32 @!p0 $0x0, s1;
	[sflag:s0] =	ssyncset.done @!p0 $0x0  }
0x6e: {  	[sflag:s0] =	ssyncadd.s32 @!p0 s1  }
0x6f: {  	[bflag:$0x3] =	sbarrier.arrive $0xFFFF  }
0x70: {  	_ =	shalt  }

</sc_bundles>
